<compile_context>
chip_gen: v7x
topology: tpu7x:2x2x1
jax: 0.10.2.dev20260603
libtpu: 0.0.44.dev20260713+nightly
codegen_flags: <defaults>
</compile_context>

<pallas_src>
import functools

import jax
import jax.numpy as jnp
from jax import lax
from jax.experimental import pallas as pl
from jax.experimental.pallas import tpu as pltpu
from jax.experimental.pallas import tpu_sc as plsc

NC, NS, LN = 2, 16, 16
NW = NC * NS
N = 10000
E = 320000
F = 64
KHOP = 5
NHOP = KHOP + 1
FPT = F // NW
EPT = E // NW
ECH = 20000
NCH = E // ECH
UNR = 10
PACK_SHIFT = 14

_sc_mesh = plsc.VectorSubcoreMesh(core_axis_name="c", subcore_axis_name="s")
_sc_params = pltpu.CompilerParams(needs_layout_passes=False)


@functools.partial(
    pl.kernel, mesh=_sc_mesh,
    out_type=(
        jax.ShapeDtypeStruct((E,), jnp.int32),
        jax.ShapeDtypeStruct((NW, N), jnp.float32),
        jax.ShapeDtypeStruct((NW, N), jnp.float32),
    ),
    scratch_types=[
        pltpu.VMEM((EPT,), jnp.int32),
        pltpu.VMEM((EPT,), jnp.int32),
        pltpu.VMEM((EPT,), jnp.int32),
        pltpu.VMEM((EPT + LN,), jnp.int32),
        pltpu.VMEM((LN,), jnp.int32),
        pltpu.VMEM((N,), jnp.float32),
        pltpu.VMEM((N,), jnp.float32),
    ],
    compiler_params=_sc_params,
)
def _k1(edge_hbm, packed_hbm, hout_hbm, hin_hbm, srcv, dstv, pckv, binv, h16,
        ho, hi):
  wid = lax.axis_index("s") * NC + lax.axis_index("c")
  base = wid * EPT
  pltpu.sync_copy(edge_hbm.at[pl.ds(base, EPT)], srcv)
  pltpu.sync_copy(edge_hbm.at[pl.ds(E + base, EPT)], dstv)

  zf = jnp.zeros((LN,), jnp.float32)
  h16[...] = jnp.zeros((LN,), jnp.int32)

  def zero_body(i, _):
    ho[pl.ds(i * LN, LN)] = zf
    hi[pl.ds(i * LN, LN)] = zf
    return 0
  lax.fori_loop(0, N // LN, zero_body, 0)

  ones = jnp.full((LN,), 1.0, jnp.float32)
  onesi = jnp.full((LN,), 1, jnp.int32)
  b15 = jnp.full((LN,), 15, jnp.int32)

  def edge_body(i, _):
    s = srcv[pl.ds(i * LN, LN)]
    d = dstv[pl.ds(i * LN, LN)]
    pckv[pl.ds(i * LN, LN)] = jnp.bitwise_or(lax.shift_left(s, PACK_SHIFT), d)
    plsc.addupdate_scatter(ho, [s], ones)
    plsc.addupdate_scatter(hi, [d], ones)
    plsc.addupdate_scatter(
        h16, [jnp.bitwise_and(lax.shift_right_logical(d, 1), b15)], onesi)
    return 0
  lax.fori_loop(0, EPT // LN, edge_body, 0)

  sizes = h16[...]
  starts = plsc.cumsum(sizes) - sizes
  ends = starts + sizes

  for b in range(LN):
    def bkt_body(i, off):
      ev = pckv[pl.ds(i * LN, LN)]
      m = jnp.bitwise_and(lax.shift_right_logical(ev, 1), b15) == b
      plsc.store_compressed(binv.at[pl.ds(off, LN)], ev, mask=m)
      return off + plsc.all_reduce_population_count(m)[0]
    lax.fori_loop(0, EPT // LN, bkt_body, starts[b])

  def emit_cond(carry):
    _, out_off = carry
    return out_off < EPT

  def emit_body(carry):
    ptr, out_off = carry
    valid = ptr < ends
    idxc = jnp.where(valid, ptr, 0)
    vals = plsc.load_gather(binv, [idxc])
    plsc.store_compressed(pckv.at[pl.ds(out_off, LN)], vals, mask=valid)
    out_off = out_off + plsc.all_reduce_population_count(valid)[0]
    return ptr + jnp.where(valid, onesi, 0), out_off

  lax.while_loop(emit_cond, emit_body, (starts, jnp.int32(0)))

  pltpu.sync_copy(pckv, packed_hbm.at[pl.ds(base, EPT)])
  pltpu.sync_copy(ho, hout_hbm.at[wid])
  pltpu.sync_copy(hi, hin_hbm.at[wid])


def _k2_body(feat_ref, w1_ref, b1_ref, w2_ref, b2_ref, pp_ref, ho_ref, hi_ref,
             xt_ref, degr_ref, co_ref):
  x = jnp.dot(feat_ref[...], w1_ref[...], preferred_element_type=jnp.float32)
  x = jnp.maximum(x + b1_ref[...], 0.0)
  x = jnp.dot(x, w2_ref[...], preferred_element_type=jnp.float32)
  x = x + b2_ref[...]
  xt_ref[...] = x.T

  dout = jnp.clip(jnp.sum(ho_ref[...], axis=0, keepdims=True), 1.0, None)
  din = jnp.clip(jnp.sum(hi_ref[...], axis=0, keepdims=True), 1.0, None)
  degr_ref[...] = jnp.concatenate([lax.rsqrt(dout), lax.rsqrt(din)], axis=0)
  co_ref[...] = 2.0 * jnp.tanh(pp_ref[...])


def _k2(feature, W1, b1, W2, b2, pp_row, hout, hin):
  return pl.pallas_call(
      _k2_body,
      out_shape=[
          jax.ShapeDtypeStruct((F, N), jnp.float32),
          jax.ShapeDtypeStruct((2, N), jnp.float32),
          jax.ShapeDtypeStruct((1, 128), jnp.float32),
      ],
  )(feature, W1, b1, W2, b2, pp_row, hout, hin)


@functools.partial(
    pl.kernel, mesh=_sc_mesh,
    out_type=jax.ShapeDtypeStruct((NHOP, F, N), jnp.float32),
    scratch_types=[
        pltpu.VMEM((N,), jnp.float32),
        pltpu.VMEM((N,), jnp.float32),
        pltpu.VMEM((N,), jnp.float32),
        pltpu.VMEM((N,), jnp.float32),
        pltpu.VMEM((N,), jnp.float32),
        pltpu.VMEM((N,), jnp.float32),
        pltpu.VMEM((2, N), jnp.float32),
        pltpu.VMEM((ECH,), jnp.int32),
        pltpu.VMEM((ECH,), jnp.int32),
        pltpu.VMEM((LN,), jnp.float32),
        pltpu.SemaphoreType.DMA,
        pltpu.SemaphoreType.DMA,
        pltpu.SemaphoreType.DMA,
    ],
    compiler_params=_sc_params,
)
def _k3(xt_hbm, packed_hbm, degr_hbm, co_hbm, xs_hbm, h0, h1, acc0, acc1,
        xsb0, xsb1, rbuf, ebuf0, ebuf1, cbuf, sem0, sem1, semw):
  wid = lax.axis_index("s") * NC + lax.axis_index("c")
  fbase = wid * FPT

  pltpu.sync_copy(xt_hbm.at[fbase], h0)
  pltpu.sync_copy(xt_hbm.at[fbase + 1], h1)
  pltpu.sync_copy(degr_hbm, rbuf)
  pltpu.sync_copy(co_hbm.at[0, pl.ds(0, LN)], cbuf)

  cv = cbuf[...]
  c0 = cv[0]
  zf = jnp.zeros((LN,), jnp.float32)
  dmask = jnp.full((LN,), (1 << PACK_SHIFT) - 1, jnp.int32)

  def init_body(i, _):
    sl = pl.ds(i * LN, LN)
    xv0 = h0[sl] * c0
    xv1 = h1[sl] * c0
    xsb0[sl] = xv0
    xsb1[sl] = xv1
    h0[sl] = xv0 * rbuf[0, sl]
    h1[sl] = xv1 * rbuf[0, sl]
    acc0[sl] = zf
    acc1[sl] = zf
    return 0
  lax.fori_loop(0, N // LN, init_body, 0)
  pltpu.async_copy(xsb0, xs_hbm.at[0, fbase], semw)
  pltpu.async_copy(xsb1, xs_hbm.at[0, fbase + 1], semw)
  pltpu.async_copy(packed_hbm.at[pl.ds(0, ECH)], ebuf0, sem0)

  for hop in range(1, NHOP):
    cl = cv[hop]

    def process(ebuf):
      def edge_body(i, _):
        evs = [ebuf[pl.ds(i * (LN * UNR) + u * LN, LN)] for u in range(UNR)]
        ss = [lax.shift_right_logical(ev, PACK_SHIFT) for ev in evs]
        dd = [jnp.bitwise_and(ev, dmask) for ev in evs]
        g0s = [plsc.load_gather(h0, [s]) for s in ss]
        g1s = [plsc.load_gather(h1, [s]) for s in ss]
        for u in range(UNR):
          plsc.addupdate_scatter(acc0, [dd[u]], g0s[u])
          plsc.addupdate_scatter(acc1, [dd[u]], g1s[u])
        return 0
      lax.fori_loop(0, ECH // (LN * UNR), edge_body, 0)

    def chunk2_body(k2, _):
      b0 = (2 * k2) * ECH
      b1 = b0 + ECH
      pltpu.make_async_copy(packed_hbm.at[pl.ds(b0, ECH)], ebuf0, sem0).wait()
      pltpu.async_copy(packed_hbm.at[pl.ds(b1, ECH)], ebuf1, sem1)
      process(ebuf0)
      pltpu.make_async_copy(packed_hbm.at[pl.ds(b1, ECH)], ebuf1, sem1).wait()

      @pl.when(2 * k2 + 2 < NCH)
      def _():
        pltpu.async_copy(packed_hbm.at[pl.ds(b1 + ECH, ECH)], ebuf0, sem0)
      process(ebuf1)
      return 0
    lax.fori_loop(0, NCH // 2, chunk2_body, 0)

    if hop < NHOP - 1:
      pltpu.async_copy(packed_hbm.at[pl.ds(0, ECH)], ebuf0, sem0)

    pltpu.make_async_copy(xsb0, xs_hbm.at[hop - 1, fbase], semw).wait()
    pltpu.make_async_copy(xsb1, xs_hbm.at[hop - 1, fbase + 1], semw).wait()

    def post_body(i, _):
      sl = pl.ds(i * LN, LN)
      ri = rbuf[1, sl] * cl
      xv0 = acc0[sl] * ri
      xv1 = acc1[sl] * ri
      xsb0[sl] = xv0
      xsb1[sl] = xv1
      ro = rbuf[0, sl]
      h0[sl] = xv0 * ro
      h1[sl] = xv1 * ro
      acc0[sl] = zf
      acc1[sl] = zf
      return 0
    lax.fori_loop(0, N // LN, post_body, 0)
    pltpu.async_copy(xsb0, xs_hbm.at[hop, fbase], semw)
    pltpu.async_copy(xsb1, xs_hbm.at[hop, fbase + 1], semw)

  pltpu.make_async_copy(xsb0, xs_hbm.at[NHOP - 1, fbase], semw).wait()
  pltpu.make_async_copy(xsb1, xs_hbm.at[NHOP - 1, fbase + 1], semw).wait()


def _k4a_body(xs_ref, wlw_ref, blw_ref, e_ref):
  u_all = wlw_ref[0:NHOP * F, 0]
  v = wlw_ref[NHOP * F:(NHOP + 1) * F, 0]
  zz = jnp.zeros((F,), jnp.float32)
  rows = [u_all]
  for t in range(NHOP):
    rows.append(jnp.concatenate([zz] * t + [v] + [zz] * (NHOP - 1 - t)))
  rows.append(jnp.zeros((NHOP * F,), jnp.float32))
  wp = jnp.stack(rows, axis=0)
  xs2 = xs_ref[...].reshape(NHOP * F, N)
  p = jnp.dot(wp, xs2, preferred_element_type=jnp.float32)
  logits = p[1:NHOP + 1, :] + p[0:1, :] + blw_ref[0, 0]
  sg = 1.0 / (1.0 + jnp.exp(-logits))
  e_ref[...] = jnp.exp(sg)


def _k4a(xs_all, Wlw, blw11):
  return pl.pallas_call(
      _k4a_body,
      out_shape=jax.ShapeDtypeStruct((NHOP, N), jnp.float32),
  )(xs_all, Wlw, blw11)


def _k4c_body(e2_ref, xs_ref, out_ref):
  wt = e2_ref[...].T
  denom = jnp.sum(wt, axis=0, keepdims=True)
  ot = jnp.zeros((F, N), jnp.float32)
  for t in range(NHOP):
    ot = ot + xs_ref[t] * wt[t][None, :]
  out_ref[...] = (ot / denom).T


def _k4c(e2, xs_all):
  return pl.pallas_call(
      _k4c_body,
      out_shape=jax.ShapeDtypeStruct((N, F), jnp.float32),
  )(e2, xs_all)


def kernel(feature, edge_index, W1, b1, W2, b2, Wlw, blw, poly_params):
  packed, hout, hin = _k1(edge_index.reshape(2 * E))

  pp_row = jnp.zeros((1, 128), jnp.float32).at[0, :NHOP].set(poly_params)
  xt, degr, co = _k2(feature, W1, b1.reshape(1, -1), W2, b2.reshape(1, -1),
                     pp_row, hout, hin)

  xs_all = _k3(xt, packed, degr, co)

  e6n = _k4a(xs_all, Wlw, blw.reshape(1, 1))
  e2 = e6n.reshape(N, NHOP)
  return _k4c(e2, xs_all)

# --- scband reference (transcript-rebuilt; emitter-appended) ---
"""Pipeline reference for scband-sim2-layer-poly-convolution-50113678409801 (READ-ONLY COPY).

The authoritative reference and input builder live on the scoring server;
editing this copy changes nothing except your own understanding.
"""

import jax, jax.numpy as jnp
import numpy as np

N = 10000
E = 320000
FEAT = 128
HID = 128
OUT = 64
K = 5
INIT_COEFF = 2.0


def setup_inputs(seed: int = 0) -> dict:
    key = jax.random.key(seed)
    ks = jax.random.split(key, 8)
    feature = jax.random.normal(ks[0], (N, FEAT), dtype=jnp.float32)
    edge_index = jax.random.randint(ks[1], (2, E), 0, N)
    W1 = jax.random.normal(ks[2], (FEAT, HID), dtype=jnp.float32) / np.sqrt(FEAT)
    b1 = jnp.zeros((HID,), dtype=jnp.float32)
    W2 = jax.random.normal(ks[3], (HID, OUT), dtype=jnp.float32) / np.sqrt(HID)
    b2 = jnp.zeros((OUT,), dtype=jnp.float32)
    Wlw = jax.random.normal(ks[4], (OUT + (K + 1) * OUT, 1), dtype=jnp.float32) * 0.05
    blw = jnp.zeros((1,), dtype=jnp.float32)
    poly_params = jnp.full((K + 1,), float(min(1.0 / INIT_COEFF, 1.0)), dtype=jnp.float32)
    return {"feature": feature, "edge_index": edge_index, "W1": W1, "b1": b1,
            "W2": W2, "b2": b2, "Wlw": Wlw, "blw": blw, "poly_params": poly_params}


def reference(feature, edge_index, W1, b1, W2, b2, Wlw, blw, poly_params):
    src = edge_index[0]
    dst = edge_index[1]
    ones = jnp.ones((E,), dtype=jnp.float32)
    deg_in = jnp.clip(jnp.zeros((N,), jnp.float32).at[dst].add(ones), 1.0, None)
    deg_out = jnp.clip(jnp.zeros((N,), jnp.float32).at[src].add(ones), 1.0, None)
    norm = jax.lax.rsqrt(deg_out[src]) * jax.lax.rsqrt(deg_in[dst])

    def prop(h):
        # symmetric-normalized sparse adjacency matmul: gather + scatter-add
        return jnp.zeros((N, h.shape[1]), h.dtype).at[dst].add(h[src] * norm[:, None])

    # 2-layer MLP (dropout in eval mode -> identity)
    x = feature @ W1 + b1
    x = jax.nn.relu(x)
    x = x @ W2 + b2

    coeffs = INIT_COEFF * jnp.tanh(poly_params)
    # monomial polynomial conv: conv_fn(0,[x]) = c0*x; conv_fn(L,xs) = cL * A @ xs[-1]
    xs = [coeffs[0] * x]
    for L in range(1, K + 1):
        xs.append(coeffs[L] * prop(xs[-1]))

    n_hops = K + 1
    reference_feat = jnp.tile(jnp.concatenate(xs, axis=1), (n_hops, 1))
    adopted_feat = jnp.concatenate([reference_feat, jnp.concatenate(xs, axis=0)], axis=1)
    w = (adopted_feat @ Wlw + blw).reshape(-1, n_hops)
    weight_list = jax.nn.softmax(jax.nn.sigmoid(w), axis=1)
    out = weight_list[:, 0][:, None] * xs[0]
    for i in range(1, n_hops):
        out = out + weight_list[:, i][:, None] * xs[i]
    return out

if __name__ == "__main__":
    import jax
    _d = setup_inputs()
    print(jax.jit(kernel)(*tuple(_d.values())))

</pallas_src>

<mosaic_0001>
#map = affine_map<(d0, d1) -> (0)>
#map1 = affine_map<(d0, d1) -> (0, 0)>
module attributes {stable_mosaic.version = 14 : i64} {
  func.func @_k1(%arg0: i32, %arg1: i32, %arg2: memref<640000xi32, #tpu.memory_space<hbm>>, %arg3: memref<320000xi32, #tpu.memory_space<hbm>>, %arg4: memref<32x10000xf32, #tpu.memory_space<hbm>>, %arg5: memref<32x10000xf32, #tpu.memory_space<hbm>>, %arg6: memref<10000xi32, #tpu.memory_space<vmem>>, %arg7: memref<10000xi32, #tpu.memory_space<vmem>>, %arg8: memref<10000xi32, #tpu.memory_space<vmem>>, %arg9: memref<10016xi32, #tpu.memory_space<vmem>>, %arg10: memref<16xi32, #tpu.memory_space<vmem>>, %arg11: memref<10000xf32, #tpu.memory_space<vmem>>, %arg12: memref<10000xf32, #tpu.memory_space<vmem>>) attributes {dimension_semantics = [#tpu.dimension_semantics<core_parallel>, #tpu.dimension_semantics<subcore_parallel>], iteration_bounds = array<i64: 2, 16>, scalar_prefetch = 0 : i64, scratch_operands = 7 : i64, tpu.core_type = #tpu.core_type<sc_vector_subcore>, window_params = [{transform_indices = #map}, {transform_indices = #map}, {transform_indices = #map1}, {transform_indices = #map1}]} {
    %mul3A = arith.constant 2 : i32
    %mul3A_0 = arith.muli %arg1, %mul3A : i32
    %add3A = arith.addi %mul3A_0, %arg0 : i32
    %mul3A_1 = arith.constant 10000 : i32
    %mul3A_2 = arith.muli %add3A, %mul3A_1 : i32
    "tpu.region"() ({
      %run_scoped3A = tpu.sem_alloc : memref<!tpu.dma_semaphore, #tpu.memory_space<semaphore_mem>>
      %dma_start3A = tpu.memref_slice %arg2[%mul3A_2] : memref<640000xi32, #tpu.memory_space<hbm>> -> memref<10000xi32, #tpu.memory_space<hbm>>
      %dma_start3A_159 = tpu.memref_slice %arg2[%mul3A_2] : memref<640000xi32, #tpu.memory_space<hbm>> -> memref<10000xi32, #tpu.memory_space<hbm>>
      tpu.enqueue_dma source(%dma_start3A_159 : memref<10000xi32, #tpu.memory_space<hbm>>) target(%arg6 : memref<10000xi32, #tpu.memory_space<vmem>>) target_semaphore(%run_scoped3A : memref<!tpu.dma_semaphore, #tpu.memory_space<semaphore_mem>>)
      %dma_wait3A = tpu.memref_slice %arg2[%mul3A_2] : memref<640000xi32, #tpu.memory_space<hbm>> -> memref<10000xi32, #tpu.memory_space<hbm>>
      %dma_wait3A_160 = tpu.memref_slice %arg2[%mul3A_2] : memref<640000xi32, #tpu.memory_space<hbm>> -> memref<10000xi32, #tpu.memory_space<hbm>>
      tpu.wait_dma2 semaphore(%run_scoped3A : memref<!tpu.dma_semaphore, #tpu.memory_space<semaphore_mem>>) src(%dma_wait3A_160 : memref<10000xi32, #tpu.memory_space<hbm>>) dst(%arg6 : memref<10000xi32, #tpu.memory_space<vmem>>)
      tpu.yield
    }) : () -> ()
    %add3A_3 = arith.constant 320000 : i32
    %add3A_4 = arith.addi %add3A_3, %mul3A_2 : i32
    "tpu.region"() ({
      %run_scoped3A = tpu.sem_alloc : memref<!tpu.dma_semaphore, #tpu.memory_space<semaphore_mem>>
      %dma_start3A = tpu.memref_slice %arg2[%add3A_4] : memref<640000xi32, #tpu.memory_space<hbm>> -> memref<10000xi32, #tpu.memory_space<hbm>>
      %dma_start3A_159 = tpu.memref_slice %arg2[%add3A_4] : memref<640000xi32, #tpu.memory_space<hbm>> -> memref<10000xi32, #tpu.memory_space<hbm>>
      tpu.enqueue_dma source(%dma_start3A_159 : memref<10000xi32, #tpu.memory_space<hbm>>) target(%arg7 : memref<10000xi32, #tpu.memory_space<vmem>>) target_semaphore(%run_scoped3A : memref<!tpu.dma_semaphore, #tpu.memory_space<semaphore_mem>>)
      %dma_wait3A = tpu.memref_slice %arg2[%add3A_4] : memref<640000xi32, #tpu.memory_space<hbm>> -> memref<10000xi32, #tpu.memory_space<hbm>>
      %dma_wait3A_160 = tpu.memref_slice %arg2[%add3A_4] : memref<640000xi32, #tpu.memory_space<hbm>> -> memref<10000xi32, #tpu.memory_space<hbm>>
      tpu.wait_dma2 semaphore(%run_scoped3A : memref<!tpu.dma_semaphore, #tpu.memory_space<semaphore_mem>>) src(%dma_wait3A_160 : memref<10000xi32, #tpu.memory_space<hbm>>) dst(%arg7 : memref<10000xi32, #tpu.memory_space<vmem>>)
      tpu.yield
    }) : () -> ()
    %broadcast_in_dim3A = arith.constant 0.000000e+00 : f32
    %broadcast_in_dim3A_5 = vector.broadcast %broadcast_in_dim3A : f32 to vector<16xf32>
    %broadcast_in_dim3A_6 = arith.constant 0 : i32
    %broadcast_in_dim3A_7 = vector.broadcast %broadcast_in_dim3A_6 : i32 to vector<16xi32>
    %swap3A = arith.constant 0 : index
    %swap3A_8 = tpu.vector_load %arg10[%swap3A] {strides = array<i32>} : memref<16xi32, #tpu.memory_space<vmem>>, vector<16xi32>,
    tpu.vector_store %arg10[%swap3A], %broadcast_in_dim3A_7 {strides = array<i32>} : memref<16xi32, #tpu.memory_space<vmem>>, vector<16xi32>,
    %scan3A = arith.constant 0 : i32
    %scan3A_9 = arith.constant 0 : i32
    %scan3A_10 = arith.constant 625 : i32
    %scan3A_11 = arith.addi %scan3A_9, %scan3A_10 : i32
    %scan3A_12 = arith.constant 1 : i32
    %scan3A_13 = scf.for %scan3A_159 = %scan3A_9 to %scan3A_11 step %scan3A_12 iter_args(%scan3A_160 = %scan3A) -> (i32)  : i32 {
      %mul3A_161 = arith.constant 16 : i32
      %mul3A_162 = arith.muli %scan3A_159, %mul3A_161 : i32
      %swap3A_163 = arith.index_cast %mul3A_162 : i32 to index
      %swap3A_164 = tpu.vector_load %arg11[%swap3A_163] {strides = array<i32>} : memref<10000xf32, #tpu.memory_space<vmem>>, vector<16xf32>,
      tpu.vector_store %arg11[%swap3A_163], %broadcast_in_dim3A_5 {strides = array<i32>} : memref<10000xf32, #tpu.memory_space<vmem>>, vector<16xf32>,
      %mul3A_165 = arith.constant 16 : i32
      %mul3A_166 = arith.muli %scan3A_159, %mul3A_165 : i32
      %swap3A_167 = arith.index_cast %mul3A_166 : i32 to index
      %swap3A_168 = tpu.vector_load %arg12[%swap3A_167] {strides = array<i32>} : memref<10000xf32, #tpu.memory_space<vmem>>, vector<16xf32>,
      tpu.vector_store %arg12[%swap3A_167], %broadcast_in_dim3A_5 {strides = array<i32>} : memref<10000xf32, #tpu.memory_space<vmem>>, vector<16xf32>,
      %scan3A_169 = arith.constant 0 : i32
      scf.yield %scan3A_169 : i32
    }
    %scan3A_14 = arith.constant 625 : i32
    %broadcast_in_dim3A_15 = arith.constant 1.000000e+00 : f32
    %broadcast_in_dim3A_16 = vector.broadcast %broadcast_in_dim3A_15 : f32 to vector<16xf32>
    %broadcast_in_dim3A_17 = arith.constant 1 : i32
    %broadcast_in_dim3A_18 = vector.broadcast %broadcast_in_dim3A_17 : i32 to vector<16xi32>
    %broadcast_in_dim3A_19 = arith.constant 15 : i32
    %broadcast_in_dim3A_20 = vector.broadcast %broadcast_in_dim3A_19 : i32 to vector<16xi32>
    %scan3A_21 = arith.constant 0 : i32
    %scan3A_22 = arith.constant 0 : i32
    %scan3A_23 = arith.constant 625 : i32
    %scan3A_24 = arith.addi %scan3A_22, %scan3A_23 : i32
    %scan3A_25 = arith.constant 1 : i32
    %scan3A_26 = scf.for %scan3A_159 = %scan3A_22 to %scan3A_24 step %scan3A_25 iter_args(%scan3A_160 = %scan3A_21) -> (i32)  : i32 {
      %mul3A_161 = arith.constant 16 : i32
      %mul3A_162 = arith.muli %scan3A_159, %mul3A_161 : i32
      %get3A_163 = arith.index_cast %mul3A_162 : i32 to index
      %get3A_164 = tpu.vector_load %arg6[%get3A_163] {strides = array<i32>} : memref<10000xi32, #tpu.memory_space<vmem>>, vector<16xi32>,
      %mul3A_165 = arith.constant 16 : i32
      %mul3A_166 = arith.muli %scan3A_159, %mul3A_165 : i32
      %get3A_167 = arith.index_cast %mul3A_166 : i32 to index
      %get3A_168 = tpu.vector_load %arg7[%get3A_167] {strides = array<i32>} : memref<10000xi32, #tpu.memory_space<vmem>>, vector<16xi32>,
      %shift_left3A = arith.constant 14 : i32
      %shift_left3A_169 = vector.broadcast %shift_left3A : i32 to vector<16xi32>
      %shift_left3A_170 = arith.shli %get3A_164, %shift_left3A_169 : vector<16xi32>
      %or3A = arith.ori %shift_left3A_170, %get3A_168 : vector<16xi32>
      %mul3A_171 = arith.constant 16 : i32
      %mul3A_172 = arith.muli %scan3A_159, %mul3A_171 : i32
      %swap3A_173 = arith.index_cast %mul3A_172 : i32 to index
      %swap3A_174 = tpu.vector_load %arg8[%swap3A_173] {strides = array<i32>} : memref<10000xi32, #tpu.memory_space<vmem>>, vector<16xi32>,
      tpu.vector_store %arg8[%swap3A_173], %or3A {strides = array<i32>} : memref<10000xi32, #tpu.memory_space<vmem>>, vector<16xi32>,
      tpu.vector_store_idx %arg11[%get3A_164], %broadcast_in_dim3A_16 {add = true} : memref<10000xf32, #tpu.memory_space<vmem>>[vector<16xi32>], vector<16xf32>,
      tpu.vector_store_idx %arg12[%get3A_168], %broadcast_in_dim3A_16 {add = true} : memref<10000xf32, #tpu.memory_space<vmem>>[vector<16xi32>], vector<16xf32>,
      %shift_right_logical3A = arith.constant 1 : i32
      %shift_right_logical3A_175 = vector.broadcast %shift_right_logical3A : i32 to vector<16xi32>
      %shift_right_logical3A_176 = arith.shrui %get3A_168, %shift_right_logical3A_175 : vector<16xi32>
      %and3A = arith.andi %shift_right_logical3A_176, %broadcast_in_dim3A_20 : vector<16xi32>
      tpu.vector_store_idx %arg10[%and3A], %broadcast_in_dim3A_18 {add = true} : memref<16xi32, #tpu.memory_space<vmem>>[vector<16xi32>], vector<16xi32>,
      %scan3A_177 = arith.constant 0 : i32
      scf.yield %scan3A_177 : i32
    }
    %scan3A_27 = arith.constant 625 : i32
    %get3A = arith.constant 0 : index
    %get3A_28 = tpu.vector_load %arg10[%get3A] {strides = array<i32>} : memref<16xi32, #tpu.memory_space<vmem>>, vector<16xi32>,
    %broadcast_in_dim3A_29 = arith.constant true
    %broadcast_in_dim3A_30 = vector.broadcast %broadcast_in_dim3A_29 : i1 to vector<16xi1>
    %masked_cumsum3A = tpu.scan <sum>, %get3A_28 masked %broadcast_in_dim3A_30 : vector<16xi32>, vector<16xi1> -> vector<16xi32>
    %sub3A = arith.subi %masked_cumsum3A, %get3A_28 : vector<16xi32>
    %add3A_31 = arith.addi %sub3A, %get3A_28 : vector<16xi32>
    %slice3A = vector.extract_strided_slice %sub3A {offsets = [0], sizes = [1], strides = [1]} : vector<16xi32> to vector<1xi32>
    %squeeze3A = vector.extract %slice3A[0] : i32 from vector<1xi32>
    %scan3A_32 = arith.constant 0 : i32
    %scan3A_33 = arith.constant 625 : i32
    %scan3A_34 = arith.addi %scan3A_32, %scan3A_33 : i32
    %scan3A_35 = arith.constant 1 : i32
    %scan3A_36 = scf.for %scan3A_159 = %scan3A_32 to %scan3A_34 step %scan3A_35 iter_args(%scan3A_160 = %squeeze3A) -> (i32)  : i32 {
      %mul3A_161 = arith.constant 16 : i32
      %mul3A_162 = arith.muli %scan3A_159, %mul3A_161 : i32
      %get3A_163 = arith.index_cast %mul3A_162 : i32 to index
      %get3A_164 = tpu.vector_load %arg8[%get3A_163] {strides = array<i32>} : memref<10000xi32, #tpu.memory_space<vmem>>, vector<16xi32>,
      %shift_right_logical3A = arith.constant 1 : i32
      %shift_right_logical3A_165 = vector.broadcast %shift_right_logical3A : i32 to vector<16xi32>
      %shift_right_logical3A_166 = arith.shrui %get3A_164, %shift_right_logical3A_165 : vector<16xi32>
      %and3A = arith.andi %shift_right_logical3A_166, %broadcast_in_dim3A_20 : vector<16xi32>
      %eq3A = arith.constant 0 : i32
      %eq3A_167 = vector.broadcast %eq3A : i32 to vector<16xi32>
      %eq3A_168 = arith.cmpi eq, %and3A, %eq3A_167 : vector<16xi32>
      %swap3A_169 = arith.index_cast %scan3A_160 : i32 to index
      %swap3A_170 = tpu.vector_load %arg9[%swap3A_169] masked %eq3A_168 {strides = array<i32>} : memref<10016xi32, #tpu.memory_space<vmem>>, vector<16xi32>, vector<16xi1>
      tpu.vector_store %arg9[%swap3A_169], %get3A_164 masked %eq3A_168 {strides = array<i32>} : memref<10016xi32, #tpu.memory_space<vmem>>, vector<16xi32>, vector<16xi1>
      %all_reduce_population_count3A = tpu.all_reduce %eq3A_168 {dim = 0 : i64, kind = #tpu.reduction_kind<sum>} : vector<16xi1> -> vector<16xi32>
      %slice3A_171 = vector.extract_strided_slice %all_reduce_population_count3A {offsets = [0], sizes = [1], strides = [1]} : vector<16xi32> to vector<1xi32>
      %squeeze3A_172 = vector.extract %slice3A_171[0] : i32 from vector<1xi32>
      %add3A_173 = arith.addi %scan3A_160, %squeeze3A_172 : i32
      scf.yield %add3A_173 : i32
    }
    %scan3A_37 = arith.constant 625 : i32
    %slice3A_38 = vector.extract_strided_slice %sub3A {offsets = [1], sizes = [1], strides = [1]} : vector<16xi32> to vector<1xi32>
    %squeeze3A_39 = vector.extract %slice3A_38[0] : i32 from vector<1xi32>
    %scan3A_40 = arith.constant 0 : i32
    %scan3A_41 = arith.constant 625 : i32
    %scan3A_42 = arith.addi %scan3A_40, %scan3A_41 : i32
    %scan3A_43 = arith.constant 1 : i32
    %scan3A_44 = scf.for %scan3A_159 = %scan3A_40 to %scan3A_42 step %scan3A_43 iter_args(%scan3A_160 = %squeeze3A_39) -> (i32)  : i32 {
      %mul3A_161 = arith.constant 16 : i32
      %mul3A_162 = arith.muli %scan3A_159, %mul3A_161 : i32
      %get3A_163 = arith.index_cast %mul3A_162 : i32 to index
      %get3A_164 = tpu.vector_load %arg8[%get3A_163] {strides = array<i32>} : memref<10000xi32, #tpu.memory_space<vmem>>, vector<16xi32>,
      %shift_right_logical3A = arith.constant 1 : i32
      %shift_right_logical3A_165 = vector.broadcast %shift_right_logical3A : i32 to vector<16xi32>
      %shift_right_logical3A_166 = arith.shrui %get3A_164, %shift_right_logical3A_165 : vector<16xi32>
      %and3A = arith.andi %shift_right_logical3A_166, %broadcast_in_dim3A_20 : vector<16xi32>
      %eq3A = arith.constant 1 : i32
      %eq3A_167 = vector.broadcast %eq3A : i32 to vector<16xi32>
      %eq3A_168 = arith.cmpi eq, %and3A, %eq3A_167 : vector<16xi32>
      %swap3A_169 = arith.index_cast %scan3A_160 : i32 to index
      %swap3A_170 = tpu.vector_load %arg9[%swap3A_169] masked %eq3A_168 {strides = array<i32>} : memref<10016xi32, #tpu.memory_space<vmem>>, vector<16xi32>, vector<16xi1>
      tpu.vector_store %arg9[%swap3A_169], %get3A_164 masked %eq3A_168 {strides = array<i32>} : memref<10016xi32, #tpu.memory_space<vmem>>, vector<16xi32>, vector<16xi1>
      %all_reduce_population_count3A = tpu.all_reduce %eq3A_168 {dim = 0 : i64, kind = #tpu.reduction_kind<sum>} : vector<16xi1> -> vector<16xi32>
      %slice3A_171 = vector.extract_strided_slice %all_reduce_population_count3A {offsets = [0], sizes = [1], strides = [1]} : vector<16xi32> to vector<1xi32>
      %squeeze3A_172 = vector.extract %slice3A_171[0] : i32 from vector<1xi32>
      %add3A_173 = arith.addi %scan3A_160, %squeeze3A_172 : i32
      scf.yield %add3A_173 : i32
    }
    %scan3A_45 = arith.constant 625 : i32
    %slice3A_46 = vector.extract_strided_slice %sub3A {offsets = [2], sizes = [1], strides = [1]} : vector<16xi32> to vector<1xi32>
    %squeeze3A_47 = vector.extract %slice3A_46[0] : i32 from vector<1xi32>
    %scan3A_48 = arith.constant 0 : i32
    %scan3A_49 = arith.constant 625 : i32
    %scan3A_50 = arith.addi %scan3A_48, %scan3A_49 : i32
    %scan3A_51 = arith.constant 1 : i32
    %scan3A_52 = scf.for %scan3A_159 = %scan3A_48 to %scan3A_50 step %scan3A_51 iter_args(%scan3A_160 = %squeeze3A_47) -> (i32)  : i32 {
      %mul3A_161 = arith.constant 16 : i32
      %mul3A_162 = arith.muli %scan3A_159, %mul3A_161 : i32
      %get3A_163 = arith.index_cast %mul3A_162 : i32 to index
      %get3A_164 = tpu.vector_load %arg8[%get3A_163] {strides = array<i32>} : memref<10000xi32, #tpu.memory_space<vmem>>, vector<16xi32>,
      %shift_right_logical3A = arith.constant 1 : i32
      %shift_right_logical3A_165 = vector.broadcast %shift_right_logical3A : i32 to vector<16xi32>
      %shift_right_logical3A_166 = arith.shrui %get3A_164, %shift_right_logical3A_165 : vector<16xi32>
      %and3A = arith.andi %shift_right_logical3A_166, %broadcast_in_dim3A_20 : vector<16xi32>
      %eq3A = arith.constant 2 : i32
      %eq3A_167 = vector.broadcast %eq3A : i32 to vector<16xi32>
      %eq3A_168 = arith.cmpi eq, %and3A, %eq3A_167 : vector<16xi32>
      %swap3A_169 = arith.index_cast %scan3A_160 : i32 to index
      %swap3A_170 = tpu.vector_load %arg9[%swap3A_169] masked %eq3A_168 {strides = array<i32>} : memref<10016xi32, #tpu.memory_space<vmem>>, vector<16xi32>, vector<16xi1>
      tpu.vector_store %arg9[%swap3A_169], %get3A_164 masked %eq3A_168 {strides = array<i32>} : memref<10016xi32, #tpu.memory_space<vmem>>, vector<16xi32>, vector<16xi1>
      %all_reduce_population_count3A = tpu.all_reduce %eq3A_168 {dim = 0 : i64, kind = #tpu.reduction_kind<sum>} : vector<16xi1> -> vector<16xi32>
      %slice3A_171 = vector.extract_strided_slice %all_reduce_population_count3A {offsets = [0], sizes = [1], strides = [1]} : vector<16xi32> to vector<1xi32>
      %squeeze3A_172 = vector.extract %slice3A_171[0] : i32 from vector<1xi32>
      %add3A_173 = arith.addi %scan3A_160, %squeeze3A_172 : i32
      scf.yield %add3A_173 : i32
    }
    %scan3A_53 = arith.constant 625 : i32
    %slice3A_54 = vector.extract_strided_slice %sub3A {offsets = [3], sizes = [1], strides = [1]} : vector<16xi32> to vector<1xi32>
    %squeeze3A_55 = vector.extract %slice3A_54[0] : i32 from vector<1xi32>
    %scan3A_56 = arith.constant 0 : i32
    %scan3A_57 = arith.constant 625 : i32
    %scan3A_58 = arith.addi %scan3A_56, %scan3A_57 : i32
    %scan3A_59 = arith.constant 1 : i32
    %scan3A_60 = scf.for %scan3A_159 = %scan3A_56 to %scan3A_58 step %scan3A_59 iter_args(%scan3A_160 = %squeeze3A_55) -> (i32)  : i32 {
      %mul3A_161 = arith.constant 16 : i32
      %mul3A_162 = arith.muli %scan3A_159, %mul3A_161 : i32
      %get3A_163 = arith.index_cast %mul3A_162 : i32 to index
      %get3A_164 = tpu.vector_load %arg8[%get3A_163] {strides = array<i32>} : memref<10000xi32, #tpu.memory_space<vmem>>, vector<16xi32>,
      %shift_right_logical3A = arith.constant 1 : i32
      %shift_right_logical3A_165 = vector.broadcast %shift_right_logical3A : i32 to vector<16xi32>
      %shift_right_logical3A_166 = arith.shrui %get3A_164, %shift_right_logical3A_165 : vector<16xi32>
      %and3A = arith.andi %shift_right_logical3A_166, %broadcast_in_dim3A_20 : vector<16xi32>
      %eq3A = arith.constant 3 : i32
      %eq3A_167 = vector.broadcast %eq3A : i32 to vector<16xi32>
      %eq3A_168 = arith.cmpi eq, %and3A, %eq3A_167 : vector<16xi32>
      %swap3A_169 = arith.index_cast %scan3A_160 : i32 to index
      %swap3A_170 = tpu.vector_load %arg9[%swap3A_169] masked %eq3A_168 {strides = array<i32>} : memref<10016xi32, #tpu.memory_space<vmem>>, vector<16xi32>, vector<16xi1>
      tpu.vector_store %arg9[%swap3A_169], %get3A_164 masked %eq3A_168 {strides = array<i32>} : memref<10016xi32, #tpu.memory_space<vmem>>, vector<16xi32>, vector<16xi1>
      %all_reduce_population_count3A = tpu.all_reduce %eq3A_168 {dim = 0 : i64, kind = #tpu.reduction_kind<sum>} : vector<16xi1> -> vector<16xi32>
      %slice3A_171 = vector.extract_strided_slice %all_reduce_population_count3A {offsets = [0], sizes = [1], strides = [1]} : vector<16xi32> to vector<1xi32>
      %squeeze3A_172 = vector.extract %slice3A_171[0] : i32 from vector<1xi32>
      %add3A_173 = arith.addi %scan3A_160, %squeeze3A_172 : i32
      scf.yield %add3A_173 : i32
    }
    %scan3A_61 = arith.constant 625 : i32
    %slice3A_62 = vector.extract_strided_slice %sub3A {offsets = [4], sizes = [1], strides = [1]} : vector<16xi32> to vector<1xi32>
    %squeeze3A_63 = vector.extract %slice3A_62[0] : i32 from vector<1xi32>
    %scan3A_64 = arith.constant 0 : i32
    %scan3A_65 = arith.constant 625 : i32
    %scan3A_66 = arith.addi %scan3A_64, %scan3A_65 : i32
    %scan3A_67 = arith.constant 1 : i32
    %scan3A_68 = scf.for %scan3A_159 = %scan3A_64 to %scan3A_66 step %scan3A_67 iter_args(%scan3A_160 = %squeeze3A_63) -> (i32)  : i32 {
      %mul3A_161 = arith.constant 16 : i32
      %mul3A_162 = arith.muli %scan3A_159, %mul3A_161 : i32
      %get3A_163 = arith.index_cast %mul3A_162 : i32 to index
      %get3A_164 = tpu.vector_load %arg8[%get3A_163] {strides = array<i32>} : memref<10000xi32, #tpu.memory_space<vmem>>, vector<16xi32>,
      %shift_right_logical3A = arith.constant 1 : i32
      %shift_right_logical3A_165 = vector.broadcast %shift_right_logical3A : i32 to vector<16xi32>
      %shift_right_logical3A_166 = arith.shrui %get3A_164, %shift_right_logical3A_165 : vector<16xi32>
      %and3A = arith.andi %shift_right_logical3A_166, %broadcast_in_dim3A_20 : vector<16xi32>
      %eq3A = arith.constant 4 : i32
      %eq3A_167 = vector.broadcast %eq3A : i32 to vector<16xi32>
      %eq3A_168 = arith.cmpi eq, %and3A, %eq3A_167 : vector<16xi32>
      %swap3A_169 = arith.index_cast %scan3A_160 : i32 to index
      %swap3A_170 = tpu.vector_load %arg9[%swap3A_169] masked %eq3A_168 {strides = array<i32>} : memref<10016xi32, #tpu.memory_space<vmem>>, vector<16xi32>, vector<16xi1>
      tpu.vector_store %arg9[%swap3A_169], %get3A_164 masked %eq3A_168 {strides = array<i32>} : memref<10016xi32, #tpu.memory_space<vmem>>, vector<16xi32>, vector<16xi1>
      %all_reduce_population_count3A = tpu.all_reduce %eq3A_168 {dim = 0 : i64, kind = #tpu.reduction_kind<sum>} : vector<16xi1> -> vector<16xi32>
      %slice3A_171 = vector.extract_strided_slice %all_reduce_population_count3A {offsets = [0], sizes = [1], strides = [1]} : vector<16xi32> to vector<1xi32>
      %squeeze3A_172 = vector.extract %slice3A_171[0] : i32 from vector<1xi32>
      %add3A_173 = arith.addi %scan3A_160, %squeeze3A_172 : i32
      scf.yield %add3A_173 : i32
    }
    %scan3A_69 = arith.constant 625 : i32
    %slice3A_70 = vector.extract_strided_slice %sub3A {offsets = [5], sizes = [1], strides = [1]} : vector<16xi32> to vector<1xi32>
    %squeeze3A_71 = vector.extract %slice3A_70[0] : i32 from vector<1xi32>
    %scan3A_72 = arith.constant 0 : i32
    %scan3A_73 = arith.constant 625 : i32
    %scan3A_74 = arith.addi %scan3A_72, %scan3A_73 : i32
    %scan3A_75 = arith.constant 1 : i32
    %scan3A_76 = scf.for %scan3A_159 = %scan3A_72 to %scan3A_74 step %scan3A_75 iter_args(%scan3A_160 = %squeeze3A_71) -> (i32)  : i32 {
      %mul3A_161 = arith.constant 16 : i32
      %mul3A_162 = arith.muli %scan3A_159, %mul3A_161 : i32
      %get3A_163 = arith.index_cast %mul3A_162 : i32 to index
      %get3A_164 = tpu.vector_load %arg8[%get3A_163] {strides = array<i32>} : memref<10000xi32, #tpu.memory_space<vmem>>, vector<16xi32>,
      %shift_right_logical3A = arith.constant 1 : i32
      %shift_right_logical3A_165 = vector.broadcast %shift_right_logical3A : i32 to vector<16xi32>
      %shift_right_logical3A_166 = arith.shrui %get3A_164, %shift_right_logical3A_165 : vector<16xi32>
      %and3A = arith.andi %shift_right_logical3A_166, %broadcast_in_dim3A_20 : vector<16xi32>
      %eq3A = arith.constant 5 : i32
      %eq3A_167 = vector.broadcast %eq3A : i32 to vector<16xi32>
      %eq3A_168 = arith.cmpi eq, %and3A, %eq3A_167 : vector<16xi32>
      %swap3A_169 = arith.index_cast %scan3A_160 : i32 to index
      %swap3A_170 = tpu.vector_load %arg9[%swap3A_169] masked %eq3A_168 {strides = array<i32>} : memref<10016xi32, #tpu.memory_space<vmem>>, vector<16xi32>, vector<16xi1>
      tpu.vector_store %arg9[%swap3A_169], %get3A_164 masked %eq3A_168 {strides = array<i32>} : memref<10016xi32, #tpu.memory_space<vmem>>, vector<16xi32>, vector<16xi1>
      %all_reduce_population_count3A = tpu.all_reduce %eq3A_168 {dim = 0 : i64, kind = #tpu.reduction_kind<sum>} : vector<16xi1> -> vector<16xi32>
      %slice3A_171 = vector.extract_strided_slice %all_reduce_population_count3A {offsets = [0], sizes = [1], strides = [1]} : vector<16xi32> to vector<1xi32>
      %squeeze3A_172 = vector.extract %slice3A_171[0] : i32 from vector<1xi32>
      %add3A_173 = arith.addi %scan3A_160, %squeeze3A_172 : i32
      scf.yield %add3A_173 : i32
    }
    %scan3A_77 = arith.constant 625 : i32
    %slice3A_78 = vector.extract_strided_slice %sub3A {offsets = [6], sizes = [1], strides = [1]} : vector<16xi32> to vector<1xi32>
    %squeeze3A_79 = vector.extract %slice3A_78[0] : i32 from vector<1xi32>
    %scan3A_80 = arith.constant 0 : i32
    %scan3A_81 = arith.constant 625 : i32
    %scan3A_82 = arith.addi %scan3A_80, %scan3A_81 : i32
    %scan3A_83 = arith.constant 1 : i32
    %scan3A_84 = scf.for %scan3A_159 = %scan3A_80 to %scan3A_82 step %scan3A_83 iter_args(%scan3A_160 = %squeeze3A_79) -> (i32)  : i32 {
      %mul3A_161 = arith.constant 16 : i32
      %mul3A_162 = arith.muli %scan3A_159, %mul3A_161 : i32
      %get3A_163 = arith.index_cast %mul3A_162 : i32 to index
      %get3A_164 = tpu.vector_load %arg8[%get3A_163] {strides = array<i32>} : memref<10000xi32, #tpu.memory_space<vmem>>, vector<16xi32>,
      %shift_right_logical3A = arith.constant 1 : i32
      %shift_right_logical3A_165 = vector.broadcast %shift_right_logical3A : i32 to vector<16xi32>
      %shift_right_logical3A_166 = arith.shrui %get3A_164, %shift_right_logical3A_165 : vector<16xi32>
      %and3A = arith.andi %shift_right_logical3A_166, %broadcast_in_dim3A_20 : vector<16xi32>
      %eq3A = arith.constant 6 : i32
      %eq3A_167 = vector.broadcast %eq3A : i32 to vector<16xi32>
      %eq3A_168 = arith.cmpi eq, %and3A, %eq3A_167 : vector<16xi32>
      %swap3A_169 = arith.index_cast %scan3A_160 : i32 to index
      %swap3A_170 = tpu.vector_load %arg9[%swap3A_169] masked %eq3A_168 {strides = array<i32>} : memref<10016xi32, #tpu.memory_space<vmem>>, vector<16xi32>, vector<16xi1>
      tpu.vector_store %arg9[%swap3A_169], %get3A_164 masked %eq3A_168 {strides = array<i32>} : memref<10016xi32, #tpu.memory_space<vmem>>, vector<16xi32>, vector<16xi1>
      %all_reduce_population_count3A = tpu.all_reduce %eq3A_168 {dim = 0 : i64, kind = #tpu.reduction_kind<sum>} : vector<16xi1> -> vector<16xi32>
      %slice3A_171 = vector.extract_strided_slice %all_reduce_population_count3A {offsets = [0], sizes = [1], strides = [1]} : vector<16xi32> to vector<1xi32>
      %squeeze3A_172 = vector.extract %slice3A_171[0] : i32 from vector<1xi32>
      %add3A_173 = arith.addi %scan3A_160, %squeeze3A_172 : i32
      scf.yield %add3A_173 : i32
    }
    %scan3A_85 = arith.constant 625 : i32
    %slice3A_86 = vector.extract_strided_slice %sub3A {offsets = [7], sizes = [1], strides = [1]} : vector<16xi32> to vector<1xi32>
    %squeeze3A_87 = vector.extract %slice3A_86[0] : i32 from vector<1xi32>
    %scan3A_88 = arith.constant 0 : i32
    %scan3A_89 = arith.constant 625 : i32
    %scan3A_90 = arith.addi %scan3A_88, %scan3A_89 : i32
    %scan3A_91 = arith.constant 1 : i32
    %scan3A_92 = scf.for %scan3A_159 = %scan3A_88 to %scan3A_90 step %scan3A_91 iter_args(%scan3A_160 = %squeeze3A_87) -> (i32)  : i32 {
      %mul3A_161 = arith.constant 16 : i32
      %mul3A_162 = arith.muli %scan3A_159, %mul3A_161 : i32
      %get3A_163 = arith.index_cast %mul3A_162 : i32 to index
      %get3A_164 = tpu.vector_load %arg8[%get3A_163] {strides = array<i32>} : memref<10000xi32, #tpu.memory_space<vmem>>, vector<16xi32>,
      %shift_right_logical3A = arith.constant 1 : i32
      %shift_right_logical3A_165 = vector.broadcast %shift_right_logical3A : i32 to vector<16xi32>
      %shift_right_logical3A_166 = arith.shrui %get3A_164, %shift_right_logical3A_165 : vector<16xi32>
      %and3A = arith.andi %shift_right_logical3A_166, %broadcast_in_dim3A_20 : vector<16xi32>
      %eq3A = arith.constant 7 : i32
      %eq3A_167 = vector.broadcast %eq3A : i32 to vector<16xi32>
      %eq3A_168 = arith.cmpi eq, %and3A, %eq3A_167 : vector<16xi32>
      %swap3A_169 = arith.index_cast %scan3A_160 : i32 to index
      %swap3A_170 = tpu.vector_load %arg9[%swap3A_169] masked %eq3A_168 {strides = array<i32>} : memref<10016xi32, #tpu.memory_space<vmem>>, vector<16xi32>, vector<16xi1>
      tpu.vector_store %arg9[%swap3A_169], %get3A_164 masked %eq3A_168 {strides = array<i32>} : memref<10016xi32, #tpu.memory_space<vmem>>, vector<16xi32>, vector<16xi1>
      %all_reduce_population_count3A = tpu.all_reduce %eq3A_168 {dim = 0 : i64, kind = #tpu.reduction_kind<sum>} : vector<16xi1> -> vector<16xi32>
      %slice3A_171 = vector.extract_strided_slice %all_reduce_population_count3A {offsets = [0], sizes = [1], strides = [1]} : vector<16xi32> to vector<1xi32>
      %squeeze3A_172 = vector.extract %slice3A_171[0] : i32 from vector<1xi32>
      %add3A_173 = arith.addi %scan3A_160, %squeeze3A_172 : i32
      scf.yield %add3A_173 : i32
    }
    %scan3A_93 = arith.constant 625 : i32
    %slice3A_94 = vector.extract_strided_slice %sub3A {offsets = [8], sizes = [1], strides = [1]} : vector<16xi32> to vector<1xi32>
    %squeeze3A_95 = vector.extract %slice3A_94[0] : i32 from vector<1xi32>
    %scan3A_96 = arith.constant 0 : i32
    %scan3A_97 = arith.constant 625 : i32
    %scan3A_98 = arith.addi %scan3A_96, %scan3A_97 : i32
    %scan3A_99 = arith.constant 1 : i32
    %scan3A_100 = scf.for %scan3A_159 = %scan3A_96 to %scan3A_98 step %scan3A_99 iter_args(%scan3A_160 = %squeeze3A_95) -> (i32)  : i32 {
      %mul3A_161 = arith.constant 16 : i32
      %mul3A_162 = arith.muli %scan3A_159, %mul3A_161 : i32
      %get3A_163 = arith.index_cast %mul3A_162 : i32 to index
      %get3A_164 = tpu.vector_load %arg8[%get3A_163] {strides = array<i32>} : memref<10000xi32, #tpu.memory_space<vmem>>, vector<16xi32>,
      %shift_right_logical3A = arith.constant 1 : i32
      %shift_right_logical3A_165 = vector.broadcast %shift_right_logical3A : i32 to vector<16xi32>
      %shift_right_logical3A_166 = arith.shrui %get3A_164, %shift_right_logical3A_165 : vector<16xi32>
      %and3A = arith.andi %shift_right_logical3A_166, %broadcast_in_dim3A_20 : vector<16xi32>
      %eq3A = arith.constant 8 : i32
      %eq3A_167 = vector.broadcast %eq3A : i32 to vector<16xi32>
      %eq3A_168 = arith.cmpi eq, %and3A, %eq3A_167 : vector<16xi32>
      %swap3A_169 = arith.index_cast %scan3A_160 : i32 to index
      %swap3A_170 = tpu.vector_load %arg9[%swap3A_169] masked %eq3A_168 {strides = array<i32>} : memref<10016xi32, #tpu.memory_space<vmem>>, vector<16xi32>, vector<16xi1>
      tpu.vector_store %arg9[%swap3A_169], %get3A_164 masked %eq3A_168 {strides = array<i32>} : memref<10016xi32, #tpu.memory_space<vmem>>, vector<16xi32>, vector<16xi1>
      %all_reduce_population_count3A = tpu.all_reduce %eq3A_168 {dim = 0 : i64, kind = #tpu.reduction_kind<sum>} : vector<16xi1> -> vector<16xi32>
      %slice3A_171 = vector.extract_strided_slice %all_reduce_population_count3A {offsets = [0], sizes = [1], strides = [1]} : vector<16xi32> to vector<1xi32>
      %squeeze3A_172 = vector.extract %slice3A_171[0] : i32 from vector<1xi32>
      %add3A_173 = arith.addi %scan3A_160, %squeeze3A_172 : i32
      scf.yield %add3A_173 : i32
    }
    %scan3A_101 = arith.constant 625 : i32
    %slice3A_102 = vector.extract_strided_slice %sub3A {offsets = [9], sizes = [1], strides = [1]} : vector<16xi32> to vector<1xi32>
    %squeeze3A_103 = vector.extract %slice3A_102[0] : i32 from vector<1xi32>
    %scan3A_104 = arith.constant 0 : i32
    %scan3A_105 = arith.constant 625 : i32
    %scan3A_106 = arith.addi %scan3A_104, %scan3A_105 : i32
    %scan3A_107 = arith.constant 1 : i32
    %scan3A_108 = scf.for %scan3A_159 = %scan3A_104 to %scan3A_106 step %scan3A_107 iter_args(%scan3A_160 = %squeeze3A_103) -> (i32)  : i32 {
      %mul3A_161 = arith.constant 16 : i32
      %mul3A_162 = arith.muli %scan3A_159, %mul3A_161 : i32
      %get3A_163 = arith.index_cast %mul3A_162 : i32 to index
      %get3A_164 = tpu.vector_load %arg8[%get3A_163] {strides = array<i32>} : memref<10000xi32, #tpu.memory_space<vmem>>, vector<16xi32>,
      %shift_right_logical3A = arith.constant 1 : i32
      %shift_right_logical3A_165 = vector.broadcast %shift_right_logical3A : i32 to vector<16xi32>
      %shift_right_logical3A_166 = arith.shrui %get3A_164, %shift_right_logical3A_165 : vector<16xi32>
      %and3A = arith.andi %shift_right_logical3A_166, %broadcast_in_dim3A_20 : vector<16xi32>
      %eq3A = arith.constant 9 : i32
      %eq3A_167 = vector.broadcast %eq3A : i32 to vector<16xi32>
      %eq3A_168 = arith.cmpi eq, %and3A, %eq3A_167 : vector<16xi32>
      %swap3A_169 = arith.index_cast %scan3A_160 : i32 to index
      %swap3A_170 = tpu.vector_load %arg9[%swap3A_169] masked %eq3A_168 {strides = array<i32>} : memref<10016xi32, #tpu.memory_space<vmem>>, vector<16xi32>, vector<16xi1>
      tpu.vector_store %arg9[%swap3A_169], %get3A_164 masked %eq3A_168 {strides = array<i32>} : memref<10016xi32, #tpu.memory_space<vmem>>, vector<16xi32>, vector<16xi1>
      %all_reduce_population_count3A = tpu.all_reduce %eq3A_168 {dim = 0 : i64, kind = #tpu.reduction_kind<sum>} : vector<16xi1> -> vector<16xi32>
      %slice3A_171 = vector.extract_strided_slice %all_reduce_population_count3A {offsets = [0], sizes = [1], strides = [1]} : vector<16xi32> to vector<1xi32>
      %squeeze3A_172 = vector.extract %slice3A_171[0] : i32 from vector<1xi32>
      %add3A_173 = arith.addi %scan3A_160, %squeeze3A_172 : i32
      scf.yield %add3A_173 : i32
    }
    %scan3A_109 = arith.constant 625 : i32
    %slice3A_110 = vector.extract_strided_slice %sub3A {offsets = [10], sizes = [1], strides = [1]} : vector<16xi32> to vector<1xi32>
    %squeeze3A_111 = vector.extract %slice3A_110[0] : i32 from vector<1xi32>
    %scan3A_112 = arith.constant 0 : i32
    %scan3A_113 = arith.constant 625 : i32
    %scan3A_114 = arith.addi %scan3A_112, %scan3A_113 : i32
    %scan3A_115 = arith.constant 1 : i32
    %scan3A_116 = scf.for %scan3A_159 = %scan3A_112 to %scan3A_114 step %scan3A_115 iter_args(%scan3A_160 = %squeeze3A_111) -> (i32)  : i32 {
      %mul3A_161 = arith.constant 16 : i32
      %mul3A_162 = arith.muli %scan3A_159, %mul3A_161 : i32
      %get3A_163 = arith.index_cast %mul3A_162 : i32 to index
      %get3A_164 = tpu.vector_load %arg8[%get3A_163] {strides = array<i32>} : memref<10000xi32, #tpu.memory_space<vmem>>, vector<16xi32>,
      %shift_right_logical3A = arith.constant 1 : i32
      %shift_right_logical3A_165 = vector.broadcast %shift_right_logical3A : i32 to vector<16xi32>
      %shift_right_logical3A_166 = arith.shrui %get3A_164, %shift_right_logical3A_165 : vector<16xi32>
      %and3A = arith.andi %shift_right_logical3A_166, %broadcast_in_dim3A_20 : vector<16xi32>
      %eq3A = arith.constant 10 : i32
      %eq3A_167 = vector.broadcast %eq3A : i32 to vector<16xi32>
      %eq3A_168 = arith.cmpi eq, %and3A, %eq3A_167 : vector<16xi32>
      %swap3A_169 = arith.index_cast %scan3A_160 : i32 to index
      %swap3A_170 = tpu.vector_load %arg9[%swap3A_169] masked %eq3A_168 {strides = array<i32>} : memref<10016xi32, #tpu.memory_space<vmem>>, vector<16xi32>, vector<16xi1>
      tpu.vector_store %arg9[%swap3A_169], %get3A_164 masked %eq3A_168 {strides = array<i32>} : memref<10016xi32, #tpu.memory_space<vmem>>, vector<16xi32>, vector<16xi1>
      %all_reduce_population_count3A = tpu.all_reduce %eq3A_168 {dim = 0 : i64, kind = #tpu.reduction_kind<sum>} : vector<16xi1> -> vector<16xi32>
      %slice3A_171 = vector.extract_strided_slice %all_reduce_population_count3A {offsets = [0], sizes = [1], strides = [1]} : vector<16xi32> to vector<1xi32>
      %squeeze3A_172 = vector.extract %slice3A_171[0] : i32 from vector<1xi32>
      %add3A_173 = arith.addi %scan3A_160, %squeeze3A_172 : i32
      scf.yield %add3A_173 : i32
    }
    %scan3A_117 = arith.constant 625 : i32
    %slice3A_118 = vector.extract_strided_slice %sub3A {offsets = [11], sizes = [1], strides = [1]} : vector<16xi32> to vector<1xi32>
    %squeeze3A_119 = vector.extract %slice3A_118[0] : i32 from vector<1xi32>
    %scan3A_120 = arith.constant 0 : i32
    %scan3A_121 = arith.constant 625 : i32
    %scan3A_122 = arith.addi %scan3A_120, %scan3A_121 : i32
    %scan3A_123 = arith.constant 1 : i32
    %scan3A_124 = scf.for %scan3A_159 = %scan3A_120 to %scan3A_122 step %scan3A_123 iter_args(%scan3A_160 = %squeeze3A_119) -> (i32)  : i32 {
      %mul3A_161 = arith.constant 16 : i32
      %mul3A_162 = arith.muli %scan3A_159, %mul3A_161 : i32
      %get3A_163 = arith.index_cast %mul3A_162 : i32 to index
      %get3A_164 = tpu.vector_load %arg8[%get3A_163] {strides = array<i32>} : memref<10000xi32, #tpu.memory_space<vmem>>, vector<16xi32>,
      %shift_right_logical3A = arith.constant 1 : i32
      %shift_right_logical3A_165 = vector.broadcast %shift_right_logical3A : i32 to vector<16xi32>
      %shift_right_logical3A_166 = arith.shrui %get3A_164, %shift_right_logical3A_165 : vector<16xi32>
      %and3A = arith.andi %shift_right_logical3A_166, %broadcast_in_dim3A_20 : vector<16xi32>
      %eq3A = arith.constant 11 : i32
      %eq3A_167 = vector.broadcast %eq3A : i32 to vector<16xi32>
      %eq3A_168 = arith.cmpi eq, %and3A, %eq3A_167 : vector<16xi32>
      %swap3A_169 = arith.index_cast %scan3A_160 : i32 to index
      %swap3A_170 = tpu.vector_load %arg9[%swap3A_169] masked %eq3A_168 {strides = array<i32>} : memref<10016xi32, #tpu.memory_space<vmem>>, vector<16xi32>, vector<16xi1>
      tpu.vector_store %arg9[%swap3A_169], %get3A_164 masked %eq3A_168 {strides = array<i32>} : memref<10016xi32, #tpu.memory_space<vmem>>, vector<16xi32>, vector<16xi1>
      %all_reduce_population_count3A = tpu.all_reduce %eq3A_168 {dim = 0 : i64, kind = #tpu.reduction_kind<sum>} : vector<16xi1> -> vector<16xi32>
      %slice3A_171 = vector.extract_strided_slice %all_reduce_population_count3A {offsets = [0], sizes = [1], strides = [1]} : vector<16xi32> to vector<1xi32>
      %squeeze3A_172 = vector.extract %slice3A_171[0] : i32 from vector<1xi32>
      %add3A_173 = arith.addi %scan3A_160, %squeeze3A_172 : i32
      scf.yield %add3A_173 : i32
    }
    %scan3A_125 = arith.constant 625 : i32
    %slice3A_126 = vector.extract_strided_slice %sub3A {offsets = [12], sizes = [1], strides = [1]} : vector<16xi32> to vector<1xi32>
    %squeeze3A_127 = vector.extract %slice3A_126[0] : i32 from vector<1xi32>
    %scan3A_128 = arith.constant 0 : i32
    %scan3A_129 = arith.constant 625 : i32
    %scan3A_130 = arith.addi %scan3A_128, %scan3A_129 : i32
    %scan3A_131 = arith.constant 1 : i32
    %scan3A_132 = scf.for %scan3A_159 = %scan3A_128 to %scan3A_130 step %scan3A_131 iter_args(%scan3A_160 = %squeeze3A_127) -> (i32)  : i32 {
      %mul3A_161 = arith.constant 16 : i32
      %mul3A_162 = arith.muli %scan3A_159, %mul3A_161 : i32
      %get3A_163 = arith.index_cast %mul3A_162 : i32 to index
      %get3A_164 = tpu.vector_load %arg8[%get3A_163] {strides = array<i32>} : memref<10000xi32, #tpu.memory_space<vmem>>, vector<16xi32>,
      %shift_right_logical3A = arith.constant 1 : i32
      %shift_right_logical3A_165 = vector.broadcast %shift_right_logical3A : i32 to vector<16xi32>
      %shift_right_logical3A_166 = arith.shrui %get3A_164, %shift_right_logical3A_165 : vector<16xi32>
      %and3A = arith.andi %shift_right_logical3A_166, %broadcast_in_dim3A_20 : vector<16xi32>
      %eq3A = arith.constant 12 : i32
      %eq3A_167 = vector.broadcast %eq3A : i32 to vector<16xi32>
      %eq3A_168 = arith.cmpi eq, %and3A, %eq3A_167 : vector<16xi32>
      %swap3A_169 = arith.index_cast %scan3A_160 : i32 to index
      %swap3A_170 = tpu.vector_load %arg9[%swap3A_169] masked %eq3A_168 {strides = array<i32>} : memref<10016xi32, #tpu.memory_space<vmem>>, vector<16xi32>, vector<16xi1>
      tpu.vector_store %arg9[%swap3A_169], %get3A_164 masked %eq3A_168 {strides = array<i32>} : memref<10016xi32, #tpu.memory_space<vmem>>, vector<16xi32>, vector<16xi1>
      %all_reduce_population_count3A = tpu.all_reduce %eq3A_168 {dim = 0 : i64, kind = #tpu.reduction_kind<sum>} : vector<16xi1> -> vector<16xi32>
      %slice3A_171 = vector.extract_strided_slice %all_reduce_population_count3A {offsets = [0], sizes = [1], strides = [1]} : vector<16xi32> to vector<1xi32>
      %squeeze3A_172 = vector.extract %slice3A_171[0] : i32 from vector<1xi32>
      %add3A_173 = arith.addi %scan3A_160, %squeeze3A_172 : i32
      scf.yield %add3A_173 : i32
    }
    %scan3A_133 = arith.constant 625 : i32
    %slice3A_134 = vector.extract_strided_slice %sub3A {offsets = [13], sizes = [1], strides = [1]} : vector<16xi32> to vector<1xi32>
    %squeeze3A_135 = vector.extract %slice3A_134[0] : i32 from vector<1xi32>
    %scan3A_136 = arith.constant 0 : i32
    %scan3A_137 = arith.constant 625 : i32
    %scan3A_138 = arith.addi %scan3A_136, %scan3A_137 : i32
    %scan3A_139 = arith.constant 1 : i32
    %scan3A_140 = scf.for %scan3A_159 = %scan3A_136 to %scan3A_138 step %scan3A_139 iter_args(%scan3A_160 = %squeeze3A_135) -> (i32)  : i32 {
      %mul3A_161 = arith.constant 16 : i32
      %mul3A_162 = arith.muli %scan3A_159, %mul3A_161 : i32
      %get3A_163 = arith.index_cast %mul3A_162 : i32 to index
      %get3A_164 = tpu.vector_load %arg8[%get3A_163] {strides = array<i32>} : memref<10000xi32, #tpu.memory_space<vmem>>, vector<16xi32>,
      %shift_right_logical3A = arith.constant 1 : i32
      %shift_right_logical3A_165 = vector.broadcast %shift_right_logical3A : i32 to vector<16xi32>
      %shift_right_logical3A_166 = arith.shrui %get3A_164, %shift_right_logical3A_165 : vector<16xi32>
      %and3A = arith.andi %shift_right_logical3A_166, %broadcast_in_dim3A_20 : vector<16xi32>
      %eq3A = arith.constant 13 : i32
      %eq3A_167 = vector.broadcast %eq3A : i32 to vector<16xi32>
      %eq3A_168 = arith.cmpi eq, %and3A, %eq3A_167 : vector<16xi32>
      %swap3A_169 = arith.index_cast %scan3A_160 : i32 to index
      %swap3A_170 = tpu.vector_load %arg9[%swap3A_169] masked %eq3A_168 {strides = array<i32>} : memref<10016xi32, #tpu.memory_space<vmem>>, vector<16xi32>, vector<16xi1>
      tpu.vector_store %arg9[%swap3A_169], %get3A_164 masked %eq3A_168 {strides = array<i32>} : memref<10016xi32, #tpu.memory_space<vmem>>, vector<16xi32>, vector<16xi1>
      %all_reduce_population_count3A = tpu.all_reduce %eq3A_168 {dim = 0 : i64, kind = #tpu.reduction_kind<sum>} : vector<16xi1> -> vector<16xi32>
      %slice3A_171 = vector.extract_strided_slice %all_reduce_population_count3A {offsets = [0], sizes = [1], strides = [1]} : vector<16xi32> to vector<1xi32>
      %squeeze3A_172 = vector.extract %slice3A_171[0] : i32 from vector<1xi32>
      %add3A_173 = arith.addi %scan3A_160, %squeeze3A_172 : i32
      scf.yield %add3A_173 : i32
    }
    %scan3A_141 = arith.constant 625 : i32
    %slice3A_142 = vector.extract_strided_slice %sub3A {offsets = [14], sizes = [1], strides = [1]} : vector<16xi32> to vector<1xi32>
    %squeeze3A_143 = vector.extract %slice3A_142[0] : i32 from vector<1xi32>
    %scan3A_144 = arith.constant 0 : i32
    %scan3A_145 = arith.constant 625 : i32
    %scan3A_146 = arith.addi %scan3A_144, %scan3A_145 : i32
    %scan3A_147 = arith.constant 1 : i32
    %scan3A_148 = scf.for %scan3A_159 = %scan3A_144 to %scan3A_146 step %scan3A_147 iter_args(%scan3A_160 = %squeeze3A_143) -> (i32)  : i32 {
      %mul3A_161 = arith.constant 16 : i32
      %mul3A_162 = arith.muli %scan3A_159, %mul3A_161 : i32
      %get3A_163 = arith.index_cast %mul3A_162 : i32 to index
      %get3A_164 = tpu.vector_load %arg8[%get3A_163] {strides = array<i32>} : memref<10000xi32, #tpu.memory_space<vmem>>, vector<16xi32>,
      %shift_right_logical3A = arith.constant 1 : i32
      %shift_right_logical3A_165 = vector.broadcast %shift_right_logical3A : i32 to vector<16xi32>
      %shift_right_logical3A_166 = arith.shrui %get3A_164, %shift_right_logical3A_165 : vector<16xi32>
      %and3A = arith.andi %shift_right_logical3A_166, %broadcast_in_dim3A_20 : vector<16xi32>
      %eq3A = arith.constant 14 : i32
      %eq3A_167 = vector.broadcast %eq3A : i32 to vector<16xi32>
      %eq3A_168 = arith.cmpi eq, %and3A, %eq3A_167 : vector<16xi32>
      %swap3A_169 = arith.index_cast %scan3A_160 : i32 to index
      %swap3A_170 = tpu.vector_load %arg9[%swap3A_169] masked %eq3A_168 {strides = array<i32>} : memref<10016xi32, #tpu.memory_space<vmem>>, vector<16xi32>, vector<16xi1>
      tpu.vector_store %arg9[%swap3A_169], %get3A_164 masked %eq3A_168 {strides = array<i32>} : memref<10016xi32, #tpu.memory_space<vmem>>, vector<16xi32>, vector<16xi1>
      %all_reduce_population_count3A = tpu.all_reduce %eq3A_168 {dim = 0 : i64, kind = #tpu.reduction_kind<sum>} : vector<16xi1> -> vector<16xi32>
      %slice3A_171 = vector.extract_strided_slice %all_reduce_population_count3A {offsets = [0], sizes = [1], strides = [1]} : vector<16xi32> to vector<1xi32>
      %squeeze3A_172 = vector.extract %slice3A_171[0] : i32 from vector<1xi32>
      %add3A_173 = arith.addi %scan3A_160, %squeeze3A_172 : i32
      scf.yield %add3A_173 : i32
    }
    %scan3A_149 = arith.constant 625 : i32
    %slice3A_150 = vector.extract_strided_slice %sub3A {offsets = [15], sizes = [1], strides = [1]} : vector<16xi32> to vector<1xi32>
    %squeeze3A_151 = vector.extract %slice3A_150[0] : i32 from vector<1xi32>
    %scan3A_152 = arith.constant 0 : i32
    %scan3A_153 = arith.constant 625 : i32
    %scan3A_154 = arith.addi %scan3A_152, %scan3A_153 : i32
    %scan3A_155 = arith.constant 1 : i32
    %scan3A_156 = scf.for %scan3A_159 = %scan3A_152 to %scan3A_154 step %scan3A_155 iter_args(%scan3A_160 = %squeeze3A_151) -> (i32)  : i32 {
      %mul3A_161 = arith.constant 16 : i32
      %mul3A_162 = arith.muli %scan3A_159, %mul3A_161 : i32
      %get3A_163 = arith.index_cast %mul3A_162 : i32 to index
      %get3A_164 = tpu.vector_load %arg8[%get3A_163] {strides = array<i32>} : memref<10000xi32, #tpu.memory_space<vmem>>, vector<16xi32>,
      %shift_right_logical3A = arith.constant 1 : i32
      %shift_right_logical3A_165 = vector.broadcast %shift_right_logical3A : i32 to vector<16xi32>
      %shift_right_logical3A_166 = arith.shrui %get3A_164, %shift_right_logical3A_165 : vector<16xi32>
      %and3A = arith.andi %shift_right_logical3A_166, %broadcast_in_dim3A_20 : vector<16xi32>
      %eq3A = arith.constant 15 : i32
      %eq3A_167 = vector.broadcast %eq3A : i32 to vector<16xi32>
      %eq3A_168 = arith.cmpi eq, %and3A, %eq3A_167 : vector<16xi32>
      %swap3A_169 = arith.index_cast %scan3A_160 : i32 to index
      %swap3A_170 = tpu.vector_load %arg9[%swap3A_169] masked %eq3A_168 {strides = array<i32>} : memref<10016xi32, #tpu.memory_space<vmem>>, vector<16xi32>, vector<16xi1>
      tpu.vector_store %arg9[%swap3A_169], %get3A_164 masked %eq3A_168 {strides = array<i32>} : memref<10016xi32, #tpu.memory_space<vmem>>, vector<16xi32>, vector<16xi1>
      %all_reduce_population_count3A = tpu.all_reduce %eq3A_168 {dim = 0 : i64, kind = #tpu.reduction_kind<sum>} : vector<16xi1> -> vector<16xi32>
      %slice3A_171 = vector.extract_strided_slice %all_reduce_population_count3A {offsets = [0], sizes = [1], strides = [1]} : vector<16xi32> to vector<1xi32>
      %squeeze3A_172 = vector.extract %slice3A_171[0] : i32 from vector<1xi32>
      %add3A_173 = arith.addi %scan3A_160, %squeeze3A_172 : i32
      scf.yield %add3A_173 : i32
    }
    %scan3A_157 = arith.constant 625 : i32
    %while3A = arith.constant 0 : i32
    %while3A_158:2 = scf.while (%while3A_159 = %sub3A, %while3A_160 = %while3A) : (vector<16xi32>, i32) -> (vector<16xi32>, i32) {
      %lt3A = arith.constant 10000 : i32
      %lt3A_161 = arith.cmpi slt, %while3A_160, %lt3A : i32
      scf.condition(%lt3A_161) %while3A_159, %while3A_160 : vector<16xi32>, i32
    } do {
    ^bb0(%while3A_159: vector<16xi32>, %while3A_160: i32):
      %lt3A = arith.cmpi slt, %while3A_159, %add3A_31 : vector<16xi32>
      %jit3A = arith.constant 0 : i32
      %broadcast_in_dim3A_161 = vector.broadcast %jit3A : i32 to vector<16xi32>
      %select_n3A = arith.select %lt3A, %while3A_159, %broadcast_in_dim3A_161 : vector<16xi1>, vector<16xi32>
      %gather3A = tpu.vector_load_idx %arg9[%select_n3A] : memref<10016xi32, #tpu.memory_space<vmem>>[vector<16xi32>], vector<16xi32>,
      %swap3A_162 = arith.index_cast %while3A_160 : i32 to index
      %swap3A_163 = tpu.vector_load %arg8[%swap3A_162] masked %lt3A {strides = array<i32>} : memref<10000xi32, #tpu.memory_space<vmem>>, vector<16xi32>, vector<16xi1>
      tpu.vector_store %arg8[%swap3A_162], %gather3A masked %lt3A {strides = array<i32>} : memref<10000xi32, #tpu.memory_space<vmem>>, vector<16xi32>, vector<16xi1>
      %all_reduce_population_count3A = tpu.all_reduce %lt3A {dim = 0 : i64, kind = #tpu.reduction_kind<sum>} : vector<16xi1> -> vector<16xi32>
      %slice3A_164 = vector.extract_strided_slice %all_reduce_population_count3A {offsets = [0], sizes = [1], strides = [1]} : vector<16xi32> to vector<1xi32>
      %squeeze3A_165 = vector.extract %slice3A_164[0] : i32 from vector<1xi32>
      %add3A_166 = arith.addi %while3A_160, %squeeze3A_165 : i32
      %jit3A_167 = arith.constant 0 : i32
      %broadcast_in_dim3A_168 = vector.broadcast %jit3A_167 : i32 to vector<16xi32>
      %select_n3A_169 = arith.select %lt3A, %broadcast_in_dim3A_18, %broadcast_in_dim3A_168 : vector<16xi1>, vector<16xi32>
      %add3A_170 = arith.addi %while3A_159, %select_n3A_169 : vector<16xi32>
      scf.yield %add3A_170, %add3A_166 : vector<16xi32>, i32
    }
    "tpu.region"() ({
      %run_scoped3A = tpu.sem_alloc : memref<!tpu.dma_semaphore, #tpu.memory_space<semaphore_mem>>
      %dma_start3A = tpu.memref_slice %arg3[%mul3A_2] : memref<320000xi32, #tpu.memory_space<hbm>> -> memref<10000xi32, #tpu.memory_space<hbm>>
      %dma_start3A_159 = tpu.memref_slice %arg3[%mul3A_2] : memref<320000xi32, #tpu.memory_space<hbm>> -> memref<10000xi32, #tpu.memory_space<hbm>>
      tpu.enqueue_dma source(%arg8 : memref<10000xi32, #tpu.memory_space<vmem>>) target(%dma_start3A_159 : memref<10000xi32, #tpu.memory_space<hbm>>) target_semaphore(%run_scoped3A : memref<!tpu.dma_semaphore, #tpu.memory_space<semaphore_mem>>)
      %dma_wait3A = tpu.memref_slice %arg3[%mul3A_2] : memref<320000xi32, #tpu.memory_space<hbm>> -> memref<10000xi32, #tpu.memory_space<hbm>>
      %dma_wait3A_160 = tpu.memref_slice %arg3[%mul3A_2] : memref<320000xi32, #tpu.memory_space<hbm>> -> memref<10000xi32, #tpu.memory_space<hbm>>
      tpu.wait_dma2 semaphore(%run_scoped3A : memref<!tpu.dma_semaphore, #tpu.memory_space<semaphore_mem>>) src(%arg8 : memref<10000xi32, #tpu.memory_space<vmem>>) dst(%dma_wait3A_160 : memref<10000xi32, #tpu.memory_space<hbm>>)
      tpu.yield
    }) : () -> ()
    "tpu.region"() ({
      %run_scoped3A = tpu.sem_alloc : memref<!tpu.dma_semaphore, #tpu.memory_space<semaphore_mem>>
      %dma_start3A = arith.constant 0 : i32
      %dma_start3A_159 = tpu.memref_slice %arg4[%add3A, %dma_start3A] : memref<32x10000xf32, #tpu.memory_space<hbm>> -> memref<1x10000xf32, #tpu.memory_space<hbm>>
      %dma_start3A_160 = tpu.memref_squeeze %dma_start3A_159 : memref<1x10000xf32, #tpu.memory_space<hbm>> -> memref<10000xf32, #tpu.memory_space<hbm>>
      %dma_start3A_161 = arith.constant 0 : i32
      %dma_start3A_162 = tpu.memref_slice %arg4[%add3A, %dma_start3A_161] : memref<32x10000xf32, #tpu.memory_space<hbm>> -> memref<1x10000xf32, #tpu.memory_space<hbm>>
      %dma_start3A_163 = tpu.memref_squeeze %dma_start3A_162 : memref<1x10000xf32, #tpu.memory_space<hbm>> -> memref<10000xf32, #tpu.memory_space<hbm>>
      tpu.enqueue_dma source(%arg11 : memref<10000xf32, #tpu.memory_space<vmem>>) target(%dma_start3A_163 : memref<10000xf32, #tpu.memory_space<hbm>>) target_semaphore(%run_scoped3A : memref<!tpu.dma_semaphore, #tpu.memory_space<semaphore_mem>>)
      %dma_wait3A = arith.constant 0 : i32
      %dma_wait3A_164 = tpu.memref_slice %arg4[%add3A, %dma_wait3A] : memref<32x10000xf32, #tpu.memory_space<hbm>> -> memref<1x10000xf32, #tpu.memory_space<hbm>>
      %dma_wait3A_165 = tpu.memref_squeeze %dma_wait3A_164 : memref<1x10000xf32, #tpu.memory_space<hbm>> -> memref<10000xf32, #tpu.memory_space<hbm>>
      %dma_wait3A_166 = arith.constant 0 : i32
      %dma_wait3A_167 = tpu.memref_slice %arg4[%add3A, %dma_wait3A_166] : memref<32x10000xf32, #tpu.memory_space<hbm>> -> memref<1x10000xf32, #tpu.memory_space<hbm>>
      %dma_wait3A_168 = tpu.memref_squeeze %dma_wait3A_167 : memref<1x10000xf32, #tpu.memory_space<hbm>> -> memref<10000xf32, #tpu.memory_space<hbm>>
      tpu.wait_dma2 semaphore(%run_scoped3A : memref<!tpu.dma_semaphore, #tpu.memory_space<semaphore_mem>>) src(%arg11 : memref<10000xf32, #tpu.memory_space<vmem>>) dst(%dma_wait3A_168 : memref<10000xf32, #tpu.memory_space<hbm>>)
      tpu.yield
    }) : () -> ()
    "tpu.region"() ({
      %run_scoped3A = tpu.sem_alloc : memref<!tpu.dma_semaphore, #tpu.memory_space<semaphore_mem>>
      %dma_start3A = arith.constant 0 : i32
      %dma_start3A_159 = tpu.memref_slice %arg5[%add3A, %dma_start3A] : memref<32x10000xf32, #tpu.memory_space<hbm>> -> memref<1x10000xf32, #tpu.memory_space<hbm>>
      %dma_start3A_160 = tpu.memref_squeeze %dma_start3A_159 : memref<1x10000xf32, #tpu.memory_space<hbm>> -> memref<10000xf32, #tpu.memory_space<hbm>>
      %dma_start3A_161 = arith.constant 0 : i32
      %dma_start3A_162 = tpu.memref_slice %arg5[%add3A, %dma_start3A_161] : memref<32x10000xf32, #tpu.memory_space<hbm>> -> memref<1x10000xf32, #tpu.memory_space<hbm>>
      %dma_start3A_163 = tpu.memref_squeeze %dma_start3A_162 : memref<1x10000xf32, #tpu.memory_space<hbm>> -> memref<10000xf32, #tpu.memory_space<hbm>>
      tpu.enqueue_dma source(%arg12 : memref<10000xf32, #tpu.memory_space<vmem>>) target(%dma_start3A_163 : memref<10000xf32, #tpu.memory_space<hbm>>) target_semaphore(%run_scoped3A : memref<!tpu.dma_semaphore, #tpu.memory_space<semaphore_mem>>)
      %dma_wait3A = arith.constant 0 : i32
      %dma_wait3A_164 = tpu.memref_slice %arg5[%add3A, %dma_wait3A] : memref<32x10000xf32, #tpu.memory_space<hbm>> -> memref<1x10000xf32, #tpu.memory_space<hbm>>
      %dma_wait3A_165 = tpu.memref_squeeze %dma_wait3A_164 : memref<1x10000xf32, #tpu.memory_space<hbm>> -> memref<10000xf32, #tpu.memory_space<hbm>>
      %dma_wait3A_166 = arith.constant 0 : i32
      %dma_wait3A_167 = tpu.memref_slice %arg5[%add3A, %dma_wait3A_166] : memref<32x10000xf32, #tpu.memory_space<hbm>> -> memref<1x10000xf32, #tpu.memory_space<hbm>>
      %dma_wait3A_168 = tpu.memref_squeeze %dma_wait3A_167 : memref<1x10000xf32, #tpu.memory_space<hbm>> -> memref<10000xf32, #tpu.memory_space<hbm>>
      tpu.wait_dma2 semaphore(%run_scoped3A : memref<!tpu.dma_semaphore, #tpu.memory_space<semaphore_mem>>) src(%arg12 : memref<10000xf32, #tpu.memory_space<vmem>>) dst(%dma_wait3A_168 : memref<10000xf32, #tpu.memory_space<hbm>>)
      tpu.yield
    }) : () -> ()
    return
  }
}

#map = affine_map<(d0, d1) -> (0, 0)>
#map1 = affine_map<(d0, d1) -> (0)>
#map2 = affine_map<(d0, d1) -> (0, 0, 0)>
module attributes {stable_mosaic.version = 14 : i64} {
  func.func @_k3(%arg0: i32, %arg1: i32, %arg2: memref<64x10000xf32, #tpu.memory_space<hbm>>, %arg3: memref<320000xi32, #tpu.memory_space<hbm>>, %arg4: memref<2x10000xf32, #tpu.memory_space<hbm>>, %arg5: memref<1x128xf32, #tpu.memory_space<hbm>>, %arg6: memref<6x64x10000xf32, #tpu.memory_space<hbm>>, %arg7: memref<10000xf32, #tpu.memory_space<vmem>>, %arg8: memref<10000xf32, #tpu.memory_space<vmem>>, %arg9: memref<10000xf32, #tpu.memory_space<vmem>>, %arg10: memref<10000xf32, #tpu.memory_space<vmem>>, %arg11: memref<10000xf32, #tpu.memory_space<vmem>>, %arg12: memref<10000xf32, #tpu.memory_space<vmem>>, %arg13: memref<2x10000xf32, #tpu.memory_space<vmem>>, %arg14: memref<20000xi32, #tpu.memory_space<vmem>>, %arg15: memref<20000xi32, #tpu.memory_space<vmem>>, %arg16: memref<16xf32, #tpu.memory_space<vmem>>, %arg17: memref<!tpu.dma_semaphore, #tpu.memory_space<semaphore_mem>>, %arg18: memref<!tpu.dma_semaphore, #tpu.memory_space<semaphore_mem>>, %arg19: memref<!tpu.dma_semaphore, #tpu.memory_space<semaphore_mem>>) attributes {dimension_semantics = [#tpu.dimension_semantics<core_parallel>, #tpu.dimension_semantics<subcore_parallel>], iteration_bounds = array<i64: 2, 16>, scalar_prefetch = 0 : i64, scratch_operands = 13 : i64, tpu.core_type = #tpu.core_type<sc_vector_subcore>, window_params = [{transform_indices = #map}, {transform_indices = #map1}, {transform_indices = #map}, {transform_indices = #map}, {transform_indices = #map2}]} {
    %mul3A = arith.constant 2 : i32
    %mul3A_0 = arith.muli %arg1, %mul3A : i32
    %add3A = arith.addi %mul3A_0, %arg0 : i32
    %mul3A_1 = arith.constant 2 : i32
    %mul3A_2 = arith.muli %add3A, %mul3A_1 : i32
    "tpu.region"() ({
      %run_scoped3A_305 = tpu.sem_alloc : memref<!tpu.dma_semaphore, #tpu.memory_space<semaphore_mem>>
      %dma_start3A_306 = arith.constant 0 : i32
      %dma_start3A_307 = tpu.memref_slice %arg2[%mul3A_2, %dma_start3A_306] : memref<64x10000xf32, #tpu.memory_space<hbm>> -> memref<1x10000xf32, #tpu.memory_space<hbm>>
      %dma_start3A_308 = tpu.memref_squeeze %dma_start3A_307 : memref<1x10000xf32, #tpu.memory_space<hbm>> -> memref<10000xf32, #tpu.memory_space<hbm>>
      %dma_start3A_309 = arith.constant 0 : i32
      %dma_start3A_310 = tpu.memref_slice %arg2[%mul3A_2, %dma_start3A_309] : memref<64x10000xf32, #tpu.memory_space<hbm>> -> memref<1x10000xf32, #tpu.memory_space<hbm>>
      %dma_start3A_311 = tpu.memref_squeeze %dma_start3A_310 : memref<1x10000xf32, #tpu.memory_space<hbm>> -> memref<10000xf32, #tpu.memory_space<hbm>>
      tpu.enqueue_dma source(%dma_start3A_311 : memref<10000xf32, #tpu.memory_space<hbm>>) target(%arg7 : memref<10000xf32, #tpu.memory_space<vmem>>) target_semaphore(%run_scoped3A_305 : memref<!tpu.dma_semaphore, #tpu.memory_space<semaphore_mem>>)
      %dma_wait3A_312 = arith.constant 0 : i32
      %dma_wait3A_313 = tpu.memref_slice %arg2[%mul3A_2, %dma_wait3A_312] : memref<64x10000xf32, #tpu.memory_space<hbm>> -> memref<1x10000xf32, #tpu.memory_space<hbm>>
      %dma_wait3A_314 = tpu.memref_squeeze %dma_wait3A_313 : memref<1x10000xf32, #tpu.memory_space<hbm>> -> memref<10000xf32, #tpu.memory_space<hbm>>
      %dma_wait3A_315 = arith.constant 0 : i32
      %dma_wait3A_316 = tpu.memref_slice %arg2[%mul3A_2, %dma_wait3A_315] : memref<64x10000xf32, #tpu.memory_space<hbm>> -> memref<1x10000xf32, #tpu.memory_space<hbm>>
      %dma_wait3A_317 = tpu.memref_squeeze %dma_wait3A_316 : memref<1x10000xf32, #tpu.memory_space<hbm>> -> memref<10000xf32, #tpu.memory_space<hbm>>
      tpu.wait_dma2 semaphore(%run_scoped3A_305 : memref<!tpu.dma_semaphore, #tpu.memory_space<semaphore_mem>>) src(%dma_wait3A_317 : memref<10000xf32, #tpu.memory_space<hbm>>) dst(%arg7 : memref<10000xf32, #tpu.memory_space<vmem>>)
      tpu.yield
    }) : () -> ()
    %add3A_3 = arith.constant 1 : i32
    %add3A_4 = arith.addi %mul3A_2, %add3A_3 : i32
    "tpu.region"() ({
      %run_scoped3A_305 = tpu.sem_alloc : memref<!tpu.dma_semaphore, #tpu.memory_space<semaphore_mem>>
      %dma_start3A_306 = arith.constant 0 : i32
      %dma_start3A_307 = tpu.memref_slice %arg2[%add3A_4, %dma_start3A_306] : memref<64x10000xf32, #tpu.memory_space<hbm>> -> memref<1x10000xf32, #tpu.memory_space<hbm>>
      %dma_start3A_308 = tpu.memref_squeeze %dma_start3A_307 : memref<1x10000xf32, #tpu.memory_space<hbm>> -> memref<10000xf32, #tpu.memory_space<hbm>>
      %dma_start3A_309 = arith.constant 0 : i32
      %dma_start3A_310 = tpu.memref_slice %arg2[%add3A_4, %dma_start3A_309] : memref<64x10000xf32, #tpu.memory_space<hbm>> -> memref<1x10000xf32, #tpu.memory_space<hbm>>
      %dma_start3A_311 = tpu.memref_squeeze %dma_start3A_310 : memref<1x10000xf32, #tpu.memory_space<hbm>> -> memref<10000xf32, #tpu.memory_space<hbm>>
      tpu.enqueue_dma source(%dma_start3A_311 : memref<10000xf32, #tpu.memory_space<hbm>>) target(%arg8 : memref<10000xf32, #tpu.memory_space<vmem>>) target_semaphore(%run_scoped3A_305 : memref<!tpu.dma_semaphore, #tpu.memory_space<semaphore_mem>>)
      %dma_wait3A_312 = arith.constant 0 : i32
      %dma_wait3A_313 = tpu.memref_slice %arg2[%add3A_4, %dma_wait3A_312] : memref<64x10000xf32, #tpu.memory_space<hbm>> -> memref<1x10000xf32, #tpu.memory_space<hbm>>
      %dma_wait3A_314 = tpu.memref_squeeze %dma_wait3A_313 : memref<1x10000xf32, #tpu.memory_space<hbm>> -> memref<10000xf32, #tpu.memory_space<hbm>>
      %dma_wait3A_315 = arith.constant 0 : i32
      %dma_wait3A_316 = tpu.memref_slice %arg2[%add3A_4, %dma_wait3A_315] : memref<64x10000xf32, #tpu.memory_space<hbm>> -> memref<1x10000xf32, #tpu.memory_space<hbm>>
      %dma_wait3A_317 = tpu.memref_squeeze %dma_wait3A_316 : memref<1x10000xf32, #tpu.memory_space<hbm>> -> memref<10000xf32, #tpu.memory_space<hbm>>
      tpu.wait_dma2 semaphore(%run_scoped3A_305 : memref<!tpu.dma_semaphore, #tpu.memory_space<semaphore_mem>>) src(%dma_wait3A_317 : memref<10000xf32, #tpu.memory_space<hbm>>) dst(%arg8 : memref<10000xf32, #tpu.memory_space<vmem>>)
      tpu.yield
    }) : () -> ()
    "tpu.region"() ({
      %run_scoped3A_305 = tpu.sem_alloc : memref<!tpu.dma_semaphore, #tpu.memory_space<semaphore_mem>>
      tpu.enqueue_dma source(%arg4 : memref<2x10000xf32, #tpu.memory_space<hbm>>) target(%arg13 : memref<2x10000xf32, #tpu.memory_space<vmem>>) target_semaphore(%run_scoped3A_305 : memref<!tpu.dma_semaphore, #tpu.memory_space<semaphore_mem>>)
      tpu.wait_dma2 semaphore(%run_scoped3A_305 : memref<!tpu.dma_semaphore, #tpu.memory_space<semaphore_mem>>) src(%arg4 : memref<2x10000xf32, #tpu.memory_space<hbm>>) dst(%arg13 : memref<2x10000xf32, #tpu.memory_space<vmem>>)
      tpu.yield
    }) : () -> ()
    %run_scoped3A = arith.constant 0 : i32
    "tpu.region"() ({
      %run_scoped3A_305 = tpu.sem_alloc : memref<!tpu.dma_semaphore, #tpu.memory_space<semaphore_mem>>
      %dma_start3A_306 = arith.constant 0 : i32
      %dma_start3A_307 = tpu.memref_slice %arg5[%run_scoped3A, %dma_start3A_306] : memref<1x128xf32, #tpu.memory_space<hbm>> -> memref<1x16xf32, #tpu.memory_space<hbm>>
      %dma_start3A_308 = tpu.memref_squeeze %dma_start3A_307 : memref<1x16xf32, #tpu.memory_space<hbm>> -> memref<16xf32, #tpu.memory_space<hbm>>
      %dma_start3A_309 = arith.constant 0 : i32
      %dma_start3A_310 = tpu.memref_slice %arg5[%run_scoped3A, %dma_start3A_309] : memref<1x128xf32, #tpu.memory_space<hbm>> -> memref<1x16xf32, #tpu.memory_space<hbm>>
      %dma_start3A_311 = tpu.memref_squeeze %dma_start3A_310 : memref<1x16xf32, #tpu.memory_space<hbm>> -> memref<16xf32, #tpu.memory_space<hbm>>
      tpu.enqueue_dma source(%dma_start3A_311 : memref<16xf32, #tpu.memory_space<hbm>>) target(%arg16 : memref<16xf32, #tpu.memory_space<vmem>>) target_semaphore(%run_scoped3A_305 : memref<!tpu.dma_semaphore, #tpu.memory_space<semaphore_mem>>)
      %dma_wait3A_312 = arith.constant 0 : i32
      %dma_wait3A_313 = tpu.memref_slice %arg5[%run_scoped3A, %dma_wait3A_312] : memref<1x128xf32, #tpu.memory_space<hbm>> -> memref<1x16xf32, #tpu.memory_space<hbm>>
      %dma_wait3A_314 = tpu.memref_squeeze %dma_wait3A_313 : memref<1x16xf32, #tpu.memory_space<hbm>> -> memref<16xf32, #tpu.memory_space<hbm>>
      %dma_wait3A_315 = arith.constant 0 : i32
      %dma_wait3A_316 = tpu.memref_slice %arg5[%run_scoped3A, %dma_wait3A_315] : memref<1x128xf32, #tpu.memory_space<hbm>> -> memref<1x16xf32, #tpu.memory_space<hbm>>
      %dma_wait3A_317 = tpu.memref_squeeze %dma_wait3A_316 : memref<1x16xf32, #tpu.memory_space<hbm>> -> memref<16xf32, #tpu.memory_space<hbm>>
      tpu.wait_dma2 semaphore(%run_scoped3A_305 : memref<!tpu.dma_semaphore, #tpu.memory_space<semaphore_mem>>) src(%dma_wait3A_317 : memref<16xf32, #tpu.memory_space<hbm>>) dst(%arg16 : memref<16xf32, #tpu.memory_space<vmem>>)
      tpu.yield
    }) : () -> ()
    %get3A = arith.constant 0 : index
    %get3A_5 = tpu.vector_load %arg16[%get3A] {strides = array<i32>} : memref<16xf32, #tpu.memory_space<vmem>>, vector<16xf32>,
    %slice3A = vector.extract_strided_slice %get3A_5 {offsets = [0], sizes = [1], strides = [1]} : vector<16xf32> to vector<1xf32>
    %squeeze3A = vector.extract %slice3A[0] : f32 from vector<1xf32>
    %broadcast_in_dim3A = arith.constant 0.000000e+00 : f32
    %broadcast_in_dim3A_6 = vector.broadcast %broadcast_in_dim3A : f32 to vector<16xf32>
    %broadcast_in_dim3A_7 = arith.constant 16383 : i32
    %broadcast_in_dim3A_8 = vector.broadcast %broadcast_in_dim3A_7 : i32 to vector<16xi32>
    %scan3A = arith.constant 0 : i32
    %scan3A_9 = arith.constant 0 : i32
    %scan3A_10 = arith.constant 625 : i32
    %scan3A_11 = arith.addi %scan3A_9, %scan3A_10 : i32
    %scan3A_12 = arith.constant 1 : i32
    %scan3A_13 = scf.for %scan3A_305 = %scan3A_9 to %scan3A_11 step %scan3A_12 iter_args(%scan3A_306 = %scan3A) -> (i32)  : i32 {
      %mul3A_307 = arith.constant 16 : i32
      %mul3A_308 = arith.muli %scan3A_305, %mul3A_307 : i32
      %get3A_309 = arith.index_cast %mul3A_308 : i32 to index
      %get3A_310 = tpu.vector_load %arg7[%get3A_309] {strides = array<i32>} : memref<10000xf32, #tpu.memory_space<vmem>>, vector<16xf32>,
      %mul3A_311 = vector.broadcast %squeeze3A : f32 to vector<16xf32>
      %mul3A_312 = arith.mulf %get3A_310, %mul3A_311 : vector<16xf32>
      %get3A_313 = arith.index_cast %mul3A_308 : i32 to index
      %get3A_314 = tpu.vector_load %arg8[%get3A_313] {strides = array<i32>} : memref<10000xf32, #tpu.memory_space<vmem>>, vector<16xf32>,
      %mul3A_315 = vector.broadcast %squeeze3A : f32 to vector<16xf32>
      %mul3A_316 = arith.mulf %get3A_314, %mul3A_315 : vector<16xf32>
      %swap3A = arith.index_cast %mul3A_308 : i32 to index
      %swap3A_317 = tpu.vector_load %arg11[%swap3A] {strides = array<i32>} : memref<10000xf32, #tpu.memory_space<vmem>>, vector<16xf32>,
      tpu.vector_store %arg11[%swap3A], %mul3A_312 {strides = array<i32>} : memref<10000xf32, #tpu.memory_space<vmem>>, vector<16xf32>,
      %swap3A_318 = arith.index_cast %mul3A_308 : i32 to index
      %swap3A_319 = tpu.vector_load %arg12[%swap3A_318] {strides = array<i32>} : memref<10000xf32, #tpu.memory_space<vmem>>, vector<16xf32>,
      tpu.vector_store %arg12[%swap3A_318], %mul3A_316 {strides = array<i32>} : memref<10000xf32, #tpu.memory_space<vmem>>, vector<16xf32>,
      %get3A_320 = arith.constant 0 : i32
      %get3A_321 = arith.index_cast %get3A_320 : i32 to index
      %get3A_322 = arith.index_cast %mul3A_308 : i32 to index
      %get3A_323 = tpu.vector_load %arg13[%get3A_321, %get3A_322] {strides = array<i32>} : memref<2x10000xf32, #tpu.memory_space<vmem>>, vector<16xf32>,
      %mul3A_324 = arith.mulf %mul3A_312, %get3A_323 : vector<16xf32>
      %swap3A_325 = arith.index_cast %mul3A_308 : i32 to index
      %swap3A_326 = tpu.vector_load %arg7[%swap3A_325] {strides = array<i32>} : memref<10000xf32, #tpu.memory_space<vmem>>, vector<16xf32>,
      tpu.vector_store %arg7[%swap3A_325], %mul3A_324 {strides = array<i32>} : memref<10000xf32, #tpu.memory_space<vmem>>, vector<16xf32>,
      %get3A_327 = arith.constant 0 : i32
      %get3A_328 = arith.index_cast %get3A_327 : i32 to index
      %get3A_329 = arith.index_cast %mul3A_308 : i32 to index
      %get3A_330 = tpu.vector_load %arg13[%get3A_328, %get3A_329] {strides = array<i32>} : memref<2x10000xf32, #tpu.memory_space<vmem>>, vector<16xf32>,
      %mul3A_331 = arith.mulf %mul3A_316, %get3A_330 : vector<16xf32>
      %swap3A_332 = arith.index_cast %mul3A_308 : i32 to index
      %swap3A_333 = tpu.vector_load %arg8[%swap3A_332] {strides = array<i32>} : memref<10000xf32, #tpu.memory_space<vmem>>, vector<16xf32>,
      tpu.vector_store %arg8[%swap3A_332], %mul3A_331 {strides = array<i32>} : memref<10000xf32, #tpu.memory_space<vmem>>, vector<16xf32>,
      %swap3A_334 = arith.index_cast %mul3A_308 : i32 to index
      %swap3A_335 = tpu.vector_load %arg9[%swap3A_334] {strides = array<i32>} : memref<10000xf32, #tpu.memory_space<vmem>>, vector<16xf32>,
      tpu.vector_store %arg9[%swap3A_334], %broadcast_in_dim3A_6 {strides = array<i32>} : memref<10000xf32, #tpu.memory_space<vmem>>, vector<16xf32>,
      %swap3A_336 = arith.index_cast %mul3A_308 : i32 to index
      %swap3A_337 = tpu.vector_load %arg10[%swap3A_336] {strides = array<i32>} : memref<10000xf32, #tpu.memory_space<vmem>>, vector<16xf32>,
      tpu.vector_store %arg10[%swap3A_336], %broadcast_in_dim3A_6 {strides = array<i32>} : memref<10000xf32, #tpu.memory_space<vmem>>, vector<16xf32>,
      %scan3A_338 = arith.constant 0 : i32
      scf.yield %scan3A_338 : i32
    }
    %scan3A_14 = arith.constant 625 : i32
    %dma_start3A = arith.constant 0 : i32
    %dma_start3A_15 = arith.constant 0 : i32
    %dma_start3A_16 = tpu.memref_slice %arg6[%dma_start3A, %mul3A_2, %dma_start3A_15] : memref<6x64x10000xf32, #tpu.memory_space<hbm>> -> memref<1x1x10000xf32, #tpu.memory_space<hbm>>
    %dma_start3A_17 = tpu.memref_squeeze %dma_start3A_16 : memref<1x1x10000xf32, #tpu.memory_space<hbm>> -> memref<10000xf32, #tpu.memory_space<hbm>>
    %dma_start3A_18 = arith.constant 0 : i32
    %dma_start3A_19 = tpu.memref_slice %arg6[%dma_start3A, %mul3A_2, %dma_start3A_18] : memref<6x64x10000xf32, #tpu.memory_space<hbm>> -> memref<1x1x10000xf32, #tpu.memory_space<hbm>>
    %dma_start3A_20 = tpu.memref_squeeze %dma_start3A_19 : memref<1x1x10000xf32, #tpu.memory_space<hbm>> -> memref<10000xf32, #tpu.memory_space<hbm>>
    tpu.enqueue_dma source(%arg11 : memref<10000xf32, #tpu.memory_space<vmem>>) target(%dma_start3A_20 : memref<10000xf32, #tpu.memory_space<hbm>>) target_semaphore(%arg19 : memref<!tpu.dma_semaphore, #tpu.memory_space<semaphore_mem>>)
    %add3A_21 = arith.constant 1 : i32
    %add3A_22 = arith.addi %mul3A_2, %add3A_21 : i32
    %dma_start3A_23 = arith.constant 0 : i32
    %dma_start3A_24 = arith.constant 0 : i32
    %dma_start3A_25 = tpu.memref_slice %arg6[%dma_start3A_23, %add3A_22, %dma_start3A_24] : memref<6x64x10000xf32, #tpu.memory_space<hbm>> -> memref<1x1x10000xf32, #tpu.memory_space<hbm>>
    %dma_start3A_26 = tpu.memref_squeeze %dma_start3A_25 : memref<1x1x10000xf32, #tpu.memory_space<hbm>> -> memref<10000xf32, #tpu.memory_space<hbm>>
    %dma_start3A_27 = arith.constant 0 : i32
    %dma_start3A_28 = tpu.memref_slice %arg6[%dma_start3A_23, %add3A_22, %dma_start3A_27] : memref<6x64x10000xf32, #tpu.memory_space<hbm>> -> memref<1x1x10000xf32, #tpu.memory_space<hbm>>
    %dma_start3A_29 = tpu.memref_squeeze %dma_start3A_28 : memref<1x1x10000xf32, #tpu.memory_space<hbm>> -> memref<10000xf32, #tpu.memory_space<hbm>>
    tpu.enqueue_dma source(%arg12 : memref<10000xf32, #tpu.memory_space<vmem>>) target(%dma_start3A_29 : memref<10000xf32, #tpu.memory_space<hbm>>) target_semaphore(%arg19 : memref<!tpu.dma_semaphore, #tpu.memory_space<semaphore_mem>>)
    %dma_start3A_30 = arith.constant 0 : i32
    %dma_start3A_31 = tpu.memref_slice %arg3[%dma_start3A_30] : memref<320000xi32, #tpu.memory_space<hbm>> -> memref<20000xi32, #tpu.memory_space<hbm>>
    %dma_start3A_32 = arith.constant 0 : i32
    %dma_start3A_33 = tpu.memref_slice %arg3[%dma_start3A_32] : memref<320000xi32, #tpu.memory_space<hbm>> -> memref<20000xi32, #tpu.memory_space<hbm>>
    tpu.enqueue_dma source(%dma_start3A_33 : memref<20000xi32, #tpu.memory_space<hbm>>) target(%arg14 : memref<20000xi32, #tpu.memory_space<vmem>>) target_semaphore(%arg17 : memref<!tpu.dma_semaphore, #tpu.memory_space<semaphore_mem>>)
    %slice3A_34 = vector.extract_strided_slice %get3A_5 {offsets = [1], sizes = [1], strides = [1]} : vector<16xf32> to vector<1xf32>
    %squeeze3A_35 = vector.extract %slice3A_34[0] : f32 from vector<1xf32>
    %scan3A_36 = arith.constant 0 : i32
    %scan3A_37 = arith.constant 0 : i32
    %scan3A_38 = arith.constant 8 : i32
    %scan3A_39 = arith.addi %scan3A_37, %scan3A_38 : i32
    %scan3A_40 = arith.constant 1 : i32
    %scan3A_41 = scf.for %scan3A_305 = %scan3A_37 to %scan3A_39 step %scan3A_40 iter_args(%scan3A_306 = %scan3A_36) -> (i32)  : i32 {
      %mul3A_307 = arith.constant 2 : i32
      %mul3A_308 = arith.muli %mul3A_307, %scan3A_305 : i32
      %mul3A_309 = arith.constant 20000 : i32
      %mul3A_310 = arith.muli %mul3A_308, %mul3A_309 : i32
      %add3A_311 = arith.constant 20000 : i32
      %add3A_312 = arith.addi %mul3A_310, %add3A_311 : i32
      %dma_wait3A_313 = tpu.memref_slice %arg3[%mul3A_310] : memref<320000xi32, #tpu.memory_space<hbm>> -> memref<20000xi32, #tpu.memory_space<hbm>>
      %dma_wait3A_314 = tpu.memref_slice %arg3[%mul3A_310] : memref<320000xi32, #tpu.memory_space<hbm>> -> memref<20000xi32, #tpu.memory_space<hbm>>
      tpu.wait_dma2 semaphore(%arg17 : memref<!tpu.dma_semaphore, #tpu.memory_space<semaphore_mem>>) src(%dma_wait3A_314 : memref<20000xi32, #tpu.memory_space<hbm>>) dst(%arg14 : memref<20000xi32, #tpu.memory_space<vmem>>)
      %dma_start3A_315 = tpu.memref_slice %arg3[%add3A_312] : memref<320000xi32, #tpu.memory_space<hbm>> -> memref<20000xi32, #tpu.memory_space<hbm>>
      %dma_start3A_316 = tpu.memref_slice %arg3[%add3A_312] : memref<320000xi32, #tpu.memory_space<hbm>> -> memref<20000xi32, #tpu.memory_space<hbm>>
      tpu.enqueue_dma source(%dma_start3A_316 : memref<20000xi32, #tpu.memory_space<hbm>>) target(%arg15 : memref<20000xi32, #tpu.memory_space<vmem>>) target_semaphore(%arg18 : memref<!tpu.dma_semaphore, #tpu.memory_space<semaphore_mem>>)
      %scan3A_317 = arith.constant 0 : i32
      %scan3A_318 = arith.constant 0 : i32
      %scan3A_319 = arith.constant 125 : i32
      %scan3A_320 = arith.addi %scan3A_318, %scan3A_319 : i32
      %scan3A_321 = arith.constant 1 : i32
      %scan3A_322 = scf.for %scan3A_340 = %scan3A_318 to %scan3A_320 step %scan3A_321 iter_args(%scan3A_341 = %scan3A_317) -> (i32)  : i32 {
        %mul3A_342 = arith.constant 160 : i32
        %mul3A_343 = arith.muli %scan3A_340, %mul3A_342 : i32
        %add3A_344 = arith.constant 0 : i32
        %add3A_345 = arith.addi %mul3A_343, %add3A_344 : i32
        %get3A_346 = arith.index_cast %add3A_345 : i32 to index
        %get3A_347 = tpu.vector_load %arg14[%get3A_346] {strides = array<i32>} : memref<20000xi32, #tpu.memory_space<vmem>>, vector<16xi32>,
        %mul3A_348 = arith.constant 160 : i32
        %mul3A_349 = arith.muli %scan3A_340, %mul3A_348 : i32
        %add3A_350 = arith.constant 16 : i32
        %add3A_351 = arith.addi %mul3A_349, %add3A_350 : i32
        %get3A_352 = arith.index_cast %add3A_351 : i32 to index
        %get3A_353 = tpu.vector_load %arg14[%get3A_352] {strides = array<i32>} : memref<20000xi32, #tpu.memory_space<vmem>>, vector<16xi32>,
        %mul3A_354 = arith.constant 160 : i32
        %mul3A_355 = arith.muli %scan3A_340, %mul3A_354 : i32
        %add3A_356 = arith.constant 32 : i32
        %add3A_357 = arith.addi %mul3A_355, %add3A_356 : i32
        %get3A_358 = arith.index_cast %add3A_357 : i32 to index
        %get3A_359 = tpu.vector_load %arg14[%get3A_358] {strides = array<i32>} : memref<20000xi32, #tpu.memory_space<vmem>>, vector<16xi32>,
        %mul3A_360 = arith.constant 160 : i32
        %mul3A_361 = arith.muli %scan3A_340, %mul3A_360 : i32
        %add3A_362 = arith.constant 48 : i32
        %add3A_363 = arith.addi %mul3A_361, %add3A_362 : i32
        %get3A_364 = arith.index_cast %add3A_363 : i32 to index
        %get3A_365 = tpu.vector_load %arg14[%get3A_364] {strides = array<i32>} : memref<20000xi32, #tpu.memory_space<vmem>>, vector<16xi32>,
        %mul3A_366 = arith.constant 160 : i32
        %mul3A_367 = arith.muli %scan3A_340, %mul3A_366 : i32
        %add3A_368 = arith.constant 64 : i32
        %add3A_369 = arith.addi %mul3A_367, %add3A_368 : i32
        %get3A_370 = arith.index_cast %add3A_369 : i32 to index
        %get3A_371 = tpu.vector_load %arg14[%get3A_370] {strides = array<i32>} : memref<20000xi32, #tpu.memory_space<vmem>>, vector<16xi32>,
        %mul3A_372 = arith.constant 160 : i32
        %mul3A_373 = arith.muli %scan3A_340, %mul3A_372 : i32
        %add3A_374 = arith.constant 80 : i32
        %add3A_375 = arith.addi %mul3A_373, %add3A_374 : i32
        %get3A_376 = arith.index_cast %add3A_375 : i32 to index
        %get3A_377 = tpu.vector_load %arg14[%get3A_376] {strides = array<i32>} : memref<20000xi32, #tpu.memory_space<vmem>>, vector<16xi32>,
        %mul3A_378 = arith.constant 160 : i32
        %mul3A_379 = arith.muli %scan3A_340, %mul3A_378 : i32
        %add3A_380 = arith.constant 96 : i32
        %add3A_381 = arith.addi %mul3A_379, %add3A_380 : i32
        %get3A_382 = arith.index_cast %add3A_381 : i32 to index
        %get3A_383 = tpu.vector_load %arg14[%get3A_382] {strides = array<i32>} : memref<20000xi32, #tpu.memory_space<vmem>>, vector<16xi32>,
        %mul3A_384 = arith.constant 160 : i32
        %mul3A_385 = arith.muli %scan3A_340, %mul3A_384 : i32
        %add3A_386 = arith.constant 112 : i32
        %add3A_387 = arith.addi %mul3A_385, %add3A_386 : i32
        %get3A_388 = arith.index_cast %add3A_387 : i32 to index
        %get3A_389 = tpu.vector_load %arg14[%get3A_388] {strides = array<i32>} : memref<20000xi32, #tpu.memory_space<vmem>>, vector<16xi32>,
        %mul3A_390 = arith.constant 160 : i32
        %mul3A_391 = arith.muli %scan3A_340, %mul3A_390 : i32
        %add3A_392 = arith.constant 128 : i32
        %add3A_393 = arith.addi %mul3A_391, %add3A_392 : i32
        %get3A_394 = arith.index_cast %add3A_393 : i32 to index
        %get3A_395 = tpu.vector_load %arg14[%get3A_394] {strides = array<i32>} : memref<20000xi32, #tpu.memory_space<vmem>>, vector<16xi32>,
        %mul3A_396 = arith.constant 160 : i32
        %mul3A_397 = arith.muli %scan3A_340, %mul3A_396 : i32
        %add3A_398 = arith.constant 144 : i32
        %add3A_399 = arith.addi %mul3A_397, %add3A_398 : i32
        %get3A_400 = arith.index_cast %add3A_399 : i32 to index
        %get3A_401 = tpu.vector_load %arg14[%get3A_400] {strides = array<i32>} : memref<20000xi32, #tpu.memory_space<vmem>>, vector<16xi32>,
        %shift_right_logical3A = arith.constant 14 : i32
        %shift_right_logical3A_402 = vector.broadcast %shift_right_logical3A : i32 to vector<16xi32>
        %shift_right_logical3A_403 = arith.shrui %get3A_347, %shift_right_logical3A_402 : vector<16xi32>
        %shift_right_logical3A_404 = arith.constant 14 : i32
        %shift_right_logical3A_405 = vector.broadcast %shift_right_logical3A_404 : i32 to vector<16xi32>
        %shift_right_logical3A_406 = arith.shrui %get3A_353, %shift_right_logical3A_405 : vector<16xi32>
        %shift_right_logical3A_407 = arith.constant 14 : i32
        %shift_right_logical3A_408 = vector.broadcast %shift_right_logical3A_407 : i32 to vector<16xi32>
        %shift_right_logical3A_409 = arith.shrui %get3A_359, %shift_right_logical3A_408 : vector<16xi32>
        %shift_right_logical3A_410 = arith.constant 14 : i32
        %shift_right_logical3A_411 = vector.broadcast %shift_right_logical3A_410 : i32 to vector<16xi32>
        %shift_right_logical3A_412 = arith.shrui %get3A_365, %shift_right_logical3A_411 : vector<16xi32>
        %shift_right_logical3A_413 = arith.constant 14 : i32
        %shift_right_logical3A_414 = vector.broadcast %shift_right_logical3A_413 : i32 to vector<16xi32>
        %shift_right_logical3A_415 = arith.shrui %get3A_371, %shift_right_logical3A_414 : vector<16xi32>
        %shift_right_logical3A_416 = arith.constant 14 : i32
        %shift_right_logical3A_417 = vector.broadcast %shift_right_logical3A_416 : i32 to vector<16xi32>
        %shift_right_logical3A_418 = arith.shrui %get3A_377, %shift_right_logical3A_417 : vector<16xi32>
        %shift_right_logical3A_419 = arith.constant 14 : i32
        %shift_right_logical3A_420 = vector.broadcast %shift_right_logical3A_419 : i32 to vector<16xi32>
        %shift_right_logical3A_421 = arith.shrui %get3A_383, %shift_right_logical3A_420 : vector<16xi32>
        %shift_right_logical3A_422 = arith.constant 14 : i32
        %shift_right_logical3A_423 = vector.broadcast %shift_right_logical3A_422 : i32 to vector<16xi32>
        %shift_right_logical3A_424 = arith.shrui %get3A_389, %shift_right_logical3A_423 : vector<16xi32>
        %shift_right_logical3A_425 = arith.constant 14 : i32
        %shift_right_logical3A_426 = vector.broadcast %shift_right_logical3A_425 : i32 to vector<16xi32>
        %shift_right_logical3A_427 = arith.shrui %get3A_395, %shift_right_logical3A_426 : vector<16xi32>
        %shift_right_logical3A_428 = arith.constant 14 : i32
        %shift_right_logical3A_429 = vector.broadcast %shift_right_logical3A_428 : i32 to vector<16xi32>
        %shift_right_logical3A_430 = arith.shrui %get3A_401, %shift_right_logical3A_429 : vector<16xi32>
        %and3A = arith.andi %get3A_347, %broadcast_in_dim3A_8 : vector<16xi32>
        %and3A_431 = arith.andi %get3A_353, %broadcast_in_dim3A_8 : vector<16xi32>
        %and3A_432 = arith.andi %get3A_359, %broadcast_in_dim3A_8 : vector<16xi32>
        %and3A_433 = arith.andi %get3A_365, %broadcast_in_dim3A_8 : vector<16xi32>
        %and3A_434 = arith.andi %get3A_371, %broadcast_in_dim3A_8 : vector<16xi32>
        %and3A_435 = arith.andi %get3A_377, %broadcast_in_dim3A_8 : vector<16xi32>
        %and3A_436 = arith.andi %get3A_383, %broadcast_in_dim3A_8 : vector<16xi32>
        %and3A_437 = arith.andi %get3A_389, %broadcast_in_dim3A_8 : vector<16xi32>
        %and3A_438 = arith.andi %get3A_395, %broadcast_in_dim3A_8 : vector<16xi32>
        %and3A_439 = arith.andi %get3A_401, %broadcast_in_dim3A_8 : vector<16xi32>
        %gather3A = tpu.vector_load_idx %arg7[%shift_right_logical3A_403] : memref<10000xf32, #tpu.memory_space<vmem>>[vector<16xi32>], vector<16xf32>,
        %gather3A_440 = tpu.vector_load_idx %arg7[%shift_right_logical3A_406] : memref<10000xf32, #tpu.memory_space<vmem>>[vector<16xi32>], vector<16xf32>,
        %gather3A_441 = tpu.vector_load_idx %arg7[%shift_right_logical3A_409] : memref<10000xf32, #tpu.memory_space<vmem>>[vector<16xi32>], vector<16xf32>,
        %gather3A_442 = tpu.vector_load_idx %arg7[%shift_right_logical3A_412] : memref<10000xf32, #tpu.memory_space<vmem>>[vector<16xi32>], vector<16xf32>,
        %gather3A_443 = tpu.vector_load_idx %arg7[%shift_right_logical3A_415] : memref<10000xf32, #tpu.memory_space<vmem>>[vector<16xi32>], vector<16xf32>,
        %gather3A_444 = tpu.vector_load_idx %arg7[%shift_right_logical3A_418] : memref<10000xf32, #tpu.memory_space<vmem>>[vector<16xi32>], vector<16xf32>,
        %gather3A_445 = tpu.vector_load_idx %arg7[%shift_right_logical3A_421] : memref<10000xf32, #tpu.memory_space<vmem>>[vector<16xi32>], vector<16xf32>,
        %gather3A_446 = tpu.vector_load_idx %arg7[%shift_right_logical3A_424] : memref<10000xf32, #tpu.memory_space<vmem>>[vector<16xi32>], vector<16xf32>,
        %gather3A_447 = tpu.vector_load_idx %arg7[%shift_right_logical3A_427] : memref<10000xf32, #tpu.memory_space<vmem>>[vector<16xi32>], vector<16xf32>,
        %gather3A_448 = tpu.vector_load_idx %arg7[%shift_right_logical3A_430] : memref<10000xf32, #tpu.memory_space<vmem>>[vector<16xi32>], vector<16xf32>,
        %gather3A_449 = tpu.vector_load_idx %arg8[%shift_right_logical3A_403] : memref<10000xf32, #tpu.memory_space<vmem>>[vector<16xi32>], vector<16xf32>,
        %gather3A_450 = tpu.vector_load_idx %arg8[%shift_right_logical3A_406] : memref<10000xf32, #tpu.memory_space<vmem>>[vector<16xi32>], vector<16xf32>,
        %gather3A_451 = tpu.vector_load_idx %arg8[%shift_right_logical3A_409] : memref<10000xf32, #tpu.memory_space<vmem>>[vector<16xi32>], vector<16xf32>,
        %gather3A_452 = tpu.vector_load_idx %arg8[%shift_right_logical3A_412] : memref<10000xf32, #tpu.memory_space<vmem>>[vector<16xi32>], vector<16xf32>,
        %gather3A_453 = tpu.vector_load_idx %arg8[%shift_right_logical3A_415] : memref<10000xf32, #tpu.memory_space<vmem>>[vector<16xi32>], vector<16xf32>,
        %gather3A_454 = tpu.vector_load_idx %arg8[%shift_right_logical3A_418] : memref<10000xf32, #tpu.memory_space<vmem>>[vector<16xi32>], vector<16xf32>,
        %gather3A_455 = tpu.vector_load_idx %arg8[%shift_right_logical3A_421] : memref<10000xf32, #tpu.memory_space<vmem>>[vector<16xi32>], vector<16xf32>,
        %gather3A_456 = tpu.vector_load_idx %arg8[%shift_right_logical3A_424] : memref<10000xf32, #tpu.memory_space<vmem>>[vector<16xi32>], vector<16xf32>,
        %gather3A_457 = tpu.vector_load_idx %arg8[%shift_right_logical3A_427] : memref<10000xf32, #tpu.memory_space<vmem>>[vector<16xi32>], vector<16xf32>,
        %gather3A_458 = tpu.vector_load_idx %arg8[%shift_right_logical3A_430] : memref<10000xf32, #tpu.memory_space<vmem>>[vector<16xi32>], vector<16xf32>,
        tpu.vector_store_idx %arg9[%and3A], %gather3A {add = true} : memref<10000xf32, #tpu.memory_space<vmem>>[vector<16xi32>], vector<16xf32>,
        tpu.vector_store_idx %arg10[%and3A], %gather3A_449 {add = true} : memref<10000xf32, #tpu.memory_space<vmem>>[vector<16xi32>], vector<16xf32>,
        tpu.vector_store_idx %arg9[%and3A_431], %gather3A_440 {add = true} : memref<10000xf32, #tpu.memory_space<vmem>>[vector<16xi32>], vector<16xf32>,
        tpu.vector_store_idx %arg10[%and3A_431], %gather3A_450 {add = true} : memref<10000xf32, #tpu.memory_space<vmem>>[vector<16xi32>], vector<16xf32>,
        tpu.vector_store_idx %arg9[%and3A_432], %gather3A_441 {add = true} : memref<10000xf32, #tpu.memory_space<vmem>>[vector<16xi32>], vector<16xf32>,
        tpu.vector_store_idx %arg10[%and3A_432], %gather3A_451 {add = true} : memref<10000xf32, #tpu.memory_space<vmem>>[vector<16xi32>], vector<16xf32>,
        tpu.vector_store_idx %arg9[%and3A_433], %gather3A_442 {add = true} : memref<10000xf32, #tpu.memory_space<vmem>>[vector<16xi32>], vector<16xf32>,
        tpu.vector_store_idx %arg10[%and3A_433], %gather3A_452 {add = true} : memref<10000xf32, #tpu.memory_space<vmem>>[vector<16xi32>], vector<16xf32>,
        tpu.vector_store_idx %arg9[%and3A_434], %gather3A_443 {add = true} : memref<10000xf32, #tpu.memory_space<vmem>>[vector<16xi32>], vector<16xf32>,
        tpu.vector_store_idx %arg10[%and3A_434], %gather3A_453 {add = true} : memref<10000xf32, #tpu.memory_space<vmem>>[vector<16xi32>], vector<16xf32>,
        tpu.vector_store_idx %arg9[%and3A_435], %gather3A_444 {add = true} : memref<10000xf32, #tpu.memory_space<vmem>>[vector<16xi32>], vector<16xf32>,
        tpu.vector_store_idx %arg10[%and3A_435], %gather3A_454 {add = true} : memref<10000xf32, #tpu.memory_space<vmem>>[vector<16xi32>], vector<16xf32>,
        tpu.vector_store_idx %arg9[%and3A_436], %gather3A_445 {add = true} : memref<10000xf32, #tpu.memory_space<vmem>>[vector<16xi32>], vector<16xf32>,
        tpu.vector_store_idx %arg10[%and3A_436], %gather3A_455 {add = true} : memref<10000xf32, #tpu.memory_space<vmem>>[vector<16xi32>], vector<16xf32>,
        tpu.vector_store_idx %arg9[%and3A_437], %gather3A_446 {add = true} : memref<10000xf32, #tpu.memory_space<vmem>>[vector<16xi32>], vector<16xf32>,
        tpu.vector_store_idx %arg10[%and3A_437], %gather3A_456 {add = true} : memref<10000xf32, #tpu.memory_space<vmem>>[vector<16xi32>], vector<16xf32>,
        tpu.vector_store_idx %arg9[%and3A_438], %gather3A_447 {add = true} : memref<10000xf32, #tpu.memory_space<vmem>>[vector<16xi32>], vector<16xf32>,
        tpu.vector_store_idx %arg10[%and3A_438], %gather3A_457 {add = true} : memref<10000xf32, #tpu.memory_space<vmem>>[vector<16xi32>], vector<16xf32>,
        tpu.vector_store_idx %arg9[%and3A_439], %gather3A_448 {add = true} : memref<10000xf32, #tpu.memory_space<vmem>>[vector<16xi32>], vector<16xf32>,
        tpu.vector_store_idx %arg10[%and3A_439], %gather3A_458 {add = true} : memref<10000xf32, #tpu.memory_space<vmem>>[vector<16xi32>], vector<16xf32>,
        %scan3A_459 = arith.constant 0 : i32
        scf.yield %scan3A_459 : i32
      }
      %scan3A_323 = arith.constant 125 : i32
      %dma_wait3A_324 = tpu.memref_slice %arg3[%add3A_312] : memref<320000xi32, #tpu.memory_space<hbm>> -> memref<20000xi32, #tpu.memory_space<hbm>>
      %dma_wait3A_325 = tpu.memref_slice %arg3[%add3A_312] : memref<320000xi32, #tpu.memory_space<hbm>> -> memref<20000xi32, #tpu.memory_space<hbm>>
      tpu.wait_dma2 semaphore(%arg18 : memref<!tpu.dma_semaphore, #tpu.memory_space<semaphore_mem>>) src(%dma_wait3A_325 : memref<20000xi32, #tpu.memory_space<hbm>>) dst(%arg15 : memref<20000xi32, #tpu.memory_space<vmem>>)
      %mul3A_326 = arith.constant 2 : i32
      %mul3A_327 = arith.muli %mul3A_326, %scan3A_305 : i32
      %add3A_328 = arith.constant 2 : i32
      %add3A_329 = arith.addi %mul3A_327, %add3A_328 : i32
      %lt3A = arith.constant 16 : i32
      %lt3A_330 = arith.cmpi slt, %add3A_329, %lt3A : i32
      %convert_element_type3A = arith.extui %lt3A_330 : i1 to i32
      %cond3A = arith.constant 0 : i32
      %cond3A_331 = arith.cmpi ne, %convert_element_type3A, %cond3A : i32
      scf.if %cond3A_331 {
        %add3A_340 = arith.constant 20000 : i32
        %add3A_341 = arith.addi %add3A_312, %add3A_340 : i32
        %dma_start3A_342 = tpu.memref_slice %arg3[%add3A_341] : memref<320000xi32, #tpu.memory_space<hbm>> -> memref<20000xi32, #tpu.memory_space<hbm>>
        %dma_start3A_343 = tpu.memref_slice %arg3[%add3A_341] : memref<320000xi32, #tpu.memory_space<hbm>> -> memref<20000xi32, #tpu.memory_space<hbm>>
        tpu.enqueue_dma source(%dma_start3A_343 : memref<20000xi32, #tpu.memory_space<hbm>>) target(%arg14 : memref<20000xi32, #tpu.memory_space<vmem>>) target_semaphore(%arg17 : memref<!tpu.dma_semaphore, #tpu.memory_space<semaphore_mem>>)
      } else {
      }
      %scan3A_332 = arith.constant 0 : i32
      %scan3A_333 = arith.constant 0 : i32
      %scan3A_334 = arith.constant 125 : i32
      %scan3A_335 = arith.addi %scan3A_333, %scan3A_334 : i32
      %scan3A_336 = arith.constant 1 : i32
      %scan3A_337 = scf.for %scan3A_340 = %scan3A_333 to %scan3A_335 step %scan3A_336 iter_args(%scan3A_341 = %scan3A_332) -> (i32)  : i32 {
        %mul3A_342 = arith.constant 160 : i32
        %mul3A_343 = arith.muli %scan3A_340, %mul3A_342 : i32
        %add3A_344 = arith.constant 0 : i32
        %add3A_345 = arith.addi %mul3A_343, %add3A_344 : i32
        %get3A_346 = arith.index_cast %add3A_345 : i32 to index
        %get3A_347 = tpu.vector_load %arg15[%get3A_346] {strides = array<i32>} : memref<20000xi32, #tpu.memory_space<vmem>>, vector<16xi32>,
        %mul3A_348 = arith.constant 160 : i32
        %mul3A_349 = arith.muli %scan3A_340, %mul3A_348 : i32
        %add3A_350 = arith.constant 16 : i32
        %add3A_351 = arith.addi %mul3A_349, %add3A_350 : i32
        %get3A_352 = arith.index_cast %add3A_351 : i32 to index
        %get3A_353 = tpu.vector_load %arg15[%get3A_352] {strides = array<i32>} : memref<20000xi32, #tpu.memory_space<vmem>>, vector<16xi32>,
        %mul3A_354 = arith.constant 160 : i32
        %mul3A_355 = arith.muli %scan3A_340, %mul3A_354 : i32
        %add3A_356 = arith.constant 32 : i32
        %add3A_357 = arith.addi %mul3A_355, %add3A_356 : i32
        %get3A_358 = arith.index_cast %add3A_357 : i32 to index
        %get3A_359 = tpu.vector_load %arg15[%get3A_358] {strides = array<i32>} : memref<20000xi32, #tpu.memory_space<vmem>>, vector<16xi32>,
        %mul3A_360 = arith.constant 160 : i32
        %mul3A_361 = arith.muli %scan3A_340, %mul3A_360 : i32
        %add3A_362 = arith.constant 48 : i32
        %add3A_363 = arith.addi %mul3A_361, %add3A_362 : i32
        %get3A_364 = arith.index_cast %add3A_363 : i32 to index
        %get3A_365 = tpu.vector_load %arg15[%get3A_364] {strides = array<i32>} : memref<20000xi32, #tpu.memory_space<vmem>>, vector<16xi32>,
        %mul3A_366 = arith.constant 160 : i32
        %mul3A_367 = arith.muli %scan3A_340, %mul3A_366 : i32
        %add3A_368 = arith.constant 64 : i32
        %add3A_369 = arith.addi %mul3A_367, %add3A_368 : i32
        %get3A_370 = arith.index_cast %add3A_369 : i32 to index
        %get3A_371 = tpu.vector_load %arg15[%get3A_370] {strides = array<i32>} : memref<20000xi32, #tpu.memory_space<vmem>>, vector<16xi32>,
        %mul3A_372 = arith.constant 160 : i32
        %mul3A_373 = arith.muli %scan3A_340, %mul3A_372 : i32
        %add3A_374 = arith.constant 80 : i32
        %add3A_375 = arith.addi %mul3A_373, %add3A_374 : i32
        %get3A_376 = arith.index_cast %add3A_375 : i32 to index
        %get3A_377 = tpu.vector_load %arg15[%get3A_376] {strides = array<i32>} : memref<20000xi32, #tpu.memory_space<vmem>>, vector<16xi32>,
        %mul3A_378 = arith.constant 160 : i32
        %mul3A_379 = arith.muli %scan3A_340, %mul3A_378 : i32
        %add3A_380 = arith.constant 96 : i32
        %add3A_381 = arith.addi %mul3A_379, %add3A_380 : i32
        %get3A_382 = arith.index_cast %add3A_381 : i32 to index
        %get3A_383 = tpu.vector_load %arg15[%get3A_382] {strides = array<i32>} : memref<20000xi32, #tpu.memory_space<vmem>>, vector<16xi32>,
        %mul3A_384 = arith.constant 160 : i32
        %mul3A_385 = arith.muli %scan3A_340, %mul3A_384 : i32
        %add3A_386 = arith.constant 112 : i32
        %add3A_387 = arith.addi %mul3A_385, %add3A_386 : i32
        %get3A_388 = arith.index_cast %add3A_387 : i32 to index
        %get3A_389 = tpu.vector_load %arg15[%get3A_388] {strides = array<i32>} : memref<20000xi32, #tpu.memory_space<vmem>>, vector<16xi32>,
        %mul3A_390 = arith.constant 160 : i32
        %mul3A_391 = arith.muli %scan3A_340, %mul3A_390 : i32
        %add3A_392 = arith.constant 128 : i32
        %add3A_393 = arith.addi %mul3A_391, %add3A_392 : i32
        %get3A_394 = arith.index_cast %add3A_393 : i32 to index
        %get3A_395 = tpu.vector_load %arg15[%get3A_394] {strides = array<i32>} : memref<20000xi32, #tpu.memory_space<vmem>>, vector<16xi32>,
        %mul3A_396 = arith.constant 160 : i32
        %mul3A_397 = arith.muli %scan3A_340, %mul3A_396 : i32
        %add3A_398 = arith.constant 144 : i32
        %add3A_399 = arith.addi %mul3A_397, %add3A_398 : i32
        %get3A_400 = arith.index_cast %add3A_399 : i32 to index
        %get3A_401 = tpu.vector_load %arg15[%get3A_400] {strides = array<i32>} : memref<20000xi32, #tpu.memory_space<vmem>>, vector<16xi32>,
        %shift_right_logical3A = arith.constant 14 : i32
        %shift_right_logical3A_402 = vector.broadcast %shift_right_logical3A : i32 to vector<16xi32>
        %shift_right_logical3A_403 = arith.shrui %get3A_347, %shift_right_logical3A_402 : vector<16xi32>
        %shift_right_logical3A_404 = arith.constant 14 : i32
        %shift_right_logical3A_405 = vector.broadcast %shift_right_logical3A_404 : i32 to vector<16xi32>
        %shift_right_logical3A_406 = arith.shrui %get3A_353, %shift_right_logical3A_405 : vector<16xi32>
        %shift_right_logical3A_407 = arith.constant 14 : i32
        %shift_right_logical3A_408 = vector.broadcast %shift_right_logical3A_407 : i32 to vector<16xi32>
        %shift_right_logical3A_409 = arith.shrui %get3A_359, %shift_right_logical3A_408 : vector<16xi32>
        %shift_right_logical3A_410 = arith.constant 14 : i32
        %shift_right_logical3A_411 = vector.broadcast %shift_right_logical3A_410 : i32 to vector<16xi32>
        %shift_right_logical3A_412 = arith.shrui %get3A_365, %shift_right_logical3A_411 : vector<16xi32>
        %shift_right_logical3A_413 = arith.constant 14 : i32
        %shift_right_logical3A_414 = vector.broadcast %shift_right_logical3A_413 : i32 to vector<16xi32>
        %shift_right_logical3A_415 = arith.shrui %get3A_371, %shift_right_logical3A_414 : vector<16xi32>
        %shift_right_logical3A_416 = arith.constant 14 : i32
        %shift_right_logical3A_417 = vector.broadcast %shift_right_logical3A_416 : i32 to vector<16xi32>
        %shift_right_logical3A_418 = arith.shrui %get3A_377, %shift_right_logical3A_417 : vector<16xi32>
        %shift_right_logical3A_419 = arith.constant 14 : i32
        %shift_right_logical3A_420 = vector.broadcast %shift_right_logical3A_419 : i32 to vector<16xi32>
        %shift_right_logical3A_421 = arith.shrui %get3A_383, %shift_right_logical3A_420 : vector<16xi32>
        %shift_right_logical3A_422 = arith.constant 14 : i32
        %shift_right_logical3A_423 = vector.broadcast %shift_right_logical3A_422 : i32 to vector<16xi32>
        %shift_right_logical3A_424 = arith.shrui %get3A_389, %shift_right_logical3A_423 : vector<16xi32>
        %shift_right_logical3A_425 = arith.constant 14 : i32
        %shift_right_logical3A_426 = vector.broadcast %shift_right_logical3A_425 : i32 to vector<16xi32>
        %shift_right_logical3A_427 = arith.shrui %get3A_395, %shift_right_logical3A_426 : vector<16xi32>
        %shift_right_logical3A_428 = arith.constant 14 : i32
        %shift_right_logical3A_429 = vector.broadcast %shift_right_logical3A_428 : i32 to vector<16xi32>
        %shift_right_logical3A_430 = arith.shrui %get3A_401, %shift_right_logical3A_429 : vector<16xi32>
        %and3A = arith.andi %get3A_347, %broadcast_in_dim3A_8 : vector<16xi32>
        %and3A_431 = arith.andi %get3A_353, %broadcast_in_dim3A_8 : vector<16xi32>
        %and3A_432 = arith.andi %get3A_359, %broadcast_in_dim3A_8 : vector<16xi32>
        %and3A_433 = arith.andi %get3A_365, %broadcast_in_dim3A_8 : vector<16xi32>
        %and3A_434 = arith.andi %get3A_371, %broadcast_in_dim3A_8 : vector<16xi32>
        %and3A_435 = arith.andi %get3A_377, %broadcast_in_dim3A_8 : vector<16xi32>
        %and3A_436 = arith.andi %get3A_383, %broadcast_in_dim3A_8 : vector<16xi32>
        %and3A_437 = arith.andi %get3A_389, %broadcast_in_dim3A_8 : vector<16xi32>
        %and3A_438 = arith.andi %get3A_395, %broadcast_in_dim3A_8 : vector<16xi32>
        %and3A_439 = arith.andi %get3A_401, %broadcast_in_dim3A_8 : vector<16xi32>
        %gather3A = tpu.vector_load_idx %arg7[%shift_right_logical3A_403] : memref<10000xf32, #tpu.memory_space<vmem>>[vector<16xi32>], vector<16xf32>,
        %gather3A_440 = tpu.vector_load_idx %arg7[%shift_right_logical3A_406] : memref<10000xf32, #tpu.memory_space<vmem>>[vector<16xi32>], vector<16xf32>,
        %gather3A_441 = tpu.vector_load_idx %arg7[%shift_right_logical3A_409] : memref<10000xf32, #tpu.memory_space<vmem>>[vector<16xi32>], vector<16xf32>,
        %gather3A_442 = tpu.vector_load_idx %arg7[%shift_right_logical3A_412] : memref<10000xf32, #tpu.memory_space<vmem>>[vector<16xi32>], vector<16xf32>,
        %gather3A_443 = tpu.vector_load_idx %arg7[%shift_right_logical3A_415] : memref<10000xf32, #tpu.memory_space<vmem>>[vector<16xi32>], vector<16xf32>,
        %gather3A_444 = tpu.vector_load_idx %arg7[%shift_right_logical3A_418] : memref<10000xf32, #tpu.memory_space<vmem>>[vector<16xi32>], vector<16xf32>,
        %gather3A_445 = tpu.vector_load_idx %arg7[%shift_right_logical3A_421] : memref<10000xf32, #tpu.memory_space<vmem>>[vector<16xi32>], vector<16xf32>,
        %gather3A_446 = tpu.vector_load_idx %arg7[%shift_right_logical3A_424] : memref<10000xf32, #tpu.memory_space<vmem>>[vector<16xi32>], vector<16xf32>,
        %gather3A_447 = tpu.vector_load_idx %arg7[%shift_right_logical3A_427] : memref<10000xf32, #tpu.memory_space<vmem>>[vector<16xi32>], vector<16xf32>,
        %gather3A_448 = tpu.vector_load_idx %arg7[%shift_right_logical3A_430] : memref<10000xf32, #tpu.memory_space<vmem>>[vector<16xi32>], vector<16xf32>,
        %gather3A_449 = tpu.vector_load_idx %arg8[%shift_right_logical3A_403] : memref<10000xf32, #tpu.memory_space<vmem>>[vector<16xi32>], vector<16xf32>,
        %gather3A_450 = tpu.vector_load_idx %arg8[%shift_right_logical3A_406] : memref<10000xf32, #tpu.memory_space<vmem>>[vector<16xi32>], vector<16xf32>,
        %gather3A_451 = tpu.vector_load_idx %arg8[%shift_right_logical3A_409] : memref<10000xf32, #tpu.memory_space<vmem>>[vector<16xi32>], vector<16xf32>,
        %gather3A_452 = tpu.vector_load_idx %arg8[%shift_right_logical3A_412] : memref<10000xf32, #tpu.memory_space<vmem>>[vector<16xi32>], vector<16xf32>,
        %gather3A_453 = tpu.vector_load_idx %arg8[%shift_right_logical3A_415] : memref<10000xf32, #tpu.memory_space<vmem>>[vector<16xi32>], vector<16xf32>,
        %gather3A_454 = tpu.vector_load_idx %arg8[%shift_right_logical3A_418] : memref<10000xf32, #tpu.memory_space<vmem>>[vector<16xi32>], vector<16xf32>,
        %gather3A_455 = tpu.vector_load_idx %arg8[%shift_right_logical3A_421] : memref<10000xf32, #tpu.memory_space<vmem>>[vector<16xi32>], vector<16xf32>,
        %gather3A_456 = tpu.vector_load_idx %arg8[%shift_right_logical3A_424] : memref<10000xf32, #tpu.memory_space<vmem>>[vector<16xi32>], vector<16xf32>,
        %gather3A_457 = tpu.vector_load_idx %arg8[%shift_right_logical3A_427] : memref<10000xf32, #tpu.memory_space<vmem>>[vector<16xi32>], vector<16xf32>,
        %gather3A_458 = tpu.vector_load_idx %arg8[%shift_right_logical3A_430] : memref<10000xf32, #tpu.memory_space<vmem>>[vector<16xi32>], vector<16xf32>,
        tpu.vector_store_idx %arg9[%and3A], %gather3A {add = true} : memref<10000xf32, #tpu.memory_space<vmem>>[vector<16xi32>], vector<16xf32>,
        tpu.vector_store_idx %arg10[%and3A], %gather3A_449 {add = true} : memref<10000xf32, #tpu.memory_space<vmem>>[vector<16xi32>], vector<16xf32>,
        tpu.vector_store_idx %arg9[%and3A_431], %gather3A_440 {add = true} : memref<10000xf32, #tpu.memory_space<vmem>>[vector<16xi32>], vector<16xf32>,
        tpu.vector_store_idx %arg10[%and3A_431], %gather3A_450 {add = true} : memref<10000xf32, #tpu.memory_space<vmem>>[vector<16xi32>], vector<16xf32>,
        tpu.vector_store_idx %arg9[%and3A_432], %gather3A_441 {add = true} : memref<10000xf32, #tpu.memory_space<vmem>>[vector<16xi32>], vector<16xf32>,
        tpu.vector_store_idx %arg10[%and3A_432], %gather3A_451 {add = true} : memref<10000xf32, #tpu.memory_space<vmem>>[vector<16xi32>], vector<16xf32>,
        tpu.vector_store_idx %arg9[%and3A_433], %gather3A_442 {add = true} : memref<10000xf32, #tpu.memory_space<vmem>>[vector<16xi32>], vector<16xf32>,
        tpu.vector_store_idx %arg10[%and3A_433], %gather3A_452 {add = true} : memref<10000xf32, #tpu.memory_space<vmem>>[vector<16xi32>], vector<16xf32>,
        tpu.vector_store_idx %arg9[%and3A_434], %gather3A_443 {add = true} : memref<10000xf32, #tpu.memory_space<vmem>>[vector<16xi32>], vector<16xf32>,
        tpu.vector_store_idx %arg10[%and3A_434], %gather3A_453 {add = true} : memref<10000xf32, #tpu.memory_space<vmem>>[vector<16xi32>], vector<16xf32>,
        tpu.vector_store_idx %arg9[%and3A_435], %gather3A_444 {add = true} : memref<10000xf32, #tpu.memory_space<vmem>>[vector<16xi32>], vector<16xf32>,
        tpu.vector_store_idx %arg10[%and3A_435], %gather3A_454 {add = true} : memref<10000xf32, #tpu.memory_space<vmem>>[vector<16xi32>], vector<16xf32>,
        tpu.vector_store_idx %arg9[%and3A_436], %gather3A_445 {add = true} : memref<10000xf32, #tpu.memory_space<vmem>>[vector<16xi32>], vector<16xf32>,
        tpu.vector_store_idx %arg10[%and3A_436], %gather3A_455 {add = true} : memref<10000xf32, #tpu.memory_space<vmem>>[vector<16xi32>], vector<16xf32>,
        tpu.vector_store_idx %arg9[%and3A_437], %gather3A_446 {add = true} : memref<10000xf32, #tpu.memory_space<vmem>>[vector<16xi32>], vector<16xf32>,
        tpu.vector_store_idx %arg10[%and3A_437], %gather3A_456 {add = true} : memref<10000xf32, #tpu.memory_space<vmem>>[vector<16xi32>], vector<16xf32>,
        tpu.vector_store_idx %arg9[%and3A_438], %gather3A_447 {add = true} : memref<10000xf32, #tpu.memory_space<vmem>>[vector<16xi32>], vector<16xf32>,
        tpu.vector_store_idx %arg10[%and3A_438], %gather3A_457 {add = true} : memref<10000xf32, #tpu.memory_space<vmem>>[vector<16xi32>], vector<16xf32>,
        tpu.vector_store_idx %arg9[%and3A_439], %gather3A_448 {add = true} : memref<10000xf32, #tpu.memory_space<vmem>>[vector<16xi32>], vector<16xf32>,
        tpu.vector_store_idx %arg10[%and3A_439], %gather3A_458 {add = true} : memref<10000xf32, #tpu.memory_space<vmem>>[vector<16xi32>], vector<16xf32>,
        %scan3A_459 = arith.constant 0 : i32
        scf.yield %scan3A_459 : i32
      }
      %scan3A_338 = arith.constant 125 : i32
      %scan3A_339 = arith.constant 0 : i32
      scf.yield %scan3A_339 : i32
    }
    %scan3A_42 = arith.constant 8 : i32
    %dma_start3A_43 = arith.constant 0 : i32
    %dma_start3A_44 = tpu.memref_slice %arg3[%dma_start3A_43] : memref<320000xi32, #tpu.memory_space<hbm>> -> memref<20000xi32, #tpu.memory_space<hbm>>
    %dma_start3A_45 = arith.constant 0 : i32
    %dma_start3A_46 = tpu.memref_slice %arg3[%dma_start3A_45] : memref<320000xi32, #tpu.memory_space<hbm>> -> memref<20000xi32, #tpu.memory_space<hbm>>
    tpu.enqueue_dma source(%dma_start3A_46 : memref<20000xi32, #tpu.memory_space<hbm>>) target(%arg14 : memref<20000xi32, #tpu.memory_space<vmem>>) target_semaphore(%arg17 : memref<!tpu.dma_semaphore, #tpu.memory_space<semaphore_mem>>)
    %dma_wait3A = arith.constant 0 : i32
    %dma_wait3A_47 = arith.constant 0 : i32
    %dma_wait3A_48 = tpu.memref_slice %arg6[%dma_wait3A, %mul3A_2, %dma_wait3A_47] : memref<6x64x10000xf32, #tpu.memory_space<hbm>> -> memref<1x1x10000xf32, #tpu.memory_space<hbm>>
    %dma_wait3A_49 = tpu.memref_squeeze %dma_wait3A_48 : memref<1x1x10000xf32, #tpu.memory_space<hbm>> -> memref<10000xf32, #tpu.memory_space<hbm>>
    %dma_wait3A_50 = arith.constant 0 : i32
    %dma_wait3A_51 = tpu.memref_slice %arg6[%dma_wait3A, %mul3A_2, %dma_wait3A_50] : memref<6x64x10000xf32, #tpu.memory_space<hbm>> -> memref<1x1x10000xf32, #tpu.memory_space<hbm>>
    %dma_wait3A_52 = tpu.memref_squeeze %dma_wait3A_51 : memref<1x1x10000xf32, #tpu.memory_space<hbm>> -> memref<10000xf32, #tpu.memory_space<hbm>>
    tpu.wait_dma2 semaphore(%arg19 : memref<!tpu.dma_semaphore, #tpu.memory_space<semaphore_mem>>) src(%arg11 : memref<10000xf32, #tpu.memory_space<vmem>>) dst(%dma_wait3A_52 : memref<10000xf32, #tpu.memory_space<hbm>>)
    %add3A_53 = arith.constant 1 : i32
    %add3A_54 = arith.addi %mul3A_2, %add3A_53 : i32
    %dma_wait3A_55 = arith.constant 0 : i32
    %dma_wait3A_56 = arith.constant 0 : i32
    %dma_wait3A_57 = tpu.memref_slice %arg6[%dma_wait3A_55, %add3A_54, %dma_wait3A_56] : memref<6x64x10000xf32, #tpu.memory_space<hbm>> -> memref<1x1x10000xf32, #tpu.memory_space<hbm>>
    %dma_wait3A_58 = tpu.memref_squeeze %dma_wait3A_57 : memref<1x1x10000xf32, #tpu.memory_space<hbm>> -> memref<10000xf32, #tpu.memory_space<hbm>>
    %dma_wait3A_59 = arith.constant 0 : i32
    %dma_wait3A_60 = tpu.memref_slice %arg6[%dma_wait3A_55, %add3A_54, %dma_wait3A_59] : memref<6x64x10000xf32, #tpu.memory_space<hbm>> -> memref<1x1x10000xf32, #tpu.memory_space<hbm>>
    %dma_wait3A_61 = tpu.memref_squeeze %dma_wait3A_60 : memref<1x1x10000xf32, #tpu.memory_space<hbm>> -> memref<10000xf32, #tpu.memory_space<hbm>>
    tpu.wait_dma2 semaphore(%arg19 : memref<!tpu.dma_semaphore, #tpu.memory_space<semaphore_mem>>) src(%arg12 : memref<10000xf32, #tpu.memory_space<vmem>>) dst(%dma_wait3A_61 : memref<10000xf32, #tpu.memory_space<hbm>>)
    %scan3A_62 = arith.constant 0 : i32
    %scan3A_63 = arith.constant 0 : i32
    %scan3A_64 = arith.constant 625 : i32
    %scan3A_65 = arith.addi %scan3A_63, %scan3A_64 : i32
    %scan3A_66 = arith.constant 1 : i32
    %scan3A_67 = scf.for %scan3A_305 = %scan3A_63 to %scan3A_65 step %scan3A_66 iter_args(%scan3A_306 = %scan3A_62) -> (i32)  : i32 {
      %mul3A_307 = arith.constant 16 : i32
      %mul3A_308 = arith.muli %scan3A_305, %mul3A_307 : i32
      %get3A_309 = arith.constant 1 : i32
      %get3A_310 = arith.index_cast %get3A_309 : i32 to index
      %get3A_311 = arith.index_cast %mul3A_308 : i32 to index
      %get3A_312 = tpu.vector_load %arg13[%get3A_310, %get3A_311] {strides = array<i32>} : memref<2x10000xf32, #tpu.memory_space<vmem>>, vector<16xf32>,
      %mul3A_313 = vector.broadcast %squeeze3A_35 : f32 to vector<16xf32>
      %mul3A_314 = arith.mulf %get3A_312, %mul3A_313 : vector<16xf32>
      %get3A_315 = arith.index_cast %mul3A_308 : i32 to index
      %get3A_316 = tpu.vector_load %arg9[%get3A_315] {strides = array<i32>} : memref<10000xf32, #tpu.memory_space<vmem>>, vector<16xf32>,
      %mul3A_317 = arith.mulf %get3A_316, %mul3A_314 : vector<16xf32>
      %get3A_318 = arith.index_cast %mul3A_308 : i32 to index
      %get3A_319 = tpu.vector_load %arg10[%get3A_318] {strides = array<i32>} : memref<10000xf32, #tpu.memory_space<vmem>>, vector<16xf32>,
      %mul3A_320 = arith.mulf %get3A_319, %mul3A_314 : vector<16xf32>
      %swap3A = arith.index_cast %mul3A_308 : i32 to index
      %swap3A_321 = tpu.vector_load %arg11[%swap3A] {strides = array<i32>} : memref<10000xf32, #tpu.memory_space<vmem>>, vector<16xf32>,
      tpu.vector_store %arg11[%swap3A], %mul3A_317 {strides = array<i32>} : memref<10000xf32, #tpu.memory_space<vmem>>, vector<16xf32>,
      %swap3A_322 = arith.index_cast %mul3A_308 : i32 to index
      %swap3A_323 = tpu.vector_load %arg12[%swap3A_322] {strides = array<i32>} : memref<10000xf32, #tpu.memory_space<vmem>>, vector<16xf32>,
      tpu.vector_store %arg12[%swap3A_322], %mul3A_320 {strides = array<i32>} : memref<10000xf32, #tpu.memory_space<vmem>>, vector<16xf32>,
      %get3A_324 = arith.constant 0 : i32
      %get3A_325 = arith.index_cast %get3A_324 : i32 to index
      %get3A_326 = arith.index_cast %mul3A_308 : i32 to index
      %get3A_327 = tpu.vector_load %arg13[%get3A_325, %get3A_326] {strides = array<i32>} : memref<2x10000xf32, #tpu.memory_space<vmem>>, vector<16xf32>,
      %mul3A_328 = arith.mulf %mul3A_317, %get3A_327 : vector<16xf32>
      %swap3A_329 = arith.index_cast %mul3A_308 : i32 to index
      %swap3A_330 = tpu.vector_load %arg7[%swap3A_329] {strides = array<i32>} : memref<10000xf32, #tpu.memory_space<vmem>>, vector<16xf32>,
      tpu.vector_store %arg7[%swap3A_329], %mul3A_328 {strides = array<i32>} : memref<10000xf32, #tpu.memory_space<vmem>>, vector<16xf32>,
      %mul3A_331 = arith.mulf %mul3A_320, %get3A_327 : vector<16xf32>
      %swap3A_332 = arith.index_cast %mul3A_308 : i32 to index
      %swap3A_333 = tpu.vector_load %arg8[%swap3A_332] {strides = array<i32>} : memref<10000xf32, #tpu.memory_space<vmem>>, vector<16xf32>,
      tpu.vector_store %arg8[%swap3A_332], %mul3A_331 {strides = array<i32>} : memref<10000xf32, #tpu.memory_space<vmem>>, vector<16xf32>,
      %swap3A_334 = arith.index_cast %mul3A_308 : i32 to index
      %swap3A_335 = tpu.vector_load %arg9[%swap3A_334] {strides = array<i32>} : memref<10000xf32, #tpu.memory_space<vmem>>, vector<16xf32>,
      tpu.vector_store %arg9[%swap3A_334], %broadcast_in_dim3A_6 {strides = array<i32>} : memref<10000xf32, #tpu.memory_space<vmem>>, vector<16xf32>,
      %swap3A_336 = arith.index_cast %mul3A_308 : i32 to index
      %swap3A_337 = tpu.vector_load %arg10[%swap3A_336] {strides = array<i32>} : memref<10000xf32, #tpu.memory_space<vmem>>, vector<16xf32>,
      tpu.vector_store %arg10[%swap3A_336], %broadcast_in_dim3A_6 {strides = array<i32>} : memref<10000xf32, #tpu.memory_space<vmem>>, vector<16xf32>,
      %scan3A_338 = arith.constant 0 : i32
      scf.yield %scan3A_338 : i32
    }
    %scan3A_68 = arith.constant 625 : i32
    %dma_start3A_69 = arith.constant 1 : i32
    %dma_start3A_70 = arith.constant 0 : i32
    %dma_start3A_71 = tpu.memref_slice %arg6[%dma_start3A_69, %mul3A_2, %dma_start3A_70] : memref<6x64x10000xf32, #tpu.memory_space<hbm>> -> memref<1x1x10000xf32, #tpu.memory_space<hbm>>
    %dma_start3A_72 = tpu.memref_squeeze %dma_start3A_71 : memref<1x1x10000xf32, #tpu.memory_space<hbm>> -> memref<10000xf32, #tpu.memory_space<hbm>>
    %dma_start3A_73 = arith.constant 0 : i32
    %dma_start3A_74 = tpu.memref_slice %arg6[%dma_start3A_69, %mul3A_2, %dma_start3A_73] : memref<6x64x10000xf32, #tpu.memory_space<hbm>> -> memref<1x1x10000xf32, #tpu.memory_space<hbm>>
    %dma_start3A_75 = tpu.memref_squeeze %dma_start3A_74 : memref<1x1x10000xf32, #tpu.memory_space<hbm>> -> memref<10000xf32, #tpu.memory_space<hbm>>
    tpu.enqueue_dma source(%arg11 : memref<10000xf32, #tpu.memory_space<vmem>>) target(%dma_start3A_75 : memref<10000xf32, #tpu.memory_space<hbm>>) target_semaphore(%arg19 : memref<!tpu.dma_semaphore, #tpu.memory_space<semaphore_mem>>)
    %add3A_76 = arith.constant 1 : i32
    %add3A_77 = arith.addi %mul3A_2, %add3A_76 : i32
    %dma_start3A_78 = arith.constant 1 : i32
    %dma_start3A_79 = arith.constant 0 : i32
    %dma_start3A_80 = tpu.memref_slice %arg6[%dma_start3A_78, %add3A_77, %dma_start3A_79] : memref<6x64x10000xf32, #tpu.memory_space<hbm>> -> memref<1x1x10000xf32, #tpu.memory_space<hbm>>
    %dma_start3A_81 = tpu.memref_squeeze %dma_start3A_80 : memref<1x1x10000xf32, #tpu.memory_space<hbm>> -> memref<10000xf32, #tpu.memory_space<hbm>>
    %dma_start3A_82 = arith.constant 0 : i32
    %dma_start3A_83 = tpu.memref_slice %arg6[%dma_start3A_78, %add3A_77, %dma_start3A_82] : memref<6x64x10000xf32, #tpu.memory_space<hbm>> -> memref<1x1x10000xf32, #tpu.memory_space<hbm>>
    %dma_start3A_84 = tpu.memref_squeeze %dma_start3A_83 : memref<1x1x10000xf32, #tpu.memory_space<hbm>> -> memref<10000xf32, #tpu.memory_space<hbm>>
    tpu.enqueue_dma source(%arg12 : memref<10000xf32, #tpu.memory_space<vmem>>) target(%dma_start3A_84 : memref<10000xf32, #tpu.memory_space<hbm>>) target_semaphore(%arg19 : memref<!tpu.dma_semaphore, #tpu.memory_space<semaphore_mem>>)
    %slice3A_85 = vector.extract_strided_slice %get3A_5 {offsets = [2], sizes = [1], strides = [1]} : vector<16xf32> to vector<1xf32>
    %squeeze3A_86 = vector.extract %slice3A_85[0] : f32 from vector<1xf32>
    %scan3A_87 = arith.constant 0 : i32
    %scan3A_88 = arith.constant 0 : i32
    %scan3A_89 = arith.constant 8 : i32
    %scan3A_90 = arith.addi %scan3A_88, %scan3A_89 : i32
    %scan3A_91 = arith.constant 1 : i32
    %scan3A_92 = scf.for %scan3A_305 = %scan3A_88 to %scan3A_90 step %scan3A_91 iter_args(%scan3A_306 = %scan3A_87) -> (i32)  : i32 {
      %mul3A_307 = arith.constant 2 : i32
      %mul3A_308 = arith.muli %mul3A_307, %scan3A_305 : i32
      %mul3A_309 = arith.constant 20000 : i32
      %mul3A_310 = arith.muli %mul3A_308, %mul3A_309 : i32
      %add3A_311 = arith.constant 20000 : i32
      %add3A_312 = arith.addi %mul3A_310, %add3A_311 : i32
      %dma_wait3A_313 = tpu.memref_slice %arg3[%mul3A_310] : memref<320000xi32, #tpu.memory_space<hbm>> -> memref<20000xi32, #tpu.memory_space<hbm>>
      %dma_wait3A_314 = tpu.memref_slice %arg3[%mul3A_310] : memref<320000xi32, #tpu.memory_space<hbm>> -> memref<20000xi32, #tpu.memory_space<hbm>>
      tpu.wait_dma2 semaphore(%arg17 : memref<!tpu.dma_semaphore, #tpu.memory_space<semaphore_mem>>) src(%dma_wait3A_314 : memref<20000xi32, #tpu.memory_space<hbm>>) dst(%arg14 : memref<20000xi32, #tpu.memory_space<vmem>>)
      %dma_start3A_315 = tpu.memref_slice %arg3[%add3A_312] : memref<320000xi32, #tpu.memory_space<hbm>> -> memref<20000xi32, #tpu.memory_space<hbm>>
      %dma_start3A_316 = tpu.memref_slice %arg3[%add3A_312] : memref<320000xi32, #tpu.memory_space<hbm>> -> memref<20000xi32, #tpu.memory_space<hbm>>
      tpu.enqueue_dma source(%dma_start3A_316 : memref<20000xi32, #tpu.memory_space<hbm>>) target(%arg15 : memref<20000xi32, #tpu.memory_space<vmem>>) target_semaphore(%arg18 : memref<!tpu.dma_semaphore, #tpu.memory_space<semaphore_mem>>)
      %scan3A_317 = arith.constant 0 : i32
      %scan3A_318 = arith.constant 0 : i32
      %scan3A_319 = arith.constant 125 : i32
      %scan3A_320 = arith.addi %scan3A_318, %scan3A_319 : i32
      %scan3A_321 = arith.constant 1 : i32
      %scan3A_322 = scf.for %scan3A_340 = %scan3A_318 to %scan3A_320 step %scan3A_321 iter_args(%scan3A_341 = %scan3A_317) -> (i32)  : i32 {
        %mul3A_342 = arith.constant 160 : i32
        %mul3A_343 = arith.muli %scan3A_340, %mul3A_342 : i32
        %add3A_344 = arith.constant 0 : i32
        %add3A_345 = arith.addi %mul3A_343, %add3A_344 : i32
        %get3A_346 = arith.index_cast %add3A_345 : i32 to index
        %get3A_347 = tpu.vector_load %arg14[%get3A_346] {strides = array<i32>} : memref<20000xi32, #tpu.memory_space<vmem>>, vector<16xi32>,
        %mul3A_348 = arith.constant 160 : i32
        %mul3A_349 = arith.muli %scan3A_340, %mul3A_348 : i32
        %add3A_350 = arith.constant 16 : i32
        %add3A_351 = arith.addi %mul3A_349, %add3A_350 : i32
        %get3A_352 = arith.index_cast %add3A_351 : i32 to index
        %get3A_353 = tpu.vector_load %arg14[%get3A_352] {strides = array<i32>} : memref<20000xi32, #tpu.memory_space<vmem>>, vector<16xi32>,
        %mul3A_354 = arith.constant 160 : i32
        %mul3A_355 = arith.muli %scan3A_340, %mul3A_354 : i32
        %add3A_356 = arith.constant 32 : i32
        %add3A_357 = arith.addi %mul3A_355, %add3A_356 : i32
        %get3A_358 = arith.index_cast %add3A_357 : i32 to index
        %get3A_359 = tpu.vector_load %arg14[%get3A_358] {strides = array<i32>} : memref<20000xi32, #tpu.memory_space<vmem>>, vector<16xi32>,
        %mul3A_360 = arith.constant 160 : i32
        %mul3A_361 = arith.muli %scan3A_340, %mul3A_360 : i32
        %add3A_362 = arith.constant 48 : i32
        %add3A_363 = arith.addi %mul3A_361, %add3A_362 : i32
        %get3A_364 = arith.index_cast %add3A_363 : i32 to index
        %get3A_365 = tpu.vector_load %arg14[%get3A_364] {strides = array<i32>} : memref<20000xi32, #tpu.memory_space<vmem>>, vector<16xi32>,
        %mul3A_366 = arith.constant 160 : i32
        %mul3A_367 = arith.muli %scan3A_340, %mul3A_366 : i32
        %add3A_368 = arith.constant 64 : i32
        %add3A_369 = arith.addi %mul3A_367, %add3A_368 : i32
        %get3A_370 = arith.index_cast %add3A_369 : i32 to index
        %get3A_371 = tpu.vector_load %arg14[%get3A_370] {strides = array<i32>} : memref<20000xi32, #tpu.memory_space<vmem>>, vector<16xi32>,
        %mul3A_372 = arith.constant 160 : i32
        %mul3A_373 = arith.muli %scan3A_340, %mul3A_372 : i32
        %add3A_374 = arith.constant 80 : i32
        %add3A_375 = arith.addi %mul3A_373, %add3A_374 : i32
        %get3A_376 = arith.index_cast %add3A_375 : i32 to index
        %get3A_377 = tpu.vector_load %arg14[%get3A_376] {strides = array<i32>} : memref<20000xi32, #tpu.memory_space<vmem>>, vector<16xi32>,
        %mul3A_378 = arith.constant 160 : i32
        %mul3A_379 = arith.muli %scan3A_340, %mul3A_378 : i32
        %add3A_380 = arith.constant 96 : i32
        %add3A_381 = arith.addi %mul3A_379, %add3A_380 : i32
        %get3A_382 = arith.index_cast %add3A_381 : i32 to index
        %get3A_383 = tpu.vector_load %arg14[%get3A_382] {strides = array<i32>} : memref<20000xi32, #tpu.memory_space<vmem>>, vector<16xi32>,
        %mul3A_384 = arith.constant 160 : i32
        %mul3A_385 = arith.muli %scan3A_340, %mul3A_384 : i32
        %add3A_386 = arith.constant 112 : i32
        %add3A_387 = arith.addi %mul3A_385, %add3A_386 : i32
        %get3A_388 = arith.index_cast %add3A_387 : i32 to index
        %get3A_389 = tpu.vector_load %arg14[%get3A_388] {strides = array<i32>} : memref<20000xi32, #tpu.memory_space<vmem>>, vector<16xi32>,
        %mul3A_390 = arith.constant 160 : i32
        %mul3A_391 = arith.muli %scan3A_340, %mul3A_390 : i32
        %add3A_392 = arith.constant 128 : i32
        %add3A_393 = arith.addi %mul3A_391, %add3A_392 : i32
        %get3A_394 = arith.index_cast %add3A_393 : i32 to index
        %get3A_395 = tpu.vector_load %arg14[%get3A_394] {strides = array<i32>} : memref<20000xi32, #tpu.memory_space<vmem>>, vector<16xi32>,
        %mul3A_396 = arith.constant 160 : i32
        %mul3A_397 = arith.muli %scan3A_340, %mul3A_396 : i32
        %add3A_398 = arith.constant 144 : i32
        %add3A_399 = arith.addi %mul3A_397, %add3A_398 : i32
        %get3A_400 = arith.index_cast %add3A_399 : i32 to index
        %get3A_401 = tpu.vector_load %arg14[%get3A_400] {strides = array<i32>} : memref<20000xi32, #tpu.memory_space<vmem>>, vector<16xi32>,
        %shift_right_logical3A = arith.constant 14 : i32
        %shift_right_logical3A_402 = vector.broadcast %shift_right_logical3A : i32 to vector<16xi32>
        %shift_right_logical3A_403 = arith.shrui %get3A_347, %shift_right_logical3A_402 : vector<16xi32>
        %shift_right_logical3A_404 = arith.constant 14 : i32
        %shift_right_logical3A_405 = vector.broadcast %shift_right_logical3A_404 : i32 to vector<16xi32>
        %shift_right_logical3A_406 = arith.shrui %get3A_353, %shift_right_logical3A_405 : vector<16xi32>
        %shift_right_logical3A_407 = arith.constant 14 : i32
        %shift_right_logical3A_408 = vector.broadcast %shift_right_logical3A_407 : i32 to vector<16xi32>
        %shift_right_logical3A_409 = arith.shrui %get3A_359, %shift_right_logical3A_408 : vector<16xi32>
        %shift_right_logical3A_410 = arith.constant 14 : i32
        %shift_right_logical3A_411 = vector.broadcast %shift_right_logical3A_410 : i32 to vector<16xi32>
        %shift_right_logical3A_412 = arith.shrui %get3A_365, %shift_right_logical3A_411 : vector<16xi32>
        %shift_right_logical3A_413 = arith.constant 14 : i32
        %shift_right_logical3A_414 = vector.broadcast %shift_right_logical3A_413 : i32 to vector<16xi32>
        %shift_right_logical3A_415 = arith.shrui %get3A_371, %shift_right_logical3A_414 : vector<16xi32>
        %shift_right_logical3A_416 = arith.constant 14 : i32
        %shift_right_logical3A_417 = vector.broadcast %shift_right_logical3A_416 : i32 to vector<16xi32>
        %shift_right_logical3A_418 = arith.shrui %get3A_377, %shift_right_logical3A_417 : vector<16xi32>
        %shift_right_logical3A_419 = arith.constant 14 : i32
        %shift_right_logical3A_420 = vector.broadcast %shift_right_logical3A_419 : i32 to vector<16xi32>
        %shift_right_logical3A_421 = arith.shrui %get3A_383, %shift_right_logical3A_420 : vector<16xi32>
        %shift_right_logical3A_422 = arith.constant 14 : i32
        %shift_right_logical3A_423 = vector.broadcast %shift_right_logical3A_422 : i32 to vector<16xi32>
        %shift_right_logical3A_424 = arith.shrui %get3A_389, %shift_right_logical3A_423 : vector<16xi32>
        %shift_right_logical3A_425 = arith.constant 14 : i32
        %shift_right_logical3A_426 = vector.broadcast %shift_right_logical3A_425 : i32 to vector<16xi32>
        %shift_right_logical3A_427 = arith.shrui %get3A_395, %shift_right_logical3A_426 : vector<16xi32>
        %shift_right_logical3A_428 = arith.constant 14 : i32
        %shift_right_logical3A_429 = vector.broadcast %shift_right_logical3A_428 : i32 to vector<16xi32>
        %shift_right_logical3A_430 = arith.shrui %get3A_401, %shift_right_logical3A_429 : vector<16xi32>
        %and3A = arith.andi %get3A_347, %broadcast_in_dim3A_8 : vector<16xi32>
        %and3A_431 = arith.andi %get3A_353, %broadcast_in_dim3A_8 : vector<16xi32>
        %and3A_432 = arith.andi %get3A_359, %broadcast_in_dim3A_8 : vector<16xi32>
        %and3A_433 = arith.andi %get3A_365, %broadcast_in_dim3A_8 : vector<16xi32>
        %and3A_434 = arith.andi %get3A_371, %broadcast_in_dim3A_8 : vector<16xi32>
        %and3A_435 = arith.andi %get3A_377, %broadcast_in_dim3A_8 : vector<16xi32>
        %and3A_436 = arith.andi %get3A_383, %broadcast_in_dim3A_8 : vector<16xi32>
        %and3A_437 = arith.andi %get3A_389, %broadcast_in_dim3A_8 : vector<16xi32>
        %and3A_438 = arith.andi %get3A_395, %broadcast_in_dim3A_8 : vector<16xi32>
        %and3A_439 = arith.andi %get3A_401, %broadcast_in_dim3A_8 : vector<16xi32>
        %gather3A = tpu.vector_load_idx %arg7[%shift_right_logical3A_403] : memref<10000xf32, #tpu.memory_space<vmem>>[vector<16xi32>], vector<16xf32>,
        %gather3A_440 = tpu.vector_load_idx %arg7[%shift_right_logical3A_406] : memref<10000xf32, #tpu.memory_space<vmem>>[vector<16xi32>], vector<16xf32>,
        %gather3A_441 = tpu.vector_load_idx %arg7[%shift_right_logical3A_409] : memref<10000xf32, #tpu.memory_space<vmem>>[vector<16xi32>], vector<16xf32>,
        %gather3A_442 = tpu.vector_load_idx %arg7[%shift_right_logical3A_412] : memref<10000xf32, #tpu.memory_space<vmem>>[vector<16xi32>], vector<16xf32>,
        %gather3A_443 = tpu.vector_load_idx %arg7[%shift_right_logical3A_415] : memref<10000xf32, #tpu.memory_space<vmem>>[vector<16xi32>], vector<16xf32>,
        %gather3A_444 = tpu.vector_load_idx %arg7[%shift_right_logical3A_418] : memref<10000xf32, #tpu.memory_space<vmem>>[vector<16xi32>], vector<16xf32>,
        %gather3A_445 = tpu.vector_load_idx %arg7[%shift_right_logical3A_421] : memref<10000xf32, #tpu.memory_space<vmem>>[vector<16xi32>], vector<16xf32>,
        %gather3A_446 = tpu.vector_load_idx %arg7[%shift_right_logical3A_424] : memref<10000xf32, #tpu.memory_space<vmem>>[vector<16xi32>], vector<16xf32>,
        %gather3A_447 = tpu.vector_load_idx %arg7[%shift_right_logical3A_427] : memref<10000xf32, #tpu.memory_space<vmem>>[vector<16xi32>], vector<16xf32>,
        %gather3A_448 = tpu.vector_load_idx %arg7[%shift_right_logical3A_430] : memref<10000xf32, #tpu.memory_space<vmem>>[vector<16xi32>], vector<16xf32>,
        %gather3A_449 = tpu.vector_load_idx %arg8[%shift_right_logical3A_403] : memref<10000xf32, #tpu.memory_space<vmem>>[vector<16xi32>], vector<16xf32>,
        %gather3A_450 = tpu.vector_load_idx %arg8[%shift_right_logical3A_406] : memref<10000xf32, #tpu.memory_space<vmem>>[vector<16xi32>], vector<16xf32>,
        %gather3A_451 = tpu.vector_load_idx %arg8[%shift_right_logical3A_409] : memref<10000xf32, #tpu.memory_space<vmem>>[vector<16xi32>], vector<16xf32>,
        %gather3A_452 = tpu.vector_load_idx %arg8[%shift_right_logical3A_412] : memref<10000xf32, #tpu.memory_space<vmem>>[vector<16xi32>], vector<16xf32>,
        %gather3A_453 = tpu.vector_load_idx %arg8[%shift_right_logical3A_415] : memref<10000xf32, #tpu.memory_space<vmem>>[vector<16xi32>], vector<16xf32>,
        %gather3A_454 = tpu.vector_load_idx %arg8[%shift_right_logical3A_418] : memref<10000xf32, #tpu.memory_space<vmem>>[vector<16xi32>], vector<16xf32>,
        %gather3A_455 = tpu.vector_load_idx %arg8[%shift_right_logical3A_421] : memref<10000xf32, #tpu.memory_space<vmem>>[vector<16xi32>], vector<16xf32>,
        %gather3A_456 = tpu.vector_load_idx %arg8[%shift_right_logical3A_424] : memref<10000xf32, #tpu.memory_space<vmem>>[vector<16xi32>], vector<16xf32>,
        %gather3A_457 = tpu.vector_load_idx %arg8[%shift_right_logical3A_427] : memref<10000xf32, #tpu.memory_space<vmem>>[vector<16xi32>], vector<16xf32>,
        %gather3A_458 = tpu.vector_load_idx %arg8[%shift_right_logical3A_430] : memref<10000xf32, #tpu.memory_space<vmem>>[vector<16xi32>], vector<16xf32>,
        tpu.vector_store_idx %arg9[%and3A], %gather3A {add = true} : memref<10000xf32, #tpu.memory_space<vmem>>[vector<16xi32>], vector<16xf32>,
        tpu.vector_store_idx %arg10[%and3A], %gather3A_449 {add = true} : memref<10000xf32, #tpu.memory_space<vmem>>[vector<16xi32>], vector<16xf32>,
        tpu.vector_store_idx %arg9[%and3A_431], %gather3A_440 {add = true} : memref<10000xf32, #tpu.memory_space<vmem>>[vector<16xi32>], vector<16xf32>,
        tpu.vector_store_idx %arg10[%and3A_431], %gather3A_450 {add = true} : memref<10000xf32, #tpu.memory_space<vmem>>[vector<16xi32>], vector<16xf32>,
        tpu.vector_store_idx %arg9[%and3A_432], %gather3A_441 {add = true} : memref<10000xf32, #tpu.memory_space<vmem>>[vector<16xi32>], vector<16xf32>,
        tpu.vector_store_idx %arg10[%and3A_432], %gather3A_451 {add = true} : memref<10000xf32, #tpu.memory_space<vmem>>[vector<16xi32>], vector<16xf32>,
        tpu.vector_store_idx %arg9[%and3A_433], %gather3A_442 {add = true} : memref<10000xf32, #tpu.memory_space<vmem>>[vector<16xi32>], vector<16xf32>,
        tpu.vector_store_idx %arg10[%and3A_433], %gather3A_452 {add = true} : memref<10000xf32, #tpu.memory_space<vmem>>[vector<16xi32>], vector<16xf32>,
        tpu.vector_store_idx %arg9[%and3A_434], %gather3A_443 {add = true} : memref<10000xf32, #tpu.memory_space<vmem>>[vector<16xi32>], vector<16xf32>,
        tpu.vector_store_idx %arg10[%and3A_434], %gather3A_453 {add = true} : memref<10000xf32, #tpu.memory_space<vmem>>[vector<16xi32>], vector<16xf32>,
        tpu.vector_store_idx %arg9[%and3A_435], %gather3A_444 {add = true} : memref<10000xf32, #tpu.memory_space<vmem>>[vector<16xi32>], vector<16xf32>,
        tpu.vector_store_idx %arg10[%and3A_435], %gather3A_454 {add = true} : memref<10000xf32, #tpu.memory_space<vmem>>[vector<16xi32>], vector<16xf32>,
        tpu.vector_store_idx %arg9[%and3A_436], %gather3A_445 {add = true} : memref<10000xf32, #tpu.memory_space<vmem>>[vector<16xi32>], vector<16xf32>,
        tpu.vector_store_idx %arg10[%and3A_436], %gather3A_455 {add = true} : memref<10000xf32, #tpu.memory_space<vmem>>[vector<16xi32>], vector<16xf32>,
        tpu.vector_store_idx %arg9[%and3A_437], %gather3A_446 {add = true} : memref<10000xf32, #tpu.memory_space<vmem>>[vector<16xi32>], vector<16xf32>,
        tpu.vector_store_idx %arg10[%and3A_437], %gather3A_456 {add = true} : memref<10000xf32, #tpu.memory_space<vmem>>[vector<16xi32>], vector<16xf32>,
        tpu.vector_store_idx %arg9[%and3A_438], %gather3A_447 {add = true} : memref<10000xf32, #tpu.memory_space<vmem>>[vector<16xi32>], vector<16xf32>,
        tpu.vector_store_idx %arg10[%and3A_438], %gather3A_457 {add = true} : memref<10000xf32, #tpu.memory_space<vmem>>[vector<16xi32>], vector<16xf32>,
        tpu.vector_store_idx %arg9[%and3A_439], %gather3A_448 {add = true} : memref<10000xf32, #tpu.memory_space<vmem>>[vector<16xi32>], vector<16xf32>,
        tpu.vector_store_idx %arg10[%and3A_439], %gather3A_458 {add = true} : memref<10000xf32, #tpu.memory_space<vmem>>[vector<16xi32>], vector<16xf32>,
        %scan3A_459 = arith.constant 0 : i32
        scf.yield %scan3A_459 : i32
      }
      %scan3A_323 = arith.constant 125 : i32
      %dma_wait3A_324 = tpu.memref_slice %arg3[%add3A_312] : memref<320000xi32, #tpu.memory_space<hbm>> -> memref<20000xi32, #tpu.memory_space<hbm>>
      %dma_wait3A_325 = tpu.memref_slice %arg3[%add3A_312] : memref<320000xi32, #tpu.memory_space<hbm>> -> memref<20000xi32, #tpu.memory_space<hbm>>
      tpu.wait_dma2 semaphore(%arg18 : memref<!tpu.dma_semaphore, #tpu.memory_space<semaphore_mem>>) src(%dma_wait3A_325 : memref<20000xi32, #tpu.memory_space<hbm>>) dst(%arg15 : memref<20000xi32, #tpu.memory_space<vmem>>)
      %mul3A_326 = arith.constant 2 : i32
      %mul3A_327 = arith.muli %mul3A_326, %scan3A_305 : i32
      %add3A_328 = arith.constant 2 : i32
      %add3A_329 = arith.addi %mul3A_327, %add3A_328 : i32
      %lt3A = arith.constant 16 : i32
      %lt3A_330 = arith.cmpi slt, %add3A_329, %lt3A : i32
      %convert_element_type3A = arith.extui %lt3A_330 : i1 to i32
      %cond3A = arith.constant 0 : i32
      %cond3A_331 = arith.cmpi ne, %convert_element_type3A, %cond3A : i32
      scf.if %cond3A_331 {
        %add3A_340 = arith.constant 20000 : i32
        %add3A_341 = arith.addi %add3A_312, %add3A_340 : i32
        %dma_start3A_342 = tpu.memref_slice %arg3[%add3A_341] : memref<320000xi32, #tpu.memory_space<hbm>> -> memref<20000xi32, #tpu.memory_space<hbm>>
        %dma_start3A_343 = tpu.memref_slice %arg3[%add3A_341] : memref<320000xi32, #tpu.memory_space<hbm>> -> memref<20000xi32, #tpu.memory_space<hbm>>
        tpu.enqueue_dma source(%dma_start3A_343 : memref<20000xi32, #tpu.memory_space<hbm>>) target(%arg14 : memref<20000xi32, #tpu.memory_space<vmem>>) target_semaphore(%arg17 : memref<!tpu.dma_semaphore, #tpu.memory_space<semaphore_mem>>)
      } else {
      }
      %scan3A_332 = arith.constant 0 : i32
      %scan3A_333 = arith.constant 0 : i32
      %scan3A_334 = arith.constant 125 : i32
      %scan3A_335 = arith.addi %scan3A_333, %scan3A_334 : i32
      %scan3A_336 = arith.constant 1 : i32
      %scan3A_337 = scf.for %scan3A_340 = %scan3A_333 to %scan3A_335 step %scan3A_336 iter_args(%scan3A_341 = %scan3A_332) -> (i32)  : i32 {
        %mul3A_342 = arith.constant 160 : i32
        %mul3A_343 = arith.muli %scan3A_340, %mul3A_342 : i32
        %add3A_344 = arith.constant 0 : i32
        %add3A_345 = arith.addi %mul3A_343, %add3A_344 : i32
        %get3A_346 = arith.index_cast %add3A_345 : i32 to index
        %get3A_347 = tpu.vector_load %arg15[%get3A_346] {strides = array<i32>} : memref<20000xi32, #tpu.memory_space<vmem>>, vector<16xi32>,
        %mul3A_348 = arith.constant 160 : i32
        %mul3A_349 = arith.muli %scan3A_340, %mul3A_348 : i32
        %add3A_350 = arith.constant 16 : i32
        %add3A_351 = arith.addi %mul3A_349, %add3A_350 : i32
        %get3A_352 = arith.index_cast %add3A_351 : i32 to index
        %get3A_353 = tpu.vector_load %arg15[%get3A_352] {strides = array<i32>} : memref<20000xi32, #tpu.memory_space<vmem>>, vector<16xi32>,
        %mul3A_354 = arith.constant 160 : i32
        %mul3A_355 = arith.muli %scan3A_340, %mul3A_354 : i32
        %add3A_356 = arith.constant 32 : i32
        %add3A_357 = arith.addi %mul3A_355, %add3A_356 : i32
        %get3A_358 = arith.index_cast %add3A_357 : i32 to index
        %get3A_359 = tpu.vector_load %arg15[%get3A_358] {strides = array<i32>} : memref<20000xi32, #tpu.memory_space<vmem>>, vector<16xi32>,
        %mul3A_360 = arith.constant 160 : i32
        %mul3A_361 = arith.muli %scan3A_340, %mul3A_360 : i32
        %add3A_362 = arith.constant 48 : i32
        %add3A_363 = arith.addi %mul3A_361, %add3A_362 : i32
        %get3A_364 = arith.index_cast %add3A_363 : i32 to index
        %get3A_365 = tpu.vector_load %arg15[%get3A_364] {strides = array<i32>} : memref<20000xi32, #tpu.memory_space<vmem>>, vector<16xi32>,
        %mul3A_366 = arith.constant 160 : i32
        %mul3A_367 = arith.muli %scan3A_340, %mul3A_366 : i32
        %add3A_368 = arith.constant 64 : i32
        %add3A_369 = arith.addi %mul3A_367, %add3A_368 : i32
        %get3A_370 = arith.index_cast %add3A_369 : i32 to index
        %get3A_371 = tpu.vector_load %arg15[%get3A_370] {strides = array<i32>} : memref<20000xi32, #tpu.memory_space<vmem>>, vector<16xi32>,
        %mul3A_372 = arith.constant 160 : i32
        %mul3A_373 = arith.muli %scan3A_340, %mul3A_372 : i32
        %add3A_374 = arith.constant 80 : i32
        %add3A_375 = arith.addi %mul3A_373, %add3A_374 : i32
        %get3A_376 = arith.index_cast %add3A_375 : i32 to index
        %get3A_377 = tpu.vector_load %arg15[%get3A_376] {strides = array<i32>} : memref<20000xi32, #tpu.memory_space<vmem>>, vector<16xi32>,
        %mul3A_378 = arith.constant 160 : i32
        %mul3A_379 = arith.muli %scan3A_340, %mul3A_378 : i32
        %add3A_380 = arith.constant 96 : i32
        %add3A_381 = arith.addi %mul3A_379, %add3A_380 : i32
        %get3A_382 = arith.index_cast %add3A_381 : i32 to index
        %get3A_383 = tpu.vector_load %arg15[%get3A_382] {strides = array<i32>} : memref<20000xi32, #tpu.memory_space<vmem>>, vector<16xi32>,
        %mul3A_384 = arith.constant 160 : i32
        %mul3A_385 = arith.muli %scan3A_340, %mul3A_384 : i32
        %add3A_386 = arith.constant 112 : i32
        %add3A_387 = arith.addi %mul3A_385, %add3A_386 : i32
        %get3A_388 = arith.index_cast %add3A_387 : i32 to index
        %get3A_389 = tpu.vector_load %arg15[%get3A_388] {strides = array<i32>} : memref<20000xi32, #tpu.memory_space<vmem>>, vector<16xi32>,
        %mul3A_390 = arith.constant 160 : i32
        %mul3A_391 = arith.muli %scan3A_340, %mul3A_390 : i32
        %add3A_392 = arith.constant 128 : i32
        %add3A_393 = arith.addi %mul3A_391, %add3A_392 : i32
        %get3A_394 = arith.index_cast %add3A_393 : i32 to index
        %get3A_395 = tpu.vector_load %arg15[%get3A_394] {strides = array<i32>} : memref<20000xi32, #tpu.memory_space<vmem>>, vector<16xi32>,
        %mul3A_396 = arith.constant 160 : i32
        %mul3A_397 = arith.muli %scan3A_340, %mul3A_396 : i32
        %add3A_398 = arith.constant 144 : i32
        %add3A_399 = arith.addi %mul3A_397, %add3A_398 : i32
        %get3A_400 = arith.index_cast %add3A_399 : i32 to index
        %get3A_401 = tpu.vector_load %arg15[%get3A_400] {strides = array<i32>} : memref<20000xi32, #tpu.memory_space<vmem>>, vector<16xi32>,
        %shift_right_logical3A = arith.constant 14 : i32
        %shift_right_logical3A_402 = vector.broadcast %shift_right_logical3A : i32 to vector<16xi32>
        %shift_right_logical3A_403 = arith.shrui %get3A_347, %shift_right_logical3A_402 : vector<16xi32>
        %shift_right_logical3A_404 = arith.constant 14 : i32
        %shift_right_logical3A_405 = vector.broadcast %shift_right_logical3A_404 : i32 to vector<16xi32>
        %shift_right_logical3A_406 = arith.shrui %get3A_353, %shift_right_logical3A_405 : vector<16xi32>
        %shift_right_logical3A_407 = arith.constant 14 : i32
        %shift_right_logical3A_408 = vector.broadcast %shift_right_logical3A_407 : i32 to vector<16xi32>
        %shift_right_logical3A_409 = arith.shrui %get3A_359, %shift_right_logical3A_408 : vector<16xi32>
        %shift_right_logical3A_410 = arith.constant 14 : i32
        %shift_right_logical3A_411 = vector.broadcast %shift_right_logical3A_410 : i32 to vector<16xi32>
        %shift_right_logical3A_412 = arith.shrui %get3A_365, %shift_right_logical3A_411 : vector<16xi32>
        %shift_right_logical3A_413 = arith.constant 14 : i32
        %shift_right_logical3A_414 = vector.broadcast %shift_right_logical3A_413 : i32 to vector<16xi32>
        %shift_right_logical3A_415 = arith.shrui %get3A_371, %shift_right_logical3A_414 : vector<16xi32>
        %shift_right_logical3A_416 = arith.constant 14 : i32
        %shift_right_logical3A_417 = vector.broadcast %shift_right_logical3A_416 : i32 to vector<16xi32>
        %shift_right_logical3A_418 = arith.shrui %get3A_377, %shift_right_logical3A_417 : vector<16xi32>
        %shift_right_logical3A_419 = arith.constant 14 : i32
        %shift_right_logical3A_420 = vector.broadcast %shift_right_logical3A_419 : i32 to vector<16xi32>
        %shift_right_logical3A_421 = arith.shrui %get3A_383, %shift_right_logical3A_420 : vector<16xi32>
        %shift_right_logical3A_422 = arith.constant 14 : i32
        %shift_right_logical3A_423 = vector.broadcast %shift_right_logical3A_422 : i32 to vector<16xi32>
        %shift_right_logical3A_424 = arith.shrui %get3A_389, %shift_right_logical3A_423 : vector<16xi32>
        %shift_right_logical3A_425 = arith.constant 14 : i32
        %shift_right_logical3A_426 = vector.broadcast %shift_right_logical3A_425 : i32 to vector<16xi32>
        %shift_right_logical3A_427 = arith.shrui %get3A_395, %shift_right_logical3A_426 : vector<16xi32>
        %shift_right_logical3A_428 = arith.constant 14 : i32
        %shift_right_logical3A_429 = vector.broadcast %shift_right_logical3A_428 : i32 to vector<16xi32>
        %shift_right_logical3A_430 = arith.shrui %get3A_401, %shift_right_logical3A_429 : vector<16xi32>
        %and3A = arith.andi %get3A_347, %broadcast_in_dim3A_8 : vector<16xi32>
        %and3A_431 = arith.andi %get3A_353, %broadcast_in_dim3A_8 : vector<16xi32>
        %and3A_432 = arith.andi %get3A_359, %broadcast_in_dim3A_8 : vector<16xi32>
        %and3A_433 = arith.andi %get3A_365, %broadcast_in_dim3A_8 : vector<16xi32>
        %and3A_434 = arith.andi %get3A_371, %broadcast_in_dim3A_8 : vector<16xi32>
        %and3A_435 = arith.andi %get3A_377, %broadcast_in_dim3A_8 : vector<16xi32>
        %and3A_436 = arith.andi %get3A_383, %broadcast_in_dim3A_8 : vector<16xi32>
        %and3A_437 = arith.andi %get3A_389, %broadcast_in_dim3A_8 : vector<16xi32>
        %and3A_438 = arith.andi %get3A_395, %broadcast_in_dim3A_8 : vector<16xi32>
        %and3A_439 = arith.andi %get3A_401, %broadcast_in_dim3A_8 : vector<16xi32>
        %gather3A = tpu.vector_load_idx %arg7[%shift_right_logical3A_403] : memref<10000xf32, #tpu.memory_space<vmem>>[vector<16xi32>], vector<16xf32>,
        %gather3A_440 = tpu.vector_load_idx %arg7[%shift_right_logical3A_406] : memref<10000xf32, #tpu.memory_space<vmem>>[vector<16xi32>], vector<16xf32>,
        %gather3A_441 = tpu.vector_load_idx %arg7[%shift_right_logical3A_409] : memref<10000xf32, #tpu.memory_space<vmem>>[vector<16xi32>], vector<16xf32>,
        %gather3A_442 = tpu.vector_load_idx %arg7[%shift_right_logical3A_412] : memref<10000xf32, #tpu.memory_space<vmem>>[vector<16xi32>], vector<16xf32>,
        %gather3A_443 = tpu.vector_load_idx %arg7[%shift_right_logical3A_415] : memref<10000xf32, #tpu.memory_space<vmem>>[vector<16xi32>], vector<16xf32>,
        %gather3A_444 = tpu.vector_load_idx %arg7[%shift_right_logical3A_418] : memref<10000xf32, #tpu.memory_space<vmem>>[vector<16xi32>], vector<16xf32>,
        %gather3A_445 = tpu.vector_load_idx %arg7[%shift_right_logical3A_421] : memref<10000xf32, #tpu.memory_space<vmem>>[vector<16xi32>], vector<16xf32>,
        %gather3A_446 = tpu.vector_load_idx %arg7[%shift_right_logical3A_424] : memref<10000xf32, #tpu.memory_space<vmem>>[vector<16xi32>], vector<16xf32>,
        %gather3A_447 = tpu.vector_load_idx %arg7[%shift_right_logical3A_427] : memref<10000xf32, #tpu.memory_space<vmem>>[vector<16xi32>], vector<16xf32>,
        %gather3A_448 = tpu.vector_load_idx %arg7[%shift_right_logical3A_430] : memref<10000xf32, #tpu.memory_space<vmem>>[vector<16xi32>], vector<16xf32>,
        %gather3A_449 = tpu.vector_load_idx %arg8[%shift_right_logical3A_403] : memref<10000xf32, #tpu.memory_space<vmem>>[vector<16xi32>], vector<16xf32>,
        %gather3A_450 = tpu.vector_load_idx %arg8[%shift_right_logical3A_406] : memref<10000xf32, #tpu.memory_space<vmem>>[vector<16xi32>], vector<16xf32>,
        %gather3A_451 = tpu.vector_load_idx %arg8[%shift_right_logical3A_409] : memref<10000xf32, #tpu.memory_space<vmem>>[vector<16xi32>], vector<16xf32>,
        %gather3A_452 = tpu.vector_load_idx %arg8[%shift_right_logical3A_412] : memref<10000xf32, #tpu.memory_space<vmem>>[vector<16xi32>], vector<16xf32>,
        %gather3A_453 = tpu.vector_load_idx %arg8[%shift_right_logical3A_415] : memref<10000xf32, #tpu.memory_space<vmem>>[vector<16xi32>], vector<16xf32>,
        %gather3A_454 = tpu.vector_load_idx %arg8[%shift_right_logical3A_418] : memref<10000xf32, #tpu.memory_space<vmem>>[vector<16xi32>], vector<16xf32>,
        %gather3A_455 = tpu.vector_load_idx %arg8[%shift_right_logical3A_421] : memref<10000xf32, #tpu.memory_space<vmem>>[vector<16xi32>], vector<16xf32>,
        %gather3A_456 = tpu.vector_load_idx %arg8[%shift_right_logical3A_424] : memref<10000xf32, #tpu.memory_space<vmem>>[vector<16xi32>], vector<16xf32>,
        %gather3A_457 = tpu.vector_load_idx %arg8[%shift_right_logical3A_427] : memref<10000xf32, #tpu.memory_space<vmem>>[vector<16xi32>], vector<16xf32>,
        %gather3A_458 = tpu.vector_load_idx %arg8[%shift_right_logical3A_430] : memref<10000xf32, #tpu.memory_space<vmem>>[vector<16xi32>], vector<16xf32>,
        tpu.vector_store_idx %arg9[%and3A], %gather3A {add = true} : memref<10000xf32, #tpu.memory_space<vmem>>[vector<16xi32>], vector<16xf32>,
        tpu.vector_store_idx %arg10[%and3A], %gather3A_449 {add = true} : memref<10000xf32, #tpu.memory_space<vmem>>[vector<16xi32>], vector<16xf32>,
        tpu.vector_store_idx %arg9[%and3A_431], %gather3A_440 {add = true} : memref<10000xf32, #tpu.memory_space<vmem>>[vector<16xi32>], vector<16xf32>,
        tpu.vector_store_idx %arg10[%and3A_431], %gather3A_450 {add = true} : memref<10000xf32, #tpu.memory_space<vmem>>[vector<16xi32>], vector<16xf32>,
        tpu.vector_store_idx %arg9[%and3A_432], %gather3A_441 {add = true} : memref<10000xf32, #tpu.memory_space<vmem>>[vector<16xi32>], vector<16xf32>,
        tpu.vector_store_idx %arg10[%and3A_432], %gather3A_451 {add = true} : memref<10000xf32, #tpu.memory_space<vmem>>[vector<16xi32>], vector<16xf32>,
        tpu.vector_store_idx %arg9[%and3A_433], %gather3A_442 {add = true} : memref<10000xf32, #tpu.memory_space<vmem>>[vector<16xi32>], vector<16xf32>,
        tpu.vector_store_idx %arg10[%and3A_433], %gather3A_452 {add = true} : memref<10000xf32, #tpu.memory_space<vmem>>[vector<16xi32>], vector<16xf32>,
        tpu.vector_store_idx %arg9[%and3A_434], %gather3A_443 {add = true} : memref<10000xf32, #tpu.memory_space<vmem>>[vector<16xi32>], vector<16xf32>,
        tpu.vector_store_idx %arg10[%and3A_434], %gather3A_453 {add = true} : memref<10000xf32, #tpu.memory_space<vmem>>[vector<16xi32>], vector<16xf32>,
        tpu.vector_store_idx %arg9[%and3A_435], %gather3A_444 {add = true} : memref<10000xf32, #tpu.memory_space<vmem>>[vector<16xi32>], vector<16xf32>,
        tpu.vector_store_idx %arg10[%and3A_435], %gather3A_454 {add = true} : memref<10000xf32, #tpu.memory_space<vmem>>[vector<16xi32>], vector<16xf32>,
        tpu.vector_store_idx %arg9[%and3A_436], %gather3A_445 {add = true} : memref<10000xf32, #tpu.memory_space<vmem>>[vector<16xi32>], vector<16xf32>,
        tpu.vector_store_idx %arg10[%and3A_436], %gather3A_455 {add = true} : memref<10000xf32, #tpu.memory_space<vmem>>[vector<16xi32>], vector<16xf32>,
        tpu.vector_store_idx %arg9[%and3A_437], %gather3A_446 {add = true} : memref<10000xf32, #tpu.memory_space<vmem>>[vector<16xi32>], vector<16xf32>,
        tpu.vector_store_idx %arg10[%and3A_437], %gather3A_456 {add = true} : memref<10000xf32, #tpu.memory_space<vmem>>[vector<16xi32>], vector<16xf32>,
        tpu.vector_store_idx %arg9[%and3A_438], %gather3A_447 {add = true} : memref<10000xf32, #tpu.memory_space<vmem>>[vector<16xi32>], vector<16xf32>,
        tpu.vector_store_idx %arg10[%and3A_438], %gather3A_457 {add = true} : memref<10000xf32, #tpu.memory_space<vmem>>[vector<16xi32>], vector<16xf32>,
        tpu.vector_store_idx %arg9[%and3A_439], %gather3A_448 {add = true} : memref<10000xf32, #tpu.memory_space<vmem>>[vector<16xi32>], vector<16xf32>,
        tpu.vector_store_idx %arg10[%and3A_439], %gather3A_458 {add = true} : memref<10000xf32, #tpu.memory_space<vmem>>[vector<16xi32>], vector<16xf32>,
        %scan3A_459 = arith.constant 0 : i32
        scf.yield %scan3A_459 : i32
      }
      %scan3A_338 = arith.constant 125 : i32
      %scan3A_339 = arith.constant 0 : i32
      scf.yield %scan3A_339 : i32
    }
    %scan3A_93 = arith.constant 8 : i32
    %dma_start3A_94 = arith.constant 0 : i32
    %dma_start3A_95 = tpu.memref_slice %arg3[%dma_start3A_94] : memref<320000xi32, #tpu.memory_space<hbm>> -> memref<20000xi32, #tpu.memory_space<hbm>>
    %dma_start3A_96 = arith.constant 0 : i32
    %dma_start3A_97 = tpu.memref_slice %arg3[%dma_start3A_96] : memref<320000xi32, #tpu.memory_space<hbm>> -> memref<20000xi32, #tpu.memory_space<hbm>>
    tpu.enqueue_dma source(%dma_start3A_97 : memref<20000xi32, #tpu.memory_space<hbm>>) target(%arg14 : memref<20000xi32, #tpu.memory_space<vmem>>) target_semaphore(%arg17 : memref<!tpu.dma_semaphore, #tpu.memory_space<semaphore_mem>>)
    %dma_wait3A_98 = arith.constant 1 : i32
    %dma_wait3A_99 = arith.constant 0 : i32
    %dma_wait3A_100 = tpu.memref_slice %arg6[%dma_wait3A_98, %mul3A_2, %dma_wait3A_99] : memref<6x64x10000xf32, #tpu.memory_space<hbm>> -> memref<1x1x10000xf32, #tpu.memory_space<hbm>>
    %dma_wait3A_101 = tpu.memref_squeeze %dma_wait3A_100 : memref<1x1x10000xf32, #tpu.memory_space<hbm>> -> memref<10000xf32, #tpu.memory_space<hbm>>
    %dma_wait3A_102 = arith.constant 0 : i32
    %dma_wait3A_103 = tpu.memref_slice %arg6[%dma_wait3A_98, %mul3A_2, %dma_wait3A_102] : memref<6x64x10000xf32, #tpu.memory_space<hbm>> -> memref<1x1x10000xf32, #tpu.memory_space<hbm>>
    %dma_wait3A_104 = tpu.memref_squeeze %dma_wait3A_103 : memref<1x1x10000xf32, #tpu.memory_space<hbm>> -> memref<10000xf32, #tpu.memory_space<hbm>>
    tpu.wait_dma2 semaphore(%arg19 : memref<!tpu.dma_semaphore, #tpu.memory_space<semaphore_mem>>) src(%arg11 : memref<10000xf32, #tpu.memory_space<vmem>>) dst(%dma_wait3A_104 : memref<10000xf32, #tpu.memory_space<hbm>>)
    %add3A_105 = arith.constant 1 : i32
    %add3A_106 = arith.addi %mul3A_2, %add3A_105 : i32
    %dma_wait3A_107 = arith.constant 1 : i32
    %dma_wait3A_108 = arith.constant 0 : i32
    %dma_wait3A_109 = tpu.memref_slice %arg6[%dma_wait3A_107, %add3A_106, %dma_wait3A_108] : memref<6x64x10000xf32, #tpu.memory_space<hbm>> -> memref<1x1x10000xf32, #tpu.memory_space<hbm>>
    %dma_wait3A_110 = tpu.memref_squeeze %dma_wait3A_109 : memref<1x1x10000xf32, #tpu.memory_space<hbm>> -> memref<10000xf32, #tpu.memory_space<hbm>>
    %dma_wait3A_111 = arith.constant 0 : i32
    %dma_wait3A_112 = tpu.memref_slice %arg6[%dma_wait3A_107, %add3A_106, %dma_wait3A_111] : memref<6x64x10000xf32, #tpu.memory_space<hbm>> -> memref<1x1x10000xf32, #tpu.memory_space<hbm>>
    %dma_wait3A_113 = tpu.memref_squeeze %dma_wait3A_112 : memref<1x1x10000xf32, #tpu.memory_space<hbm>> -> memref<10000xf32, #tpu.memory_space<hbm>>
    tpu.wait_dma2 semaphore(%arg19 : memref<!tpu.dma_semaphore, #tpu.memory_space<semaphore_mem>>) src(%arg12 : memref<10000xf32, #tpu.memory_space<vmem>>) dst(%dma_wait3A_113 : memref<10000xf32, #tpu.memory_space<hbm>>)
    %scan3A_114 = arith.constant 0 : i32
    %scan3A_115 = arith.constant 0 : i32
    %scan3A_116 = arith.constant 625 : i32
    %scan3A_117 = arith.addi %scan3A_115, %scan3A_116 : i32
    %scan3A_118 = arith.constant 1 : i32
    %scan3A_119 = scf.for %scan3A_305 = %scan3A_115 to %scan3A_117 step %scan3A_118 iter_args(%scan3A_306 = %scan3A_114) -> (i32)  : i32 {
      %mul3A_307 = arith.constant 16 : i32
      %mul3A_308 = arith.muli %scan3A_305, %mul3A_307 : i32
      %get3A_309 = arith.constant 1 : i32
      %get3A_310 = arith.index_cast %get3A_309 : i32 to index
      %get3A_311 = arith.index_cast %mul3A_308 : i32 to index
      %get3A_312 = tpu.vector_load %arg13[%get3A_310, %get3A_311] {strides = array<i32>} : memref<2x10000xf32, #tpu.memory_space<vmem>>, vector<16xf32>,
      %mul3A_313 = vector.broadcast %squeeze3A_86 : f32 to vector<16xf32>
      %mul3A_314 = arith.mulf %get3A_312, %mul3A_313 : vector<16xf32>
      %get3A_315 = arith.index_cast %mul3A_308 : i32 to index
      %get3A_316 = tpu.vector_load %arg9[%get3A_315] {strides = array<i32>} : memref<10000xf32, #tpu.memory_space<vmem>>, vector<16xf32>,
      %mul3A_317 = arith.mulf %get3A_316, %mul3A_314 : vector<16xf32>
      %get3A_318 = arith.index_cast %mul3A_308 : i32 to index
      %get3A_319 = tpu.vector_load %arg10[%get3A_318] {strides = array<i32>} : memref<10000xf32, #tpu.memory_space<vmem>>, vector<16xf32>,
      %mul3A_320 = arith.mulf %get3A_319, %mul3A_314 : vector<16xf32>
      %swap3A = arith.index_cast %mul3A_308 : i32 to index
      %swap3A_321 = tpu.vector_load %arg11[%swap3A] {strides = array<i32>} : memref<10000xf32, #tpu.memory_space<vmem>>, vector<16xf32>,
      tpu.vector_store %arg11[%swap3A], %mul3A_317 {strides = array<i32>} : memref<10000xf32, #tpu.memory_space<vmem>>, vector<16xf32>,
      %swap3A_322 = arith.index_cast %mul3A_308 : i32 to index
      %swap3A_323 = tpu.vector_load %arg12[%swap3A_322] {strides = array<i32>} : memref<10000xf32, #tpu.memory_space<vmem>>, vector<16xf32>,
      tpu.vector_store %arg12[%swap3A_322], %mul3A_320 {strides = array<i32>} : memref<10000xf32, #tpu.memory_space<vmem>>, vector<16xf32>,
      %get3A_324 = arith.constant 0 : i32
      %get3A_325 = arith.index_cast %get3A_324 : i32 to index
      %get3A_326 = arith.index_cast %mul3A_308 : i32 to index
      %get3A_327 = tpu.vector_load %arg13[%get3A_325, %get3A_326] {strides = array<i32>} : memref<2x10000xf32, #tpu.memory_space<vmem>>, vector<16xf32>,
      %mul3A_328 = arith.mulf %mul3A_317, %get3A_327 : vector<16xf32>
      %swap3A_329 = arith.index_cast %mul3A_308 : i32 to index
      %swap3A_330 = tpu.vector_load %arg7[%swap3A_329] {strides = array<i32>} : memref<10000xf32, #tpu.memory_space<vmem>>, vector<16xf32>,
      tpu.vector_store %arg7[%swap3A_329], %mul3A_328 {strides = array<i32>} : memref<10000xf32, #tpu.memory_space<vmem>>, vector<16xf32>,
      %mul3A_331 = arith.mulf %mul3A_320, %get3A_327 : vector<16xf32>
      %swap3A_332 = arith.index_cast %mul3A_308 : i32 to index
      %swap3A_333 = tpu.vector_load %arg8[%swap3A_332] {strides = array<i32>} : memref<10000xf32, #tpu.memory_space<vmem>>, vector<16xf32>,
      tpu.vector_store %arg8[%swap3A_332], %mul3A_331 {strides = array<i32>} : memref<10000xf32, #tpu.memory_space<vmem>>, vector<16xf32>,
      %swap3A_334 = arith.index_cast %mul3A_308 : i32 to index
      %swap3A_335 = tpu.vector_load %arg9[%swap3A_334] {strides = array<i32>} : memref<10000xf32, #tpu.memory_space<vmem>>, vector<16xf32>,
      tpu.vector_store %arg9[%swap3A_334], %broadcast_in_dim3A_6 {strides = array<i32>} : memref<10000xf32, #tpu.memory_space<vmem>>, vector<16xf32>,
      %swap3A_336 = arith.index_cast %mul3A_308 : i32 to index
      %swap3A_337 = tpu.vector_load %arg10[%swap3A_336] {strides = array<i32>} : memref<10000xf32, #tpu.memory_space<vmem>>, vector<16xf32>,
      tpu.vector_store %arg10[%swap3A_336], %broadcast_in_dim3A_6 {strides = array<i32>} : memref<10000xf32, #tpu.memory_space<vmem>>, vector<16xf32>,
      %scan3A_338 = arith.constant 0 : i32
      scf.yield %scan3A_338 : i32
    }
    %scan3A_120 = arith.constant 625 : i32
    %dma_start3A_121 = arith.constant 2 : i32
    %dma_start3A_122 = arith.constant 0 : i32
    %dma_start3A_123 = tpu.memref_slice %arg6[%dma_start3A_121, %mul3A_2, %dma_start3A_122] : memref<6x64x10000xf32, #tpu.memory_space<hbm>> -> memref<1x1x10000xf32, #tpu.memory_space<hbm>>
    %dma_start3A_124 = tpu.memref_squeeze %dma_start3A_123 : memref<1x1x10000xf32, #tpu.memory_space<hbm>> -> memref<10000xf32, #tpu.memory_space<hbm>>
    %dma_start3A_125 = arith.constant 0 : i32
    %dma_start3A_126 = tpu.memref_slice %arg6[%dma_start3A_121, %mul3A_2, %dma_start3A_125] : memref<6x64x10000xf32, #tpu.memory_space<hbm>> -> memref<1x1x10000xf32, #tpu.memory_space<hbm>>
    %dma_start3A_127 = tpu.memref_squeeze %dma_start3A_126 : memref<1x1x10000xf32, #tpu.memory_space<hbm>> -> memref<10000xf32, #tpu.memory_space<hbm>>
    tpu.enqueue_dma source(%arg11 : memref<10000xf32, #tpu.memory_space<vmem>>) target(%dma_start3A_127 : memref<10000xf32, #tpu.memory_space<hbm>>) target_semaphore(%arg19 : memref<!tpu.dma_semaphore, #tpu.memory_space<semaphore_mem>>)
    %add3A_128 = arith.constant 1 : i32
    %add3A_129 = arith.addi %mul3A_2, %add3A_128 : i32
    %dma_start3A_130 = arith.constant 2 : i32
    %dma_start3A_131 = arith.constant 0 : i32
    %dma_start3A_132 = tpu.memref_slice %arg6[%dma_start3A_130, %add3A_129, %dma_start3A_131] : memref<6x64x10000xf32, #tpu.memory_space<hbm>> -> memref<1x1x10000xf32, #tpu.memory_space<hbm>>
    %dma_start3A_133 = tpu.memref_squeeze %dma_start3A_132 : memref<1x1x10000xf32, #tpu.memory_space<hbm>> -> memref<10000xf32, #tpu.memory_space<hbm>>
    %dma_start3A_134 = arith.constant 0 : i32
    %dma_start3A_135 = tpu.memref_slice %arg6[%dma_start3A_130, %add3A_129, %dma_start3A_134] : memref<6x64x10000xf32, #tpu.memory_space<hbm>> -> memref<1x1x10000xf32, #tpu.memory_space<hbm>>
    %dma_start3A_136 = tpu.memref_squeeze %dma_start3A_135 : memref<1x1x10000xf32, #tpu.memory_space<hbm>> -> memref<10000xf32, #tpu.memory_space<hbm>>
    tpu.enqueue_dma source(%arg12 : memref<10000xf32, #tpu.memory_space<vmem>>) target(%dma_start3A_136 : memref<10000xf32, #tpu.memory_space<hbm>>) target_semaphore(%arg19 : memref<!tpu.dma_semaphore, #tpu.memory_space<semaphore_mem>>)
    %slice3A_137 = vector.extract_strided_slice %get3A_5 {offsets = [3], sizes = [1], strides = [1]} : vector<16xf32> to vector<1xf32>
    %squeeze3A_138 = vector.extract %slice3A_137[0] : f32 from vector<1xf32>
    %scan3A_139 = arith.constant 0 : i32
    %scan3A_140 = arith.constant 0 : i32
    %scan3A_141 = arith.constant 8 : i32
    %scan3A_142 = arith.addi %scan3A_140, %scan3A_141 : i32
    %scan3A_143 = arith.constant 1 : i32
    %scan3A_144 = scf.for %scan3A_305 = %scan3A_140 to %scan3A_142 step %scan3A_143 iter_args(%scan3A_306 = %scan3A_139) -> (i32)  : i32 {
      %mul3A_307 = arith.constant 2 : i32
      %mul3A_308 = arith.muli %mul3A_307, %scan3A_305 : i32
      %mul3A_309 = arith.constant 20000 : i32
      %mul3A_310 = arith.muli %mul3A_308, %mul3A_309 : i32
      %add3A_311 = arith.constant 20000 : i32
      %add3A_312 = arith.addi %mul3A_310, %add3A_311 : i32
      %dma_wait3A_313 = tpu.memref_slice %arg3[%mul3A_310] : memref<320000xi32, #tpu.memory_space<hbm>> -> memref<20000xi32, #tpu.memory_space<hbm>>
      %dma_wait3A_314 = tpu.memref_slice %arg3[%mul3A_310] : memref<320000xi32, #tpu.memory_space<hbm>> -> memref<20000xi32, #tpu.memory_space<hbm>>
      tpu.wait_dma2 semaphore(%arg17 : memref<!tpu.dma_semaphore, #tpu.memory_space<semaphore_mem>>) src(%dma_wait3A_314 : memref<20000xi32, #tpu.memory_space<hbm>>) dst(%arg14 : memref<20000xi32, #tpu.memory_space<vmem>>)
      %dma_start3A_315 = tpu.memref_slice %arg3[%add3A_312] : memref<320000xi32, #tpu.memory_space<hbm>> -> memref<20000xi32, #tpu.memory_space<hbm>>
      %dma_start3A_316 = tpu.memref_slice %arg3[%add3A_312] : memref<320000xi32, #tpu.memory_space<hbm>> -> memref<20000xi32, #tpu.memory_space<hbm>>
      tpu.enqueue_dma source(%dma_start3A_316 : memref<20000xi32, #tpu.memory_space<hbm>>) target(%arg15 : memref<20000xi32, #tpu.memory_space<vmem>>) target_semaphore(%arg18 : memref<!tpu.dma_semaphore, #tpu.memory_space<semaphore_mem>>)
      %scan3A_317 = arith.constant 0 : i32
      %scan3A_318 = arith.constant 0 : i32
      %scan3A_319 = arith.constant 125 : i32
      %scan3A_320 = arith.addi %scan3A_318, %scan3A_319 : i32
      %scan3A_321 = arith.constant 1 : i32
      %scan3A_322 = scf.for %scan3A_340 = %scan3A_318 to %scan3A_320 step %scan3A_321 iter_args(%scan3A_341 = %scan3A_317) -> (i32)  : i32 {
        %mul3A_342 = arith.constant 160 : i32
        %mul3A_343 = arith.muli %scan3A_340, %mul3A_342 : i32
        %add3A_344 = arith.constant 0 : i32
        %add3A_345 = arith.addi %mul3A_343, %add3A_344 : i32
        %get3A_346 = arith.index_cast %add3A_345 : i32 to index
        %get3A_347 = tpu.vector_load %arg14[%get3A_346] {strides = array<i32>} : memref<20000xi32, #tpu.memory_space<vmem>>, vector<16xi32>,
        %mul3A_348 = arith.constant 160 : i32
        %mul3A_349 = arith.muli %scan3A_340, %mul3A_348 : i32
        %add3A_350 = arith.constant 16 : i32
        %add3A_351 = arith.addi %mul3A_349, %add3A_350 : i32
        %get3A_352 = arith.index_cast %add3A_351 : i32 to index
        %get3A_353 = tpu.vector_load %arg14[%get3A_352] {strides = array<i32>} : memref<20000xi32, #tpu.memory_space<vmem>>, vector<16xi32>,
        %mul3A_354 = arith.constant 160 : i32
        %mul3A_355 = arith.muli %scan3A_340, %mul3A_354 : i32
        %add3A_356 = arith.constant 32 : i32
        %add3A_357 = arith.addi %mul3A_355, %add3A_356 : i32
        %get3A_358 = arith.index_cast %add3A_357 : i32 to index
        %get3A_359 = tpu.vector_load %arg14[%get3A_358] {strides = array<i32>} : memref<20000xi32, #tpu.memory_space<vmem>>, vector<16xi32>,
        %mul3A_360 = arith.constant 160 : i32
        %mul3A_361 = arith.muli %scan3A_340, %mul3A_360 : i32
        %add3A_362 = arith.constant 48 : i32
        %add3A_363 = arith.addi %mul3A_361, %add3A_362 : i32
        %get3A_364 = arith.index_cast %add3A_363 : i32 to index
        %get3A_365 = tpu.vector_load %arg14[%get3A_364] {strides = array<i32>} : memref<20000xi32, #tpu.memory_space<vmem>>, vector<16xi32>,
        %mul3A_366 = arith.constant 160 : i32
        %mul3A_367 = arith.muli %scan3A_340, %mul3A_366 : i32
        %add3A_368 = arith.constant 64 : i32
        %add3A_369 = arith.addi %mul3A_367, %add3A_368 : i32
        %get3A_370 = arith.index_cast %add3A_369 : i32 to index
        %get3A_371 = tpu.vector_load %arg14[%get3A_370] {strides = array<i32>} : memref<20000xi32, #tpu.memory_space<vmem>>, vector<16xi32>,
        %mul3A_372 = arith.constant 160 : i32
        %mul3A_373 = arith.muli %scan3A_340, %mul3A_372 : i32
        %add3A_374 = arith.constant 80 : i32
        %add3A_375 = arith.addi %mul3A_373, %add3A_374 : i32
        %get3A_376 = arith.index_cast %add3A_375 : i32 to index
        %get3A_377 = tpu.vector_load %arg14[%get3A_376] {strides = array<i32>} : memref<20000xi32, #tpu.memory_space<vmem>>, vector<16xi32>,
        %mul3A_378 = arith.constant 160 : i32
        %mul3A_379 = arith.muli %scan3A_340, %mul3A_378 : i32
        %add3A_380 = arith.constant 96 : i32
        %add3A_381 = arith.addi %mul3A_379, %add3A_380 : i32
        %get3A_382 = arith.index_cast %add3A_381 : i32 to index
        %get3A_383 = tpu.vector_load %arg14[%get3A_382] {strides = array<i32>} : memref<20000xi32, #tpu.memory_space<vmem>>, vector<16xi32>,
        %mul3A_384 = arith.constant 160 : i32
        %mul3A_385 = arith.muli %scan3A_340, %mul3A_384 : i32
        %add3A_386 = arith.constant 112 : i32
        %add3A_387 = arith.addi %mul3A_385, %add3A_386 : i32
        %get3A_388 = arith.index_cast %add3A_387 : i32 to index
        %get3A_389 = tpu.vector_load %arg14[%get3A_388] {strides = array<i32>} : memref<20000xi32, #tpu.memory_space<vmem>>, vector<16xi32>,
        %mul3A_390 = arith.constant 160 : i32
        %mul3A_391 = arith.muli %scan3A_340, %mul3A_390 : i32
        %add3A_392 = arith.constant 128 : i32
        %add3A_393 = arith.addi %mul3A_391, %add3A_392 : i32
        %get3A_394 = arith.index_cast %add3A_393 : i32 to index
        %get3A_395 = tpu.vector_load %arg14[%get3A_394] {strides = array<i32>} : memref<20000xi32, #tpu.memory_space<vmem>>, vector<16xi32>,
        %mul3A_396 = arith.constant 160 : i32
        %mul3A_397 = arith.muli %scan3A_340, %mul3A_396 : i32
        %add3A_398 = arith.constant 144 : i32
        %add3A_399 = arith.addi %mul3A_397, %add3A_398 : i32
        %get3A_400 = arith.index_cast %add3A_399 : i32 to index
        %get3A_401 = tpu.vector_load %arg14[%get3A_400] {strides = array<i32>} : memref<20000xi32, #tpu.memory_space<vmem>>, vector<16xi32>,
        %shift_right_logical3A = arith.constant 14 : i32
        %shift_right_logical3A_402 = vector.broadcast %shift_right_logical3A : i32 to vector<16xi32>
        %shift_right_logical3A_403 = arith.shrui %get3A_347, %shift_right_logical3A_402 : vector<16xi32>
        %shift_right_logical3A_404 = arith.constant 14 : i32
        %shift_right_logical3A_405 = vector.broadcast %shift_right_logical3A_404 : i32 to vector<16xi32>
        %shift_right_logical3A_406 = arith.shrui %get3A_353, %shift_right_logical3A_405 : vector<16xi32>
        %shift_right_logical3A_407 = arith.constant 14 : i32
        %shift_right_logical3A_408 = vector.broadcast %shift_right_logical3A_407 : i32 to vector<16xi32>
        %shift_right_logical3A_409 = arith.shrui %get3A_359, %shift_right_logical3A_408 : vector<16xi32>
        %shift_right_logical3A_410 = arith.constant 14 : i32
        %shift_right_logical3A_411 = vector.broadcast %shift_right_logical3A_410 : i32 to vector<16xi32>
        %shift_right_logical3A_412 = arith.shrui %get3A_365, %shift_right_logical3A_411 : vector<16xi32>
        %shift_right_logical3A_413 = arith.constant 14 : i32
        %shift_right_logical3A_414 = vector.broadcast %shift_right_logical3A_413 : i32 to vector<16xi32>
        %shift_right_logical3A_415 = arith.shrui %get3A_371, %shift_right_logical3A_414 : vector<16xi32>
        %shift_right_logical3A_416 = arith.constant 14 : i32
        %shift_right_logical3A_417 = vector.broadcast %shift_right_logical3A_416 : i32 to vector<16xi32>
        %shift_right_logical3A_418 = arith.shrui %get3A_377, %shift_right_logical3A_417 : vector<16xi32>
        %shift_right_logical3A_419 = arith.constant 14 : i32
        %shift_right_logical3A_420 = vector.broadcast %shift_right_logical3A_419 : i32 to vector<16xi32>
        %shift_right_logical3A_421 = arith.shrui %get3A_383, %shift_right_logical3A_420 : vector<16xi32>
        %shift_right_logical3A_422 = arith.constant 14 : i32
        %shift_right_logical3A_423 = vector.broadcast %shift_right_logical3A_422 : i32 to vector<16xi32>
        %shift_right_logical3A_424 = arith.shrui %get3A_389, %shift_right_logical3A_423 : vector<16xi32>
        %shift_right_logical3A_425 = arith.constant 14 : i32
        %shift_right_logical3A_426 = vector.broadcast %shift_right_logical3A_425 : i32 to vector<16xi32>
        %shift_right_logical3A_427 = arith.shrui %get3A_395, %shift_right_logical3A_426 : vector<16xi32>
        %shift_right_logical3A_428 = arith.constant 14 : i32
        %shift_right_logical3A_429 = vector.broadcast %shift_right_logical3A_428 : i32 to vector<16xi32>
        %shift_right_logical3A_430 = arith.shrui %get3A_401, %shift_right_logical3A_429 : vector<16xi32>
        %and3A = arith.andi %get3A_347, %broadcast_in_dim3A_8 : vector<16xi32>
        %and3A_431 = arith.andi %get3A_353, %broadcast_in_dim3A_8 : vector<16xi32>
        %and3A_432 = arith.andi %get3A_359, %broadcast_in_dim3A_8 : vector<16xi32>
        %and3A_433 = arith.andi %get3A_365, %broadcast_in_dim3A_8 : vector<16xi32>
        %and3A_434 = arith.andi %get3A_371, %broadcast_in_dim3A_8 : vector<16xi32>
        %and3A_435 = arith.andi %get3A_377, %broadcast_in_dim3A_8 : vector<16xi32>
        %and3A_436 = arith.andi %get3A_383, %broadcast_in_dim3A_8 : vector<16xi32>
        %and3A_437 = arith.andi %get3A_389, %broadcast_in_dim3A_8 : vector<16xi32>
        %and3A_438 = arith.andi %get3A_395, %broadcast_in_dim3A_8 : vector<16xi32>
        %and3A_439 = arith.andi %get3A_401, %broadcast_in_dim3A_8 : vector<16xi32>
        %gather3A = tpu.vector_load_idx %arg7[%shift_right_logical3A_403] : memref<10000xf32, #tpu.memory_space<vmem>>[vector<16xi32>], vector<16xf32>,
        %gather3A_440 = tpu.vector_load_idx %arg7[%shift_right_logical3A_406] : memref<10000xf32, #tpu.memory_space<vmem>>[vector<16xi32>], vector<16xf32>,
        %gather3A_441 = tpu.vector_load_idx %arg7[%shift_right_logical3A_409] : memref<10000xf32, #tpu.memory_space<vmem>>[vector<16xi32>], vector<16xf32>,
        %gather3A_442 = tpu.vector_load_idx %arg7[%shift_right_logical3A_412] : memref<10000xf32, #tpu.memory_space<vmem>>[vector<16xi32>], vector<16xf32>,
        %gather3A_443 = tpu.vector_load_idx %arg7[%shift_right_logical3A_415] : memref<10000xf32, #tpu.memory_space<vmem>>[vector<16xi32>], vector<16xf32>,
        %gather3A_444 = tpu.vector_load_idx %arg7[%shift_right_logical3A_418] : memref<10000xf32, #tpu.memory_space<vmem>>[vector<16xi32>], vector<16xf32>,
        %gather3A_445 = tpu.vector_load_idx %arg7[%shift_right_logical3A_421] : memref<10000xf32, #tpu.memory_space<vmem>>[vector<16xi32>], vector<16xf32>,
        %gather3A_446 = tpu.vector_load_idx %arg7[%shift_right_logical3A_424] : memref<10000xf32, #tpu.memory_space<vmem>>[vector<16xi32>], vector<16xf32>,
        %gather3A_447 = tpu.vector_load_idx %arg7[%shift_right_logical3A_427] : memref<10000xf32, #tpu.memory_space<vmem>>[vector<16xi32>], vector<16xf32>,
        %gather3A_448 = tpu.vector_load_idx %arg7[%shift_right_logical3A_430] : memref<10000xf32, #tpu.memory_space<vmem>>[vector<16xi32>], vector<16xf32>,
        %gather3A_449 = tpu.vector_load_idx %arg8[%shift_right_logical3A_403] : memref<10000xf32, #tpu.memory_space<vmem>>[vector<16xi32>], vector<16xf32>,
        %gather3A_450 = tpu.vector_load_idx %arg8[%shift_right_logical3A_406] : memref<10000xf32, #tpu.memory_space<vmem>>[vector<16xi32>], vector<16xf32>,
        %gather3A_451 = tpu.vector_load_idx %arg8[%shift_right_logical3A_409] : memref<10000xf32, #tpu.memory_space<vmem>>[vector<16xi32>], vector<16xf32>,
        %gather3A_452 = tpu.vector_load_idx %arg8[%shift_right_logical3A_412] : memref<10000xf32, #tpu.memory_space<vmem>>[vector<16xi32>], vector<16xf32>,
        %gather3A_453 = tpu.vector_load_idx %arg8[%shift_right_logical3A_415] : memref<10000xf32, #tpu.memory_space<vmem>>[vector<16xi32>], vector<16xf32>,
        %gather3A_454 = tpu.vector_load_idx %arg8[%shift_right_logical3A_418] : memref<10000xf32, #tpu.memory_space<vmem>>[vector<16xi32>], vector<16xf32>,
        %gather3A_455 = tpu.vector_load_idx %arg8[%shift_right_logical3A_421] : memref<10000xf32, #tpu.memory_space<vmem>>[vector<16xi32>], vector<16xf32>,
        %gather3A_456 = tpu.vector_load_idx %arg8[%shift_right_logical3A_424] : memref<10000xf32, #tpu.memory_space<vmem>>[vector<16xi32>], vector<16xf32>,
        %gather3A_457 = tpu.vector_load_idx %arg8[%shift_right_logical3A_427] : memref<10000xf32, #tpu.memory_space<vmem>>[vector<16xi32>], vector<16xf32>,
        %gather3A_458 = tpu.vector_load_idx %arg8[%shift_right_logical3A_430] : memref<10000xf32, #tpu.memory_space<vmem>>[vector<16xi32>], vector<16xf32>,
        tpu.vector_store_idx %arg9[%and3A], %gather3A {add = true} : memref<10000xf32, #tpu.memory_space<vmem>>[vector<16xi32>], vector<16xf32>,
        tpu.vector_store_idx %arg10[%and3A], %gather3A_449 {add = true} : memref<10000xf32, #tpu.memory_space<vmem>>[vector<16xi32>], vector<16xf32>,
        tpu.vector_store_idx %arg9[%and3A_431], %gather3A_440 {add = true} : memref<10000xf32, #tpu.memory_space<vmem>>[vector<16xi32>], vector<16xf32>,
        tpu.vector_store_idx %arg10[%and3A_431], %gather3A_450 {add = true} : memref<10000xf32, #tpu.memory_space<vmem>>[vector<16xi32>], vector<16xf32>,
        tpu.vector_store_idx %arg9[%and3A_432], %gather3A_441 {add = true} : memref<10000xf32, #tpu.memory_space<vmem>>[vector<16xi32>], vector<16xf32>,
        tpu.vector_store_idx %arg10[%and3A_432], %gather3A_451 {add = true} : memref<10000xf32, #tpu.memory_space<vmem>>[vector<16xi32>], vector<16xf32>,
        tpu.vector_store_idx %arg9[%and3A_433], %gather3A_442 {add = true} : memref<10000xf32, #tpu.memory_space<vmem>>[vector<16xi32>], vector<16xf32>,
        tpu.vector_store_idx %arg10[%and3A_433], %gather3A_452 {add = true} : memref<10000xf32, #tpu.memory_space<vmem>>[vector<16xi32>], vector<16xf32>,
        tpu.vector_store_idx %arg9[%and3A_434], %gather3A_443 {add = true} : memref<10000xf32, #tpu.memory_space<vmem>>[vector<16xi32>], vector<16xf32>,
        tpu.vector_store_idx %arg10[%and3A_434], %gather3A_453 {add = true} : memref<10000xf32, #tpu.memory_space<vmem>>[vector<16xi32>], vector<16xf32>,
        tpu.vector_store_idx %arg9[%and3A_435], %gather3A_444 {add = true} : memref<10000xf32, #tpu.memory_space<vmem>>[vector<16xi32>], vector<16xf32>,
        tpu.vector_store_idx %arg10[%and3A_435], %gather3A_454 {add = true} : memref<10000xf32, #tpu.memory_space<vmem>>[vector<16xi32>], vector<16xf32>,
        tpu.vector_store_idx %arg9[%and3A_436], %gather3A_445 {add = true} : memref<10000xf32, #tpu.memory_space<vmem>>[vector<16xi32>], vector<16xf32>,
        tpu.vector_store_idx %arg10[%and3A_436], %gather3A_455 {add = true} : memref<10000xf32, #tpu.memory_space<vmem>>[vector<16xi32>], vector<16xf32>,
        tpu.vector_store_idx %arg9[%and3A_437], %gather3A_446 {add = true} : memref<10000xf32, #tpu.memory_space<vmem>>[vector<16xi32>], vector<16xf32>,
        tpu.vector_store_idx %arg10[%and3A_437], %gather3A_456 {add = true} : memref<10000xf32, #tpu.memory_space<vmem>>[vector<16xi32>], vector<16xf32>,
        tpu.vector_store_idx %arg9[%and3A_438], %gather3A_447 {add = true} : memref<10000xf32, #tpu.memory_space<vmem>>[vector<16xi32>], vector<16xf32>,
        tpu.vector_store_idx %arg10[%and3A_438], %gather3A_457 {add = true} : memref<10000xf32, #tpu.memory_space<vmem>>[vector<16xi32>], vector<16xf32>,
        tpu.vector_store_idx %arg9[%and3A_439], %gather3A_448 {add = true} : memref<10000xf32, #tpu.memory_space<vmem>>[vector<16xi32>], vector<16xf32>,
        tpu.vector_store_idx %arg10[%and3A_439], %gather3A_458 {add = true} : memref<10000xf32, #tpu.memory_space<vmem>>[vector<16xi32>], vector<16xf32>,
        %scan3A_459 = arith.constant 0 : i32
        scf.yield %scan3A_459 : i32
      }
      %scan3A_323 = arith.constant 125 : i32
      %dma_wait3A_324 = tpu.memref_slice %arg3[%add3A_312] : memref<320000xi32, #tpu.memory_space<hbm>> -> memref<20000xi32, #tpu.memory_space<hbm>>
      %dma_wait3A_325 = tpu.memref_slice %arg3[%add3A_312] : memref<320000xi32, #tpu.memory_space<hbm>> -> memref<20000xi32, #tpu.memory_space<hbm>>
      tpu.wait_dma2 semaphore(%arg18 : memref<!tpu.dma_semaphore, #tpu.memory_space<semaphore_mem>>) src(%dma_wait3A_325 : memref<20000xi32, #tpu.memory_space<hbm>>) dst(%arg15 : memref<20000xi32, #tpu.memory_space<vmem>>)
      %mul3A_326 = arith.constant 2 : i32
      %mul3A_327 = arith.muli %mul3A_326, %scan3A_305 : i32
      %add3A_328 = arith.constant 2 : i32
      %add3A_329 = arith.addi %mul3A_327, %add3A_328 : i32
      %lt3A = arith.constant 16 : i32
      %lt3A_330 = arith.cmpi slt, %add3A_329, %lt3A : i32
      %convert_element_type3A = arith.extui %lt3A_330 : i1 to i32
      %cond3A = arith.constant 0 : i32
      %cond3A_331 = arith.cmpi ne, %convert_element_type3A, %cond3A : i32
      scf.if %cond3A_331 {
        %add3A_340 = arith.constant 20000 : i32
        %add3A_341 = arith.addi %add3A_312, %add3A_340 : i32
        %dma_start3A_342 = tpu.memref_slice %arg3[%add3A_341] : memref<320000xi32, #tpu.memory_space<hbm>> -> memref<20000xi32, #tpu.memory_space<hbm>>
        %dma_start3A_343 = tpu.memref_slice %arg3[%add3A_341] : memref<320000xi32, #tpu.memory_space<hbm>> -> memref<20000xi32, #tpu.memory_space<hbm>>
        tpu.enqueue_dma source(%dma_start3A_343 : memref<20000xi32, #tpu.memory_space<hbm>>) target(%arg14 : memref<20000xi32, #tpu.memory_space<vmem>>) target_semaphore(%arg17 : memref<!tpu.dma_semaphore, #tpu.memory_space<semaphore_mem>>)
      } else {
      }
      %scan3A_332 = arith.constant 0 : i32
      %scan3A_333 = arith.constant 0 : i32
      %scan3A_334 = arith.constant 125 : i32
      %scan3A_335 = arith.addi %scan3A_333, %scan3A_334 : i32
      %scan3A_336 = arith.constant 1 : i32
      %scan3A_337 = scf.for %scan3A_340 = %scan3A_333 to %scan3A_335 step %scan3A_336 iter_args(%scan3A_341 = %scan3A_332) -> (i32)  : i32 {
        %mul3A_342 = arith.constant 160 : i32
        %mul3A_343 = arith.muli %scan3A_340, %mul3A_342 : i32
        %add3A_344 = arith.constant 0 : i32
        %add3A_345 = arith.addi %mul3A_343, %add3A_344 : i32
        %get3A_346 = arith.index_cast %add3A_345 : i32 to index
        %get3A_347 = tpu.vector_load %arg15[%get3A_346] {strides = array<i32>} : memref<20000xi32, #tpu.memory_space<vmem>>, vector<16xi32>,
        %mul3A_348 = arith.constant 160 : i32
        %mul3A_349 = arith.muli %scan3A_340, %mul3A_348 : i32
        %add3A_350 = arith.constant 16 : i32
        %add3A_351 = arith.addi %mul3A_349, %add3A_350 : i32
        %get3A_352 = arith.index_cast %add3A_351 : i32 to index
        %get3A_353 = tpu.vector_load %arg15[%get3A_352] {strides = array<i32>} : memref<20000xi32, #tpu.memory_space<vmem>>, vector<16xi32>,
        %mul3A_354 = arith.constant 160 : i32
        %mul3A_355 = arith.muli %scan3A_340, %mul3A_354 : i32
        %add3A_356 = arith.constant 32 : i32
        %add3A_357 = arith.addi %mul3A_355, %add3A_356 : i32
        %get3A_358 = arith.index_cast %add3A_357 : i32 to index
        %get3A_359 = tpu.vector_load %arg15[%get3A_358] {strides = array<i32>} : memref<20000xi32, #tpu.memory_space<vmem>>, vector<16xi32>,
        %mul3A_360 = arith.constant 160 : i32
        %mul3A_361 = arith.muli %scan3A_340, %mul3A_360 : i32
        %add3A_362 = arith.constant 48 : i32
        %add3A_363 = arith.addi %mul3A_361, %add3A_362 : i32
        %get3A_364 = arith.index_cast %add3A_363 : i32 to index
        %get3A_365 = tpu.vector_load %arg15[%get3A_364] {strides = array<i32>} : memref<20000xi32, #tpu.memory_space<vmem>>, vector<16xi32>,
        %mul3A_366 = arith.constant 160 : i32
        %mul3A_367 = arith.muli %scan3A_340, %mul3A_366 : i32
        %add3A_368 = arith.constant 64 : i32
        %add3A_369 = arith.addi %mul3A_367, %add3A_368 : i32
        %get3A_370 = arith.index_cast %add3A_369 : i32 to index
        %get3A_371 = tpu.vector_load %arg15[%get3A_370] {strides = array<i32>} : memref<20000xi32, #tpu.memory_space<vmem>>, vector<16xi32>,
        %mul3A_372 = arith.constant 160 : i32
        %mul3A_373 = arith.muli %scan3A_340, %mul3A_372 : i32
        %add3A_374 = arith.constant 80 : i32
        %add3A_375 = arith.addi %mul3A_373, %add3A_374 : i32
        %get3A_376 = arith.index_cast %add3A_375 : i32 to index
        %get3A_377 = tpu.vector_load %arg15[%get3A_376] {strides = array<i32>} : memref<20000xi32, #tpu.memory_space<vmem>>, vector<16xi32>,
        %mul3A_378 = arith.constant 160 : i32
        %mul3A_379 = arith.muli %scan3A_340, %mul3A_378 : i32
        %add3A_380 = arith.constant 96 : i32
        %add3A_381 = arith.addi %mul3A_379, %add3A_380 : i32
        %get3A_382 = arith.index_cast %add3A_381 : i32 to index
        %get3A_383 = tpu.vector_load %arg15[%get3A_382] {strides = array<i32>} : memref<20000xi32, #tpu.memory_space<vmem>>, vector<16xi32>,
        %mul3A_384 = arith.constant 160 : i32
        %mul3A_385 = arith.muli %scan3A_340, %mul3A_384 : i32
        %add3A_386 = arith.constant 112 : i32
        %add3A_387 = arith.addi %mul3A_385, %add3A_386 : i32
        %get3A_388 = arith.index_cast %add3A_387 : i32 to index
        %get3A_389 = tpu.vector_load %arg15[%get3A_388] {strides = array<i32>} : memref<20000xi32, #tpu.memory_space<vmem>>, vector<16xi32>,
        %mul3A_390 = arith.constant 160 : i32
        %mul3A_391 = arith.muli %scan3A_340, %mul3A_390 : i32
        %add3A_392 = arith.constant 128 : i32
        %add3A_393 = arith.addi %mul3A_391, %add3A_392 : i32
        %get3A_394 = arith.index_cast %add3A_393 : i32 to index
        %get3A_395 = tpu.vector_load %arg15[%get3A_394] {strides = array<i32>} : memref<20000xi32, #tpu.memory_space<vmem>>, vector<16xi32>,
        %mul3A_396 = arith.constant 160 : i32
        %mul3A_397 = arith.muli %scan3A_340, %mul3A_396 : i32
        %add3A_398 = arith.constant 144 : i32
        %add3A_399 = arith.addi %mul3A_397, %add3A_398 : i32
        %get3A_400 = arith.index_cast %add3A_399 : i32 to index
        %get3A_401 = tpu.vector_load %arg15[%get3A_400] {strides = array<i32>} : memref<20000xi32, #tpu.memory_space<vmem>>, vector<16xi32>,
        %shift_right_logical3A = arith.constant 14 : i32
        %shift_right_logical3A_402 = vector.broadcast %shift_right_logical3A : i32 to vector<16xi32>
        %shift_right_logical3A_403 = arith.shrui %get3A_347, %shift_right_logical3A_402 : vector<16xi32>
        %shift_right_logical3A_404 = arith.constant 14 : i32
        %shift_right_logical3A_405 = vector.broadcast %shift_right_logical3A_404 : i32 to vector<16xi32>
        %shift_right_logical3A_406 = arith.shrui %get3A_353, %shift_right_logical3A_405 : vector<16xi32>
        %shift_right_logical3A_407 = arith.constant 14 : i32
        %shift_right_logical3A_408 = vector.broadcast %shift_right_logical3A_407 : i32 to vector<16xi32>
        %shift_right_logical3A_409 = arith.shrui %get3A_359, %shift_right_logical3A_408 : vector<16xi32>
        %shift_right_logical3A_410 = arith.constant 14 : i32
        %shift_right_logical3A_411 = vector.broadcast %shift_right_logical3A_410 : i32 to vector<16xi32>
        %shift_right_logical3A_412 = arith.shrui %get3A_365, %shift_right_logical3A_411 : vector<16xi32>
        %shift_right_logical3A_413 = arith.constant 14 : i32
        %shift_right_logical3A_414 = vector.broadcast %shift_right_logical3A_413 : i32 to vector<16xi32>
        %shift_right_logical3A_415 = arith.shrui %get3A_371, %shift_right_logical3A_414 : vector<16xi32>
        %shift_right_logical3A_416 = arith.constant 14 : i32
        %shift_right_logical3A_417 = vector.broadcast %shift_right_logical3A_416 : i32 to vector<16xi32>
        %shift_right_logical3A_418 = arith.shrui %get3A_377, %shift_right_logical3A_417 : vector<16xi32>
        %shift_right_logical3A_419 = arith.constant 14 : i32
        %shift_right_logical3A_420 = vector.broadcast %shift_right_logical3A_419 : i32 to vector<16xi32>
        %shift_right_logical3A_421 = arith.shrui %get3A_383, %shift_right_logical3A_420 : vector<16xi32>
        %shift_right_logical3A_422 = arith.constant 14 : i32
        %shift_right_logical3A_423 = vector.broadcast %shift_right_logical3A_422 : i32 to vector<16xi32>
        %shift_right_logical3A_424 = arith.shrui %get3A_389, %shift_right_logical3A_423 : vector<16xi32>
        %shift_right_logical3A_425 = arith.constant 14 : i32
        %shift_right_logical3A_426 = vector.broadcast %shift_right_logical3A_425 : i32 to vector<16xi32>
        %shift_right_logical3A_427 = arith.shrui %get3A_395, %shift_right_logical3A_426 : vector<16xi32>
        %shift_right_logical3A_428 = arith.constant 14 : i32
        %shift_right_logical3A_429 = vector.broadcast %shift_right_logical3A_428 : i32 to vector<16xi32>
        %shift_right_logical3A_430 = arith.shrui %get3A_401, %shift_right_logical3A_429 : vector<16xi32>
        %and3A = arith.andi %get3A_347, %broadcast_in_dim3A_8 : vector<16xi32>
        %and3A_431 = arith.andi %get3A_353, %broadcast_in_dim3A_8 : vector<16xi32>
        %and3A_432 = arith.andi %get3A_359, %broadcast_in_dim3A_8 : vector<16xi32>
        %and3A_433 = arith.andi %get3A_365, %broadcast_in_dim3A_8 : vector<16xi32>
        %and3A_434 = arith.andi %get3A_371, %broadcast_in_dim3A_8 : vector<16xi32>
        %and3A_435 = arith.andi %get3A_377, %broadcast_in_dim3A_8 : vector<16xi32>
        %and3A_436 = arith.andi %get3A_383, %broadcast_in_dim3A_8 : vector<16xi32>
        %and3A_437 = arith.andi %get3A_389, %broadcast_in_dim3A_8 : vector<16xi32>
        %and3A_438 = arith.andi %get3A_395, %broadcast_in_dim3A_8 : vector<16xi32>
        %and3A_439 = arith.andi %get3A_401, %broadcast_in_dim3A_8 : vector<16xi32>
        %gather3A = tpu.vector_load_idx %arg7[%shift_right_logical3A_403] : memref<10000xf32, #tpu.memory_space<vmem>>[vector<16xi32>], vector<16xf32>,
        %gather3A_440 = tpu.vector_load_idx %arg7[%shift_right_logical3A_406] : memref<10000xf32, #tpu.memory_space<vmem>>[vector<16xi32>], vector<16xf32>,
        %gather3A_441 = tpu.vector_load_idx %arg7[%shift_right_logical3A_409] : memref<10000xf32, #tpu.memory_space<vmem>>[vector<16xi32>], vector<16xf32>,
        %gather3A_442 = tpu.vector_load_idx %arg7[%shift_right_logical3A_412] : memref<10000xf32, #tpu.memory_space<vmem>>[vector<16xi32>], vector<16xf32>,
        %gather3A_443 = tpu.vector_load_idx %arg7[%shift_right_logical3A_415] : memref<10000xf32, #tpu.memory_space<vmem>>[vector<16xi32>], vector<16xf32>,
        %gather3A_444 = tpu.vector_load_idx %arg7[%shift_right_logical3A_418] : memref<10000xf32, #tpu.memory_space<vmem>>[vector<16xi32>], vector<16xf32>,
        %gather3A_445 = tpu.vector_load_idx %arg7[%shift_right_logical3A_421] : memref<10000xf32, #tpu.memory_space<vmem>>[vector<16xi32>], vector<16xf32>,
        %gather3A_446 = tpu.vector_load_idx %arg7[%shift_right_logical3A_424] : memref<10000xf32, #tpu.memory_space<vmem>>[vector<16xi32>], vector<16xf32>,
        %gather3A_447 = tpu.vector_load_idx %arg7[%shift_right_logical3A_427] : memref<10000xf32, #tpu.memory_space<vmem>>[vector<16xi32>], vector<16xf32>,
        %gather3A_448 = tpu.vector_load_idx %arg7[%shift_right_logical3A_430] : memref<10000xf32, #tpu.memory_space<vmem>>[vector<16xi32>], vector<16xf32>,
        %gather3A_449 = tpu.vector_load_idx %arg8[%shift_right_logical3A_403] : memref<10000xf32, #tpu.memory_space<vmem>>[vector<16xi32>], vector<16xf32>,
        %gather3A_450 = tpu.vector_load_idx %arg8[%shift_right_logical3A_406] : memref<10000xf32, #tpu.memory_space<vmem>>[vector<16xi32>], vector<16xf32>,
        %gather3A_451 = tpu.vector_load_idx %arg8[%shift_right_logical3A_409] : memref<10000xf32, #tpu.memory_space<vmem>>[vector<16xi32>], vector<16xf32>,
        %gather3A_452 = tpu.vector_load_idx %arg8[%shift_right_logical3A_412] : memref<10000xf32, #tpu.memory_space<vmem>>[vector<16xi32>], vector<16xf32>,
        %gather3A_453 = tpu.vector_load_idx %arg8[%shift_right_logical3A_415] : memref<10000xf32, #tpu.memory_space<vmem>>[vector<16xi32>], vector<16xf32>,
        %gather3A_454 = tpu.vector_load_idx %arg8[%shift_right_logical3A_418] : memref<10000xf32, #tpu.memory_space<vmem>>[vector<16xi32>], vector<16xf32>,
        %gather3A_455 = tpu.vector_load_idx %arg8[%shift_right_logical3A_421] : memref<10000xf32, #tpu.memory_space<vmem>>[vector<16xi32>], vector<16xf32>,
        %gather3A_456 = tpu.vector_load_idx %arg8[%shift_right_logical3A_424] : memref<10000xf32, #tpu.memory_space<vmem>>[vector<16xi32>], vector<16xf32>,
        %gather3A_457 = tpu.vector_load_idx %arg8[%shift_right_logical3A_427] : memref<10000xf32, #tpu.memory_space<vmem>>[vector<16xi32>], vector<16xf32>,
        %gather3A_458 = tpu.vector_load_idx %arg8[%shift_right_logical3A_430] : memref<10000xf32, #tpu.memory_space<vmem>>[vector<16xi32>], vector<16xf32>,
        tpu.vector_store_idx %arg9[%and3A], %gather3A {add = true} : memref<10000xf32, #tpu.memory_space<vmem>>[vector<16xi32>], vector<16xf32>,
        tpu.vector_store_idx %arg10[%and3A], %gather3A_449 {add = true} : memref<10000xf32, #tpu.memory_space<vmem>>[vector<16xi32>], vector<16xf32>,
        tpu.vector_store_idx %arg9[%and3A_431], %gather3A_440 {add = true} : memref<10000xf32, #tpu.memory_space<vmem>>[vector<16xi32>], vector<16xf32>,
        tpu.vector_store_idx %arg10[%and3A_431], %gather3A_450 {add = true} : memref<10000xf32, #tpu.memory_space<vmem>>[vector<16xi32>], vector<16xf32>,
        tpu.vector_store_idx %arg9[%and3A_432], %gather3A_441 {add = true} : memref<10000xf32, #tpu.memory_space<vmem>>[vector<16xi32>], vector<16xf32>,
        tpu.vector_store_idx %arg10[%and3A_432], %gather3A_451 {add = true} : memref<10000xf32, #tpu.memory_space<vmem>>[vector<16xi32>], vector<16xf32>,
        tpu.vector_store_idx %arg9[%and3A_433], %gather3A_442 {add = true} : memref<10000xf32, #tpu.memory_space<vmem>>[vector<16xi32>], vector<16xf32>,
        tpu.vector_store_idx %arg10[%and3A_433], %gather3A_452 {add = true} : memref<10000xf32, #tpu.memory_space<vmem>>[vector<16xi32>], vector<16xf32>,
        tpu.vector_store_idx %arg9[%and3A_434], %gather3A_443 {add = true} : memref<10000xf32, #tpu.memory_space<vmem>>[vector<16xi32>], vector<16xf32>,
        tpu.vector_store_idx %arg10[%and3A_434], %gather3A_453 {add = true} : memref<10000xf32, #tpu.memory_space<vmem>>[vector<16xi32>], vector<16xf32>,
        tpu.vector_store_idx %arg9[%and3A_435], %gather3A_444 {add = true} : memref<10000xf32, #tpu.memory_space<vmem>>[vector<16xi32>], vector<16xf32>,
        tpu.vector_store_idx %arg10[%and3A_435], %gather3A_454 {add = true} : memref<10000xf32, #tpu.memory_space<vmem>>[vector<16xi32>], vector<16xf32>,
        tpu.vector_store_idx %arg9[%and3A_436], %gather3A_445 {add = true} : memref<10000xf32, #tpu.memory_space<vmem>>[vector<16xi32>], vector<16xf32>,
        tpu.vector_store_idx %arg10[%and3A_436], %gather3A_455 {add = true} : memref<10000xf32, #tpu.memory_space<vmem>>[vector<16xi32>], vector<16xf32>,
        tpu.vector_store_idx %arg9[%and3A_437], %gather3A_446 {add = true} : memref<10000xf32, #tpu.memory_space<vmem>>[vector<16xi32>], vector<16xf32>,
        tpu.vector_store_idx %arg10[%and3A_437], %gather3A_456 {add = true} : memref<10000xf32, #tpu.memory_space<vmem>>[vector<16xi32>], vector<16xf32>,
        tpu.vector_store_idx %arg9[%and3A_438], %gather3A_447 {add = true} : memref<10000xf32, #tpu.memory_space<vmem>>[vector<16xi32>], vector<16xf32>,
        tpu.vector_store_idx %arg10[%and3A_438], %gather3A_457 {add = true} : memref<10000xf32, #tpu.memory_space<vmem>>[vector<16xi32>], vector<16xf32>,
        tpu.vector_store_idx %arg9[%and3A_439], %gather3A_448 {add = true} : memref<10000xf32, #tpu.memory_space<vmem>>[vector<16xi32>], vector<16xf32>,
        tpu.vector_store_idx %arg10[%and3A_439], %gather3A_458 {add = true} : memref<10000xf32, #tpu.memory_space<vmem>>[vector<16xi32>], vector<16xf32>,
        %scan3A_459 = arith.constant 0 : i32
        scf.yield %scan3A_459 : i32
      }
      %scan3A_338 = arith.constant 125 : i32
      %scan3A_339 = arith.constant 0 : i32
      scf.yield %scan3A_339 : i32
    }
    %scan3A_145 = arith.constant 8 : i32
    %dma_start3A_146 = arith.constant 0 : i32
    %dma_start3A_147 = tpu.memref_slice %arg3[%dma_start3A_146] : memref<320000xi32, #tpu.memory_space<hbm>> -> memref<20000xi32, #tpu.memory_space<hbm>>
    %dma_start3A_148 = arith.constant 0 : i32
    %dma_start3A_149 = tpu.memref_slice %arg3[%dma_start3A_148] : memref<320000xi32, #tpu.memory_space<hbm>> -> memref<20000xi32, #tpu.memory_space<hbm>>
    tpu.enqueue_dma source(%dma_start3A_149 : memref<20000xi32, #tpu.memory_space<hbm>>) target(%arg14 : memref<20000xi32, #tpu.memory_space<vmem>>) target_semaphore(%arg17 : memref<!tpu.dma_semaphore, #tpu.memory_space<semaphore_mem>>)
    %dma_wait3A_150 = arith.constant 2 : i32
    %dma_wait3A_151 = arith.constant 0 : i32
    %dma_wait3A_152 = tpu.memref_slice %arg6[%dma_wait3A_150, %mul3A_2, %dma_wait3A_151] : memref<6x64x10000xf32, #tpu.memory_space<hbm>> -> memref<1x1x10000xf32, #tpu.memory_space<hbm>>
    %dma_wait3A_153 = tpu.memref_squeeze %dma_wait3A_152 : memref<1x1x10000xf32, #tpu.memory_space<hbm>> -> memref<10000xf32, #tpu.memory_space<hbm>>
    %dma_wait3A_154 = arith.constant 0 : i32
    %dma_wait3A_155 = tpu.memref_slice %arg6[%dma_wait3A_150, %mul3A_2, %dma_wait3A_154] : memref<6x64x10000xf32, #tpu.memory_space<hbm>> -> memref<1x1x10000xf32, #tpu.memory_space<hbm>>
    %dma_wait3A_156 = tpu.memref_squeeze %dma_wait3A_155 : memref<1x1x10000xf32, #tpu.memory_space<hbm>> -> memref<10000xf32, #tpu.memory_space<hbm>>
    tpu.wait_dma2 semaphore(%arg19 : memref<!tpu.dma_semaphore, #tpu.memory_space<semaphore_mem>>) src(%arg11 : memref<10000xf32, #tpu.memory_space<vmem>>) dst(%dma_wait3A_156 : memref<10000xf32, #tpu.memory_space<hbm>>)
    %add3A_157 = arith.constant 1 : i32
    %add3A_158 = arith.addi %mul3A_2, %add3A_157 : i32
    %dma_wait3A_159 = arith.constant 2 : i32
    %dma_wait3A_160 = arith.constant 0 : i32
    %dma_wait3A_161 = tpu.memref_slice %arg6[%dma_wait3A_159, %add3A_158, %dma_wait3A_160] : memref<6x64x10000xf32, #tpu.memory_space<hbm>> -> memref<1x1x10000xf32, #tpu.memory_space<hbm>>
    %dma_wait3A_162 = tpu.memref_squeeze %dma_wait3A_161 : memref<1x1x10000xf32, #tpu.memory_space<hbm>> -> memref<10000xf32, #tpu.memory_space<hbm>>
    %dma_wait3A_163 = arith.constant 0 : i32
    %dma_wait3A_164 = tpu.memref_slice %arg6[%dma_wait3A_159, %add3A_158, %dma_wait3A_163] : memref<6x64x10000xf32, #tpu.memory_space<hbm>> -> memref<1x1x10000xf32, #tpu.memory_space<hbm>>
    %dma_wait3A_165 = tpu.memref_squeeze %dma_wait3A_164 : memref<1x1x10000xf32, #tpu.memory_space<hbm>> -> memref<10000xf32, #tpu.memory_space<hbm>>
    tpu.wait_dma2 semaphore(%arg19 : memref<!tpu.dma_semaphore, #tpu.memory_space<semaphore_mem>>) src(%arg12 : memref<10000xf32, #tpu.memory_space<vmem>>) dst(%dma_wait3A_165 : memref<10000xf32, #tpu.memory_space<hbm>>)
    %scan3A_166 = arith.constant 0 : i32
    %scan3A_167 = arith.constant 0 : i32
    %scan3A_168 = arith.constant 625 : i32
    %scan3A_169 = arith.addi %scan3A_167, %scan3A_168 : i32
    %scan3A_170 = arith.constant 1 : i32
    %scan3A_171 = scf.for %scan3A_305 = %scan3A_167 to %scan3A_169 step %scan3A_170 iter_args(%scan3A_306 = %scan3A_166) -> (i32)  : i32 {
      %mul3A_307 = arith.constant 16 : i32
      %mul3A_308 = arith.muli %scan3A_305, %mul3A_307 : i32
      %get3A_309 = arith.constant 1 : i32
      %get3A_310 = arith.index_cast %get3A_309 : i32 to index
      %get3A_311 = arith.index_cast %mul3A_308 : i32 to index
      %get3A_312 = tpu.vector_load %arg13[%get3A_310, %get3A_311] {strides = array<i32>} : memref<2x10000xf32, #tpu.memory_space<vmem>>, vector<16xf32>,
      %mul3A_313 = vector.broadcast %squeeze3A_138 : f32 to vector<16xf32>
      %mul3A_314 = arith.mulf %get3A_312, %mul3A_313 : vector<16xf32>
      %get3A_315 = arith.index_cast %mul3A_308 : i32 to index
      %get3A_316 = tpu.vector_load %arg9[%get3A_315] {strides = array<i32>} : memref<10000xf32, #tpu.memory_space<vmem>>, vector<16xf32>,
      %mul3A_317 = arith.mulf %get3A_316, %mul3A_314 : vector<16xf32>
      %get3A_318 = arith.index_cast %mul3A_308 : i32 to index
      %get3A_319 = tpu.vector_load %arg10[%get3A_318] {strides = array<i32>} : memref<10000xf32, #tpu.memory_space<vmem>>, vector<16xf32>,
      %mul3A_320 = arith.mulf %get3A_319, %mul3A_314 : vector<16xf32>
      %swap3A = arith.index_cast %mul3A_308 : i32 to index
      %swap3A_321 = tpu.vector_load %arg11[%swap3A] {strides = array<i32>} : memref<10000xf32, #tpu.memory_space<vmem>>, vector<16xf32>,
      tpu.vector_store %arg11[%swap3A], %mul3A_317 {strides = array<i32>} : memref<10000xf32, #tpu.memory_space<vmem>>, vector<16xf32>,
      %swap3A_322 = arith.index_cast %mul3A_308 : i32 to index
      %swap3A_323 = tpu.vector_load %arg12[%swap3A_322] {strides = array<i32>} : memref<10000xf32, #tpu.memory_space<vmem>>, vector<16xf32>,
      tpu.vector_store %arg12[%swap3A_322], %mul3A_320 {strides = array<i32>} : memref<10000xf32, #tpu.memory_space<vmem>>, vector<16xf32>,
      %get3A_324 = arith.constant 0 : i32
      %get3A_325 = arith.index_cast %get3A_324 : i32 to index
      %get3A_326 = arith.index_cast %mul3A_308 : i32 to index
      %get3A_327 = tpu.vector_load %arg13[%get3A_325, %get3A_326] {strides = array<i32>} : memref<2x10000xf32, #tpu.memory_space<vmem>>, vector<16xf32>,
      %mul3A_328 = arith.mulf %mul3A_317, %get3A_327 : vector<16xf32>
      %swap3A_329 = arith.index_cast %mul3A_308 : i32 to index
      %swap3A_330 = tpu.vector_load %arg7[%swap3A_329] {strides = array<i32>} : memref<10000xf32, #tpu.memory_space<vmem>>, vector<16xf32>,
      tpu.vector_store %arg7[%swap3A_329], %mul3A_328 {strides = array<i32>} : memref<10000xf32, #tpu.memory_space<vmem>>, vector<16xf32>,
      %mul3A_331 = arith.mulf %mul3A_320, %get3A_327 : vector<16xf32>
      %swap3A_332 = arith.index_cast %mul3A_308 : i32 to index
      %swap3A_333 = tpu.vector_load %arg8[%swap3A_332] {strides = array<i32>} : memref<10000xf32, #tpu.memory_space<vmem>>, vector<16xf32>,
      tpu.vector_store %arg8[%swap3A_332], %mul3A_331 {strides = array<i32>} : memref<10000xf32, #tpu.memory_space<vmem>>, vector<16xf32>,
      %swap3A_334 = arith.index_cast %mul3A_308 : i32 to index
      %swap3A_335 = tpu.vector_load %arg9[%swap3A_334] {strides = array<i32>} : memref<10000xf32, #tpu.memory_space<vmem>>, vector<16xf32>,
      tpu.vector_store %arg9[%swap3A_334], %broadcast_in_dim3A_6 {strides = array<i32>} : memref<10000xf32, #tpu.memory_space<vmem>>, vector<16xf32>,
      %swap3A_336 = arith.index_cast %mul3A_308 : i32 to index
      %swap3A_337 = tpu.vector_load %arg10[%swap3A_336] {strides = array<i32>} : memref<10000xf32, #tpu.memory_space<vmem>>, vector<16xf32>,
      tpu.vector_store %arg10[%swap3A_336], %broadcast_in_dim3A_6 {strides = array<i32>} : memref<10000xf32, #tpu.memory_space<vmem>>, vector<16xf32>,
      %scan3A_338 = arith.constant 0 : i32
      scf.yield %scan3A_338 : i32
    }
    %scan3A_172 = arith.constant 625 : i32
    %dma_start3A_173 = arith.constant 3 : i32
    %dma_start3A_174 = arith.constant 0 : i32
    %dma_start3A_175 = tpu.memref_slice %arg6[%dma_start3A_173, %mul3A_2, %dma_start3A_174] : memref<6x64x10000xf32, #tpu.memory_space<hbm>> -> memref<1x1x10000xf32, #tpu.memory_space<hbm>>
    %dma_start3A_176 = tpu.memref_squeeze %dma_start3A_175 : memref<1x1x10000xf32, #tpu.memory_space<hbm>> -> memref<10000xf32, #tpu.memory_space<hbm>>
    %dma_start3A_177 = arith.constant 0 : i32
    %dma_start3A_178 = tpu.memref_slice %arg6[%dma_start3A_173, %mul3A_2, %dma_start3A_177] : memref<6x64x10000xf32, #tpu.memory_space<hbm>> -> memref<1x1x10000xf32, #tpu.memory_space<hbm>>
    %dma_start3A_179 = tpu.memref_squeeze %dma_start3A_178 : memref<1x1x10000xf32, #tpu.memory_space<hbm>> -> memref<10000xf32, #tpu.memory_space<hbm>>
    tpu.enqueue_dma source(%arg11 : memref<10000xf32, #tpu.memory_space<vmem>>) target(%dma_start3A_179 : memref<10000xf32, #tpu.memory_space<hbm>>) target_semaphore(%arg19 : memref<!tpu.dma_semaphore, #tpu.memory_space<semaphore_mem>>)
    %add3A_180 = arith.constant 1 : i32
    %add3A_181 = arith.addi %mul3A_2, %add3A_180 : i32
    %dma_start3A_182 = arith.constant 3 : i32
    %dma_start3A_183 = arith.constant 0 : i32
    %dma_start3A_184 = tpu.memref_slice %arg6[%dma_start3A_182, %add3A_181, %dma_start3A_183] : memref<6x64x10000xf32, #tpu.memory_space<hbm>> -> memref<1x1x10000xf32, #tpu.memory_space<hbm>>
    %dma_start3A_185 = tpu.memref_squeeze %dma_start3A_184 : memref<1x1x10000xf32, #tpu.memory_space<hbm>> -> memref<10000xf32, #tpu.memory_space<hbm>>
    %dma_start3A_186 = arith.constant 0 : i32
    %dma_start3A_187 = tpu.memref_slice %arg6[%dma_start3A_182, %add3A_181, %dma_start3A_186] : memref<6x64x10000xf32, #tpu.memory_space<hbm>> -> memref<1x1x10000xf32, #tpu.memory_space<hbm>>
    %dma_start3A_188 = tpu.memref_squeeze %dma_start3A_187 : memref<1x1x10000xf32, #tpu.memory_space<hbm>> -> memref<10000xf32, #tpu.memory_space<hbm>>
    tpu.enqueue_dma source(%arg12 : memref<10000xf32, #tpu.memory_space<vmem>>) target(%dma_start3A_188 : memref<10000xf32, #tpu.memory_space<hbm>>) target_semaphore(%arg19 : memref<!tpu.dma_semaphore, #tpu.memory_space<semaphore_mem>>)
    %slice3A_189 = vector.extract_strided_slice %get3A_5 {offsets = [4], sizes = [1], strides = [1]} : vector<16xf32> to vector<1xf32>
    %squeeze3A_190 = vector.extract %slice3A_189[0] : f32 from vector<1xf32>
    %scan3A_191 = arith.constant 0 : i32
    %scan3A_192 = arith.constant 0 : i32
    %scan3A_193 = arith.constant 8 : i32
    %scan3A_194 = arith.addi %scan3A_192, %scan3A_193 : i32
    %scan3A_195 = arith.constant 1 : i32
    %scan3A_196 = scf.for %scan3A_305 = %scan3A_192 to %scan3A_194 step %scan3A_195 iter_args(%scan3A_306 = %scan3A_191) -> (i32)  : i32 {
      %mul3A_307 = arith.constant 2 : i32
      %mul3A_308 = arith.muli %mul3A_307, %scan3A_305 : i32
      %mul3A_309 = arith.constant 20000 : i32
      %mul3A_310 = arith.muli %mul3A_308, %mul3A_309 : i32
      %add3A_311 = arith.constant 20000 : i32
      %add3A_312 = arith.addi %mul3A_310, %add3A_311 : i32
      %dma_wait3A_313 = tpu.memref_slice %arg3[%mul3A_310] : memref<320000xi32, #tpu.memory_space<hbm>> -> memref<20000xi32, #tpu.memory_space<hbm>>
      %dma_wait3A_314 = tpu.memref_slice %arg3[%mul3A_310] : memref<320000xi32, #tpu.memory_space<hbm>> -> memref<20000xi32, #tpu.memory_space<hbm>>
      tpu.wait_dma2 semaphore(%arg17 : memref<!tpu.dma_semaphore, #tpu.memory_space<semaphore_mem>>) src(%dma_wait3A_314 : memref<20000xi32, #tpu.memory_space<hbm>>) dst(%arg14 : memref<20000xi32, #tpu.memory_space<vmem>>)
      %dma_start3A_315 = tpu.memref_slice %arg3[%add3A_312] : memref<320000xi32, #tpu.memory_space<hbm>> -> memref<20000xi32, #tpu.memory_space<hbm>>
      %dma_start3A_316 = tpu.memref_slice %arg3[%add3A_312] : memref<320000xi32, #tpu.memory_space<hbm>> -> memref<20000xi32, #tpu.memory_space<hbm>>
      tpu.enqueue_dma source(%dma_start3A_316 : memref<20000xi32, #tpu.memory_space<hbm>>) target(%arg15 : memref<20000xi32, #tpu.memory_space<vmem>>) target_semaphore(%arg18 : memref<!tpu.dma_semaphore, #tpu.memory_space<semaphore_mem>>)
      %scan3A_317 = arith.constant 0 : i32
      %scan3A_318 = arith.constant 0 : i32
      %scan3A_319 = arith.constant 125 : i32
      %scan3A_320 = arith.addi %scan3A_318, %scan3A_319 : i32
      %scan3A_321 = arith.constant 1 : i32
      %scan3A_322 = scf.for %scan3A_340 = %scan3A_318 to %scan3A_320 step %scan3A_321 iter_args(%scan3A_341 = %scan3A_317) -> (i32)  : i32 {
        %mul3A_342 = arith.constant 160 : i32
        %mul3A_343 = arith.muli %scan3A_340, %mul3A_342 : i32
        %add3A_344 = arith.constant 0 : i32
        %add3A_345 = arith.addi %mul3A_343, %add3A_344 : i32
        %get3A_346 = arith.index_cast %add3A_345 : i32 to index
        %get3A_347 = tpu.vector_load %arg14[%get3A_346] {strides = array<i32>} : memref<20000xi32, #tpu.memory_space<vmem>>, vector<16xi32>,
        %mul3A_348 = arith.constant 160 : i32
        %mul3A_349 = arith.muli %scan3A_340, %mul3A_348 : i32
        %add3A_350 = arith.constant 16 : i32
        %add3A_351 = arith.addi %mul3A_349, %add3A_350 : i32
        %get3A_352 = arith.index_cast %add3A_351 : i32 to index
        %get3A_353 = tpu.vector_load %arg14[%get3A_352] {strides = array<i32>} : memref<20000xi32, #tpu.memory_space<vmem>>, vector<16xi32>,
        %mul3A_354 = arith.constant 160 : i32
        %mul3A_355 = arith.muli %scan3A_340, %mul3A_354 : i32
        %add3A_356 = arith.constant 32 : i32
        %add3A_357 = arith.addi %mul3A_355, %add3A_356 : i32
        %get3A_358 = arith.index_cast %add3A_357 : i32 to index
        %get3A_359 = tpu.vector_load %arg14[%get3A_358] {strides = array<i32>} : memref<20000xi32, #tpu.memory_space<vmem>>, vector<16xi32>,
        %mul3A_360 = arith.constant 160 : i32
        %mul3A_361 = arith.muli %scan3A_340, %mul3A_360 : i32
        %add3A_362 = arith.constant 48 : i32
        %add3A_363 = arith.addi %mul3A_361, %add3A_362 : i32
        %get3A_364 = arith.index_cast %add3A_363 : i32 to index
        %get3A_365 = tpu.vector_load %arg14[%get3A_364] {strides = array<i32>} : memref<20000xi32, #tpu.memory_space<vmem>>, vector<16xi32>,
        %mul3A_366 = arith.constant 160 : i32
        %mul3A_367 = arith.muli %scan3A_340, %mul3A_366 : i32
        %add3A_368 = arith.constant 64 : i32
        %add3A_369 = arith.addi %mul3A_367, %add3A_368 : i32
        %get3A_370 = arith.index_cast %add3A_369 : i32 to index
        %get3A_371 = tpu.vector_load %arg14[%get3A_370] {strides = array<i32>} : memref<20000xi32, #tpu.memory_space<vmem>>, vector<16xi32>,
        %mul3A_372 = arith.constant 160 : i32
        %mul3A_373 = arith.muli %scan3A_340, %mul3A_372 : i32
        %add3A_374 = arith.constant 80 : i32
        %add3A_375 = arith.addi %mul3A_373, %add3A_374 : i32
        %get3A_376 = arith.index_cast %add3A_375 : i32 to index
        %get3A_377 = tpu.vector_load %arg14[%get3A_376] {strides = array<i32>} : memref<20000xi32, #tpu.memory_space<vmem>>, vector<16xi32>,
        %mul3A_378 = arith.constant 160 : i32
        %mul3A_379 = arith.muli %scan3A_340, %mul3A_378 : i32
        %add3A_380 = arith.constant 96 : i32
        %add3A_381 = arith.addi %mul3A_379, %add3A_380 : i32
        %get3A_382 = arith.index_cast %add3A_381 : i32 to index
        %get3A_383 = tpu.vector_load %arg14[%get3A_382] {strides = array<i32>} : memref<20000xi32, #tpu.memory_space<vmem>>, vector<16xi32>,
        %mul3A_384 = arith.constant 160 : i32
        %mul3A_385 = arith.muli %scan3A_340, %mul3A_384 : i32
        %add3A_386 = arith.constant 112 : i32
        %add3A_387 = arith.addi %mul3A_385, %add3A_386 : i32
        %get3A_388 = arith.index_cast %add3A_387 : i32 to index
        %get3A_389 = tpu.vector_load %arg14[%get3A_388] {strides = array<i32>} : memref<20000xi32, #tpu.memory_space<vmem>>, vector<16xi32>,
        %mul3A_390 = arith.constant 160 : i32
        %mul3A_391 = arith.muli %scan3A_340, %mul3A_390 : i32
        %add3A_392 = arith.constant 128 : i32
        %add3A_393 = arith.addi %mul3A_391, %add3A_392 : i32
        %get3A_394 = arith.index_cast %add3A_393 : i32 to index
        %get3A_395 = tpu.vector_load %arg14[%get3A_394] {strides = array<i32>} : memref<20000xi32, #tpu.memory_space<vmem>>, vector<16xi32>,
        %mul3A_396 = arith.constant 160 : i32
        %mul3A_397 = arith.muli %scan3A_340, %mul3A_396 : i32
        %add3A_398 = arith.constant 144 : i32
        %add3A_399 = arith.addi %mul3A_397, %add3A_398 : i32
        %get3A_400 = arith.index_cast %add3A_399 : i32 to index
        %get3A_401 = tpu.vector_load %arg14[%get3A_400] {strides = array<i32>} : memref<20000xi32, #tpu.memory_space<vmem>>, vector<16xi32>,
        %shift_right_logical3A = arith.constant 14 : i32
        %shift_right_logical3A_402 = vector.broadcast %shift_right_logical3A : i32 to vector<16xi32>
        %shift_right_logical3A_403 = arith.shrui %get3A_347, %shift_right_logical3A_402 : vector<16xi32>
        %shift_right_logical3A_404 = arith.constant 14 : i32
        %shift_right_logical3A_405 = vector.broadcast %shift_right_logical3A_404 : i32 to vector<16xi32>
        %shift_right_logical3A_406 = arith.shrui %get3A_353, %shift_right_logical3A_405 : vector<16xi32>
        %shift_right_logical3A_407 = arith.constant 14 : i32
        %shift_right_logical3A_408 = vector.broadcast %shift_right_logical3A_407 : i32 to vector<16xi32>
        %shift_right_logical3A_409 = arith.shrui %get3A_359, %shift_right_logical3A_408 : vector<16xi32>
        %shift_right_logical3A_410 = arith.constant 14 : i32
        %shift_right_logical3A_411 = vector.broadcast %shift_right_logical3A_410 : i32 to vector<16xi32>
        %shift_right_logical3A_412 = arith.shrui %get3A_365, %shift_right_logical3A_411 : vector<16xi32>
        %shift_right_logical3A_413 = arith.constant 14 : i32
        %shift_right_logical3A_414 = vector.broadcast %shift_right_logical3A_413 : i32 to vector<16xi32>
        %shift_right_logical3A_415 = arith.shrui %get3A_371, %shift_right_logical3A_414 : vector<16xi32>
        %shift_right_logical3A_416 = arith.constant 14 : i32
        %shift_right_logical3A_417 = vector.broadcast %shift_right_logical3A_416 : i32 to vector<16xi32>
        %shift_right_logical3A_418 = arith.shrui %get3A_377, %shift_right_logical3A_417 : vector<16xi32>
        %shift_right_logical3A_419 = arith.constant 14 : i32
        %shift_right_logical3A_420 = vector.broadcast %shift_right_logical3A_419 : i32 to vector<16xi32>
        %shift_right_logical3A_421 = arith.shrui %get3A_383, %shift_right_logical3A_420 : vector<16xi32>
        %shift_right_logical3A_422 = arith.constant 14 : i32
        %shift_right_logical3A_423 = vector.broadcast %shift_right_logical3A_422 : i32 to vector<16xi32>
        %shift_right_logical3A_424 = arith.shrui %get3A_389, %shift_right_logical3A_423 : vector<16xi32>
        %shift_right_logical3A_425 = arith.constant 14 : i32
        %shift_right_logical3A_426 = vector.broadcast %shift_right_logical3A_425 : i32 to vector<16xi32>
        %shift_right_logical3A_427 = arith.shrui %get3A_395, %shift_right_logical3A_426 : vector<16xi32>
        %shift_right_logical3A_428 = arith.constant 14 : i32
        %shift_right_logical3A_429 = vector.broadcast %shift_right_logical3A_428 : i32 to vector<16xi32>
        %shift_right_logical3A_430 = arith.shrui %get3A_401, %shift_right_logical3A_429 : vector<16xi32>
        %and3A = arith.andi %get3A_347, %broadcast_in_dim3A_8 : vector<16xi32>
        %and3A_431 = arith.andi %get3A_353, %broadcast_in_dim3A_8 : vector<16xi32>
        %and3A_432 = arith.andi %get3A_359, %broadcast_in_dim3A_8 : vector<16xi32>
        %and3A_433 = arith.andi %get3A_365, %broadcast_in_dim3A_8 : vector<16xi32>
        %and3A_434 = arith.andi %get3A_371, %broadcast_in_dim3A_8 : vector<16xi32>
        %and3A_435 = arith.andi %get3A_377, %broadcast_in_dim3A_8 : vector<16xi32>
        %and3A_436 = arith.andi %get3A_383, %broadcast_in_dim3A_8 : vector<16xi32>
        %and3A_437 = arith.andi %get3A_389, %broadcast_in_dim3A_8 : vector<16xi32>
        %and3A_438 = arith.andi %get3A_395, %broadcast_in_dim3A_8 : vector<16xi32>
        %and3A_439 = arith.andi %get3A_401, %broadcast_in_dim3A_8 : vector<16xi32>
        %gather3A = tpu.vector_load_idx %arg7[%shift_right_logical3A_403] : memref<10000xf32, #tpu.memory_space<vmem>>[vector<16xi32>], vector<16xf32>,
        %gather3A_440 = tpu.vector_load_idx %arg7[%shift_right_logical3A_406] : memref<10000xf32, #tpu.memory_space<vmem>>[vector<16xi32>], vector<16xf32>,
        %gather3A_441 = tpu.vector_load_idx %arg7[%shift_right_logical3A_409] : memref<10000xf32, #tpu.memory_space<vmem>>[vector<16xi32>], vector<16xf32>,
        %gather3A_442 = tpu.vector_load_idx %arg7[%shift_right_logical3A_412] : memref<10000xf32, #tpu.memory_space<vmem>>[vector<16xi32>], vector<16xf32>,
        %gather3A_443 = tpu.vector_load_idx %arg7[%shift_right_logical3A_415] : memref<10000xf32, #tpu.memory_space<vmem>>[vector<16xi32>], vector<16xf32>,
        %gather3A_444 = tpu.vector_load_idx %arg7[%shift_right_logical3A_418] : memref<10000xf32, #tpu.memory_space<vmem>>[vector<16xi32>], vector<16xf32>,
        %gather3A_445 = tpu.vector_load_idx %arg7[%shift_right_logical3A_421] : memref<10000xf32, #tpu.memory_space<vmem>>[vector<16xi32>], vector<16xf32>,
        %gather3A_446 = tpu.vector_load_idx %arg7[%shift_right_logical3A_424] : memref<10000xf32, #tpu.memory_space<vmem>>[vector<16xi32>], vector<16xf32>,
        %gather3A_447 = tpu.vector_load_idx %arg7[%shift_right_logical3A_427] : memref<10000xf32, #tpu.memory_space<vmem>>[vector<16xi32>], vector<16xf32>,
        %gather3A_448 = tpu.vector_load_idx %arg7[%shift_right_logical3A_430] : memref<10000xf32, #tpu.memory_space<vmem>>[vector<16xi32>], vector<16xf32>,
        %gather3A_449 = tpu.vector_load_idx %arg8[%shift_right_logical3A_403] : memref<10000xf32, #tpu.memory_space<vmem>>[vector<16xi32>], vector<16xf32>,
        %gather3A_450 = tpu.vector_load_idx %arg8[%shift_right_logical3A_406] : memref<10000xf32, #tpu.memory_space<vmem>>[vector<16xi32>], vector<16xf32>,
        %gather3A_451 = tpu.vector_load_idx %arg8[%shift_right_logical3A_409] : memref<10000xf32, #tpu.memory_space<vmem>>[vector<16xi32>], vector<16xf32>,
        %gather3A_452 = tpu.vector_load_idx %arg8[%shift_right_logical3A_412] : memref<10000xf32, #tpu.memory_space<vmem>>[vector<16xi32>], vector<16xf32>,
        %gather3A_453 = tpu.vector_load_idx %arg8[%shift_right_logical3A_415] : memref<10000xf32, #tpu.memory_space<vmem>>[vector<16xi32>], vector<16xf32>,
        %gather3A_454 = tpu.vector_load_idx %arg8[%shift_right_logical3A_418] : memref<10000xf32, #tpu.memory_space<vmem>>[vector<16xi32>], vector<16xf32>,
        %gather3A_455 = tpu.vector_load_idx %arg8[%shift_right_logical3A_421] : memref<10000xf32, #tpu.memory_space<vmem>>[vector<16xi32>], vector<16xf32>,
        %gather3A_456 = tpu.vector_load_idx %arg8[%shift_right_logical3A_424] : memref<10000xf32, #tpu.memory_space<vmem>>[vector<16xi32>], vector<16xf32>,
        %gather3A_457 = tpu.vector_load_idx %arg8[%shift_right_logical3A_427] : memref<10000xf32, #tpu.memory_space<vmem>>[vector<16xi32>], vector<16xf32>,
        %gather3A_458 = tpu.vector_load_idx %arg8[%shift_right_logical3A_430] : memref<10000xf32, #tpu.memory_space<vmem>>[vector<16xi32>], vector<16xf32>,
        tpu.vector_store_idx %arg9[%and3A], %gather3A {add = true} : memref<10000xf32, #tpu.memory_space<vmem>>[vector<16xi32>], vector<16xf32>,
        tpu.vector_store_idx %arg10[%and3A], %gather3A_449 {add = true} : memref<10000xf32, #tpu.memory_space<vmem>>[vector<16xi32>], vector<16xf32>,
        tpu.vector_store_idx %arg9[%and3A_431], %gather3A_440 {add = true} : memref<10000xf32, #tpu.memory_space<vmem>>[vector<16xi32>], vector<16xf32>,
        tpu.vector_store_idx %arg10[%and3A_431], %gather3A_450 {add = true} : memref<10000xf32, #tpu.memory_space<vmem>>[vector<16xi32>], vector<16xf32>,
        tpu.vector_store_idx %arg9[%and3A_432], %gather3A_441 {add = true} : memref<10000xf32, #tpu.memory_space<vmem>>[vector<16xi32>], vector<16xf32>,
        tpu.vector_store_idx %arg10[%and3A_432], %gather3A_451 {add = true} : memref<10000xf32, #tpu.memory_space<vmem>>[vector<16xi32>], vector<16xf32>,
        tpu.vector_store_idx %arg9[%and3A_433], %gather3A_442 {add = true} : memref<10000xf32, #tpu.memory_space<vmem>>[vector<16xi32>], vector<16xf32>,
        tpu.vector_store_idx %arg10[%and3A_433], %gather3A_452 {add = true} : memref<10000xf32, #tpu.memory_space<vmem>>[vector<16xi32>], vector<16xf32>,
        tpu.vector_store_idx %arg9[%and3A_434], %gather3A_443 {add = true} : memref<10000xf32, #tpu.memory_space<vmem>>[vector<16xi32>], vector<16xf32>,
        tpu.vector_store_idx %arg10[%and3A_434], %gather3A_453 {add = true} : memref<10000xf32, #tpu.memory_space<vmem>>[vector<16xi32>], vector<16xf32>,
        tpu.vector_store_idx %arg9[%and3A_435], %gather3A_444 {add = true} : memref<10000xf32, #tpu.memory_space<vmem>>[vector<16xi32>], vector<16xf32>,
        tpu.vector_store_idx %arg10[%and3A_435], %gather3A_454 {add = true} : memref<10000xf32, #tpu.memory_space<vmem>>[vector<16xi32>], vector<16xf32>,
        tpu.vector_store_idx %arg9[%and3A_436], %gather3A_445 {add = true} : memref<10000xf32, #tpu.memory_space<vmem>>[vector<16xi32>], vector<16xf32>,
        tpu.vector_store_idx %arg10[%and3A_436], %gather3A_455 {add = true} : memref<10000xf32, #tpu.memory_space<vmem>>[vector<16xi32>], vector<16xf32>,
        tpu.vector_store_idx %arg9[%and3A_437], %gather3A_446 {add = true} : memref<10000xf32, #tpu.memory_space<vmem>>[vector<16xi32>], vector<16xf32>,
        tpu.vector_store_idx %arg10[%and3A_437], %gather3A_456 {add = true} : memref<10000xf32, #tpu.memory_space<vmem>>[vector<16xi32>], vector<16xf32>,
        tpu.vector_store_idx %arg9[%and3A_438], %gather3A_447 {add = true} : memref<10000xf32, #tpu.memory_space<vmem>>[vector<16xi32>], vector<16xf32>,
        tpu.vector_store_idx %arg10[%and3A_438], %gather3A_457 {add = true} : memref<10000xf32, #tpu.memory_space<vmem>>[vector<16xi32>], vector<16xf32>,
        tpu.vector_store_idx %arg9[%and3A_439], %gather3A_448 {add = true} : memref<10000xf32, #tpu.memory_space<vmem>>[vector<16xi32>], vector<16xf32>,
        tpu.vector_store_idx %arg10[%and3A_439], %gather3A_458 {add = true} : memref<10000xf32, #tpu.memory_space<vmem>>[vector<16xi32>], vector<16xf32>,
        %scan3A_459 = arith.constant 0 : i32
        scf.yield %scan3A_459 : i32
      }
      %scan3A_323 = arith.constant 125 : i32
      %dma_wait3A_324 = tpu.memref_slice %arg3[%add3A_312] : memref<320000xi32, #tpu.memory_space<hbm>> -> memref<20000xi32, #tpu.memory_space<hbm>>
      %dma_wait3A_325 = tpu.memref_slice %arg3[%add3A_312] : memref<320000xi32, #tpu.memory_space<hbm>> -> memref<20000xi32, #tpu.memory_space<hbm>>
      tpu.wait_dma2 semaphore(%arg18 : memref<!tpu.dma_semaphore, #tpu.memory_space<semaphore_mem>>) src(%dma_wait3A_325 : memref<20000xi32, #tpu.memory_space<hbm>>) dst(%arg15 : memref<20000xi32, #tpu.memory_space<vmem>>)
      %mul3A_326 = arith.constant 2 : i32
      %mul3A_327 = arith.muli %mul3A_326, %scan3A_305 : i32
      %add3A_328 = arith.constant 2 : i32
      %add3A_329 = arith.addi %mul3A_327, %add3A_328 : i32
      %lt3A = arith.constant 16 : i32
      %lt3A_330 = arith.cmpi slt, %add3A_329, %lt3A : i32
      %convert_element_type3A = arith.extui %lt3A_330 : i1 to i32
      %cond3A = arith.constant 0 : i32
      %cond3A_331 = arith.cmpi ne, %convert_element_type3A, %cond3A : i32
      scf.if %cond3A_331 {
        %add3A_340 = arith.constant 20000 : i32
        %add3A_341 = arith.addi %add3A_312, %add3A_340 : i32
        %dma_start3A_342 = tpu.memref_slice %arg3[%add3A_341] : memref<320000xi32, #tpu.memory_space<hbm>> -> memref<20000xi32, #tpu.memory_space<hbm>>
        %dma_start3A_343 = tpu.memref_slice %arg3[%add3A_341] : memref<320000xi32, #tpu.memory_space<hbm>> -> memref<20000xi32, #tpu.memory_space<hbm>>
        tpu.enqueue_dma source(%dma_start3A_343 : memref<20000xi32, #tpu.memory_space<hbm>>) target(%arg14 : memref<20000xi32, #tpu.memory_space<vmem>>) target_semaphore(%arg17 : memref<!tpu.dma_semaphore, #tpu.memory_space<semaphore_mem>>)
      } else {
      }
      %scan3A_332 = arith.constant 0 : i32
      %scan3A_333 = arith.constant 0 : i32
      %scan3A_334 = arith.constant 125 : i32
      %scan3A_335 = arith.addi %scan3A_333, %scan3A_334 : i32
      %scan3A_336 = arith.constant 1 : i32
      %scan3A_337 = scf.for %scan3A_340 = %scan3A_333 to %scan3A_335 step %scan3A_336 iter_args(%scan3A_341 = %scan3A_332) -> (i32)  : i32 {
        %mul3A_342 = arith.constant 160 : i32
        %mul3A_343 = arith.muli %scan3A_340, %mul3A_342 : i32
        %add3A_344 = arith.constant 0 : i32
        %add3A_345 = arith.addi %mul3A_343, %add3A_344 : i32
        %get3A_346 = arith.index_cast %add3A_345 : i32 to index
        %get3A_347 = tpu.vector_load %arg15[%get3A_346] {strides = array<i32>} : memref<20000xi32, #tpu.memory_space<vmem>>, vector<16xi32>,
        %mul3A_348 = arith.constant 160 : i32
        %mul3A_349 = arith.muli %scan3A_340, %mul3A_348 : i32
        %add3A_350 = arith.constant 16 : i32
        %add3A_351 = arith.addi %mul3A_349, %add3A_350 : i32
        %get3A_352 = arith.index_cast %add3A_351 : i32 to index
        %get3A_353 = tpu.vector_load %arg15[%get3A_352] {strides = array<i32>} : memref<20000xi32, #tpu.memory_space<vmem>>, vector<16xi32>,
        %mul3A_354 = arith.constant 160 : i32
        %mul3A_355 = arith.muli %scan3A_340, %mul3A_354 : i32
        %add3A_356 = arith.constant 32 : i32
        %add3A_357 = arith.addi %mul3A_355, %add3A_356 : i32
        %get3A_358 = arith.index_cast %add3A_357 : i32 to index
        %get3A_359 = tpu.vector_load %arg15[%get3A_358] {strides = array<i32>} : memref<20000xi32, #tpu.memory_space<vmem>>, vector<16xi32>,
        %mul3A_360 = arith.constant 160 : i32
        %mul3A_361 = arith.muli %scan3A_340, %mul3A_360 : i32
        %add3A_362 = arith.constant 48 : i32
        %add3A_363 = arith.addi %mul3A_361, %add3A_362 : i32
        %get3A_364 = arith.index_cast %add3A_363 : i32 to index
        %get3A_365 = tpu.vector_load %arg15[%get3A_364] {strides = array<i32>} : memref<20000xi32, #tpu.memory_space<vmem>>, vector<16xi32>,
        %mul3A_366 = arith.constant 160 : i32
        %mul3A_367 = arith.muli %scan3A_340, %mul3A_366 : i32
        %add3A_368 = arith.constant 64 : i32
        %add3A_369 = arith.addi %mul3A_367, %add3A_368 : i32
        %get3A_370 = arith.index_cast %add3A_369 : i32 to index
        %get3A_371 = tpu.vector_load %arg15[%get3A_370] {strides = array<i32>} : memref<20000xi32, #tpu.memory_space<vmem>>, vector<16xi32>,
        %mul3A_372 = arith.constant 160 : i32
        %mul3A_373 = arith.muli %scan3A_340, %mul3A_372 : i32
        %add3A_374 = arith.constant 80 : i32
        %add3A_375 = arith.addi %mul3A_373, %add3A_374 : i32
        %get3A_376 = arith.index_cast %add3A_375 : i32 to index
        %get3A_377 = tpu.vector_load %arg15[%get3A_376] {strides = array<i32>} : memref<20000xi32, #tpu.memory_space<vmem>>, vector<16xi32>,
        %mul3A_378 = arith.constant 160 : i32
        %mul3A_379 = arith.muli %scan3A_340, %mul3A_378 : i32
        %add3A_380 = arith.constant 96 : i32
        %add3A_381 = arith.addi %mul3A_379, %add3A_380 : i32
        %get3A_382 = arith.index_cast %add3A_381 : i32 to index
        %get3A_383 = tpu.vector_load %arg15[%get3A_382] {strides = array<i32>} : memref<20000xi32, #tpu.memory_space<vmem>>, vector<16xi32>,
        %mul3A_384 = arith.constant 160 : i32
        %mul3A_385 = arith.muli %scan3A_340, %mul3A_384 : i32
        %add3A_386 = arith.constant 112 : i32
        %add3A_387 = arith.addi %mul3A_385, %add3A_386 : i32
        %get3A_388 = arith.index_cast %add3A_387 : i32 to index
        %get3A_389 = tpu.vector_load %arg15[%get3A_388] {strides = array<i32>} : memref<20000xi32, #tpu.memory_space<vmem>>, vector<16xi32>,
        %mul3A_390 = arith.constant 160 : i32
        %mul3A_391 = arith.muli %scan3A_340, %mul3A_390 : i32
        %add3A_392 = arith.constant 128 : i32
        %add3A_393 = arith.addi %mul3A_391, %add3A_392 : i32
        %get3A_394 = arith.index_cast %add3A_393 : i32 to index
        %get3A_395 = tpu.vector_load %arg15[%get3A_394] {strides = array<i32>} : memref<20000xi32, #tpu.memory_space<vmem>>, vector<16xi32>,
        %mul3A_396 = arith.constant 160 : i32
        %mul3A_397 = arith.muli %scan3A_340, %mul3A_396 : i32
        %add3A_398 = arith.constant 144 : i32
        %add3A_399 = arith.addi %mul3A_397, %add3A_398 : i32
        %get3A_400 = arith.index_cast %add3A_399 : i32 to index
        %get3A_401 = tpu.vector_load %arg15[%get3A_400] {strides = array<i32>} : memref<20000xi32, #tpu.memory_space<vmem>>, vector<16xi32>,
        %shift_right_logical3A = arith.constant 14 : i32
        %shift_right_logical3A_402 = vector.broadcast %shift_right_logical3A : i32 to vector<16xi32>
        %shift_right_logical3A_403 = arith.shrui %get3A_347, %shift_right_logical3A_402 : vector<16xi32>
        %shift_right_logical3A_404 = arith.constant 14 : i32
        %shift_right_logical3A_405 = vector.broadcast %shift_right_logical3A_404 : i32 to vector<16xi32>
        %shift_right_logical3A_406 = arith.shrui %get3A_353, %shift_right_logical3A_405 : vector<16xi32>
        %shift_right_logical3A_407 = arith.constant 14 : i32
        %shift_right_logical3A_408 = vector.broadcast %shift_right_logical3A_407 : i32 to vector<16xi32>
        %shift_right_logical3A_409 = arith.shrui %get3A_359, %shift_right_logical3A_408 : vector<16xi32>
        %shift_right_logical3A_410 = arith.constant 14 : i32
        %shift_right_logical3A_411 = vector.broadcast %shift_right_logical3A_410 : i32 to vector<16xi32>
        %shift_right_logical3A_412 = arith.shrui %get3A_365, %shift_right_logical3A_411 : vector<16xi32>
        %shift_right_logical3A_413 = arith.constant 14 : i32
        %shift_right_logical3A_414 = vector.broadcast %shift_right_logical3A_413 : i32 to vector<16xi32>
        %shift_right_logical3A_415 = arith.shrui %get3A_371, %shift_right_logical3A_414 : vector<16xi32>
        %shift_right_logical3A_416 = arith.constant 14 : i32
        %shift_right_logical3A_417 = vector.broadcast %shift_right_logical3A_416 : i32 to vector<16xi32>
        %shift_right_logical3A_418 = arith.shrui %get3A_377, %shift_right_logical3A_417 : vector<16xi32>
        %shift_right_logical3A_419 = arith.constant 14 : i32
        %shift_right_logical3A_420 = vector.broadcast %shift_right_logical3A_419 : i32 to vector<16xi32>
        %shift_right_logical3A_421 = arith.shrui %get3A_383, %shift_right_logical3A_420 : vector<16xi32>
        %shift_right_logical3A_422 = arith.constant 14 : i32
        %shift_right_logical3A_423 = vector.broadcast %shift_right_logical3A_422 : i32 to vector<16xi32>
        %shift_right_logical3A_424 = arith.shrui %get3A_389, %shift_right_logical3A_423 : vector<16xi32>
        %shift_right_logical3A_425 = arith.constant 14 : i32
        %shift_right_logical3A_426 = vector.broadcast %shift_right_logical3A_425 : i32 to vector<16xi32>
        %shift_right_logical3A_427 = arith.shrui %get3A_395, %shift_right_logical3A_426 : vector<16xi32>
        %shift_right_logical3A_428 = arith.constant 14 : i32
        %shift_right_logical3A_429 = vector.broadcast %shift_right_logical3A_428 : i32 to vector<16xi32>
        %shift_right_logical3A_430 = arith.shrui %get3A_401, %shift_right_logical3A_429 : vector<16xi32>
        %and3A = arith.andi %get3A_347, %broadcast_in_dim3A_8 : vector<16xi32>
        %and3A_431 = arith.andi %get3A_353, %broadcast_in_dim3A_8 : vector<16xi32>
        %and3A_432 = arith.andi %get3A_359, %broadcast_in_dim3A_8 : vector<16xi32>
        %and3A_433 = arith.andi %get3A_365, %broadcast_in_dim3A_8 : vector<16xi32>
        %and3A_434 = arith.andi %get3A_371, %broadcast_in_dim3A_8 : vector<16xi32>
        %and3A_435 = arith.andi %get3A_377, %broadcast_in_dim3A_8 : vector<16xi32>
        %and3A_436 = arith.andi %get3A_383, %broadcast_in_dim3A_8 : vector<16xi32>
        %and3A_437 = arith.andi %get3A_389, %broadcast_in_dim3A_8 : vector<16xi32>
        %and3A_438 = arith.andi %get3A_395, %broadcast_in_dim3A_8 : vector<16xi32>
        %and3A_439 = arith.andi %get3A_401, %broadcast_in_dim3A_8 : vector<16xi32>
        %gather3A = tpu.vector_load_idx %arg7[%shift_right_logical3A_403] : memref<10000xf32, #tpu.memory_space<vmem>>[vector<16xi32>], vector<16xf32>,
        %gather3A_440 = tpu.vector_load_idx %arg7[%shift_right_logical3A_406] : memref<10000xf32, #tpu.memory_space<vmem>>[vector<16xi32>], vector<16xf32>,
        %gather3A_441 = tpu.vector_load_idx %arg7[%shift_right_logical3A_409] : memref<10000xf32, #tpu.memory_space<vmem>>[vector<16xi32>], vector<16xf32>,
        %gather3A_442 = tpu.vector_load_idx %arg7[%shift_right_logical3A_412] : memref<10000xf32, #tpu.memory_space<vmem>>[vector<16xi32>], vector<16xf32>,
        %gather3A_443 = tpu.vector_load_idx %arg7[%shift_right_logical3A_415] : memref<10000xf32, #tpu.memory_space<vmem>>[vector<16xi32>], vector<16xf32>,
        %gather3A_444 = tpu.vector_load_idx %arg7[%shift_right_logical3A_418] : memref<10000xf32, #tpu.memory_space<vmem>>[vector<16xi32>], vector<16xf32>,
        %gather3A_445 = tpu.vector_load_idx %arg7[%shift_right_logical3A_421] : memref<10000xf32, #tpu.memory_space<vmem>>[vector<16xi32>], vector<16xf32>,
        %gather3A_446 = tpu.vector_load_idx %arg7[%shift_right_logical3A_424] : memref<10000xf32, #tpu.memory_space<vmem>>[vector<16xi32>], vector<16xf32>,
        %gather3A_447 = tpu.vector_load_idx %arg7[%shift_right_logical3A_427] : memref<10000xf32, #tpu.memory_space<vmem>>[vector<16xi32>], vector<16xf32>,
        %gather3A_448 = tpu.vector_load_idx %arg7[%shift_right_logical3A_430] : memref<10000xf32, #tpu.memory_space<vmem>>[vector<16xi32>], vector<16xf32>,
        %gather3A_449 = tpu.vector_load_idx %arg8[%shift_right_logical3A_403] : memref<10000xf32, #tpu.memory_space<vmem>>[vector<16xi32>], vector<16xf32>,
        %gather3A_450 = tpu.vector_load_idx %arg8[%shift_right_logical3A_406] : memref<10000xf32, #tpu.memory_space<vmem>>[vector<16xi32>], vector<16xf32>,
        %gather3A_451 = tpu.vector_load_idx %arg8[%shift_right_logical3A_409] : memref<10000xf32, #tpu.memory_space<vmem>>[vector<16xi32>], vector<16xf32>,
        %gather3A_452 = tpu.vector_load_idx %arg8[%shift_right_logical3A_412] : memref<10000xf32, #tpu.memory_space<vmem>>[vector<16xi32>], vector<16xf32>,
        %gather3A_453 = tpu.vector_load_idx %arg8[%shift_right_logical3A_415] : memref<10000xf32, #tpu.memory_space<vmem>>[vector<16xi32>], vector<16xf32>,
        %gather3A_454 = tpu.vector_load_idx %arg8[%shift_right_logical3A_418] : memref<10000xf32, #tpu.memory_space<vmem>>[vector<16xi32>], vector<16xf32>,
        %gather3A_455 = tpu.vector_load_idx %arg8[%shift_right_logical3A_421] : memref<10000xf32, #tpu.memory_space<vmem>>[vector<16xi32>], vector<16xf32>,
        %gather3A_456 = tpu.vector_load_idx %arg8[%shift_right_logical3A_424] : memref<10000xf32, #tpu.memory_space<vmem>>[vector<16xi32>], vector<16xf32>,
        %gather3A_457 = tpu.vector_load_idx %arg8[%shift_right_logical3A_427] : memref<10000xf32, #tpu.memory_space<vmem>>[vector<16xi32>], vector<16xf32>,
        %gather3A_458 = tpu.vector_load_idx %arg8[%shift_right_logical3A_430] : memref<10000xf32, #tpu.memory_space<vmem>>[vector<16xi32>], vector<16xf32>,
        tpu.vector_store_idx %arg9[%and3A], %gather3A {add = true} : memref<10000xf32, #tpu.memory_space<vmem>>[vector<16xi32>], vector<16xf32>,
        tpu.vector_store_idx %arg10[%and3A], %gather3A_449 {add = true} : memref<10000xf32, #tpu.memory_space<vmem>>[vector<16xi32>], vector<16xf32>,
        tpu.vector_store_idx %arg9[%and3A_431], %gather3A_440 {add = true} : memref<10000xf32, #tpu.memory_space<vmem>>[vector<16xi32>], vector<16xf32>,
        tpu.vector_store_idx %arg10[%and3A_431], %gather3A_450 {add = true} : memref<10000xf32, #tpu.memory_space<vmem>>[vector<16xi32>], vector<16xf32>,
        tpu.vector_store_idx %arg9[%and3A_432], %gather3A_441 {add = true} : memref<10000xf32, #tpu.memory_space<vmem>>[vector<16xi32>], vector<16xf32>,
        tpu.vector_store_idx %arg10[%and3A_432], %gather3A_451 {add = true} : memref<10000xf32, #tpu.memory_space<vmem>>[vector<16xi32>], vector<16xf32>,
        tpu.vector_store_idx %arg9[%and3A_433], %gather3A_442 {add = true} : memref<10000xf32, #tpu.memory_space<vmem>>[vector<16xi32>], vector<16xf32>,
        tpu.vector_store_idx %arg10[%and3A_433], %gather3A_452 {add = true} : memref<10000xf32, #tpu.memory_space<vmem>>[vector<16xi32>], vector<16xf32>,
        tpu.vector_store_idx %arg9[%and3A_434], %gather3A_443 {add = true} : memref<10000xf32, #tpu.memory_space<vmem>>[vector<16xi32>], vector<16xf32>,
        tpu.vector_store_idx %arg10[%and3A_434], %gather3A_453 {add = true} : memref<10000xf32, #tpu.memory_space<vmem>>[vector<16xi32>], vector<16xf32>,
        tpu.vector_store_idx %arg9[%and3A_435], %gather3A_444 {add = true} : memref<10000xf32, #tpu.memory_space<vmem>>[vector<16xi32>], vector<16xf32>,
        tpu.vector_store_idx %arg10[%and3A_435], %gather3A_454 {add = true} : memref<10000xf32, #tpu.memory_space<vmem>>[vector<16xi32>], vector<16xf32>,
        tpu.vector_store_idx %arg9[%and3A_436], %gather3A_445 {add = true} : memref<10000xf32, #tpu.memory_space<vmem>>[vector<16xi32>], vector<16xf32>,
        tpu.vector_store_idx %arg10[%and3A_436], %gather3A_455 {add = true} : memref<10000xf32, #tpu.memory_space<vmem>>[vector<16xi32>], vector<16xf32>,
        tpu.vector_store_idx %arg9[%and3A_437], %gather3A_446 {add = true} : memref<10000xf32, #tpu.memory_space<vmem>>[vector<16xi32>], vector<16xf32>,
        tpu.vector_store_idx %arg10[%and3A_437], %gather3A_456 {add = true} : memref<10000xf32, #tpu.memory_space<vmem>>[vector<16xi32>], vector<16xf32>,
        tpu.vector_store_idx %arg9[%and3A_438], %gather3A_447 {add = true} : memref<10000xf32, #tpu.memory_space<vmem>>[vector<16xi32>], vector<16xf32>,
        tpu.vector_store_idx %arg10[%and3A_438], %gather3A_457 {add = true} : memref<10000xf32, #tpu.memory_space<vmem>>[vector<16xi32>], vector<16xf32>,
        tpu.vector_store_idx %arg9[%and3A_439], %gather3A_448 {add = true} : memref<10000xf32, #tpu.memory_space<vmem>>[vector<16xi32>], vector<16xf32>,
        tpu.vector_store_idx %arg10[%and3A_439], %gather3A_458 {add = true} : memref<10000xf32, #tpu.memory_space<vmem>>[vector<16xi32>], vector<16xf32>,
        %scan3A_459 = arith.constant 0 : i32
        scf.yield %scan3A_459 : i32
      }
      %scan3A_338 = arith.constant 125 : i32
      %scan3A_339 = arith.constant 0 : i32
      scf.yield %scan3A_339 : i32
    }
    %scan3A_197 = arith.constant 8 : i32
    %dma_start3A_198 = arith.constant 0 : i32
    %dma_start3A_199 = tpu.memref_slice %arg3[%dma_start3A_198] : memref<320000xi32, #tpu.memory_space<hbm>> -> memref<20000xi32, #tpu.memory_space<hbm>>
    %dma_start3A_200 = arith.constant 0 : i32
    %dma_start3A_201 = tpu.memref_slice %arg3[%dma_start3A_200] : memref<320000xi32, #tpu.memory_space<hbm>> -> memref<20000xi32, #tpu.memory_space<hbm>>
    tpu.enqueue_dma source(%dma_start3A_201 : memref<20000xi32, #tpu.memory_space<hbm>>) target(%arg14 : memref<20000xi32, #tpu.memory_space<vmem>>) target_semaphore(%arg17 : memref<!tpu.dma_semaphore, #tpu.memory_space<semaphore_mem>>)
    %dma_wait3A_202 = arith.constant 3 : i32
    %dma_wait3A_203 = arith.constant 0 : i32
    %dma_wait3A_204 = tpu.memref_slice %arg6[%dma_wait3A_202, %mul3A_2, %dma_wait3A_203] : memref<6x64x10000xf32, #tpu.memory_space<hbm>> -> memref<1x1x10000xf32, #tpu.memory_space<hbm>>
    %dma_wait3A_205 = tpu.memref_squeeze %dma_wait3A_204 : memref<1x1x10000xf32, #tpu.memory_space<hbm>> -> memref<10000xf32, #tpu.memory_space<hbm>>
    %dma_wait3A_206 = arith.constant 0 : i32
    %dma_wait3A_207 = tpu.memref_slice %arg6[%dma_wait3A_202, %mul3A_2, %dma_wait3A_206] : memref<6x64x10000xf32, #tpu.memory_space<hbm>> -> memref<1x1x10000xf32, #tpu.memory_space<hbm>>
    %dma_wait3A_208 = tpu.memref_squeeze %dma_wait3A_207 : memref<1x1x10000xf32, #tpu.memory_space<hbm>> -> memref<10000xf32, #tpu.memory_space<hbm>>
    tpu.wait_dma2 semaphore(%arg19 : memref<!tpu.dma_semaphore, #tpu.memory_space<semaphore_mem>>) src(%arg11 : memref<10000xf32, #tpu.memory_space<vmem>>) dst(%dma_wait3A_208 : memref<10000xf32, #tpu.memory_space<hbm>>)
    %add3A_209 = arith.constant 1 : i32
    %add3A_210 = arith.addi %mul3A_2, %add3A_209 : i32
    %dma_wait3A_211 = arith.constant 3 : i32
    %dma_wait3A_212 = arith.constant 0 : i32
    %dma_wait3A_213 = tpu.memref_slice %arg6[%dma_wait3A_211, %add3A_210, %dma_wait3A_212] : memref<6x64x10000xf32, #tpu.memory_space<hbm>> -> memref<1x1x10000xf32, #tpu.memory_space<hbm>>
    %dma_wait3A_214 = tpu.memref_squeeze %dma_wait3A_213 : memref<1x1x10000xf32, #tpu.memory_space<hbm>> -> memref<10000xf32, #tpu.memory_space<hbm>>
    %dma_wait3A_215 = arith.constant 0 : i32
    %dma_wait3A_216 = tpu.memref_slice %arg6[%dma_wait3A_211, %add3A_210, %dma_wait3A_215] : memref<6x64x10000xf32, #tpu.memory_space<hbm>> -> memref<1x1x10000xf32, #tpu.memory_space<hbm>>
    %dma_wait3A_217 = tpu.memref_squeeze %dma_wait3A_216 : memref<1x1x10000xf32, #tpu.memory_space<hbm>> -> memref<10000xf32, #tpu.memory_space<hbm>>
    tpu.wait_dma2 semaphore(%arg19 : memref<!tpu.dma_semaphore, #tpu.memory_space<semaphore_mem>>) src(%arg12 : memref<10000xf32, #tpu.memory_space<vmem>>) dst(%dma_wait3A_217 : memref<10000xf32, #tpu.memory_space<hbm>>)
    %scan3A_218 = arith.constant 0 : i32
    %scan3A_219 = arith.constant 0 : i32
    %scan3A_220 = arith.constant 625 : i32
    %scan3A_221 = arith.addi %scan3A_219, %scan3A_220 : i32
    %scan3A_222 = arith.constant 1 : i32
    %scan3A_223 = scf.for %scan3A_305 = %scan3A_219 to %scan3A_221 step %scan3A_222 iter_args(%scan3A_306 = %scan3A_218) -> (i32)  : i32 {
      %mul3A_307 = arith.constant 16 : i32
      %mul3A_308 = arith.muli %scan3A_305, %mul3A_307 : i32
      %get3A_309 = arith.constant 1 : i32
      %get3A_310 = arith.index_cast %get3A_309 : i32 to index
      %get3A_311 = arith.index_cast %mul3A_308 : i32 to index
      %get3A_312 = tpu.vector_load %arg13[%get3A_310, %get3A_311] {strides = array<i32>} : memref<2x10000xf32, #tpu.memory_space<vmem>>, vector<16xf32>,
      %mul3A_313 = vector.broadcast %squeeze3A_190 : f32 to vector<16xf32>
      %mul3A_314 = arith.mulf %get3A_312, %mul3A_313 : vector<16xf32>
      %get3A_315 = arith.index_cast %mul3A_308 : i32 to index
      %get3A_316 = tpu.vector_load %arg9[%get3A_315] {strides = array<i32>} : memref<10000xf32, #tpu.memory_space<vmem>>, vector<16xf32>,
      %mul3A_317 = arith.mulf %get3A_316, %mul3A_314 : vector<16xf32>
      %get3A_318 = arith.index_cast %mul3A_308 : i32 to index
      %get3A_319 = tpu.vector_load %arg10[%get3A_318] {strides = array<i32>} : memref<10000xf32, #tpu.memory_space<vmem>>, vector<16xf32>,
      %mul3A_320 = arith.mulf %get3A_319, %mul3A_314 : vector<16xf32>
      %swap3A = arith.index_cast %mul3A_308 : i32 to index
      %swap3A_321 = tpu.vector_load %arg11[%swap3A] {strides = array<i32>} : memref<10000xf32, #tpu.memory_space<vmem>>, vector<16xf32>,
      tpu.vector_store %arg11[%swap3A], %mul3A_317 {strides = array<i32>} : memref<10000xf32, #tpu.memory_space<vmem>>, vector<16xf32>,
      %swap3A_322 = arith.index_cast %mul3A_308 : i32 to index
      %swap3A_323 = tpu.vector_load %arg12[%swap3A_322] {strides = array<i32>} : memref<10000xf32, #tpu.memory_space<vmem>>, vector<16xf32>,
      tpu.vector_store %arg12[%swap3A_322], %mul3A_320 {strides = array<i32>} : memref<10000xf32, #tpu.memory_space<vmem>>, vector<16xf32>,
      %get3A_324 = arith.constant 0 : i32
      %get3A_325 = arith.index_cast %get3A_324 : i32 to index
      %get3A_326 = arith.index_cast %mul3A_308 : i32 to index
      %get3A_327 = tpu.vector_load %arg13[%get3A_325, %get3A_326] {strides = array<i32>} : memref<2x10000xf32, #tpu.memory_space<vmem>>, vector<16xf32>,
      %mul3A_328 = arith.mulf %mul3A_317, %get3A_327 : vector<16xf32>
      %swap3A_329 = arith.index_cast %mul3A_308 : i32 to index
      %swap3A_330 = tpu.vector_load %arg7[%swap3A_329] {strides = array<i32>} : memref<10000xf32, #tpu.memory_space<vmem>>, vector<16xf32>,
      tpu.vector_store %arg7[%swap3A_329], %mul3A_328 {strides = array<i32>} : memref<10000xf32, #tpu.memory_space<vmem>>, vector<16xf32>,
      %mul3A_331 = arith.mulf %mul3A_320, %get3A_327 : vector<16xf32>
      %swap3A_332 = arith.index_cast %mul3A_308 : i32 to index
      %swap3A_333 = tpu.vector_load %arg8[%swap3A_332] {strides = array<i32>} : memref<10000xf32, #tpu.memory_space<vmem>>, vector<16xf32>,
      tpu.vector_store %arg8[%swap3A_332], %mul3A_331 {strides = array<i32>} : memref<10000xf32, #tpu.memory_space<vmem>>, vector<16xf32>,
      %swap3A_334 = arith.index_cast %mul3A_308 : i32 to index
      %swap3A_335 = tpu.vector_load %arg9[%swap3A_334] {strides = array<i32>} : memref<10000xf32, #tpu.memory_space<vmem>>, vector<16xf32>,
      tpu.vector_store %arg9[%swap3A_334], %broadcast_in_dim3A_6 {strides = array<i32>} : memref<10000xf32, #tpu.memory_space<vmem>>, vector<16xf32>,
      %swap3A_336 = arith.index_cast %mul3A_308 : i32 to index
      %swap3A_337 = tpu.vector_load %arg10[%swap3A_336] {strides = array<i32>} : memref<10000xf32, #tpu.memory_space<vmem>>, vector<16xf32>,
      tpu.vector_store %arg10[%swap3A_336], %broadcast_in_dim3A_6 {strides = array<i32>} : memref<10000xf32, #tpu.memory_space<vmem>>, vector<16xf32>,
      %scan3A_338 = arith.constant 0 : i32
      scf.yield %scan3A_338 : i32
    }
    %scan3A_224 = arith.constant 625 : i32
    %dma_start3A_225 = arith.constant 4 : i32
    %dma_start3A_226 = arith.constant 0 : i32
    %dma_start3A_227 = tpu.memref_slice %arg6[%dma_start3A_225, %mul3A_2, %dma_start3A_226] : memref<6x64x10000xf32, #tpu.memory_space<hbm>> -> memref<1x1x10000xf32, #tpu.memory_space<hbm>>
    %dma_start3A_228 = tpu.memref_squeeze %dma_start3A_227 : memref<1x1x10000xf32, #tpu.memory_space<hbm>> -> memref<10000xf32, #tpu.memory_space<hbm>>
    %dma_start3A_229 = arith.constant 0 : i32
    %dma_start3A_230 = tpu.memref_slice %arg6[%dma_start3A_225, %mul3A_2, %dma_start3A_229] : memref<6x64x10000xf32, #tpu.memory_space<hbm>> -> memref<1x1x10000xf32, #tpu.memory_space<hbm>>
    %dma_start3A_231 = tpu.memref_squeeze %dma_start3A_230 : memref<1x1x10000xf32, #tpu.memory_space<hbm>> -> memref<10000xf32, #tpu.memory_space<hbm>>
    tpu.enqueue_dma source(%arg11 : memref<10000xf32, #tpu.memory_space<vmem>>) target(%dma_start3A_231 : memref<10000xf32, #tpu.memory_space<hbm>>) target_semaphore(%arg19 : memref<!tpu.dma_semaphore, #tpu.memory_space<semaphore_mem>>)
    %add3A_232 = arith.constant 1 : i32
    %add3A_233 = arith.addi %mul3A_2, %add3A_232 : i32
    %dma_start3A_234 = arith.constant 4 : i32
    %dma_start3A_235 = arith.constant 0 : i32
    %dma_start3A_236 = tpu.memref_slice %arg6[%dma_start3A_234, %add3A_233, %dma_start3A_235] : memref<6x64x10000xf32, #tpu.memory_space<hbm>> -> memref<1x1x10000xf32, #tpu.memory_space<hbm>>
    %dma_start3A_237 = tpu.memref_squeeze %dma_start3A_236 : memref<1x1x10000xf32, #tpu.memory_space<hbm>> -> memref<10000xf32, #tpu.memory_space<hbm>>
    %dma_start3A_238 = arith.constant 0 : i32
    %dma_start3A_239 = tpu.memref_slice %arg6[%dma_start3A_234, %add3A_233, %dma_start3A_238] : memref<6x64x10000xf32, #tpu.memory_space<hbm>> -> memref<1x1x10000xf32, #tpu.memory_space<hbm>>
    %dma_start3A_240 = tpu.memref_squeeze %dma_start3A_239 : memref<1x1x10000xf32, #tpu.memory_space<hbm>> -> memref<10000xf32, #tpu.memory_space<hbm>>
    tpu.enqueue_dma source(%arg12 : memref<10000xf32, #tpu.memory_space<vmem>>) target(%dma_start3A_240 : memref<10000xf32, #tpu.memory_space<hbm>>) target_semaphore(%arg19 : memref<!tpu.dma_semaphore, #tpu.memory_space<semaphore_mem>>)
    %slice3A_241 = vector.extract_strided_slice %get3A_5 {offsets = [5], sizes = [1], strides = [1]} : vector<16xf32> to vector<1xf32>
    %squeeze3A_242 = vector.extract %slice3A_241[0] : f32 from vector<1xf32>
    %scan3A_243 = arith.constant 0 : i32
    %scan3A_244 = arith.constant 0 : i32
    %scan3A_245 = arith.constant 8 : i32
    %scan3A_246 = arith.addi %scan3A_244, %scan3A_245 : i32
    %scan3A_247 = arith.constant 1 : i32
    %scan3A_248 = scf.for %scan3A_305 = %scan3A_244 to %scan3A_246 step %scan3A_247 iter_args(%scan3A_306 = %scan3A_243) -> (i32)  : i32 {
      %mul3A_307 = arith.constant 2 : i32
      %mul3A_308 = arith.muli %mul3A_307, %scan3A_305 : i32
      %mul3A_309 = arith.constant 20000 : i32
      %mul3A_310 = arith.muli %mul3A_308, %mul3A_309 : i32
      %add3A_311 = arith.constant 20000 : i32
      %add3A_312 = arith.addi %mul3A_310, %add3A_311 : i32
      %dma_wait3A_313 = tpu.memref_slice %arg3[%mul3A_310] : memref<320000xi32, #tpu.memory_space<hbm>> -> memref<20000xi32, #tpu.memory_space<hbm>>
      %dma_wait3A_314 = tpu.memref_slice %arg3[%mul3A_310] : memref<320000xi32, #tpu.memory_space<hbm>> -> memref<20000xi32, #tpu.memory_space<hbm>>
      tpu.wait_dma2 semaphore(%arg17 : memref<!tpu.dma_semaphore, #tpu.memory_space<semaphore_mem>>) src(%dma_wait3A_314 : memref<20000xi32, #tpu.memory_space<hbm>>) dst(%arg14 : memref<20000xi32, #tpu.memory_space<vmem>>)
      %dma_start3A_315 = tpu.memref_slice %arg3[%add3A_312] : memref<320000xi32, #tpu.memory_space<hbm>> -> memref<20000xi32, #tpu.memory_space<hbm>>
      %dma_start3A_316 = tpu.memref_slice %arg3[%add3A_312] : memref<320000xi32, #tpu.memory_space<hbm>> -> memref<20000xi32, #tpu.memory_space<hbm>>
      tpu.enqueue_dma source(%dma_start3A_316 : memref<20000xi32, #tpu.memory_space<hbm>>) target(%arg15 : memref<20000xi32, #tpu.memory_space<vmem>>) target_semaphore(%arg18 : memref<!tpu.dma_semaphore, #tpu.memory_space<semaphore_mem>>)
      %scan3A_317 = arith.constant 0 : i32
      %scan3A_318 = arith.constant 0 : i32
      %scan3A_319 = arith.constant 125 : i32
      %scan3A_320 = arith.addi %scan3A_318, %scan3A_319 : i32
      %scan3A_321 = arith.constant 1 : i32
      %scan3A_322 = scf.for %scan3A_340 = %scan3A_318 to %scan3A_320 step %scan3A_321 iter_args(%scan3A_341 = %scan3A_317) -> (i32)  : i32 {
        %mul3A_342 = arith.constant 160 : i32
        %mul3A_343 = arith.muli %scan3A_340, %mul3A_342 : i32
        %add3A_344 = arith.constant 0 : i32
        %add3A_345 = arith.addi %mul3A_343, %add3A_344 : i32
        %get3A_346 = arith.index_cast %add3A_345 : i32 to index
        %get3A_347 = tpu.vector_load %arg14[%get3A_346] {strides = array<i32>} : memref<20000xi32, #tpu.memory_space<vmem>>, vector<16xi32>,
        %mul3A_348 = arith.constant 160 : i32
        %mul3A_349 = arith.muli %scan3A_340, %mul3A_348 : i32
        %add3A_350 = arith.constant 16 : i32
        %add3A_351 = arith.addi %mul3A_349, %add3A_350 : i32
        %get3A_352 = arith.index_cast %add3A_351 : i32 to index
        %get3A_353 = tpu.vector_load %arg14[%get3A_352] {strides = array<i32>} : memref<20000xi32, #tpu.memory_space<vmem>>, vector<16xi32>,
        %mul3A_354 = arith.constant 160 : i32
        %mul3A_355 = arith.muli %scan3A_340, %mul3A_354 : i32
        %add3A_356 = arith.constant 32 : i32
        %add3A_357 = arith.addi %mul3A_355, %add3A_356 : i32
        %get3A_358 = arith.index_cast %add3A_357 : i32 to index
        %get3A_359 = tpu.vector_load %arg14[%get3A_358] {strides = array<i32>} : memref<20000xi32, #tpu.memory_space<vmem>>, vector<16xi32>,
        %mul3A_360 = arith.constant 160 : i32
        %mul3A_361 = arith.muli %scan3A_340, %mul3A_360 : i32
        %add3A_362 = arith.constant 48 : i32
        %add3A_363 = arith.addi %mul3A_361, %add3A_362 : i32
        %get3A_364 = arith.index_cast %add3A_363 : i32 to index
        %get3A_365 = tpu.vector_load %arg14[%get3A_364] {strides = array<i32>} : memref<20000xi32, #tpu.memory_space<vmem>>, vector<16xi32>,
        %mul3A_366 = arith.constant 160 : i32
        %mul3A_367 = arith.muli %scan3A_340, %mul3A_366 : i32
        %add3A_368 = arith.constant 64 : i32
        %add3A_369 = arith.addi %mul3A_367, %add3A_368 : i32
        %get3A_370 = arith.index_cast %add3A_369 : i32 to index
        %get3A_371 = tpu.vector_load %arg14[%get3A_370] {strides = array<i32>} : memref<20000xi32, #tpu.memory_space<vmem>>, vector<16xi32>,
        %mul3A_372 = arith.constant 160 : i32
        %mul3A_373 = arith.muli %scan3A_340, %mul3A_372 : i32
        %add3A_374 = arith.constant 80 : i32
        %add3A_375 = arith.addi %mul3A_373, %add3A_374 : i32
        %get3A_376 = arith.index_cast %add3A_375 : i32 to index
        %get3A_377 = tpu.vector_load %arg14[%get3A_376] {strides = array<i32>} : memref<20000xi32, #tpu.memory_space<vmem>>, vector<16xi32>,
        %mul3A_378 = arith.constant 160 : i32
        %mul3A_379 = arith.muli %scan3A_340, %mul3A_378 : i32
        %add3A_380 = arith.constant 96 : i32
        %add3A_381 = arith.addi %mul3A_379, %add3A_380 : i32
        %get3A_382 = arith.index_cast %add3A_381 : i32 to index
        %get3A_383 = tpu.vector_load %arg14[%get3A_382] {strides = array<i32>} : memref<20000xi32, #tpu.memory_space<vmem>>, vector<16xi32>,
        %mul3A_384 = arith.constant 160 : i32
        %mul3A_385 = arith.muli %scan3A_340, %mul3A_384 : i32
        %add3A_386 = arith.constant 112 : i32
        %add3A_387 = arith.addi %mul3A_385, %add3A_386 : i32
        %get3A_388 = arith.index_cast %add3A_387 : i32 to index
        %get3A_389 = tpu.vector_load %arg14[%get3A_388] {strides = array<i32>} : memref<20000xi32, #tpu.memory_space<vmem>>, vector<16xi32>,
        %mul3A_390 = arith.constant 160 : i32
        %mul3A_391 = arith.muli %scan3A_340, %mul3A_390 : i32
        %add3A_392 = arith.constant 128 : i32
        %add3A_393 = arith.addi %mul3A_391, %add3A_392 : i32
        %get3A_394 = arith.index_cast %add3A_393 : i32 to index
        %get3A_395 = tpu.vector_load %arg14[%get3A_394] {strides = array<i32>} : memref<20000xi32, #tpu.memory_space<vmem>>, vector<16xi32>,
        %mul3A_396 = arith.constant 160 : i32
        %mul3A_397 = arith.muli %scan3A_340, %mul3A_396 : i32
        %add3A_398 = arith.constant 144 : i32
        %add3A_399 = arith.addi %mul3A_397, %add3A_398 : i32
        %get3A_400 = arith.index_cast %add3A_399 : i32 to index
        %get3A_401 = tpu.vector_load %arg14[%get3A_400] {strides = array<i32>} : memref<20000xi32, #tpu.memory_space<vmem>>, vector<16xi32>,
        %shift_right_logical3A = arith.constant 14 : i32
        %shift_right_logical3A_402 = vector.broadcast %shift_right_logical3A : i32 to vector<16xi32>
        %shift_right_logical3A_403 = arith.shrui %get3A_347, %shift_right_logical3A_402 : vector<16xi32>
        %shift_right_logical3A_404 = arith.constant 14 : i32
        %shift_right_logical3A_405 = vector.broadcast %shift_right_logical3A_404 : i32 to vector<16xi32>
        %shift_right_logical3A_406 = arith.shrui %get3A_353, %shift_right_logical3A_405 : vector<16xi32>
        %shift_right_logical3A_407 = arith.constant 14 : i32
        %shift_right_logical3A_408 = vector.broadcast %shift_right_logical3A_407 : i32 to vector<16xi32>
        %shift_right_logical3A_409 = arith.shrui %get3A_359, %shift_right_logical3A_408 : vector<16xi32>
        %shift_right_logical3A_410 = arith.constant 14 : i32
        %shift_right_logical3A_411 = vector.broadcast %shift_right_logical3A_410 : i32 to vector<16xi32>
        %shift_right_logical3A_412 = arith.shrui %get3A_365, %shift_right_logical3A_411 : vector<16xi32>
        %shift_right_logical3A_413 = arith.constant 14 : i32
        %shift_right_logical3A_414 = vector.broadcast %shift_right_logical3A_413 : i32 to vector<16xi32>
        %shift_right_logical3A_415 = arith.shrui %get3A_371, %shift_right_logical3A_414 : vector<16xi32>
        %shift_right_logical3A_416 = arith.constant 14 : i32
        %shift_right_logical3A_417 = vector.broadcast %shift_right_logical3A_416 : i32 to vector<16xi32>
        %shift_right_logical3A_418 = arith.shrui %get3A_377, %shift_right_logical3A_417 : vector<16xi32>
        %shift_right_logical3A_419 = arith.constant 14 : i32
        %shift_right_logical3A_420 = vector.broadcast %shift_right_logical3A_419 : i32 to vector<16xi32>
        %shift_right_logical3A_421 = arith.shrui %get3A_383, %shift_right_logical3A_420 : vector<16xi32>
        %shift_right_logical3A_422 = arith.constant 14 : i32
        %shift_right_logical3A_423 = vector.broadcast %shift_right_logical3A_422 : i32 to vector<16xi32>
        %shift_right_logical3A_424 = arith.shrui %get3A_389, %shift_right_logical3A_423 : vector<16xi32>
        %shift_right_logical3A_425 = arith.constant 14 : i32
        %shift_right_logical3A_426 = vector.broadcast %shift_right_logical3A_425 : i32 to vector<16xi32>
        %shift_right_logical3A_427 = arith.shrui %get3A_395, %shift_right_logical3A_426 : vector<16xi32>
        %shift_right_logical3A_428 = arith.constant 14 : i32
        %shift_right_logical3A_429 = vector.broadcast %shift_right_logical3A_428 : i32 to vector<16xi32>
        %shift_right_logical3A_430 = arith.shrui %get3A_401, %shift_right_logical3A_429 : vector<16xi32>
        %and3A = arith.andi %get3A_347, %broadcast_in_dim3A_8 : vector<16xi32>
        %and3A_431 = arith.andi %get3A_353, %broadcast_in_dim3A_8 : vector<16xi32>
        %and3A_432 = arith.andi %get3A_359, %broadcast_in_dim3A_8 : vector<16xi32>
        %and3A_433 = arith.andi %get3A_365, %broadcast_in_dim3A_8 : vector<16xi32>
        %and3A_434 = arith.andi %get3A_371, %broadcast_in_dim3A_8 : vector<16xi32>
        %and3A_435 = arith.andi %get3A_377, %broadcast_in_dim3A_8 : vector<16xi32>
        %and3A_436 = arith.andi %get3A_383, %broadcast_in_dim3A_8 : vector<16xi32>
        %and3A_437 = arith.andi %get3A_389, %broadcast_in_dim3A_8 : vector<16xi32>
        %and3A_438 = arith.andi %get3A_395, %broadcast_in_dim3A_8 : vector<16xi32>
        %and3A_439 = arith.andi %get3A_401, %broadcast_in_dim3A_8 : vector<16xi32>
        %gather3A = tpu.vector_load_idx %arg7[%shift_right_logical3A_403] : memref<10000xf32, #tpu.memory_space<vmem>>[vector<16xi32>], vector<16xf32>,
        %gather3A_440 = tpu.vector_load_idx %arg7[%shift_right_logical3A_406] : memref<10000xf32, #tpu.memory_space<vmem>>[vector<16xi32>], vector<16xf32>,
        %gather3A_441 = tpu.vector_load_idx %arg7[%shift_right_logical3A_409] : memref<10000xf32, #tpu.memory_space<vmem>>[vector<16xi32>], vector<16xf32>,
        %gather3A_442 = tpu.vector_load_idx %arg7[%shift_right_logical3A_412] : memref<10000xf32, #tpu.memory_space<vmem>>[vector<16xi32>], vector<16xf32>,
        %gather3A_443 = tpu.vector_load_idx %arg7[%shift_right_logical3A_415] : memref<10000xf32, #tpu.memory_space<vmem>>[vector<16xi32>], vector<16xf32>,
        %gather3A_444 = tpu.vector_load_idx %arg7[%shift_right_logical3A_418] : memref<10000xf32, #tpu.memory_space<vmem>>[vector<16xi32>], vector<16xf32>,
        %gather3A_445 = tpu.vector_load_idx %arg7[%shift_right_logical3A_421] : memref<10000xf32, #tpu.memory_space<vmem>>[vector<16xi32>], vector<16xf32>,
        %gather3A_446 = tpu.vector_load_idx %arg7[%shift_right_logical3A_424] : memref<10000xf32, #tpu.memory_space<vmem>>[vector<16xi32>], vector<16xf32>,
        %gather3A_447 = tpu.vector_load_idx %arg7[%shift_right_logical3A_427] : memref<10000xf32, #tpu.memory_space<vmem>>[vector<16xi32>], vector<16xf32>,
        %gather3A_448 = tpu.vector_load_idx %arg7[%shift_right_logical3A_430] : memref<10000xf32, #tpu.memory_space<vmem>>[vector<16xi32>], vector<16xf32>,
        %gather3A_449 = tpu.vector_load_idx %arg8[%shift_right_logical3A_403] : memref<10000xf32, #tpu.memory_space<vmem>>[vector<16xi32>], vector<16xf32>,
        %gather3A_450 = tpu.vector_load_idx %arg8[%shift_right_logical3A_406] : memref<10000xf32, #tpu.memory_space<vmem>>[vector<16xi32>], vector<16xf32>,
        %gather3A_451 = tpu.vector_load_idx %arg8[%shift_right_logical3A_409] : memref<10000xf32, #tpu.memory_space<vmem>>[vector<16xi32>], vector<16xf32>,
        %gather3A_452 = tpu.vector_load_idx %arg8[%shift_right_logical3A_412] : memref<10000xf32, #tpu.memory_space<vmem>>[vector<16xi32>], vector<16xf32>,
        %gather3A_453 = tpu.vector_load_idx %arg8[%shift_right_logical3A_415] : memref<10000xf32, #tpu.memory_space<vmem>>[vector<16xi32>], vector<16xf32>,
        %gather3A_454 = tpu.vector_load_idx %arg8[%shift_right_logical3A_418] : memref<10000xf32, #tpu.memory_space<vmem>>[vector<16xi32>], vector<16xf32>,
        %gather3A_455 = tpu.vector_load_idx %arg8[%shift_right_logical3A_421] : memref<10000xf32, #tpu.memory_space<vmem>>[vector<16xi32>], vector<16xf32>,
        %gather3A_456 = tpu.vector_load_idx %arg8[%shift_right_logical3A_424] : memref<10000xf32, #tpu.memory_space<vmem>>[vector<16xi32>], vector<16xf32>,
        %gather3A_457 = tpu.vector_load_idx %arg8[%shift_right_logical3A_427] : memref<10000xf32, #tpu.memory_space<vmem>>[vector<16xi32>], vector<16xf32>,
        %gather3A_458 = tpu.vector_load_idx %arg8[%shift_right_logical3A_430] : memref<10000xf32, #tpu.memory_space<vmem>>[vector<16xi32>], vector<16xf32>,
        tpu.vector_store_idx %arg9[%and3A], %gather3A {add = true} : memref<10000xf32, #tpu.memory_space<vmem>>[vector<16xi32>], vector<16xf32>,
        tpu.vector_store_idx %arg10[%and3A], %gather3A_449 {add = true} : memref<10000xf32, #tpu.memory_space<vmem>>[vector<16xi32>], vector<16xf32>,
        tpu.vector_store_idx %arg9[%and3A_431], %gather3A_440 {add = true} : memref<10000xf32, #tpu.memory_space<vmem>>[vector<16xi32>], vector<16xf32>,
        tpu.vector_store_idx %arg10[%and3A_431], %gather3A_450 {add = true} : memref<10000xf32, #tpu.memory_space<vmem>>[vector<16xi32>], vector<16xf32>,
        tpu.vector_store_idx %arg9[%and3A_432], %gather3A_441 {add = true} : memref<10000xf32, #tpu.memory_space<vmem>>[vector<16xi32>], vector<16xf32>,
        tpu.vector_store_idx %arg10[%and3A_432], %gather3A_451 {add = true} : memref<10000xf32, #tpu.memory_space<vmem>>[vector<16xi32>], vector<16xf32>,
        tpu.vector_store_idx %arg9[%and3A_433], %gather3A_442 {add = true} : memref<10000xf32, #tpu.memory_space<vmem>>[vector<16xi32>], vector<16xf32>,
        tpu.vector_store_idx %arg10[%and3A_433], %gather3A_452 {add = true} : memref<10000xf32, #tpu.memory_space<vmem>>[vector<16xi32>], vector<16xf32>,
        tpu.vector_store_idx %arg9[%and3A_434], %gather3A_443 {add = true} : memref<10000xf32, #tpu.memory_space<vmem>>[vector<16xi32>], vector<16xf32>,
        tpu.vector_store_idx %arg10[%and3A_434], %gather3A_453 {add = true} : memref<10000xf32, #tpu.memory_space<vmem>>[vector<16xi32>], vector<16xf32>,
        tpu.vector_store_idx %arg9[%and3A_435], %gather3A_444 {add = true} : memref<10000xf32, #tpu.memory_space<vmem>>[vector<16xi32>], vector<16xf32>,
        tpu.vector_store_idx %arg10[%and3A_435], %gather3A_454 {add = true} : memref<10000xf32, #tpu.memory_space<vmem>>[vector<16xi32>], vector<16xf32>,
        tpu.vector_store_idx %arg9[%and3A_436], %gather3A_445 {add = true} : memref<10000xf32, #tpu.memory_space<vmem>>[vector<16xi32>], vector<16xf32>,
        tpu.vector_store_idx %arg10[%and3A_436], %gather3A_455 {add = true} : memref<10000xf32, #tpu.memory_space<vmem>>[vector<16xi32>], vector<16xf32>,
        tpu.vector_store_idx %arg9[%and3A_437], %gather3A_446 {add = true} : memref<10000xf32, #tpu.memory_space<vmem>>[vector<16xi32>], vector<16xf32>,
        tpu.vector_store_idx %arg10[%and3A_437], %gather3A_456 {add = true} : memref<10000xf32, #tpu.memory_space<vmem>>[vector<16xi32>], vector<16xf32>,
        tpu.vector_store_idx %arg9[%and3A_438], %gather3A_447 {add = true} : memref<10000xf32, #tpu.memory_space<vmem>>[vector<16xi32>], vector<16xf32>,
        tpu.vector_store_idx %arg10[%and3A_438], %gather3A_457 {add = true} : memref<10000xf32, #tpu.memory_space<vmem>>[vector<16xi32>], vector<16xf32>,
        tpu.vector_store_idx %arg9[%and3A_439], %gather3A_448 {add = true} : memref<10000xf32, #tpu.memory_space<vmem>>[vector<16xi32>], vector<16xf32>,
        tpu.vector_store_idx %arg10[%and3A_439], %gather3A_458 {add = true} : memref<10000xf32, #tpu.memory_space<vmem>>[vector<16xi32>], vector<16xf32>,
        %scan3A_459 = arith.constant 0 : i32
        scf.yield %scan3A_459 : i32
      }
      %scan3A_323 = arith.constant 125 : i32
      %dma_wait3A_324 = tpu.memref_slice %arg3[%add3A_312] : memref<320000xi32, #tpu.memory_space<hbm>> -> memref<20000xi32, #tpu.memory_space<hbm>>
      %dma_wait3A_325 = tpu.memref_slice %arg3[%add3A_312] : memref<320000xi32, #tpu.memory_space<hbm>> -> memref<20000xi32, #tpu.memory_space<hbm>>
      tpu.wait_dma2 semaphore(%arg18 : memref<!tpu.dma_semaphore, #tpu.memory_space<semaphore_mem>>) src(%dma_wait3A_325 : memref<20000xi32, #tpu.memory_space<hbm>>) dst(%arg15 : memref<20000xi32, #tpu.memory_space<vmem>>)
      %mul3A_326 = arith.constant 2 : i32
      %mul3A_327 = arith.muli %mul3A_326, %scan3A_305 : i32
      %add3A_328 = arith.constant 2 : i32
      %add3A_329 = arith.addi %mul3A_327, %add3A_328 : i32
      %lt3A = arith.constant 16 : i32
      %lt3A_330 = arith.cmpi slt, %add3A_329, %lt3A : i32
      %convert_element_type3A = arith.extui %lt3A_330 : i1 to i32
      %cond3A = arith.constant 0 : i32
      %cond3A_331 = arith.cmpi ne, %convert_element_type3A, %cond3A : i32
      scf.if %cond3A_331 {
        %add3A_340 = arith.constant 20000 : i32
        %add3A_341 = arith.addi %add3A_312, %add3A_340 : i32
        %dma_start3A_342 = tpu.memref_slice %arg3[%add3A_341] : memref<320000xi32, #tpu.memory_space<hbm>> -> memref<20000xi32, #tpu.memory_space<hbm>>
        %dma_start3A_343 = tpu.memref_slice %arg3[%add3A_341] : memref<320000xi32, #tpu.memory_space<hbm>> -> memref<20000xi32, #tpu.memory_space<hbm>>
        tpu.enqueue_dma source(%dma_start3A_343 : memref<20000xi32, #tpu.memory_space<hbm>>) target(%arg14 : memref<20000xi32, #tpu.memory_space<vmem>>) target_semaphore(%arg17 : memref<!tpu.dma_semaphore, #tpu.memory_space<semaphore_mem>>)
      } else {
      }
      %scan3A_332 = arith.constant 0 : i32
      %scan3A_333 = arith.constant 0 : i32
      %scan3A_334 = arith.constant 125 : i32
      %scan3A_335 = arith.addi %scan3A_333, %scan3A_334 : i32
      %scan3A_336 = arith.constant 1 : i32
      %scan3A_337 = scf.for %scan3A_340 = %scan3A_333 to %scan3A_335 step %scan3A_336 iter_args(%scan3A_341 = %scan3A_332) -> (i32)  : i32 {
        %mul3A_342 = arith.constant 160 : i32
        %mul3A_343 = arith.muli %scan3A_340, %mul3A_342 : i32
        %add3A_344 = arith.constant 0 : i32
        %add3A_345 = arith.addi %mul3A_343, %add3A_344 : i32
        %get3A_346 = arith.index_cast %add3A_345 : i32 to index
        %get3A_347 = tpu.vector_load %arg15[%get3A_346] {strides = array<i32>} : memref<20000xi32, #tpu.memory_space<vmem>>, vector<16xi32>,
        %mul3A_348 = arith.constant 160 : i32
        %mul3A_349 = arith.muli %scan3A_340, %mul3A_348 : i32
        %add3A_350 = arith.constant 16 : i32
        %add3A_351 = arith.addi %mul3A_349, %add3A_350 : i32
        %get3A_352 = arith.index_cast %add3A_351 : i32 to index
        %get3A_353 = tpu.vector_load %arg15[%get3A_352] {strides = array<i32>} : memref<20000xi32, #tpu.memory_space<vmem>>, vector<16xi32>,
        %mul3A_354 = arith.constant 160 : i32
        %mul3A_355 = arith.muli %scan3A_340, %mul3A_354 : i32
        %add3A_356 = arith.constant 32 : i32
        %add3A_357 = arith.addi %mul3A_355, %add3A_356 : i32
        %get3A_358 = arith.index_cast %add3A_357 : i32 to index
        %get3A_359 = tpu.vector_load %arg15[%get3A_358] {strides = array<i32>} : memref<20000xi32, #tpu.memory_space<vmem>>, vector<16xi32>,
        %mul3A_360 = arith.constant 160 : i32
        %mul3A_361 = arith.muli %scan3A_340, %mul3A_360 : i32
        %add3A_362 = arith.constant 48 : i32
        %add3A_363 = arith.addi %mul3A_361, %add3A_362 : i32
        %get3A_364 = arith.index_cast %add3A_363 : i32 to index
        %get3A_365 = tpu.vector_load %arg15[%get3A_364] {strides = array<i32>} : memref<20000xi32, #tpu.memory_space<vmem>>, vector<16xi32>,
        %mul3A_366 = arith.constant 160 : i32
        %mul3A_367 = arith.muli %scan3A_340, %mul3A_366 : i32
        %add3A_368 = arith.constant 64 : i32
        %add3A_369 = arith.addi %mul3A_367, %add3A_368 : i32
        %get3A_370 = arith.index_cast %add3A_369 : i32 to index
        %get3A_371 = tpu.vector_load %arg15[%get3A_370] {strides = array<i32>} : memref<20000xi32, #tpu.memory_space<vmem>>, vector<16xi32>,
        %mul3A_372 = arith.constant 160 : i32
        %mul3A_373 = arith.muli %scan3A_340, %mul3A_372 : i32
        %add3A_374 = arith.constant 80 : i32
        %add3A_375 = arith.addi %mul3A_373, %add3A_374 : i32
        %get3A_376 = arith.index_cast %add3A_375 : i32 to index
        %get3A_377 = tpu.vector_load %arg15[%get3A_376] {strides = array<i32>} : memref<20000xi32, #tpu.memory_space<vmem>>, vector<16xi32>,
        %mul3A_378 = arith.constant 160 : i32
        %mul3A_379 = arith.muli %scan3A_340, %mul3A_378 : i32
        %add3A_380 = arith.constant 96 : i32
        %add3A_381 = arith.addi %mul3A_379, %add3A_380 : i32
        %get3A_382 = arith.index_cast %add3A_381 : i32 to index
        %get3A_383 = tpu.vector_load %arg15[%get3A_382] {strides = array<i32>} : memref<20000xi32, #tpu.memory_space<vmem>>, vector<16xi32>,
        %mul3A_384 = arith.constant 160 : i32
        %mul3A_385 = arith.muli %scan3A_340, %mul3A_384 : i32
        %add3A_386 = arith.constant 112 : i32
        %add3A_387 = arith.addi %mul3A_385, %add3A_386 : i32
        %get3A_388 = arith.index_cast %add3A_387 : i32 to index
        %get3A_389 = tpu.vector_load %arg15[%get3A_388] {strides = array<i32>} : memref<20000xi32, #tpu.memory_space<vmem>>, vector<16xi32>,
        %mul3A_390 = arith.constant 160 : i32
        %mul3A_391 = arith.muli %scan3A_340, %mul3A_390 : i32
        %add3A_392 = arith.constant 128 : i32
        %add3A_393 = arith.addi %mul3A_391, %add3A_392 : i32
        %get3A_394 = arith.index_cast %add3A_393 : i32 to index
        %get3A_395 = tpu.vector_load %arg15[%get3A_394] {strides = array<i32>} : memref<20000xi32, #tpu.memory_space<vmem>>, vector<16xi32>,
        %mul3A_396 = arith.constant 160 : i32
        %mul3A_397 = arith.muli %scan3A_340, %mul3A_396 : i32
        %add3A_398 = arith.constant 144 : i32
        %add3A_399 = arith.addi %mul3A_397, %add3A_398 : i32
        %get3A_400 = arith.index_cast %add3A_399 : i32 to index
        %get3A_401 = tpu.vector_load %arg15[%get3A_400] {strides = array<i32>} : memref<20000xi32, #tpu.memory_space<vmem>>, vector<16xi32>,
        %shift_right_logical3A = arith.constant 14 : i32
        %shift_right_logical3A_402 = vector.broadcast %shift_right_logical3A : i32 to vector<16xi32>
        %shift_right_logical3A_403 = arith.shrui %get3A_347, %shift_right_logical3A_402 : vector<16xi32>
        %shift_right_logical3A_404 = arith.constant 14 : i32
        %shift_right_logical3A_405 = vector.broadcast %shift_right_logical3A_404 : i32 to vector<16xi32>
        %shift_right_logical3A_406 = arith.shrui %get3A_353, %shift_right_logical3A_405 : vector<16xi32>
        %shift_right_logical3A_407 = arith.constant 14 : i32
        %shift_right_logical3A_408 = vector.broadcast %shift_right_logical3A_407 : i32 to vector<16xi32>
        %shift_right_logical3A_409 = arith.shrui %get3A_359, %shift_right_logical3A_408 : vector<16xi32>
        %shift_right_logical3A_410 = arith.constant 14 : i32
        %shift_right_logical3A_411 = vector.broadcast %shift_right_logical3A_410 : i32 to vector<16xi32>
        %shift_right_logical3A_412 = arith.shrui %get3A_365, %shift_right_logical3A_411 : vector<16xi32>
        %shift_right_logical3A_413 = arith.constant 14 : i32
        %shift_right_logical3A_414 = vector.broadcast %shift_right_logical3A_413 : i32 to vector<16xi32>
        %shift_right_logical3A_415 = arith.shrui %get3A_371, %shift_right_logical3A_414 : vector<16xi32>
        %shift_right_logical3A_416 = arith.constant 14 : i32
        %shift_right_logical3A_417 = vector.broadcast %shift_right_logical3A_416 : i32 to vector<16xi32>
        %shift_right_logical3A_418 = arith.shrui %get3A_377, %shift_right_logical3A_417 : vector<16xi32>
        %shift_right_logical3A_419 = arith.constant 14 : i32
        %shift_right_logical3A_420 = vector.broadcast %shift_right_logical3A_419 : i32 to vector<16xi32>
        %shift_right_logical3A_421 = arith.shrui %get3A_383, %shift_right_logical3A_420 : vector<16xi32>
        %shift_right_logical3A_422 = arith.constant 14 : i32
        %shift_right_logical3A_423 = vector.broadcast %shift_right_logical3A_422 : i32 to vector<16xi32>
        %shift_right_logical3A_424 = arith.shrui %get3A_389, %shift_right_logical3A_423 : vector<16xi32>
        %shift_right_logical3A_425 = arith.constant 14 : i32
        %shift_right_logical3A_426 = vector.broadcast %shift_right_logical3A_425 : i32 to vector<16xi32>
        %shift_right_logical3A_427 = arith.shrui %get3A_395, %shift_right_logical3A_426 : vector<16xi32>
        %shift_right_logical3A_428 = arith.constant 14 : i32
        %shift_right_logical3A_429 = vector.broadcast %shift_right_logical3A_428 : i32 to vector<16xi32>
        %shift_right_logical3A_430 = arith.shrui %get3A_401, %shift_right_logical3A_429 : vector<16xi32>
        %and3A = arith.andi %get3A_347, %broadcast_in_dim3A_8 : vector<16xi32>
        %and3A_431 = arith.andi %get3A_353, %broadcast_in_dim3A_8 : vector<16xi32>
        %and3A_432 = arith.andi %get3A_359, %broadcast_in_dim3A_8 : vector<16xi32>
        %and3A_433 = arith.andi %get3A_365, %broadcast_in_dim3A_8 : vector<16xi32>
        %and3A_434 = arith.andi %get3A_371, %broadcast_in_dim3A_8 : vector<16xi32>
        %and3A_435 = arith.andi %get3A_377, %broadcast_in_dim3A_8 : vector<16xi32>
        %and3A_436 = arith.andi %get3A_383, %broadcast_in_dim3A_8 : vector<16xi32>
        %and3A_437 = arith.andi %get3A_389, %broadcast_in_dim3A_8 : vector<16xi32>
        %and3A_438 = arith.andi %get3A_395, %broadcast_in_dim3A_8 : vector<16xi32>
        %and3A_439 = arith.andi %get3A_401, %broadcast_in_dim3A_8 : vector<16xi32>
        %gather3A = tpu.vector_load_idx %arg7[%shift_right_logical3A_403] : memref<10000xf32, #tpu.memory_space<vmem>>[vector<16xi32>], vector<16xf32>,
        %gather3A_440 = tpu.vector_load_idx %arg7[%shift_right_logical3A_406] : memref<10000xf32, #tpu.memory_space<vmem>>[vector<16xi32>], vector<16xf32>,
        %gather3A_441 = tpu.vector_load_idx %arg7[%shift_right_logical3A_409] : memref<10000xf32, #tpu.memory_space<vmem>>[vector<16xi32>], vector<16xf32>,
        %gather3A_442 = tpu.vector_load_idx %arg7[%shift_right_logical3A_412] : memref<10000xf32, #tpu.memory_space<vmem>>[vector<16xi32>], vector<16xf32>,
        %gather3A_443 = tpu.vector_load_idx %arg7[%shift_right_logical3A_415] : memref<10000xf32, #tpu.memory_space<vmem>>[vector<16xi32>], vector<16xf32>,
        %gather3A_444 = tpu.vector_load_idx %arg7[%shift_right_logical3A_418] : memref<10000xf32, #tpu.memory_space<vmem>>[vector<16xi32>], vector<16xf32>,
        %gather3A_445 = tpu.vector_load_idx %arg7[%shift_right_logical3A_421] : memref<10000xf32, #tpu.memory_space<vmem>>[vector<16xi32>], vector<16xf32>,
        %gather3A_446 = tpu.vector_load_idx %arg7[%shift_right_logical3A_424] : memref<10000xf32, #tpu.memory_space<vmem>>[vector<16xi32>], vector<16xf32>,
        %gather3A_447 = tpu.vector_load_idx %arg7[%shift_right_logical3A_427] : memref<10000xf32, #tpu.memory_space<vmem>>[vector<16xi32>], vector<16xf32>,
        %gather3A_448 = tpu.vector_load_idx %arg7[%shift_right_logical3A_430] : memref<10000xf32, #tpu.memory_space<vmem>>[vector<16xi32>], vector<16xf32>,
        %gather3A_449 = tpu.vector_load_idx %arg8[%shift_right_logical3A_403] : memref<10000xf32, #tpu.memory_space<vmem>>[vector<16xi32>], vector<16xf32>,
        %gather3A_450 = tpu.vector_load_idx %arg8[%shift_right_logical3A_406] : memref<10000xf32, #tpu.memory_space<vmem>>[vector<16xi32>], vector<16xf32>,
        %gather3A_451 = tpu.vector_load_idx %arg8[%shift_right_logical3A_409] : memref<10000xf32, #tpu.memory_space<vmem>>[vector<16xi32>], vector<16xf32>,
        %gather3A_452 = tpu.vector_load_idx %arg8[%shift_right_logical3A_412] : memref<10000xf32, #tpu.memory_space<vmem>>[vector<16xi32>], vector<16xf32>,
        %gather3A_453 = tpu.vector_load_idx %arg8[%shift_right_logical3A_415] : memref<10000xf32, #tpu.memory_space<vmem>>[vector<16xi32>], vector<16xf32>,
        %gather3A_454 = tpu.vector_load_idx %arg8[%shift_right_logical3A_418] : memref<10000xf32, #tpu.memory_space<vmem>>[vector<16xi32>], vector<16xf32>,
        %gather3A_455 = tpu.vector_load_idx %arg8[%shift_right_logical3A_421] : memref<10000xf32, #tpu.memory_space<vmem>>[vector<16xi32>], vector<16xf32>,
        %gather3A_456 = tpu.vector_load_idx %arg8[%shift_right_logical3A_424] : memref<10000xf32, #tpu.memory_space<vmem>>[vector<16xi32>], vector<16xf32>,
        %gather3A_457 = tpu.vector_load_idx %arg8[%shift_right_logical3A_427] : memref<10000xf32, #tpu.memory_space<vmem>>[vector<16xi32>], vector<16xf32>,
        %gather3A_458 = tpu.vector_load_idx %arg8[%shift_right_logical3A_430] : memref<10000xf32, #tpu.memory_space<vmem>>[vector<16xi32>], vector<16xf32>,
        tpu.vector_store_idx %arg9[%and3A], %gather3A {add = true} : memref<10000xf32, #tpu.memory_space<vmem>>[vector<16xi32>], vector<16xf32>,
        tpu.vector_store_idx %arg10[%and3A], %gather3A_449 {add = true} : memref<10000xf32, #tpu.memory_space<vmem>>[vector<16xi32>], vector<16xf32>,
        tpu.vector_store_idx %arg9[%and3A_431], %gather3A_440 {add = true} : memref<10000xf32, #tpu.memory_space<vmem>>[vector<16xi32>], vector<16xf32>,
        tpu.vector_store_idx %arg10[%and3A_431], %gather3A_450 {add = true} : memref<10000xf32, #tpu.memory_space<vmem>>[vector<16xi32>], vector<16xf32>,
        tpu.vector_store_idx %arg9[%and3A_432], %gather3A_441 {add = true} : memref<10000xf32, #tpu.memory_space<vmem>>[vector<16xi32>], vector<16xf32>,
        tpu.vector_store_idx %arg10[%and3A_432], %gather3A_451 {add = true} : memref<10000xf32, #tpu.memory_space<vmem>>[vector<16xi32>], vector<16xf32>,
        tpu.vector_store_idx %arg9[%and3A_433], %gather3A_442 {add = true} : memref<10000xf32, #tpu.memory_space<vmem>>[vector<16xi32>], vector<16xf32>,
        tpu.vector_store_idx %arg10[%and3A_433], %gather3A_452 {add = true} : memref<10000xf32, #tpu.memory_space<vmem>>[vector<16xi32>], vector<16xf32>,
        tpu.vector_store_idx %arg9[%and3A_434], %gather3A_443 {add = true} : memref<10000xf32, #tpu.memory_space<vmem>>[vector<16xi32>], vector<16xf32>,
        tpu.vector_store_idx %arg10[%and3A_434], %gather3A_453 {add = true} : memref<10000xf32, #tpu.memory_space<vmem>>[vector<16xi32>], vector<16xf32>,
        tpu.vector_store_idx %arg9[%and3A_435], %gather3A_444 {add = true} : memref<10000xf32, #tpu.memory_space<vmem>>[vector<16xi32>], vector<16xf32>,
        tpu.vector_store_idx %arg10[%and3A_435], %gather3A_454 {add = true} : memref<10000xf32, #tpu.memory_space<vmem>>[vector<16xi32>], vector<16xf32>,
        tpu.vector_store_idx %arg9[%and3A_436], %gather3A_445 {add = true} : memref<10000xf32, #tpu.memory_space<vmem>>[vector<16xi32>], vector<16xf32>,
        tpu.vector_store_idx %arg10[%and3A_436], %gather3A_455 {add = true} : memref<10000xf32, #tpu.memory_space<vmem>>[vector<16xi32>], vector<16xf32>,
        tpu.vector_store_idx %arg9[%and3A_437], %gather3A_446 {add = true} : memref<10000xf32, #tpu.memory_space<vmem>>[vector<16xi32>], vector<16xf32>,
        tpu.vector_store_idx %arg10[%and3A_437], %gather3A_456 {add = true} : memref<10000xf32, #tpu.memory_space<vmem>>[vector<16xi32>], vector<16xf32>,
        tpu.vector_store_idx %arg9[%and3A_438], %gather3A_447 {add = true} : memref<10000xf32, #tpu.memory_space<vmem>>[vector<16xi32>], vector<16xf32>,
        tpu.vector_store_idx %arg10[%and3A_438], %gather3A_457 {add = true} : memref<10000xf32, #tpu.memory_space<vmem>>[vector<16xi32>], vector<16xf32>,
        tpu.vector_store_idx %arg9[%and3A_439], %gather3A_448 {add = true} : memref<10000xf32, #tpu.memory_space<vmem>>[vector<16xi32>], vector<16xf32>,
        tpu.vector_store_idx %arg10[%and3A_439], %gather3A_458 {add = true} : memref<10000xf32, #tpu.memory_space<vmem>>[vector<16xi32>], vector<16xf32>,
        %scan3A_459 = arith.constant 0 : i32
        scf.yield %scan3A_459 : i32
      }
      %scan3A_338 = arith.constant 125 : i32
      %scan3A_339 = arith.constant 0 : i32
      scf.yield %scan3A_339 : i32
    }
    %scan3A_249 = arith.constant 8 : i32
    %dma_wait3A_250 = arith.constant 4 : i32
    %dma_wait3A_251 = arith.constant 0 : i32
    %dma_wait3A_252 = tpu.memref_slice %arg6[%dma_wait3A_250, %mul3A_2, %dma_wait3A_251] : memref<6x64x10000xf32, #tpu.memory_space<hbm>> -> memref<1x1x10000xf32, #tpu.memory_space<hbm>>
    %dma_wait3A_253 = tpu.memref_squeeze %dma_wait3A_252 : memref<1x1x10000xf32, #tpu.memory_space<hbm>> -> memref<10000xf32, #tpu.memory_space<hbm>>
    %dma_wait3A_254 = arith.constant 0 : i32
    %dma_wait3A_255 = tpu.memref_slice %arg6[%dma_wait3A_250, %mul3A_2, %dma_wait3A_254] : memref<6x64x10000xf32, #tpu.memory_space<hbm>> -> memref<1x1x10000xf32, #tpu.memory_space<hbm>>
    %dma_wait3A_256 = tpu.memref_squeeze %dma_wait3A_255 : memref<1x1x10000xf32, #tpu.memory_space<hbm>> -> memref<10000xf32, #tpu.memory_space<hbm>>
    tpu.wait_dma2 semaphore(%arg19 : memref<!tpu.dma_semaphore, #tpu.memory_space<semaphore_mem>>) src(%arg11 : memref<10000xf32, #tpu.memory_space<vmem>>) dst(%dma_wait3A_256 : memref<10000xf32, #tpu.memory_space<hbm>>)
    %add3A_257 = arith.constant 1 : i32
    %add3A_258 = arith.addi %mul3A_2, %add3A_257 : i32
    %dma_wait3A_259 = arith.constant 4 : i32
    %dma_wait3A_260 = arith.constant 0 : i32
    %dma_wait3A_261 = tpu.memref_slice %arg6[%dma_wait3A_259, %add3A_258, %dma_wait3A_260] : memref<6x64x10000xf32, #tpu.memory_space<hbm>> -> memref<1x1x10000xf32, #tpu.memory_space<hbm>>
    %dma_wait3A_262 = tpu.memref_squeeze %dma_wait3A_261 : memref<1x1x10000xf32, #tpu.memory_space<hbm>> -> memref<10000xf32, #tpu.memory_space<hbm>>
    %dma_wait3A_263 = arith.constant 0 : i32
    %dma_wait3A_264 = tpu.memref_slice %arg6[%dma_wait3A_259, %add3A_258, %dma_wait3A_263] : memref<6x64x10000xf32, #tpu.memory_space<hbm>> -> memref<1x1x10000xf32, #tpu.memory_space<hbm>>
    %dma_wait3A_265 = tpu.memref_squeeze %dma_wait3A_264 : memref<1x1x10000xf32, #tpu.memory_space<hbm>> -> memref<10000xf32, #tpu.memory_space<hbm>>
    tpu.wait_dma2 semaphore(%arg19 : memref<!tpu.dma_semaphore, #tpu.memory_space<semaphore_mem>>) src(%arg12 : memref<10000xf32, #tpu.memory_space<vmem>>) dst(%dma_wait3A_265 : memref<10000xf32, #tpu.memory_space<hbm>>)
    %scan3A_266 = arith.constant 0 : i32
    %scan3A_267 = arith.constant 0 : i32
    %scan3A_268 = arith.constant 625 : i32
    %scan3A_269 = arith.addi %scan3A_267, %scan3A_268 : i32
    %scan3A_270 = arith.constant 1 : i32
    %scan3A_271 = scf.for %scan3A_305 = %scan3A_267 to %scan3A_269 step %scan3A_270 iter_args(%scan3A_306 = %scan3A_266) -> (i32)  : i32 {
      %mul3A_307 = arith.constant 16 : i32
      %mul3A_308 = arith.muli %scan3A_305, %mul3A_307 : i32
      %get3A_309 = arith.constant 1 : i32
      %get3A_310 = arith.index_cast %get3A_309 : i32 to index
      %get3A_311 = arith.index_cast %mul3A_308 : i32 to index
      %get3A_312 = tpu.vector_load %arg13[%get3A_310, %get3A_311] {strides = array<i32>} : memref<2x10000xf32, #tpu.memory_space<vmem>>, vector<16xf32>,
      %mul3A_313 = vector.broadcast %squeeze3A_242 : f32 to vector<16xf32>
      %mul3A_314 = arith.mulf %get3A_312, %mul3A_313 : vector<16xf32>
      %get3A_315 = arith.index_cast %mul3A_308 : i32 to index
      %get3A_316 = tpu.vector_load %arg9[%get3A_315] {strides = array<i32>} : memref<10000xf32, #tpu.memory_space<vmem>>, vector<16xf32>,
      %mul3A_317 = arith.mulf %get3A_316, %mul3A_314 : vector<16xf32>
      %get3A_318 = arith.index_cast %mul3A_308 : i32 to index
      %get3A_319 = tpu.vector_load %arg10[%get3A_318] {strides = array<i32>} : memref<10000xf32, #tpu.memory_space<vmem>>, vector<16xf32>,
      %mul3A_320 = arith.mulf %get3A_319, %mul3A_314 : vector<16xf32>
      %swap3A = arith.index_cast %mul3A_308 : i32 to index
      %swap3A_321 = tpu.vector_load %arg11[%swap3A] {strides = array<i32>} : memref<10000xf32, #tpu.memory_space<vmem>>, vector<16xf32>,
      tpu.vector_store %arg11[%swap3A], %mul3A_317 {strides = array<i32>} : memref<10000xf32, #tpu.memory_space<vmem>>, vector<16xf32>,
      %swap3A_322 = arith.index_cast %mul3A_308 : i32 to index
      %swap3A_323 = tpu.vector_load %arg12[%swap3A_322] {strides = array<i32>} : memref<10000xf32, #tpu.memory_space<vmem>>, vector<16xf32>,
      tpu.vector_store %arg12[%swap3A_322], %mul3A_320 {strides = array<i32>} : memref<10000xf32, #tpu.memory_space<vmem>>, vector<16xf32>,
      %get3A_324 = arith.constant 0 : i32
      %get3A_325 = arith.index_cast %get3A_324 : i32 to index
      %get3A_326 = arith.index_cast %mul3A_308 : i32 to index
      %get3A_327 = tpu.vector_load %arg13[%get3A_325, %get3A_326] {strides = array<i32>} : memref<2x10000xf32, #tpu.memory_space<vmem>>, vector<16xf32>,
      %mul3A_328 = arith.mulf %mul3A_317, %get3A_327 : vector<16xf32>
      %swap3A_329 = arith.index_cast %mul3A_308 : i32 to index
      %swap3A_330 = tpu.vector_load %arg7[%swap3A_329] {strides = array<i32>} : memref<10000xf32, #tpu.memory_space<vmem>>, vector<16xf32>,
      tpu.vector_store %arg7[%swap3A_329], %mul3A_328 {strides = array<i32>} : memref<10000xf32, #tpu.memory_space<vmem>>, vector<16xf32>,
      %mul3A_331 = arith.mulf %mul3A_320, %get3A_327 : vector<16xf32>
      %swap3A_332 = arith.index_cast %mul3A_308 : i32 to index
      %swap3A_333 = tpu.vector_load %arg8[%swap3A_332] {strides = array<i32>} : memref<10000xf32, #tpu.memory_space<vmem>>, vector<16xf32>,
      tpu.vector_store %arg8[%swap3A_332], %mul3A_331 {strides = array<i32>} : memref<10000xf32, #tpu.memory_space<vmem>>, vector<16xf32>,
      %swap3A_334 = arith.index_cast %mul3A_308 : i32 to index
      %swap3A_335 = tpu.vector_load %arg9[%swap3A_334] {strides = array<i32>} : memref<10000xf32, #tpu.memory_space<vmem>>, vector<16xf32>,
      tpu.vector_store %arg9[%swap3A_334], %broadcast_in_dim3A_6 {strides = array<i32>} : memref<10000xf32, #tpu.memory_space<vmem>>, vector<16xf32>,
      %swap3A_336 = arith.index_cast %mul3A_308 : i32 to index
      %swap3A_337 = tpu.vector_load %arg10[%swap3A_336] {strides = array<i32>} : memref<10000xf32, #tpu.memory_space<vmem>>, vector<16xf32>,
      tpu.vector_store %arg10[%swap3A_336], %broadcast_in_dim3A_6 {strides = array<i32>} : memref<10000xf32, #tpu.memory_space<vmem>>, vector<16xf32>,
      %scan3A_338 = arith.constant 0 : i32
      scf.yield %scan3A_338 : i32
    }
    %scan3A_272 = arith.constant 625 : i32
    %dma_start3A_273 = arith.constant 5 : i32
    %dma_start3A_274 = arith.constant 0 : i32
    %dma_start3A_275 = tpu.memref_slice %arg6[%dma_start3A_273, %mul3A_2, %dma_start3A_274] : memref<6x64x10000xf32, #tpu.memory_space<hbm>> -> memref<1x1x10000xf32, #tpu.memory_space<hbm>>
    %dma_start3A_276 = tpu.memref_squeeze %dma_start3A_275 : memref<1x1x10000xf32, #tpu.memory_space<hbm>> -> memref<10000xf32, #tpu.memory_space<hbm>>
    %dma_start3A_277 = arith.constant 0 : i32
    %dma_start3A_278 = tpu.memref_slice %arg6[%dma_start3A_273, %mul3A_2, %dma_start3A_277] : memref<6x64x10000xf32, #tpu.memory_space<hbm>> -> memref<1x1x10000xf32, #tpu.memory_space<hbm>>
    %dma_start3A_279 = tpu.memref_squeeze %dma_start3A_278 : memref<1x1x10000xf32, #tpu.memory_space<hbm>> -> memref<10000xf32, #tpu.memory_space<hbm>>
    tpu.enqueue_dma source(%arg11 : memref<10000xf32, #tpu.memory_space<vmem>>) target(%dma_start3A_279 : memref<10000xf32, #tpu.memory_space<hbm>>) target_semaphore(%arg19 : memref<!tpu.dma_semaphore, #tpu.memory_space<semaphore_mem>>)
    %add3A_280 = arith.constant 1 : i32
    %add3A_281 = arith.addi %mul3A_2, %add3A_280 : i32
    %dma_start3A_282 = arith.constant 5 : i32
    %dma_start3A_283 = arith.constant 0 : i32
    %dma_start3A_284 = tpu.memref_slice %arg6[%dma_start3A_282, %add3A_281, %dma_start3A_283] : memref<6x64x10000xf32, #tpu.memory_space<hbm>> -> memref<1x1x10000xf32, #tpu.memory_space<hbm>>
    %dma_start3A_285 = tpu.memref_squeeze %dma_start3A_284 : memref<1x1x10000xf32, #tpu.memory_space<hbm>> -> memref<10000xf32, #tpu.memory_space<hbm>>
    %dma_start3A_286 = arith.constant 0 : i32
    %dma_start3A_287 = tpu.memref_slice %arg6[%dma_start3A_282, %add3A_281, %dma_start3A_286] : memref<6x64x10000xf32, #tpu.memory_space<hbm>> -> memref<1x1x10000xf32, #tpu.memory_space<hbm>>
    %dma_start3A_288 = tpu.memref_squeeze %dma_start3A_287 : memref<1x1x10000xf32, #tpu.memory_space<hbm>> -> memref<10000xf32, #tpu.memory_space<hbm>>
    tpu.enqueue_dma source(%arg12 : memref<10000xf32, #tpu.memory_space<vmem>>) target(%dma_start3A_288 : memref<10000xf32, #tpu.memory_space<hbm>>) target_semaphore(%arg19 : memref<!tpu.dma_semaphore, #tpu.memory_space<semaphore_mem>>)
    %dma_wait3A_289 = arith.constant 5 : i32
    %dma_wait3A_290 = arith.constant 0 : i32
    %dma_wait3A_291 = tpu.memref_slice %arg6[%dma_wait3A_289, %mul3A_2, %dma_wait3A_290] : memref<6x64x10000xf32, #tpu.memory_space<hbm>> -> memref<1x1x10000xf32, #tpu.memory_space<hbm>>
    %dma_wait3A_292 = tpu.memref_squeeze %dma_wait3A_291 : memref<1x1x10000xf32, #tpu.memory_space<hbm>> -> memref<10000xf32, #tpu.memory_space<hbm>>
    %dma_wait3A_293 = arith.constant 0 : i32
    %dma_wait3A_294 = tpu.memref_slice %arg6[%dma_wait3A_289, %mul3A_2, %dma_wait3A_293] : memref<6x64x10000xf32, #tpu.memory_space<hbm>> -> memref<1x1x10000xf32, #tpu.memory_space<hbm>>
    %dma_wait3A_295 = tpu.memref_squeeze %dma_wait3A_294 : memref<1x1x10000xf32, #tpu.memory_space<hbm>> -> memref<10000xf32, #tpu.memory_space<hbm>>
    tpu.wait_dma2 semaphore(%arg19 : memref<!tpu.dma_semaphore, #tpu.memory_space<semaphore_mem>>) src(%arg11 : memref<10000xf32, #tpu.memory_space<vmem>>) dst(%dma_wait3A_295 : memref<10000xf32, #tpu.memory_space<hbm>>)
    %add3A_296 = arith.constant 1 : i32
    %add3A_297 = arith.addi %mul3A_2, %add3A_296 : i32
    %dma_wait3A_298 = arith.constant 5 : i32
    %dma_wait3A_299 = arith.constant 0 : i32
    %dma_wait3A_300 = tpu.memref_slice %arg6[%dma_wait3A_298, %add3A_297, %dma_wait3A_299] : memref<6x64x10000xf32, #tpu.memory_space<hbm>> -> memref<1x1x10000xf32, #tpu.memory_space<hbm>>
    %dma_wait3A_301 = tpu.memref_squeeze %dma_wait3A_300 : memref<1x1x10000xf32, #tpu.memory_space<hbm>> -> memref<10000xf32, #tpu.memory_space<hbm>>
    %dma_wait3A_302 = arith.constant 0 : i32
    %dma_wait3A_303 = tpu.memref_slice %arg6[%dma_wait3A_298, %add3A_297, %dma_wait3A_302] : memref<6x64x10000xf32, #tpu.memory_space<hbm>> -> memref<1x1x10000xf32, #tpu.memory_space<hbm>>
    %dma_wait3A_304 = tpu.memref_squeeze %dma_wait3A_303 : memref<1x1x10000xf32, #tpu.memory_space<hbm>> -> memref<10000xf32, #tpu.memory_space<hbm>>
    tpu.wait_dma2 semaphore(%arg19 : memref<!tpu.dma_semaphore, #tpu.memory_space<semaphore_mem>>) src(%arg12 : memref<10000xf32, #tpu.memory_space<vmem>>) dst(%dma_wait3A_304 : memref<10000xf32, #tpu.memory_space<hbm>>)
    return
  }
}

module attributes {stable_mosaic.version = 14 : i64} {
  func.func @_k2_body(%arg0: memref<10000x128xf32, #tpu.memory_space<vmem>>, %arg1: memref<128x128xf32, #tpu.memory_space<vmem>>, %arg2: memref<1x128xf32, #tpu.memory_space<vmem>>, %arg3: memref<128x64xf32, #tpu.memory_space<vmem>>, %arg4: memref<1x64xf32, #tpu.memory_space<vmem>>, %arg5: memref<1x128xf32, #tpu.memory_space<vmem>>, %arg6: memref<32x10000xf32, #tpu.memory_space<vmem>>, %arg7: memref<32x10000xf32, #tpu.memory_space<vmem>>, %arg8: memref<64x10000xf32, #tpu.memory_space<vmem>>, %arg9: memref<2x10000xf32, #tpu.memory_space<vmem>>, %arg10: memref<1x128xf32, #tpu.memory_space<vmem>>) attributes {dimension_semantics = [], scalar_prefetch = 0 : i64, scratch_operands = 0 : i64, tpu.core_type = #tpu.core_type<tc>} {
    %get3A = arith.constant 0 : index
    %get3A_0 = arith.constant 0 : index
    %get3A_1 = vector.load %arg0[%get3A, %get3A_0] : memref<10000x128xf32, #tpu.memory_space<vmem>>, vector<10000x128xf32>
    %get3A_2 = arith.constant 0 : index
    %get3A_3 = arith.constant 0 : index
    %get3A_4 = vector.load %arg1[%get3A_2, %get3A_3] : memref<128x128xf32, #tpu.memory_space<vmem>>, vector<128x128xf32>
    %dot_general3A = arith.constant dense<0.000000e+00> : vector<10000x128xf32>
    %dot_general3A_5 = tpu.matmul %get3A_1, %get3A_4, %dot_general3A {dimension_numbers = #tpu.dot_dimension_numbers<[1], [0], [0], [1], [0, 0, 1, 1], [], []>, transpose_lhs_hint = false} : vector<10000x128xf32>, vector<128x128xf32>, vector<10000x128xf32> -> vector<10000x128xf32>
    %get3A_6 = arith.constant 0 : index
    %get3A_7 = arith.constant 0 : index
    %get3A_8 = vector.load %arg2[%get3A_6, %get3A_7] : memref<1x128xf32, #tpu.memory_space<vmem>>, vector<1x128xf32>
    %add3A = vector.broadcast %get3A_8 : vector<1x128xf32> to vector<10000x128xf32>
    %add3A_9 = arith.addf %dot_general3A_5, %add3A : vector<10000x128xf32>
    %max3A = arith.constant 0.000000e+00 : f32
    %max3A_10 = vector.broadcast %max3A : f32 to vector<10000x128xf32>
    %max3A_11 = arith.maximumf %add3A_9, %max3A_10 : vector<10000x128xf32>
    %get3A_12 = arith.constant 0 : index
    %get3A_13 = arith.constant 0 : index
    %get3A_14 = vector.load %arg3[%get3A_12, %get3A_13] : memref<128x64xf32, #tpu.memory_space<vmem>>, vector<128x64xf32>
    %dot_general3A_15 = arith.constant dense<0.000000e+00> : vector<10000x64xf32>
    %dot_general3A_16 = tpu.matmul %max3A_11, %get3A_14, %dot_general3A_15 {dimension_numbers = #tpu.dot_dimension_numbers<[1], [0], [0], [1], [0, 0, 1, 1], [], []>, transpose_lhs_hint = false} : vector<10000x128xf32>, vector<128x64xf32>, vector<10000x64xf32> -> vector<10000x64xf32>
    %get3A_17 = arith.constant 0 : index
    %get3A_18 = arith.constant 0 : index
    %get3A_19 = vector.load %arg4[%get3A_17, %get3A_18] : memref<1x64xf32, #tpu.memory_space<vmem>>, vector<1x64xf32>
    %add3A_20 = vector.broadcast %get3A_19 : vector<1x64xf32> to vector<10000x64xf32>
    %add3A_21 = arith.addf %dot_general3A_16, %add3A_20 : vector<10000x64xf32>
    %transpose3A = tpu.transpose %add3A_21, [1, 0] : vector<10000x64xf32> -> vector<64x10000xf32>
    %swap3A = arith.constant 0 : index
    %swap3A_22 = arith.constant 0 : index
    %swap3A_23 = vector.load %arg8[%swap3A, %swap3A_22] : memref<64x10000xf32, #tpu.memory_space<vmem>>, vector<64x10000xf32>
    tpu.vector_store %arg8[%swap3A, %swap3A_22], %transpose3A {strides = array<i32>} : memref<64x10000xf32, #tpu.memory_space<vmem>>, vector<64x10000xf32>,
    %get3A_24 = arith.constant 0 : index
    %get3A_25 = arith.constant 0 : index
    %get3A_26 = vector.load %arg6[%get3A_24, %get3A_25] : memref<32x10000xf32, #tpu.memory_space<vmem>>, vector<32x10000xf32>
    %reduce_sum3A = arith.constant dense<0.000000e+00> : vector<10000xf32>
    %reduce_sum3A_27 = vector.multi_reduction <add>, %get3A_26, %reduce_sum3A [0] : vector<32x10000xf32> to vector<10000xf32>
    %broadcast_in_dim3A = vector.shape_cast %reduce_sum3A_27 : vector<10000xf32> to vector<1x10000xf32>
    %jit3A = arith.constant 1.000000e+00 : f32
    %max3A_28 = vector.broadcast %jit3A : f32 to vector<1x10000xf32>
    %max3A_29 = arith.maximumf %max3A_28, %broadcast_in_dim3A : vector<1x10000xf32>
    %get3A_30 = arith.constant 0 : index
    %get3A_31 = arith.constant 0 : index
    %get3A_32 = vector.load %arg7[%get3A_30, %get3A_31] : memref<32x10000xf32, #tpu.memory_space<vmem>>, vector<32x10000xf32>
    %reduce_sum3A_33 = arith.constant dense<0.000000e+00> : vector<10000xf32>
    %reduce_sum3A_34 = vector.multi_reduction <add>, %get3A_32, %reduce_sum3A_33 [0] : vector<32x10000xf32> to vector<10000xf32>
    %broadcast_in_dim3A_35 = vector.shape_cast %reduce_sum3A_34 : vector<10000xf32> to vector<1x10000xf32>
    %jit3A_36 = arith.constant 1.000000e+00 : f32
    %max3A_37 = vector.broadcast %jit3A_36 : f32 to vector<1x10000xf32>
    %max3A_38 = arith.maximumf %max3A_37, %broadcast_in_dim3A_35 : vector<1x10000xf32>
    %rsqrt3A = math.rsqrt %max3A_29 : vector<1x10000xf32>
    %rsqrt3A_39 = math.rsqrt %max3A_38 : vector<1x10000xf32>
    %concatenate3A = tpu.concatenate %rsqrt3A, %rsqrt3A_39 in 0 : vector<1x10000xf32>, vector<1x10000xf32> -> vector<2x10000xf32>
    %swap3A_40 = arith.constant 0 : index
    %swap3A_41 = arith.constant 0 : index
    %swap3A_42 = vector.load %arg9[%swap3A_40, %swap3A_41] : memref<2x10000xf32, #tpu.memory_space<vmem>>, vector<2x10000xf32>
    tpu.vector_store %arg9[%swap3A_40, %swap3A_41], %concatenate3A {strides = array<i32>} : memref<2x10000xf32, #tpu.memory_space<vmem>>, vector<2x10000xf32>,
    %get3A_43 = arith.constant 0 : index
    %get3A_44 = arith.constant 0 : index
    %get3A_45 = vector.load %arg5[%get3A_43, %get3A_44] : memref<1x128xf32, #tpu.memory_space<vmem>>, vector<1x128xf32>
    %tanh3A = math.tanh %get3A_45 : vector<1x128xf32>
    %mul3A = arith.constant 2.000000e+00 : f32
    %mul3A_46 = vector.broadcast %mul3A : f32 to vector<1x128xf32>
    %mul3A_47 = arith.mulf %mul3A_46, %tanh3A : vector<1x128xf32>
    %swap3A_48 = arith.constant 0 : index
    %swap3A_49 = arith.constant 0 : index
    %swap3A_50 = vector.load %arg10[%swap3A_48, %swap3A_49] : memref<1x128xf32, #tpu.memory_space<vmem>>, vector<1x128xf32>
    tpu.vector_store %arg10[%swap3A_48, %swap3A_49], %mul3A_47 {strides = array<i32>} : memref<1x128xf32, #tpu.memory_space<vmem>>, vector<1x128xf32>,
    return
  }
}

module attributes {stable_mosaic.version = 14 : i64} {
  func.func @_k4a_body(%arg0: memref<6x64x10000xf32, #tpu.memory_space<vmem>>, %arg1: memref<448x1xf32, #tpu.memory_space<vmem>>, %arg2: memref<1x1xf32, #tpu.memory_space<vmem>>, %arg3: memref<6x10000xf32, #tpu.memory_space<vmem>>) attributes {dimension_semantics = [], scalar_prefetch = 0 : i64, scratch_operands = 0 : i64, tpu.core_type = #tpu.core_type<tc>} {
    %get3A = arith.constant 0 : index
    %get3A_0 = arith.constant 0 : index
    %get3A_1 = vector.load %arg1[%get3A, %get3A_0] : memref<448x1xf32, #tpu.memory_space<vmem>>, vector<384x1xf32>
    %get3A_2 = vector.shape_cast %get3A_1 : vector<384x1xf32> to vector<384xf32>
    %get3A_3 = arith.constant 384 : index
    %get3A_4 = arith.constant 0 : index
    %get3A_5 = vector.load %arg1[%get3A_3, %get3A_4] : memref<448x1xf32, #tpu.memory_space<vmem>>, vector<64x1xf32>
    %get3A_6 = vector.shape_cast %get3A_5 : vector<64x1xf32> to vector<64xf32>
    %broadcast_in_dim3A = arith.constant 0.000000e+00 : f32
    %broadcast_in_dim3A_7 = vector.broadcast %broadcast_in_dim3A : f32 to vector<64xf32>
    %concatenate3A = tpu.concatenate %get3A_6, %broadcast_in_dim3A_7, %broadcast_in_dim3A_7, %broadcast_in_dim3A_7, %broadcast_in_dim3A_7, %broadcast_in_dim3A_7 in 0 : vector<64xf32>, vector<64xf32>, vector<64xf32>, vector<64xf32>, vector<64xf32>, vector<64xf32> -> vector<384xf32>
    %concatenate3A_8 = tpu.concatenate %broadcast_in_dim3A_7, %get3A_6, %broadcast_in_dim3A_7, %broadcast_in_dim3A_7, %broadcast_in_dim3A_7, %broadcast_in_dim3A_7 in 0 : vector<64xf32>, vector<64xf32>, vector<64xf32>, vector<64xf32>, vector<64xf32>, vector<64xf32> -> vector<384xf32>
    %concatenate3A_9 = tpu.concatenate %broadcast_in_dim3A_7, %broadcast_in_dim3A_7, %get3A_6, %broadcast_in_dim3A_7, %broadcast_in_dim3A_7, %broadcast_in_dim3A_7 in 0 : vector<64xf32>, vector<64xf32>, vector<64xf32>, vector<64xf32>, vector<64xf32>, vector<64xf32> -> vector<384xf32>
    %concatenate3A_10 = tpu.concatenate %broadcast_in_dim3A_7, %broadcast_in_dim3A_7, %broadcast_in_dim3A_7, %get3A_6, %broadcast_in_dim3A_7, %broadcast_in_dim3A_7 in 0 : vector<64xf32>, vector<64xf32>, vector<64xf32>, vector<64xf32>, vector<64xf32>, vector<64xf32> -> vector<384xf32>
    %concatenate3A_11 = tpu.concatenate %broadcast_in_dim3A_7, %broadcast_in_dim3A_7, %broadcast_in_dim3A_7, %broadcast_in_dim3A_7, %get3A_6, %broadcast_in_dim3A_7 in 0 : vector<64xf32>, vector<64xf32>, vector<64xf32>, vector<64xf32>, vector<64xf32>, vector<64xf32> -> vector<384xf32>
    %concatenate3A_12 = tpu.concatenate %broadcast_in_dim3A_7, %broadcast_in_dim3A_7, %broadcast_in_dim3A_7, %broadcast_in_dim3A_7, %broadcast_in_dim3A_7, %get3A_6 in 0 : vector<64xf32>, vector<64xf32>, vector<64xf32>, vector<64xf32>, vector<64xf32>, vector<64xf32> -> vector<384xf32>
    %broadcast_in_dim3A_13 = arith.constant 0.000000e+00 : f32
    %broadcast_in_dim3A_14 = vector.broadcast %broadcast_in_dim3A_13 : f32 to vector<384xf32>
    %stack3A = vector.shape_cast %get3A_2 : vector<384xf32> to vector<1x384xf32>
    %stack3A_15 = vector.shape_cast %concatenate3A : vector<384xf32> to vector<1x384xf32>
    %stack3A_16 = vector.shape_cast %concatenate3A_8 : vector<384xf32> to vector<1x384xf32>
    %stack3A_17 = vector.shape_cast %concatenate3A_9 : vector<384xf32> to vector<1x384xf32>
    %stack3A_18 = vector.shape_cast %concatenate3A_10 : vector<384xf32> to vector<1x384xf32>
    %stack3A_19 = vector.shape_cast %concatenate3A_11 : vector<384xf32> to vector<1x384xf32>
    %stack3A_20 = vector.shape_cast %concatenate3A_12 : vector<384xf32> to vector<1x384xf32>
    %stack3A_21 = vector.shape_cast %broadcast_in_dim3A_14 : vector<384xf32> to vector<1x384xf32>
    %stack3A_22 = tpu.concatenate %stack3A, %stack3A_15, %stack3A_16, %stack3A_17, %stack3A_18, %stack3A_19, %stack3A_20, %stack3A_21 in 0 : vector<1x384xf32>, vector<1x384xf32>, vector<1x384xf32>, vector<1x384xf32>, vector<1x384xf32>, vector<1x384xf32>, vector<1x384xf32>, vector<1x384xf32> -> vector<8x384xf32>
    %get3A_23 = arith.constant 0 : index
    %get3A_24 = arith.constant 0 : index
    %get3A_25 = arith.constant 0 : index
    %get3A_26 = vector.load %arg0[%get3A_23, %get3A_24, %get3A_25] : memref<6x64x10000xf32, #tpu.memory_space<vmem>>, vector<6x64x10000xf32>
    %reshape3A = vector.shape_cast %get3A_26 : vector<6x64x10000xf32> to vector<384x10000xf32>
    %dot_general3A = arith.constant dense<0.000000e+00> : vector<8x10000xf32>
    %dot_general3A_27 = tpu.matmul %stack3A_22, %reshape3A, %dot_general3A {dimension_numbers = #tpu.dot_dimension_numbers<[1], [0], [0], [1], [0, 0, 1, 1], [], []>, transpose_lhs_hint = false} : vector<8x384xf32>, vector<384x10000xf32>, vector<8x10000xf32> -> vector<8x10000xf32>
    %slice3A = vector.extract_strided_slice %dot_general3A_27 {offsets = [1, 0], sizes = [6, 10000], strides = [1, 1]} : vector<8x10000xf32> to vector<6x10000xf32>
    %slice3A_28 = vector.extract_strided_slice %dot_general3A_27 {offsets = [0, 0], sizes = [1, 10000], strides = [1, 1]} : vector<8x10000xf32> to vector<1x10000xf32>
    %add3A = vector.broadcast %slice3A_28 : vector<1x10000xf32> to vector<6x10000xf32>
    %add3A_29 = arith.addf %slice3A, %add3A : vector<6x10000xf32>
    %get3A_30 = arith.constant 0 : index
    %get3A_31 = arith.constant 0 : index
    %get3A_32 = vector.load %arg2[%get3A_30, %get3A_31] : memref<1x1xf32, #tpu.memory_space<vmem>>, vector<1x1xf32>
    %get3A_33 = vector.extract %get3A_32[0, 0] : f32 from vector<1x1xf32>
    %add3A_34 = vector.broadcast %get3A_33 : f32 to vector<6x10000xf32>
    %add3A_35 = arith.addf %add3A_29, %add3A_34 : vector<6x10000xf32>
    %neg3A = arith.constant 0.000000e+00 : f32
    %neg3A_36 = vector.broadcast %neg3A : f32 to vector<6x10000xf32>
    %neg3A_37 = arith.subf %neg3A_36, %add3A_35 : vector<6x10000xf32>
    %exp3A = math.exp %neg3A_37 : vector<6x10000xf32>
    %add3A_38 = arith.constant 1.000000e+00 : f32
    %add3A_39 = vector.broadcast %add3A_38 : f32 to vector<6x10000xf32>
    %add3A_40 = arith.addf %add3A_39, %exp3A : vector<6x10000xf32>
    %div3A = arith.constant 1.000000e+00 : f32
    %div3A_41 = vector.broadcast %div3A : f32 to vector<6x10000xf32>
    %div3A_42 = arith.divf %div3A_41, %add3A_40 : vector<6x10000xf32>
    %exp3A_43 = math.exp %div3A_42 : vector<6x10000xf32>
    %swap3A = arith.constant 0 : index
    %swap3A_44 = arith.constant 0 : index
    %swap3A_45 = vector.load %arg3[%swap3A, %swap3A_44] : memref<6x10000xf32, #tpu.memory_space<vmem>>, vector<6x10000xf32>
    tpu.vector_store %arg3[%swap3A, %swap3A_44], %exp3A_43 {strides = array<i32>} : memref<6x10000xf32, #tpu.memory_space<vmem>>, vector<6x10000xf32>,
    return
  }
}

module attributes {stable_mosaic.version = 14 : i64} {
  func.func @_k4c_body(%arg0: memref<10000x6xf32, #tpu.memory_space<vmem>>, %arg1: memref<6x64x10000xf32, #tpu.memory_space<vmem>>, %arg2: memref<10000x64xf32, #tpu.memory_space<vmem>>) attributes {dimension_semantics = [], scalar_prefetch = 0 : i64, scratch_operands = 0 : i64, tpu.core_type = #tpu.core_type<tc>} {
    %get3A = arith.constant 0 : index
    %get3A_0 = arith.constant 0 : index
    %get3A_1 = vector.load %arg0[%get3A, %get3A_0] : memref<10000x6xf32, #tpu.memory_space<vmem>>, vector<10000x6xf32>
    %transpose3A = tpu.transpose %get3A_1, [1, 0] : vector<10000x6xf32> -> vector<6x10000xf32>
    %reduce_sum3A = arith.constant dense<0.000000e+00> : vector<10000xf32>
    %reduce_sum3A_2 = vector.multi_reduction <add>, %transpose3A, %reduce_sum3A [0] : vector<6x10000xf32> to vector<10000xf32>
    %broadcast_in_dim3A = vector.shape_cast %reduce_sum3A_2 : vector<10000xf32> to vector<1x10000xf32>
    %broadcast_in_dim3A_3 = arith.constant 0.000000e+00 : f32
    %broadcast_in_dim3A_4 = vector.broadcast %broadcast_in_dim3A_3 : f32 to vector<64x10000xf32>
    %get3A_5 = arith.constant 0 : index
    %get3A_6 = arith.constant 0 : index
    %get3A_7 = arith.constant 0 : index
    %get3A_8 = vector.load %arg1[%get3A_5, %get3A_6, %get3A_7] : memref<6x64x10000xf32, #tpu.memory_space<vmem>>, vector<1x64x10000xf32>
    %get3A_9 = vector.shape_cast %get3A_8 : vector<1x64x10000xf32> to vector<64x10000xf32>
    %slice3A = vector.extract_strided_slice %transpose3A {offsets = [0, 0], sizes = [1, 10000], strides = [1, 1]} : vector<6x10000xf32> to vector<1x10000xf32>
    %squeeze3A = vector.shape_cast %slice3A : vector<1x10000xf32> to vector<10000xf32>
    %broadcast_in_dim3A_10 = vector.shape_cast %squeeze3A : vector<10000xf32> to vector<1x10000xf32>
    %mul3A = vector.broadcast %broadcast_in_dim3A_10 : vector<1x10000xf32> to vector<64x10000xf32>
    %mul3A_11 = arith.mulf %get3A_9, %mul3A : vector<64x10000xf32>
    %add3A = arith.addf %broadcast_in_dim3A_4, %mul3A_11 : vector<64x10000xf32>
    %get3A_12 = arith.constant 1 : index
    %get3A_13 = arith.constant 0 : index
    %get3A_14 = arith.constant 0 : index
    %get3A_15 = vector.load %arg1[%get3A_12, %get3A_13, %get3A_14] : memref<6x64x10000xf32, #tpu.memory_space<vmem>>, vector<1x64x10000xf32>
    %get3A_16 = vector.shape_cast %get3A_15 : vector<1x64x10000xf32> to vector<64x10000xf32>
    %slice3A_17 = vector.extract_strided_slice %transpose3A {offsets = [1, 0], sizes = [1, 10000], strides = [1, 1]} : vector<6x10000xf32> to vector<1x10000xf32>
    %squeeze3A_18 = vector.shape_cast %slice3A_17 : vector<1x10000xf32> to vector<10000xf32>
    %broadcast_in_dim3A_19 = vector.shape_cast %squeeze3A_18 : vector<10000xf32> to vector<1x10000xf32>
    %mul3A_20 = vector.broadcast %broadcast_in_dim3A_19 : vector<1x10000xf32> to vector<64x10000xf32>
    %mul3A_21 = arith.mulf %get3A_16, %mul3A_20 : vector<64x10000xf32>
    %add3A_22 = arith.addf %add3A, %mul3A_21 : vector<64x10000xf32>
    %get3A_23 = arith.constant 2 : index
    %get3A_24 = arith.constant 0 : index
    %get3A_25 = arith.constant 0 : index
    %get3A_26 = vector.load %arg1[%get3A_23, %get3A_24, %get3A_25] : memref<6x64x10000xf32, #tpu.memory_space<vmem>>, vector<1x64x10000xf32>
    %get3A_27 = vector.shape_cast %get3A_26 : vector<1x64x10000xf32> to vector<64x10000xf32>
    %slice3A_28 = vector.extract_strided_slice %transpose3A {offsets = [2, 0], sizes = [1, 10000], strides = [1, 1]} : vector<6x10000xf32> to vector<1x10000xf32>
    %squeeze3A_29 = vector.shape_cast %slice3A_28 : vector<1x10000xf32> to vector<10000xf32>
    %broadcast_in_dim3A_30 = vector.shape_cast %squeeze3A_29 : vector<10000xf32> to vector<1x10000xf32>
    %mul3A_31 = vector.broadcast %broadcast_in_dim3A_30 : vector<1x10000xf32> to vector<64x10000xf32>
    %mul3A_32 = arith.mulf %get3A_27, %mul3A_31 : vector<64x10000xf32>
    %add3A_33 = arith.addf %add3A_22, %mul3A_32 : vector<64x10000xf32>
    %get3A_34 = arith.constant 3 : index
    %get3A_35 = arith.constant 0 : index
    %get3A_36 = arith.constant 0 : index
    %get3A_37 = vector.load %arg1[%get3A_34, %get3A_35, %get3A_36] : memref<6x64x10000xf32, #tpu.memory_space<vmem>>, vector<1x64x10000xf32>
    %get3A_38 = vector.shape_cast %get3A_37 : vector<1x64x10000xf32> to vector<64x10000xf32>
    %slice3A_39 = vector.extract_strided_slice %transpose3A {offsets = [3, 0], sizes = [1, 10000], strides = [1, 1]} : vector<6x10000xf32> to vector<1x10000xf32>
    %squeeze3A_40 = vector.shape_cast %slice3A_39 : vector<1x10000xf32> to vector<10000xf32>
    %broadcast_in_dim3A_41 = vector.shape_cast %squeeze3A_40 : vector<10000xf32> to vector<1x10000xf32>
    %mul3A_42 = vector.broadcast %broadcast_in_dim3A_41 : vector<1x10000xf32> to vector<64x10000xf32>
    %mul3A_43 = arith.mulf %get3A_38, %mul3A_42 : vector<64x10000xf32>
    %add3A_44 = arith.addf %add3A_33, %mul3A_43 : vector<64x10000xf32>
    %get3A_45 = arith.constant 4 : index
    %get3A_46 = arith.constant 0 : index
    %get3A_47 = arith.constant 0 : index
    %get3A_48 = vector.load %arg1[%get3A_45, %get3A_46, %get3A_47] : memref<6x64x10000xf32, #tpu.memory_space<vmem>>, vector<1x64x10000xf32>
    %get3A_49 = vector.shape_cast %get3A_48 : vector<1x64x10000xf32> to vector<64x10000xf32>
    %slice3A_50 = vector.extract_strided_slice %transpose3A {offsets = [4, 0], sizes = [1, 10000], strides = [1, 1]} : vector<6x10000xf32> to vector<1x10000xf32>
    %squeeze3A_51 = vector.shape_cast %slice3A_50 : vector<1x10000xf32> to vector<10000xf32>
    %broadcast_in_dim3A_52 = vector.shape_cast %squeeze3A_51 : vector<10000xf32> to vector<1x10000xf32>
    %mul3A_53 = vector.broadcast %broadcast_in_dim3A_52 : vector<1x10000xf32> to vector<64x10000xf32>
    %mul3A_54 = arith.mulf %get3A_49, %mul3A_53 : vector<64x10000xf32>
    %add3A_55 = arith.addf %add3A_44, %mul3A_54 : vector<64x10000xf32>
    %get3A_56 = arith.constant 5 : index
    %get3A_57 = arith.constant 0 : index
    %get3A_58 = arith.constant 0 : index
    %get3A_59 = vector.load %arg1[%get3A_56, %get3A_57, %get3A_58] : memref<6x64x10000xf32, #tpu.memory_space<vmem>>, vector<1x64x10000xf32>
    %get3A_60 = vector.shape_cast %get3A_59 : vector<1x64x10000xf32> to vector<64x10000xf32>
    %slice3A_61 = vector.extract_strided_slice %transpose3A {offsets = [5, 0], sizes = [1, 10000], strides = [1, 1]} : vector<6x10000xf32> to vector<1x10000xf32>
    %squeeze3A_62 = vector.shape_cast %slice3A_61 : vector<1x10000xf32> to vector<10000xf32>
    %broadcast_in_dim3A_63 = vector.shape_cast %squeeze3A_62 : vector<10000xf32> to vector<1x10000xf32>
    %mul3A_64 = vector.broadcast %broadcast_in_dim3A_63 : vector<1x10000xf32> to vector<64x10000xf32>
    %mul3A_65 = arith.mulf %get3A_60, %mul3A_64 : vector<64x10000xf32>
    %add3A_66 = arith.addf %add3A_55, %mul3A_65 : vector<64x10000xf32>
    %div3A = vector.broadcast %broadcast_in_dim3A : vector<1x10000xf32> to vector<64x10000xf32>
    %div3A_67 = arith.divf %add3A_66, %div3A : vector<64x10000xf32>
    %transpose3A_68 = tpu.transpose %div3A_67, [1, 0] : vector<64x10000xf32> -> vector<10000x64xf32>
    %swap3A = arith.constant 0 : index
    %swap3A_69 = arith.constant 0 : index
    %swap3A_70 = vector.load %arg2[%swap3A, %swap3A_69] : memref<10000x64xf32, #tpu.memory_space<vmem>>, vector<10000x64xf32>
    tpu.vector_store %arg2[%swap3A, %swap3A_69], %transpose3A_68 {strides = array<i32>} : memref<10000x64xf32, #tpu.memory_space<vmem>>, vector<10000x64xf32>,
    return
  }
}

</mosaic_0001>

<sc_bundles>
// kernel: kernel.10.cloned.1.call-start
scs
__scs_entry_jumppad:
0x0: {  	(pc) =	sbr.rel $0x88, $3  }
0x1: {  	(tag) =	ssettag $0x0;
	lr =	simm.s32 $0x1  }
0x2: {  	[smem:$0x3F98] =	sst lr;
	_ =	strace $0xD0000000  }
0x3: {  	_ = 	snop  }
0x4: {  	_ = 	snop  }
0x5: {  	_ = 	snop  }
0x6: {  	_ = 	snop  }
0x7: {  	_ = 	snop  }
__scs_overlays_trampoline_lowered:
0x8: {  	[smem:$0x3FA7] =	sst s0  }
0x9: {  	[smem:$0x3FA8] =	sst s1  }
0xa: {  	[smem:$0x3FA9] =	sst s2  }
0xb: {  	[smem:$0x3FAA] =	sst s3  }
0xc: {  	[smem:$0x3FAB] =	sst s4  }
0xd: {  	[smem:$0x3FAC] =	sst s5  }
0xe: {  	[smem:$0x3FAD] =	sst s6  }
0xf: {  	[smem:$0x3FAE] =	sst s7  }
0x10: {  	[smem:$0x3FAF] =	sst s8  }
0x11: {  	[smem:$0x3FB0] =	sst s9;
	s0 =	simm.s32 @!p0 $0x0  }
0x12: {  	s1 =	sld [smem:$0x3F96];
	s0 =	simm.s32 @p0 $0x1  }
0x13: {  	[smem:$0x3FB1] =	sst s0;
	s0 =	simm.s32 @!p1 $0x0  }
0x14: {  	s2 =	sld [smem:$0x3F95];
	s0 =	simm.s32 @p1 $0x1  }
0x15: {  	[smem:$0x3FB2] =	sst s0;
	s0 =	simm.s32 @!p2 $0x0  }
0x16: {  	s3 =	sld [smem:$0x3FDB];
	s0 =	simm.s32 @p2 $0x1  }
0x17: {  	s4 =	simm.s32 $0x1BF5;
	[smem:$0x3FB4] =	sst s0  }
0x18: {  	s0 =	sld [smem:$0x3F97];
	_ =	swait.ge [sflag:s4], $0x0  }
0x19: {  	s7 =	sld [smem:$0x3F98]  }
0x1a: {  	s8 =	sadd.s32 $0xFFFFE003, lr  }
0x1b: {  	s9 =	sadd.s32 $0xFFFFFEF7, lr;
	s5 =	simm.s32 $0xFFFFFFFF;
	p2 =	slt.u32 s8, $0xFFFFF086  }
0x1c: {  	p1 =	slt.u32 s9, $0xF7A;
	s5 =	simm.s32 @!p2 $0x0  }
0x1d: {  	s5 =	simm.s32 @p1 $0x1;
	p0 =	seq.s32 s7, s2  }
0x1e: {  	s7 =	smul.u32 @!p0 $0xF7A, s2;
	p2 =	seq.s32 @!p0 s5, $0x0  }
0x1f: {  	s9 =	smul.u32 $0xF7A, s1;
	s8 =	simm.s32 @!p0 $0x1BF5;
	p2 =	por !p2, p0  }
0x20: {  	[sflag:s8] =	ssyncset.s32 @!p0 $0xFFFFF086;
	s6 =	sadd.s32 @!p0 s3, s7;
	s7 =	simm.s32 @!p0 $0x108  }
0x21: {  	s3 =	sadd.s32 s3, s9;
	s6 =	sadd.s32 @!p0 $0x88, s6;
	s7 =	simm.s32 @p2 $0x1082  }
0x22: {  	[simem:s7], [sflag:s8] =	dma.local @!p0 [hbm:s6], $0xF7A  }
0x23: {  	s9 =	sor.u32 $0xD0000000, s2;
	s6 =	simm.s32 $0x108;
	_ =	swait.ge @!p0 [sflag:s8], $0x0  }
0x24: {  	s3 =	sadd.s32 $0x88, s3;
	s6 =	simm.s32 @!p1 $0x1082;
	[sflag:s4] =	ssyncset.s32 $0xFFFFF086  }
0x25: {  	[simem:s6], [sflag:s4] =	dma.local [hbm:s3], $0xF7A  }
0x26: {  	[smem:$0x3F98] =	sst s1;
	(tag) =	ssettag s2;
	_ =	strace s9  }
0x27: {  	s1 =	sld [smem:$0x3FA8]  }
0x28: {  	s2 =	sld [smem:$0x3FA9]  }
0x29: {  	s4 =	sld [smem:$0x3FAB]  }
0x2a: {  	p0 =	seq.s32 s5, $0x0;
	s5 =	sld [smem:$0x3FAC]  }
0x2b: {  	s6 =	sld [smem:$0x3FAD]  }
0x2c: {  	s7 =	sld [smem:$0x3FAE]  }
0x2d: {  	s3 =	simm.s32 $0x108;
	s8 =	sld [smem:$0x3FAF]  }
0x2e: {  	s3 =	simm.s32 @!p0 $0x1082;
	s9 =	sld [smem:$0x3FB0]  }
0x2f: {  	lr =	sadd.s32 s0, s3;
	s0 =	sld [smem:$0x3FA7]  }
0x30: {  	s3 =	sld [smem:$0x3FAA]  }
0x31: {  	[smem:$0x3FB3] =	sst s10  }
0x32: {  	s10 =	sld [smem:$0x3FB1];
	_ =	sdelay $0x3  }
0x33: {  	p0 =	seq.s32 s10, $0x1;
	s10 =	sld [smem:$0x3FB3];
	_ =	sdelay $0x3  }
0x34: {  	[smem:$0x3FB3] =	sst s10  }
0x35: {  	s10 =	sld [smem:$0x3FB2];
	_ =	sdelay $0x3  }
0x36: {  	p1 =	seq.s32 s10, $0x1;
	s10 =	sld [smem:$0x3FB3];
	_ =	sdelay $0x3  }
0x37: {  	[smem:$0x3FB3] =	sst s10  }
0x38: {  	s10 =	sld [smem:$0x3FB4]  }
0x39: {  	_ = 	snop;
	(pc) =	sbr.ind lr, $3  }
0x3a: {  	_ = 	snop  }
0x3b: {  	_ = 	snop  }
0x3c: {  	p2 =	seq.s32 s10, $0x1;
	s10 =	sld [smem:$0x3FB3]  }
0x3d: {  	_ =	shalt  }
0x3e: {  	_ =	shalt  }
0x3f: {  	_ =	shalt  }
0x40: {  	_ =	shalt  }
0x41: {  	_ =	shalt  }
0x42: {  	_ =	shalt  }
0x43: {  	_ =	shalt  }
0x44: {  	_ =	shalt  }
0x45: {  	_ =	shalt  }
0x46: {  	_ =	shalt  }
0x47: {  	_ =	shalt  }
0x48: {  	_ =	shalt  }
0x49: {  	_ =	shalt  }
0x4a: {  	_ =	shalt  }
0x4b: {  	_ =	shalt  }
0x4c: {  	_ =	shalt  }
0x4d: {  	_ =	shalt  }
0x4e: {  	_ =	shalt  }
0x4f: {  	_ =	shalt  }
0x50: {  	_ =	shalt  }
0x51: {  	_ =	shalt  }
0x52: {  	_ =	shalt  }
0x53: {  	_ =	shalt  }
0x54: {  	_ =	shalt  }
0x55: {  	_ =	shalt  }
0x56: {  	_ =	shalt  }
0x57: {  	_ =	shalt  }
0x58: {  	_ =	shalt  }
0x59: {  	_ =	shalt  }
0x5a: {  	_ =	shalt  }
0x5b: {  	_ =	shalt  }
0x5c: {  	_ =	shalt  }
0x5d: {  	_ =	shalt  }
0x5e: {  	_ =	shalt  }
0x5f: {  	_ =	shalt  }
0x60: {  	_ =	shalt  }
0x61: {  	_ =	shalt  }
0x62: {  	_ =	shalt  }
0x63: {  	_ =	shalt  }
0x64: {  	_ =	shalt  }
0x65: {  	_ =	shalt  }
0x66: {  	_ =	shalt  }
0x67: {  	_ =	shalt  }
0x68: {  	_ =	shalt  }
0x69: {  	_ =	shalt  }
0x6a: {  	_ =	shalt  }
0x6b: {  	_ =	shalt  }
0x6c: {  	_ =	shalt  }
0x6d: {  	_ =	shalt  }
0x6e: {  	_ =	shalt  }
0x6f: {  	_ =	shalt  }
0x70: {  	_ =	shalt  }
0x71: {  	_ =	shalt  }
0x72: {  	_ =	shalt  }
0x73: {  	_ =	shalt  }
0x74: {  	_ =	shalt  }
0x75: {  	_ =	shalt  }
0x76: {  	_ =	shalt  }
0x77: {  	_ =	shalt  }
0x78: {  	_ =	shalt  }
0x79: {  	_ =	shalt  }
0x7a: {  	_ =	shalt  }
0x7b: {  	_ =	shalt  }
0x7c: {  	_ =	shalt  }
0x7d: {  	_ =	shalt  }
0x7e: {  	_ =	shalt  }
0x7f: {  	_ =	shalt  }
0x80: {  	_ =	shalt  }
0x81: {  	_ =	shalt  }
0x82: {  	_ =	shalt  }
0x83: {  	_ =	shalt  }
0x84: {  	_ =	shalt  }
0x85: {  	_ =	shalt  }
0x86: {  	_ =	shalt  }
0x87: {  	_ =	shalt  }
.Lfunc_end0:
.L_simem_size_0:
called_computation.1_lowered:
.L_overlay_start_0:
0x88: {  	s2 =	sld [smem:$0x3FD9]  }
0x89: {  	s3 =	sld [smem:$0x3FFE];
	_ =	sdelay $0x1  }
0x8a: {  	s1 =	srdreg.scid  }
0x8b: {  	s0 =	sand.u32 $0x1, s1  }
0x8c: {  	s17 =	sshll.u32 s0, $0xA;
	s2 =	sadd.s32 s3, s2  }
0x8d: {  	s2 =	sadd.s32 s2, s17  }
0x8e: {  	[smem:$0x3FBF] =	sst s2  }
0x8f: {  	_ = 	snop  }
0x90: {  	s2 =	sld [smem:$0x3FD0];
	(tm) =	ssettm $0x1  }
0x91: {  	s18 =	sld [smem:$0x3FFB];
	_ =	sdelay $0x3  }
0x92: {  	_ =	strace s18  }
0x93: {  	s3 =	sld [smem:$0x3FFC];
	_ =	sdelay $0x3  }
0x94: {  	_ =	strace s3  }
0x95: {  	s3 =	sld [smem:$0x3FFD];
	_ =	sdelay $0x3  }
0x96: {  	_ =	strace s3  }
0x97: {  	_ =	strace $0x8FFFFFFF  }
0x98: {  	s19 =	sld [smem:$0x3FDB];
	_ =	sdelay $0x1  }
0x99: {  	s4 =	simm.s32 $_scs_section_size  }
0x9a: {  	s5 =	simm.s32 $_size__tile_overlayer_lowered;
	s6 =	simm.s32 $_tile_overlayer_lowered  }
0x9b: {  	s22 =	simm.s32 $0x1BFF;
	s21 =	sshll.u32 s6, $0x1;
	s3 =	sadd.s32 s4, s19  }
0x9c: {  	s7 =	simm.s32 $0x0;
	s20 =	sshll.u32 s5, $0x1;
	s5 =	sadd.s32 s21, s3  }
0x9d: {  	[timem:s7], [sflag:s22] =	dma.local [hbm:s5], s20  }
0x9e: {  	_ =	swait.ge [sflag:s22], s20  }
0x9f: {  	s4 =	ssub.s32 $0x0, s20;
	[sflag:s22] =	ssyncset.done $0x0  }
0xa0: {  	[sflag:s22] =	ssyncadd.s32 s4;
	_ =	sdelay $0x1  }
0xa1: {  	s23 =	simm.s32 $0x1B8B  }
0xa2: {  	_ =	swait.ge [sflag:s23], $0x1  }
0xa3: {  	[sflag:s23] =	ssyncset.done $0x0  }
0xa4: {  	s25 =	simm.s32 $0x1B8E;
	s24 =	sld [smem:$0x3FFE];
	[sflag:s23] =	ssyncadd.s32 $0xFFFFFFFF  }
0xa5: {  	s26 =	simm.s32 $execute0_lowered;
	[smem:$0x3FD2] =	sst s25  }
0xa6: {  	s5 =	sshll.u32 s26, $0x1;
	_ =	strace $0x80000049;
	[dreg:$0x1] =	wrdreg $0xFFFFFFFF  }
0xa7: {  	s28 =	simm.s32 $_size_execute0_lowered;
	s3 =	sadd.s32 s3, s5;
	[dreg:$0x0] =	wrdreg $0x0  }
0xa8: {  	s5 =	sshll.u32 s28, $0x1;
	[dreg:$0x2] =	wrdreg s3  }
0xa9: {  	[dreg:$0x3] =	wrdreg s5  }
0xaa: {  	[dreg:$0x4] =	wrdreg $0xC0  }
0xab: {  	_ =	task [dreg:s7], $0x5FFFF  }
0xac: {  	[dreg:$0x1] =	wrdreg $0xFFFFFFFF  }
0xad: {  	[dreg:$0x0] =	wrdreg $0x60  }
0xae: {  	[dreg:$0x2] =	wrdreg s2  }
0xaf: {  	[dreg:$0x3] =	wrdreg s24  }
0xb0: {  	[dreg:$0x4] =	wrdreg $0x9  }
0xb1: {  	_ =	task.clear_ibuf [dreg:s7], $0x5FFFF;
	_ =	strace $0x90000049  }
0xb2: {  	s29 =	simm.s32 $0x9;
	_ =	strace $0x8000004B  }
0xb3: {  	_ =	swait.ge [sflag:s29], $0x1  }
0xb4: {  	[sflag:s29] =	ssyncadd.s32 $0xFFFFFFFF  }
0xb5: {  	_ =	strace $0x9000004B  }
0xb6: {  	_ =	sfence  }
0xb7: {  	s30 =	sld [smem:$0x0];
	_ =	sdelay $0x2  }
0xb8: {  	s31 =	sshll.u32 s1, $0xD;
	s1 =	sshrl.u32 s1, $0x2  }
0xb9: {  	s3 =	sand.u32 $0x4000, s31;
	s1 =	sadd.s32 s1, s30  }
0xba: {  	s0 =	sor.u32 s3, s0;
	s1 =	sshll.u32 s1, $0x11  }
0xbb: {  	s0 =	sor.u32 s1, s0  }
0xbc: {  	s0 =	sadd.s32 $0x8F2B, s0  }
0xbd: {  	[sflag:s0] =	ssyncadd.remote.s32 $0x1  }
0xbe: {  	_ =	sfence.sel $0xFFFF  }
0xbf: {  	[dreg:$0x0] =	wrdreg $0xFFFFFFFF;
	(pc) =	sbr.abs _section_cstart, $3  }
0xc0: {  	[dreg:$0x1] =	wrdreg $0xFFFFFFFF  }
0xc1: {  	_ =	task.clear_ibuf [dreg:s7], $0x2FFFF;
	_ =	strace $0x9FFFFFFF  }
0xc2: {  	(tm) =	ssettm $0x7FFFFFFF  }
0xc3: {  	_ =	shalt  }
tec
execute0_lowered:
.L_overlay_start_1:
0x0: {  	(tag) =	ssettag $0x1  }
0x1: {  	s0 =	rddreg [dreg:$0x0]  }
0x2: {  	s2 =	rddreg [dreg:$0x1]  }
0x3: {  	s1 =	simm.s32 $0x0;
	s20 =	srdreg.scid;
	s6 =	stileid.u32  }
0x4: {  	s28 =	simm.s32 $0xC580;
	s29 =	simm.s32 $0x13C00;
	s30 =	simm.s32 $0x1  }
0x5: {  	s31 =	simm.s32 $0x18A80;
	[smem:$0x7FF] =	sst s1;
	s3 =	sadd.s32 $0x16600, s2  }
0x6: {  	s4 =	sadd.s32 $0x2A00, s2;
	s19 =	sadd.s32 $0x3400, s2;
	s5 =	sshll.u32 s6, $0x9  }
0x7: {  	s6 =	sshrl.u32 s6, $0x1;
	s2 =	sadd.s32 $0x20400, s2;
	_ =	strace $0x8000004A  }
0x8: {  	[dreg:$0x3] =	wrdreg s4;
	s4 =	sand.u32 $0x1, s20;
	s6 =	smul.u32 $0x13C00, s6  }
0x9: {  	s5 =	sand.u32 $0x200, s5;
	s7 =	sshll.u32 s4, $0x8;
	s4 =	ssub.s32 $0x2, s4  }
0xa: {  	[dreg:$0x4] =	wrdreg s19;
	s5 =	sor.u32 s7, s5;
	s21 =	sshrl.u32 s4, $0x1  }
0xb: {  	s24 =	sadd.s32 $0x9E000, s6;
	s14 =	sadd.s32 $0x13C000, s6;
	s16 =	sadd.s32 $0x1DA000, s6  }
0xc: {  	s20 =	sadd.s32 $0x278000, s6;
	s8 =	sor.u32 s6, s5;
	s9 =	sor.u32 $0x80, s5  }
0xd: {  	s4 =	ssub.s32 s4, s21;
	s26 =	sor.u32 s5, s24;
	s15 =	sor.u32 s5, s14  }
0xe: {  	s18 =	sor.u32 s5, s16;
	s22 =	sshrl.u32 s8, $0x3;
	s23 =	sor.u32 s6, s9  }
0xf: {  	s12 =	sor.u32 s24, s9;
	s7 =	sor.u32 s14, s9;
	s19 =	sor.u32 s16, s9  }
0x10: {  	s6 =	sadd.s32 $0x316000, s6;
	s24 =	sor.u32 s20, s9;
	s10 =	sadd.s32 s0, s22  }
0x11: {  	s8 =	sshrl.u32 s23, $0x3;
	s25 =	sadd.s32 s2, s22;
	s13 =	sshrl.u32 s12, $0x3  }
0x12: {  	s7 =	sshrl.u32 s7, $0x3;
	s21 =	sshrl.u32 s19, $0x3;
	s22 =	sor.u32 s5, s20  }
0x13: {  	s5 =	sor.u32 s5, s6;
	s6 =	sor.u32 s6, s9;
	[dreg:$0x5] =	wrdreg s10  }
0x14: {  	s20 =	smax.u32 s4, $0x1;
	s0 =	sadd.s32 s0, s8;
	[dreg:$0x7] =	wrdreg s25  }
0x15: {  	s4 =	simm.s32 $0x3;
	s11 =	sadd.s32 s2, s8;
	[dreg:$0x6] =	wrdreg s0  }
0x16: {  	s17 =	sadd.s32 s2, s7;
	[dreg:$0x8] =	wrdreg s11;
	s0 =	sshrl.u32 s26, $0x3  }
0x17: {  	s23 =	sshrl.u32 s22, $0x3;
	[dreg:$0xc] =	wrdreg s17;
	s0 =	sadd.s32 s2, s0  }
0x18: {  	s5 =	sshrl.u32 s5, $0x3;
	[dreg:$0x9] =	wrdreg s0;
	s0 =	sadd.s32 s2, s13  }
0x19: {  	s22 =	simm.s32 $0x400;
	[dreg:$0xa] =	wrdreg s0;
	s0 =	sshrl.u32 s15, $0x3  }
0x1a: {  	s25 =	sadd.s32 s2, s5;
	s26 =	sshrl.u32 s6, $0x3;
	s0 =	sadd.s32 s2, s0  }
0x1b: {  	s5 =	simm.s32 $0x0;
	[dreg:$0xb] =	wrdreg s0;
	s0 =	sshrl.u32 s18, $0x3  }
0x1c: {  	[dreg:$0x11] =	wrdreg s25;
	s19 =	sadd.s32 s2, s26;
	s0 =	sadd.s32 s2, s0  }
0x1d: {  	s26 =	simm.s32 $0x9E00;
	[dreg:$0xd] =	wrdreg s0;
	s0 =	sadd.s32 s2, s21  }
0x1e: {  	s25 =	simm.s32 $0x2;
	[dreg:$0xe] =	wrdreg s0;
	s0 =	sadd.s32 s2, s23  }
0x1f: {  	s21 =	simm.s32 $0x80;
	[dreg:$0xf] =	wrdreg s0;
	s0 =	sshrl.u32 s24, $0x3  }
0x20: {  	s23 =	simm.s32 $0x4;
	s24 =	simm.s32 $0x7680;
	s0 =	sadd.s32 s2, s0  }
0x21: {  	v0 =	vimm.f32 $0.0e+00;
	s2 =	simm.s32 $0x4F00;
	[dreg:$0x10] =	wrdreg s0;
	s0 =	simm.s32 $0x2780  }
.LBB2_1:
0x22: {  	s6 =	rddreg [dreg:$0x5]  }
0x23: {  	[tilespmem:s1], [sflag:$0x4] =	stream.strided.gather [hbm4b:s6+s21], $0x2780, s22, s21, $0x38;
	[tilespmem:$0x1D980] =	vst v63  }
0x24: {  	_ =	swait.ge [sflag:s23], $0x2780  }
0x25: {  	[sflag:s23] =	ssyncset.done $0x0  }
0x26: {  	s13 =	rddreg [dreg:$0x6];
	[sflag:s23] =	ssyncadd.s32 $0xFFFFD880  }
0x27: {  	[tilespmem:s0], [sflag:$0x4] =	stream.strided.gather [hbm4b:s13+s21], $0x2780, s22, s21, $0x38;
	[tilespmem:$0x1D980] =	vst v63  }
0x28: {  	_ =	swait.ge [sflag:s23], $0x2780  }
0x29: {  	[sflag:s23] =	ssyncset.done $0x0  }
0x2a: {  	s7 =	simm.s32 $0xED00;
	s14 =	rddreg [dreg:$0x3];
	[sflag:s23] =	ssyncadd.s32 $0xFFFFD880  }
0x2b: {  	[tilespmem:s7], [sflag:$0x4] =	stream.linear.gather [hbm4b:s14+s1], $0x4F00, $0x38;
	[tilespmem:$0x1D980] =	vst v63  }
0x2c: {  	_ =	swait.ge [sflag:s23], $0x4F00  }
0x2d: {  	[sflag:s23] =	ssyncset.done $0x0  }
0x2e: {  	s16 =	simm.s32 $0x1D900;
	s15 =	rddreg [dreg:$0x4];
	[sflag:s23] =	ssyncadd.s32 $0xFFFFB100  }
0x2f: {  	[tilespmem:s16], [sflag:$0x4] =	stream.linear.gather [hbm4b:s15+s1], $0x10, $0x38;
	[tilespmem:$0x1D980] =	vst v63  }
0x30: {  	_ =	swait.ge [sflag:s23], $0x10  }
0x31: {  	[sflag:s23] =	ssyncset.done $0x0  }
0x32: {  	[sflag:s23] =	ssyncadd.s32 $0xFFFFFFF0  }
0x33: {  	v1 =	vld [tilespmem:$0x1D900];
	_ =	sdelay $0x1  }
0x34: {  	v3 =	vld [tilespmem:s1+$0x0]  }
0x35: {  	v4 =	vld [tilespmem:s0+$0x0];
	_ =	sdelay $0x1  }
0x36: {  	v2 =	vbroadcast v1, $0x0;
	_ =	sdelay $0x1  }
0x37: {  	v3 =	vmul.f32 v3, v2  }
0x38: {  	v4 =	vmul.f32 v4, v2  }
0x39: {  	s17 =	sand.u32 $0x70, s1;
	s18 =	sand.u32 $0x7F00, s1;
	[tilespmem:s26+$0x0] =	vst v3  }
0x3a: {  	s6 =	sor.u32 s17, s18;
	[tilespmem:s28+$0x0] =	vst v4  }
0x3b: {  	v5 =	vld [tilespmem:s6+$0xED00];
	_ =	sdelay $0x4  }
0x3c: {  	v3 =	vmul.f32 v5, v3;
	_ =	sdelay $0x1  }
0x3d: {  	[tilespmem:s1+$0x0] =	vst v3  }
0x3e: {  	v3 =	vld [tilespmem:s6+$0xED00];
	_ =	sdelay $0x4  }
0x3f: {  	v3 =	vmul.f32 v3, v4  }
0x40: {  	s8 =	simm.s32 $0x9E10;
	s9 =	simm.s32 $0xC590;
	s10 =	simm.s32 $0x4F10  }
0x41: {  	s11 =	simm.s32 $0x0;
	s12 =	simm.s32 $0x0;
	s13 =	simm.s32 $0x2780;
	[tilespmem:s0+$0x0] =	vst v3  }
0x42: {  	s7 =	simm.s32 $0x7690;
	s14 =	simm.s32 $0x7680;
	s6 =	simm.s32 $0x10;
	[tilespmem:s2+$0x0] =	vst v0  }
.LBB2_2:
0x43: {  	[tilespmem:s14+$0x0] =	vst v0;
	s11 =	sadd.s32 $0x20, s11;
	s12 =	sadd.s32 $0x10, s12;
	s13 =	sadd.s32 $0x10, s13  }
0x44: {  	p0 =	sne.s32 s6, $0x2700;
	s15 =	smov.u32 s6;
	s6 =	sadd.s32 $0x10, s6;
	v3 =	vld [tilespmem:s12+$0x0]  }
0x45: {  	s14 =	smov.u32 s7;
	v4 =	vld [tilespmem:s13+$0x0];
	_ =	sdelay $0x3  }
0x46: {  	v3 =	vmul.f32 v3, v2  }
0x47: {  	v4 =	vmul.f32 v4, v2  }
0x48: {  	s15 =	sand.u32 $0x70, s15;
	s16 =	sand.u32 $0x7F00, s11;
	[tilespmem:s8+$0x0] =	vst v3  }
0x49: {  	s15 =	sor.u32 s15, s16;
	[tilespmem:s9+$0x0] =	vst v4  }
0x4a: {  	v5 =	vld [tilespmem:s15+$0xED00];
	_ =	sdelay $0x4  }
0x4b: {  	v3 =	vmul.f32 v5, v3;
	_ =	sdelay $0x1  }
0x4c: {  	[tilespmem:s12+$0x0] =	vst v3  }
0x4d: {  	v3 =	vld [tilespmem:s15+$0xED00];
	_ =	sdelay $0x3  }
.Ltmp0:
0x4e: {  	(pc) =	sbr.rel @p0 .LBB2_2-.Ltmp0, $3  }
0x4f: {  	v3 =	vmul.f32 v3, v4;
	_ =	sdelay $0x1  }
0x50: {  	s7 =	sadd.s32 $0x10, s7;
	[tilespmem:s13+$0x0] =	vst v3  }
0x51: {  	s8 =	sadd.s32 $0x10, s8;
	s9 =	sadd.s32 $0x10, s9;
	[tilespmem:s10+$0x0] =	vst v0;
	s10 =	sadd.s32 $0x10, s10  }
0x52: {  	[tilespmem:s14+$0x0] =	vst v0;
	s6 =	rddreg [dreg:$0x7]  }
0x53: {  	[hbm4b:s6+s21] =	stream.strided.scatter [tilespmem:s26], [sflag:$0x3], $0x2780, s22, s21, $0x38;
	[tilespmem:$0x1D980] =	vst v63  }
0x54: {  	s18 =	rddreg [dreg:$0x8]  }
0x55: {  	[hbm4b:s18+s21] =	stream.strided.scatter [tilespmem:s28], [sflag:$0x3], $0x2780, s22, s21, $0x38;
	[tilespmem:$0x1D980] =	vst v63  }
0x56: {  	s7 =	simm.s32 $0x0;
	s6 =	simm.s32 $0x0  }
0x57: {  	[tilespmem:s29], [sflag:$0x1] =	stream.linear.gather [hbm4b:s3+s6], $0x4E20, $0x38;
	[tilespmem:$0x1D980] =	vst v63  }
.LBB2_4:
0x58: {  	s8 =	smul.u32 $0x9C40, s7;
	_ =	sdelay $0x1  }
0x59: {  	_ =	swait.ge [sflag:s30], $0x4E20;
	s9 =	sshrl.u32 s8, $0x3  }
0x5a: {  	[sflag:s30] =	ssyncset.done $0x0;
	s9 =	sadd.s32 s3, s9  }
0x5b: {  	[sflag:s30] =	ssyncadd.s32 $0xFFFFB1E0;
	s9 =	sadd.s32 $0x9C4, s9  }
0x5c: {  	[tilespmem:s31], [sflag:$0x2] =	stream.linear.gather [hbm4b:s9+s6], $0x4E20, $0x38;
	[tilespmem:$0x1D980] =	vst v63  }
0x5d: {  	s9 =	simm.s32 $0x13C50  }
0x5e: {  	v15 =	vld [tilespmem:s9+$0xFFFFFFB0]  }
0x5f: {  	v21 =	vld [tilespmem:s9+$0x0]  }
0x60: {  	v16 =	vld [tilespmem:s9+$0xFFFFFFC0]  }
0x61: {  	v22 =	vld [tilespmem:s9+$0xFFFFFFF0]  }
0x62: {  	v18 =	vld [tilespmem:s9+$0xFFFFFFD0]  }
0x63: {  	v24 =	vld [tilespmem:s9+$0xFFFFFFE0];
	v4 =	vshrl.u32 v15, $0xE  }
0x64: {  	s10 =	sand.u32 $0x7FE0, s6;
	v2 =	vld [tilespmem:s9+$0x40];
	v7 =	vshrl.u32 v21, $0xE  }
0x65: {  	v3 =	vld [tilespmem:s10+$0x13C80]  }
0x66: {  	v5 =	vld [tilespmem:s9+$0x20]  }
0x67: {  	v8 =	vld [tilespmem:s9+$0x10];
	v10 =	vshrl.u32 v16, $0xE  }
0x68: {  	v11 =	vshrl.u32 v22, $0xE;
	v25 =	vld.idx.msk [tilespmem:v4+s1+$0x0], $0xffff  }
0x69: {  	v13 =	vshrl.u32 v2, $0xE;
	v6 =	vld.idx.msk [tilespmem:v7+s0+$0x0], $0xffff  }
0x6a: {  	v9 =	vld.idx.msk [tilespmem:v7+s1+$0x0], $0xffff  }
0x6b: {  	v26 =	vld.idx.msk [tilespmem:v4+s0+$0x0], $0xffff  }
0x6c: {  	v27 =	vld.idx.msk [tilespmem:v10+s1+$0x0], $0xffff  }
0x6d: {  	v17 =	vshrl.u32 v3, $0xE;
	v12 =	vld.idx.msk [tilespmem:v11+s0+$0x0], $0xffff  }
0x6e: {  	v4 =	vld.idx.msk [tilespmem:v13+s0+$0x0], $0xffff  }
0x6f: {  	v19 =	vshrl.u32 v18, $0xE;
	v28 =	vld.idx.msk [tilespmem:v10+s0+$0x0], $0xffff  }
0x70: {  	v20 =	vshrl.u32 v24, $0xE;
	v7 =	vld.idx.msk [tilespmem:v13+s1+$0x0], $0xffff  }
0x71: {  	v23 =	vshrl.u32 v5, $0xE;
	v14 =	vld.idx.msk [tilespmem:v11+s1+$0x0], $0xffff  }
0x72: {  	v10 =	vld.idx.msk [tilespmem:v17+s0+$0x0], $0xffff  }
0x73: {  	v11 =	vld.idx.msk [tilespmem:v17+s1+$0x0], $0xffff  }
0x74: {  	v29 =	vld.idx.msk [tilespmem:v19+s1+$0x0], $0xffff  }
0x75: {  	v30 =	vshrl.u32 v8, $0xE;
	v17 =	vld.idx.msk [tilespmem:v20+s0+$0x0], $0xffff  }
0x76: {  	v13 =	vld.idx.msk [tilespmem:v23+s0+$0x0], $0xffff  }
0x77: {  	v31 =	vand.u32 $0x3FFF, v15;
	v19 =	vld.idx.msk [tilespmem:v19+s0+$0x0], $0xffff  }
0x78: {  	v15 =	vld.idx.msk [tilespmem:v23+s1+$0x0], $0xffff  }
0x79: {  	v32 =	vand.u32 $0x3FFF, v16;
	v20 =	vld.idx.msk [tilespmem:v20+s1+$0x0], $0xffff  }
0x7a: {  	v16 =	vld.idx.msk [tilespmem:v30+s0+$0x0], $0xffff  }
0x7b: {  	v23 =	vand.u32 $0x3FFF, v18;
	v18 =	vld.idx.msk [tilespmem:v30+s1+$0x0], $0xffff  }
0x7c: {  	[tilespmem:v31+s2+$0x0] =	vst.idx.add.f32.msk $0xffff, v25  }
0x7d: {  	[tilespmem:v31+s24+$0x0] =	vst.idx.add.f32.msk $0xffff, v26  }
0x7e: {  	v24 =	vand.u32 $0x3FFF, v24;
	[tilespmem:v32+s2+$0x0] =	vst.idx.add.f32.msk $0xffff, v27  }
0x7f: {  	[tilespmem:v32+s24+$0x0] =	vst.idx.add.f32.msk $0xffff, v28  }
0x80: {  	s10 =	simm.s32 $0xA0;
	v22 =	vand.u32 $0x3FFF, v22;
	v21 =	vand.u32 $0x3FFF, v21;
	[tilespmem:v23+s2+$0x0] =	vst.idx.add.f32.msk $0xffff, v29  }
.LBB2_5:
0x81: {  	p0 =	sne.s32 s10, $0x4D80  }
0x82: {  	[tilespmem:v23+s24+$0x0] =	vst.idx.add.f32.msk $0xffff, v19;
	s9 =	sadd.s32 $0xA0, s9;
	s11 =	smov.u32 s10;
	s10 =	sadd.s32 $0xA0, s10  }
0x83: {  	v8 =	vand.u32 $0x3FFF, v8;
	[tilespmem:v24+s2+$0x0] =	vst.idx.add.f32.msk $0xffff, v20  }
0x84: {  	[tilespmem:v24+s24+$0x0] =	vst.idx.add.f32.msk $0xffff, v17  }
0x85: {  	v5 =	vand.u32 $0x3FFF, v5;
	[tilespmem:v22+s2+$0x0] =	vst.idx.add.f32.msk $0xffff, v14  }
0x86: {  	[tilespmem:v22+s24+$0x0] =	vst.idx.add.f32.msk $0xffff, v12  }
0x87: {  	v3 =	vand.u32 $0x3FFF, v3;
	[tilespmem:v21+s2+$0x0] =	vst.idx.add.f32.msk $0xffff, v9  }
0x88: {  	[tilespmem:v21+s24+$0x0] =	vst.idx.add.f32.msk $0xffff, v6  }
0x89: {  	v2 =	vand.u32 $0x3FFF, v2;
	[tilespmem:v8+s2+$0x0] =	vst.idx.add.f32.msk $0xffff, v18  }
0x8a: {  	[tilespmem:v8+s24+$0x0] =	vst.idx.add.f32.msk $0xffff, v16  }
0x8b: {  	[tilespmem:v5+s2+$0x0] =	vst.idx.add.f32.msk $0xffff, v15  }
0x8c: {  	[tilespmem:v5+s24+$0x0] =	vst.idx.add.f32.msk $0xffff, v13  }
0x8d: {  	[tilespmem:v3+s2+$0x0] =	vst.idx.add.f32.msk $0xffff, v11  }
0x8e: {  	[tilespmem:v3+s24+$0x0] =	vst.idx.add.f32.msk $0xffff, v10  }
0x8f: {  	[tilespmem:v2+s2+$0x0] =	vst.idx.add.f32.msk $0xffff, v7  }
0x90: {  	[tilespmem:v2+s24+$0x0] =	vst.idx.add.f32.msk $0xffff, v4  }
0x91: {  	v15 =	vld [tilespmem:s9+$0xFFFFFFB0]  }
0x92: {  	v21 =	vld [tilespmem:s9+$0x0]  }
0x93: {  	v16 =	vld [tilespmem:s9+$0xFFFFFFC0]  }
0x94: {  	v22 =	vld [tilespmem:s9+$0xFFFFFFF0]  }
0x95: {  	v18 =	vld [tilespmem:s9+$0xFFFFFFD0]  }
0x96: {  	v24 =	vld [tilespmem:s9+$0xFFFFFFE0];
	v4 =	vshrl.u32 v15, $0xE  }
0x97: {  	s11 =	sand.u32 $0x7FE0, s11;
	v2 =	vld [tilespmem:s9+$0x40];
	v7 =	vshrl.u32 v21, $0xE  }
0x98: {  	v3 =	vld [tilespmem:s11+$0x13C80];
	v10 =	vshrl.u32 v16, $0xE  }
0x99: {  	v5 =	vld [tilespmem:s9+$0x20];
	v11 =	vshrl.u32 v22, $0xE  }
0x9a: {  	v8 =	vld [tilespmem:s9+$0x10];
	v19 =	vshrl.u32 v18, $0xE  }
0x9b: {  	v20 =	vshrl.u32 v24, $0xE;
	v25 =	vld.idx.msk [tilespmem:v4+s1+$0x0], $0xffff  }
0x9c: {  	v13 =	vshrl.u32 v2, $0xE;
	v6 =	vld.idx.msk [tilespmem:v7+s0+$0x0], $0xffff  }
0x9d: {  	v17 =	vshrl.u32 v3, $0xE;
	v9 =	vld.idx.msk [tilespmem:v7+s1+$0x0], $0xffff  }
0x9e: {  	v23 =	vshrl.u32 v5, $0xE;
	v26 =	vld.idx.msk [tilespmem:v4+s0+$0x0], $0xffff  }
0x9f: {  	v27 =	vshrl.u32 v8, $0xE;
	v28 =	vld.idx.msk [tilespmem:v10+s1+$0x0], $0xffff  }
0xa0: {  	v12 =	vld.idx.msk [tilespmem:v11+s0+$0x0], $0xffff  }
0xa1: {  	v4 =	vld.idx.msk [tilespmem:v13+s0+$0x0], $0xffff  }
0xa2: {  	v29 =	vld.idx.msk [tilespmem:v10+s0+$0x0], $0xffff  }
0xa3: {  	v7 =	vld.idx.msk [tilespmem:v13+s1+$0x0], $0xffff  }
0xa4: {  	v14 =	vld.idx.msk [tilespmem:v11+s1+$0x0], $0xffff  }
0xa5: {  	v10 =	vld.idx.msk [tilespmem:v17+s0+$0x0], $0xffff  }
0xa6: {  	v11 =	vld.idx.msk [tilespmem:v17+s1+$0x0], $0xffff  }
0xa7: {  	v30 =	vld.idx.msk [tilespmem:v19+s1+$0x0], $0xffff  }
0xa8: {  	v17 =	vld.idx.msk [tilespmem:v20+s0+$0x0], $0xffff  }
0xa9: {  	v31 =	vand.u32 $0x3FFF, v15;
	v13 =	vld.idx.msk [tilespmem:v23+s0+$0x0], $0xffff  }
0xaa: {  	v19 =	vld.idx.msk [tilespmem:v19+s0+$0x0], $0xffff  }
0xab: {  	v32 =	vand.u32 $0x3FFF, v16;
	v15 =	vld.idx.msk [tilespmem:v23+s1+$0x0], $0xffff  }
0xac: {  	v20 =	vld.idx.msk [tilespmem:v20+s1+$0x0], $0xffff  }
0xad: {  	v23 =	vand.u32 $0x3FFF, v18;
	v16 =	vld.idx.msk [tilespmem:v27+s0+$0x0], $0xffff  }
0xae: {  	v18 =	vld.idx.msk [tilespmem:v27+s1+$0x0], $0xffff  }
.Ltmp1:
0xaf: {  	v24 =	vand.u32 $0x3FFF, v24;
	[tilespmem:v31+s2+$0x0] =	vst.idx.add.f32.msk $0xffff, v25;
	(pc) =	sbr.rel @p0 .LBB2_5-.Ltmp1, $4  }
0xb0: {  	[tilespmem:v31+s24+$0x0] =	vst.idx.add.f32.msk $0xffff, v26  }
0xb1: {  	v22 =	vand.u32 $0x3FFF, v22;
	[tilespmem:v32+s2+$0x0] =	vst.idx.add.f32.msk $0xffff, v28  }
0xb2: {  	[tilespmem:v32+s24+$0x0] =	vst.idx.add.f32.msk $0xffff, v29  }
0xb3: {  	v21 =	vand.u32 $0x3FFF, v21;
	[tilespmem:v23+s2+$0x0] =	vst.idx.add.f32.msk $0xffff, v30  }
0xb4: {  	_ =	sdelay $0x3  }
0xb5: {  	[tilespmem:v23+s24+$0x0] =	vst.idx.add.f32.msk $0xffff, v19  }
0xb6: {  	[tilespmem:v24+s2+$0x0] =	vst.idx.add.f32.msk $0xffff, v20  }
0xb7: {  	v8 =	vand.u32 $0x3FFF, v8;
	[tilespmem:v24+s24+$0x0] =	vst.idx.add.f32.msk $0xffff, v17  }
0xb8: {  	[tilespmem:v22+s2+$0x0] =	vst.idx.add.f32.msk $0xffff, v14  }
0xb9: {  	v5 =	vand.u32 $0x3FFF, v5;
	[tilespmem:v22+s24+$0x0] =	vst.idx.add.f32.msk $0xffff, v12  }
0xba: {  	[tilespmem:v21+s2+$0x0] =	vst.idx.add.f32.msk $0xffff, v9  }
0xbb: {  	v3 =	vand.u32 $0x3FFF, v3;
	[tilespmem:v21+s24+$0x0] =	vst.idx.add.f32.msk $0xffff, v6  }
0xbc: {  	[tilespmem:v8+s2+$0x0] =	vst.idx.add.f32.msk $0xffff, v18  }
0xbd: {  	v2 =	vand.u32 $0x3FFF, v2;
	[tilespmem:v8+s24+$0x0] =	vst.idx.add.f32.msk $0xffff, v16  }
0xbe: {  	[tilespmem:v5+s2+$0x0] =	vst.idx.add.f32.msk $0xffff, v15  }
0xbf: {  	[tilespmem:v5+s24+$0x0] =	vst.idx.add.f32.msk $0xffff, v13  }
0xc0: {  	[tilespmem:v3+s2+$0x0] =	vst.idx.add.f32.msk $0xffff, v11  }
0xc1: {  	[tilespmem:v3+s24+$0x0] =	vst.idx.add.f32.msk $0xffff, v10  }
0xc2: {  	[tilespmem:v2+s2+$0x0] =	vst.idx.add.f32.msk $0xffff, v7  }
0xc3: {  	p0 =	seq.s32 s7, $0x7;
	[tilespmem:v2+s24+$0x0] =	vst.idx.add.f32.msk $0xffff, v4  }
0xc4: {  	s8 =	sshrl.u32 @!p0 s8, $0x3;
	_ =	swait.ge [sflag:s25], $0x4E20  }
0xc5: {  	s9 =	simm.s32 @!p0 $0x0;
	s8 =	sadd.s32 @!p0 s3, s8;
	[sflag:s25] =	ssyncset.done $0x0  }
0xc6: {  	s10 =	simm.s32 @!p0 $0x13C00;
	s8 =	sadd.s32 @!p0 $0x1388, s8;
	[sflag:s25] =	ssyncadd.s32 $0xFFFFB1E0  }
0xc7: {  	[tilespmem:s10], [sflag:$0x1] =	stream.linear.gather @!p0 [hbm4b:s8+s9], $0x4E20, $0x38;
	[tilespmem:$0x1D980] =	vst v63  }
0xc8: {  	s8 =	simm.s32 $0x18AD0  }
0xc9: {  	v15 =	vld [tilespmem:s8+$0xFFFFFFB0]  }
0xca: {  	v21 =	vld [tilespmem:s8+$0x0]  }
0xcb: {  	v16 =	vld [tilespmem:s8+$0xFFFFFFC0]  }
0xcc: {  	v22 =	vld [tilespmem:s8+$0xFFFFFFF0]  }
0xcd: {  	v18 =	vld [tilespmem:s8+$0xFFFFFFD0]  }
0xce: {  	s18 =	simm.s32 $0x0;
	v24 =	vld [tilespmem:s8+$0xFFFFFFE0];
	v4 =	vshrl.u32 v15, $0xE  }
0xcf: {  	s9 =	sand.u32 $0x7FE0, s18;
	v2 =	vld [tilespmem:s8+$0x40];
	v7 =	vshrl.u32 v21, $0xE  }
0xd0: {  	v3 =	vld [tilespmem:s9+$0x18B00]  }
0xd1: {  	v5 =	vld [tilespmem:s8+$0x20]  }
0xd2: {  	v8 =	vld [tilespmem:s8+$0x10];
	v10 =	vshrl.u32 v16, $0xE  }
0xd3: {  	v11 =	vshrl.u32 v22, $0xE;
	v25 =	vld.idx.msk [tilespmem:v4+s1+$0x0], $0xffff  }
0xd4: {  	v13 =	vshrl.u32 v2, $0xE;
	v6 =	vld.idx.msk [tilespmem:v7+s0+$0x0], $0xffff  }
0xd5: {  	v9 =	vld.idx.msk [tilespmem:v7+s1+$0x0], $0xffff  }
0xd6: {  	v26 =	vld.idx.msk [tilespmem:v4+s0+$0x0], $0xffff  }
0xd7: {  	v27 =	vld.idx.msk [tilespmem:v10+s1+$0x0], $0xffff  }
0xd8: {  	v17 =	vshrl.u32 v3, $0xE;
	v12 =	vld.idx.msk [tilespmem:v11+s0+$0x0], $0xffff  }
0xd9: {  	v4 =	vld.idx.msk [tilespmem:v13+s0+$0x0], $0xffff  }
0xda: {  	v19 =	vshrl.u32 v18, $0xE;
	v28 =	vld.idx.msk [tilespmem:v10+s0+$0x0], $0xffff  }
0xdb: {  	v20 =	vshrl.u32 v24, $0xE;
	v7 =	vld.idx.msk [tilespmem:v13+s1+$0x0], $0xffff  }
0xdc: {  	v23 =	vshrl.u32 v5, $0xE;
	v14 =	vld.idx.msk [tilespmem:v11+s1+$0x0], $0xffff  }
0xdd: {  	v10 =	vld.idx.msk [tilespmem:v17+s0+$0x0], $0xffff  }
0xde: {  	v11 =	vld.idx.msk [tilespmem:v17+s1+$0x0], $0xffff  }
0xdf: {  	v29 =	vld.idx.msk [tilespmem:v19+s1+$0x0], $0xffff  }
0xe0: {  	v30 =	vshrl.u32 v8, $0xE;
	v17 =	vld.idx.msk [tilespmem:v20+s0+$0x0], $0xffff  }
0xe1: {  	v13 =	vld.idx.msk [tilespmem:v23+s0+$0x0], $0xffff  }
0xe2: {  	v31 =	vand.u32 $0x3FFF, v15;
	v19 =	vld.idx.msk [tilespmem:v19+s0+$0x0], $0xffff  }
0xe3: {  	v15 =	vld.idx.msk [tilespmem:v23+s1+$0x0], $0xffff  }
0xe4: {  	v32 =	vand.u32 $0x3FFF, v16;
	v20 =	vld.idx.msk [tilespmem:v20+s1+$0x0], $0xffff  }
0xe5: {  	v16 =	vld.idx.msk [tilespmem:v30+s0+$0x0], $0xffff  }
0xe6: {  	v23 =	vand.u32 $0x3FFF, v18;
	v18 =	vld.idx.msk [tilespmem:v30+s1+$0x0], $0xffff  }
0xe7: {  	[tilespmem:v31+s2+$0x0] =	vst.idx.add.f32.msk $0xffff, v25  }
0xe8: {  	[tilespmem:v31+s24+$0x0] =	vst.idx.add.f32.msk $0xffff, v26  }
0xe9: {  	v24 =	vand.u32 $0x3FFF, v24;
	[tilespmem:v32+s2+$0x0] =	vst.idx.add.f32.msk $0xffff, v27  }
0xea: {  	[tilespmem:v32+s24+$0x0] =	vst.idx.add.f32.msk $0xffff, v28  }
0xeb: {  	s9 =	simm.s32 $0xA0;
	v22 =	vand.u32 $0x3FFF, v22;
	v21 =	vand.u32 $0x3FFF, v21;
	[tilespmem:v23+s2+$0x0] =	vst.idx.add.f32.msk $0xffff, v29  }
.LBB2_7:
0xec: {  	p0 =	sne.s32 s9, $0x4D80  }
0xed: {  	[tilespmem:v23+s24+$0x0] =	vst.idx.add.f32.msk $0xffff, v19;
	s8 =	sadd.s32 $0xA0, s8;
	s10 =	smov.u32 s9;
	s9 =	sadd.s32 $0xA0, s9  }
0xee: {  	v8 =	vand.u32 $0x3FFF, v8;
	[tilespmem:v24+s2+$0x0] =	vst.idx.add.f32.msk $0xffff, v20  }
0xef: {  	[tilespmem:v24+s24+$0x0] =	vst.idx.add.f32.msk $0xffff, v17  }
0xf0: {  	v5 =	vand.u32 $0x3FFF, v5;
	[tilespmem:v22+s2+$0x0] =	vst.idx.add.f32.msk $0xffff, v14  }
0xf1: {  	[tilespmem:v22+s24+$0x0] =	vst.idx.add.f32.msk $0xffff, v12  }
0xf2: {  	v3 =	vand.u32 $0x3FFF, v3;
	[tilespmem:v21+s2+$0x0] =	vst.idx.add.f32.msk $0xffff, v9  }
0xf3: {  	[tilespmem:v21+s24+$0x0] =	vst.idx.add.f32.msk $0xffff, v6  }
0xf4: {  	v2 =	vand.u32 $0x3FFF, v2;
	[tilespmem:v8+s2+$0x0] =	vst.idx.add.f32.msk $0xffff, v18  }
0xf5: {  	[tilespmem:v8+s24+$0x0] =	vst.idx.add.f32.msk $0xffff, v16  }
0xf6: {  	[tilespmem:v5+s2+$0x0] =	vst.idx.add.f32.msk $0xffff, v15  }
0xf7: {  	[tilespmem:v5+s24+$0x0] =	vst.idx.add.f32.msk $0xffff, v13  }
0xf8: {  	[tilespmem:v3+s2+$0x0] =	vst.idx.add.f32.msk $0xffff, v11  }
0xf9: {  	[tilespmem:v3+s24+$0x0] =	vst.idx.add.f32.msk $0xffff, v10  }
0xfa: {  	[tilespmem:v2+s2+$0x0] =	vst.idx.add.f32.msk $0xffff, v7  }
0xfb: {  	[tilespmem:v2+s24+$0x0] =	vst.idx.add.f32.msk $0xffff, v4  }
0xfc: {  	v15 =	vld [tilespmem:s8+$0xFFFFFFB0]  }
0xfd: {  	v21 =	vld [tilespmem:s8+$0x0]  }
0xfe: {  	v16 =	vld [tilespmem:s8+$0xFFFFFFC0]  }
0xff: {  	v22 =	vld [tilespmem:s8+$0xFFFFFFF0]  }
0x100: {  	v18 =	vld [tilespmem:s8+$0xFFFFFFD0]  }
0x101: {  	v24 =	vld [tilespmem:s8+$0xFFFFFFE0];
	v4 =	vshrl.u32 v15, $0xE  }
0x102: {  	s10 =	sand.u32 $0x7FE0, s10;
	v2 =	vld [tilespmem:s8+$0x40];
	v7 =	vshrl.u32 v21, $0xE  }
0x103: {  	v3 =	vld [tilespmem:s10+$0x18B00];
	v10 =	vshrl.u32 v16, $0xE  }
0x104: {  	v5 =	vld [tilespmem:s8+$0x20];
	v11 =	vshrl.u32 v22, $0xE  }
0x105: {  	v8 =	vld [tilespmem:s8+$0x10];
	v19 =	vshrl.u32 v18, $0xE  }
0x106: {  	v20 =	vshrl.u32 v24, $0xE;
	v25 =	vld.idx.msk [tilespmem:v4+s1+$0x0], $0xffff  }
0x107: {  	v13 =	vshrl.u32 v2, $0xE;
	v6 =	vld.idx.msk [tilespmem:v7+s0+$0x0], $0xffff  }
0x108: {  	v17 =	vshrl.u32 v3, $0xE;
	v9 =	vld.idx.msk [tilespmem:v7+s1+$0x0], $0xffff  }
0x109: {  	v23 =	vshrl.u32 v5, $0xE;
	v26 =	vld.idx.msk [tilespmem:v4+s0+$0x0], $0xffff  }
0x10a: {  	v27 =	vshrl.u32 v8, $0xE;
	v28 =	vld.idx.msk [tilespmem:v10+s1+$0x0], $0xffff  }
0x10b: {  	v12 =	vld.idx.msk [tilespmem:v11+s0+$0x0], $0xffff  }
0x10c: {  	v4 =	vld.idx.msk [tilespmem:v13+s0+$0x0], $0xffff  }
0x10d: {  	v29 =	vld.idx.msk [tilespmem:v10+s0+$0x0], $0xffff  }
0x10e: {  	v7 =	vld.idx.msk [tilespmem:v13+s1+$0x0], $0xffff  }
0x10f: {  	v14 =	vld.idx.msk [tilespmem:v11+s1+$0x0], $0xffff  }
0x110: {  	v10 =	vld.idx.msk [tilespmem:v17+s0+$0x0], $0xffff  }
0x111: {  	v11 =	vld.idx.msk [tilespmem:v17+s1+$0x0], $0xffff  }
0x112: {  	v30 =	vld.idx.msk [tilespmem:v19+s1+$0x0], $0xffff  }
0x113: {  	v17 =	vld.idx.msk [tilespmem:v20+s0+$0x0], $0xffff  }
0x114: {  	v31 =	vand.u32 $0x3FFF, v15;
	v13 =	vld.idx.msk [tilespmem:v23+s0+$0x0], $0xffff  }
0x115: {  	v19 =	vld.idx.msk [tilespmem:v19+s0+$0x0], $0xffff  }
0x116: {  	v32 =	vand.u32 $0x3FFF, v16;
	v15 =	vld.idx.msk [tilespmem:v23+s1+$0x0], $0xffff  }
0x117: {  	v20 =	vld.idx.msk [tilespmem:v20+s1+$0x0], $0xffff  }
0x118: {  	v23 =	vand.u32 $0x3FFF, v18;
	v16 =	vld.idx.msk [tilespmem:v27+s0+$0x0], $0xffff  }
0x119: {  	v18 =	vld.idx.msk [tilespmem:v27+s1+$0x0], $0xffff  }
.Ltmp2:
0x11a: {  	v24 =	vand.u32 $0x3FFF, v24;
	[tilespmem:v31+s2+$0x0] =	vst.idx.add.f32.msk $0xffff, v25;
	(pc) =	sbr.rel @p0 .LBB2_7-.Ltmp2, $4  }
0x11b: {  	[tilespmem:v31+s24+$0x0] =	vst.idx.add.f32.msk $0xffff, v26  }
0x11c: {  	v22 =	vand.u32 $0x3FFF, v22;
	[tilespmem:v32+s2+$0x0] =	vst.idx.add.f32.msk $0xffff, v28  }
0x11d: {  	[tilespmem:v32+s24+$0x0] =	vst.idx.add.f32.msk $0xffff, v29  }
0x11e: {  	v21 =	vand.u32 $0x3FFF, v21;
	[tilespmem:v23+s2+$0x0] =	vst.idx.add.f32.msk $0xffff, v30  }
0x11f: {  	_ =	sdelay $0x3  }
0x120: {  	[tilespmem:v23+s24+$0x0] =	vst.idx.add.f32.msk $0xffff, v19  }
0x121: {  	[tilespmem:v24+s2+$0x0] =	vst.idx.add.f32.msk $0xffff, v20  }
0x122: {  	v8 =	vand.u32 $0x3FFF, v8;
	[tilespmem:v24+s24+$0x0] =	vst.idx.add.f32.msk $0xffff, v17  }
0x123: {  	[tilespmem:v22+s2+$0x0] =	vst.idx.add.f32.msk $0xffff, v14  }
0x124: {  	v5 =	vand.u32 $0x3FFF, v5;
	[tilespmem:v22+s24+$0x0] =	vst.idx.add.f32.msk $0xffff, v12  }
0x125: {  	[tilespmem:v21+s2+$0x0] =	vst.idx.add.f32.msk $0xffff, v9  }
0x126: {  	v3 =	vand.u32 $0x3FFF, v3;
	[tilespmem:v21+s24+$0x0] =	vst.idx.add.f32.msk $0xffff, v6  }
0x127: {  	[tilespmem:v8+s2+$0x0] =	vst.idx.add.f32.msk $0xffff, v18  }
0x128: {  	v2 =	vand.u32 $0x3FFF, v2;
	s7 =	sadd.s32 $0x1, s7;
	[tilespmem:v8+s24+$0x0] =	vst.idx.add.f32.msk $0xffff, v16  }
0x129: {  	p0 =	sne.s32 s7, $0x8;
	[tilespmem:v5+s2+$0x0] =	vst.idx.add.f32.msk $0xffff, v15  }
.Ltmp3:
0x12a: {  	[tilespmem:v5+s24+$0x0] =	vst.idx.add.f32.msk $0xffff, v13;
	(pc) =	sbr.rel @p0 .LBB2_4-.Ltmp3, $4  }
0x12b: {  	[tilespmem:v3+s2+$0x0] =	vst.idx.add.f32.msk $0xffff, v11  }
0x12c: {  	[tilespmem:v3+s24+$0x0] =	vst.idx.add.f32.msk $0xffff, v10  }
0x12d: {  	[tilespmem:v2+s2+$0x0] =	vst.idx.add.f32.msk $0xffff, v7  }
0x12e: {  	[tilespmem:v2+s24+$0x0] =	vst.idx.add.f32.msk $0xffff, v4  }
0x12f: {  	s8 =	simm.s32 $0x0  }
0x130: {  	[tilespmem:s29], [sflag:$0x1] =	stream.linear.gather [hbm4b:s3+s8], $0x4E20, $0x38;
	[tilespmem:$0x1D980] =	vst v63  }
0x131: {  	_ =	swait.ge [sflag:s4], $0x2780  }
0x132: {  	[sflag:s4] =	ssyncset.done $0x0  }
0x133: {  	[sflag:s4] =	ssyncadd.s32 $0xFFFFD880  }
0x134: {  	_ =	swait.ge [sflag:s4], $0x2780  }
0x135: {  	s6 =	sand.u32 $0x70, s8;
	s7 =	sand.u32 $0x7F00, s8;
	[sflag:s4] =	ssyncset.done $0x0  }
0x136: {  	s7 =	sor.u32 s6, s7;
	[sflag:s4] =	ssyncadd.s32 $0xFFFFD880  }
0x137: {  	v3 =	vld [tilespmem:s7+$0xED80]  }
0x138: {  	s6 =	simm.s32 $0x4F00  }
0x139: {  	s9 =	simm.s32 $0x7680;
	v4 =	vld [tilespmem:s6+$0x0]  }
0x13a: {  	v2 =	vbroadcast v1, $0x1;
	v5 =	vld [tilespmem:s9+$0x0];
	_ =	sdelay $0x1  }
0x13b: {  	v3 =	vmul.f32 v3, v2;
	_ =	sdelay $0x1  }
0x13c: {  	v4 =	vmul.f32 v3, v4  }
0x13d: {  	s10 =	simm.s32 $0x9E00;
	v3 =	vmul.f32 v5, v3  }
0x13e: {  	s11 =	simm.s32 $0xC580;
	[tilespmem:s10+$0x0] =	vst v4  }
0x13f: {  	[tilespmem:s11+$0x0] =	vst v3  }
0x140: {  	v63 =	vld [tilespmem:s7+$0xED00];
	_ =	sdelay $0x4  }
0x141: {  	v4 =	vmul.f32 v63, v4  }
0x142: {  	s18 =	simm.s32 $0x2780;
	v3 =	vmul.f32 v63, v3  }
0x143: {  	s14 =	simm.s32 $0x20;
	s13 =	simm.s32 $0x20;
	s12 =	simm.s32 $0xC590;
	[tilespmem:s8+$0x0] =	vst v4  }
0x144: {  	s16 =	sand.u32 $0x7F00, s13;
	s10 =	simm.s32 $0x7690;
	s7 =	simm.s32 $0x10;
	[tilespmem:s18+$0x0] =	vst v3  }
0x145: {  	s11 =	simm.s32 $0x9E10;
	s15 =	sand.u32 $0x70, s7;
	s8 =	simm.s32 $0x2790;
	[tilespmem:s6+$0x0] =	vst v0  }
.LBB2_10:
0x146: {  	s15 =	sor.u32 s15, s16;
	s6 =	sadd.s32 $0x10, s6;
	s16 =	smov.u32 s14  }
0x147: {  	[tilespmem:s9+$0x0] =	vst v0;
	s17 =	sadd.s32 $0x10, s14;
	s18 =	smov.u32 s8;
	s9 =	smov.u32 s10  }
0x148: {  	p0 =	sne.s32 s14, $0x2700;
	v3 =	vld [tilespmem:s15+$0xED80];
	_ =	sdelay $0x1  }
0x149: {  	v4 =	vld [tilespmem:s6+$0x0]  }
0x14a: {  	v5 =	vld [tilespmem:s10+$0x0];
	_ =	sdelay $0x1  }
0x14b: {  	v3 =	vmul.f32 v3, v2;
	_ =	sdelay $0x1  }
0x14c: {  	v4 =	vmul.f32 v3, v4  }
0x14d: {  	v3 =	vmul.f32 v5, v3  }
0x14e: {  	[tilespmem:s11+$0x0] =	vst v4  }
0x14f: {  	[tilespmem:s12+$0x0] =	vst v3  }
0x150: {  	v5 =	vld [tilespmem:s15+$0xED00];
	_ =	sdelay $0x4  }
.Ltmp4:
0x151: {  	v4 =	vmul.f32 v5, v4;
	v3 =	vmul.f32 v5, v3;
	(pc) =	sbr.rel @p0 .LBB2_10-.Ltmp4, $4  }
0x152: {  	_ = 	snop  }
0x153: {  	s8 =	sadd.s32 $0x10, s8;
	s13 =	sadd.s32 $0x20, s13;
	[tilespmem:s7+$0x0] =	vst v4;
	s7 =	sadd.s32 $0x10, s7  }
0x154: {  	s14 =	smov.u32 s17;
	s11 =	sadd.s32 $0x10, s11;
	s12 =	sadd.s32 $0x10, s12;
	[tilespmem:s18+$0x0] =	vst v3  }
0x155: {  	s10 =	sadd.s32 $0x10, s10;
	s15 =	sand.u32 $0x70, s16;
	s16 =	sand.u32 $0x7F00, s13;
	[tilespmem:s6+$0x0] =	vst v0  }
0x156: {  	s13 =	sor.u32 s15, s16;
	[tilespmem:s9+$0x0] =	vst v0  }
0x157: {  	v3 =	vld [tilespmem:s13+$0xED80]  }
0x158: {  	s6 =	sadd.s32 $0x10, s6  }
0x159: {  	v4 =	vld [tilespmem:s6+$0x0]  }
0x15a: {  	v5 =	vld [tilespmem:s10+$0x0];
	_ =	sdelay $0x1  }
0x15b: {  	v2 =	vmul.f32 v3, v2;
	_ =	sdelay $0x1  }
0x15c: {  	v3 =	vmul.f32 v2, v4  }
0x15d: {  	v2 =	vmul.f32 v5, v2  }
0x15e: {  	[tilespmem:s11+$0x0] =	vst v3  }
0x15f: {  	[tilespmem:s12+$0x0] =	vst v2  }
0x160: {  	v63 =	vld [tilespmem:s13+$0xED00];
	_ =	sdelay $0x4  }
0x161: {  	v3 =	vmul.f32 v63, v3  }
0x162: {  	v2 =	vmul.f32 v63, v2  }
0x163: {  	[tilespmem:s7+$0x0] =	vst v3  }
0x164: {  	[tilespmem:s8+$0x0] =	vst v2  }
0x165: {  	[tilespmem:s6+$0x0] =	vst v0  }
0x166: {  	s17 =	rddreg [dreg:$0x9];
	[tilespmem:s10+$0x0] =	vst v0  }
0x167: {  	[hbm4b:s17+s21] =	stream.strided.scatter [tilespmem:s26], [sflag:$0x3], $0x2780, s22, s21, $0x38;
	[tilespmem:$0x1D980] =	vst v63  }
0x168: {  	s18 =	rddreg [dreg:$0xa];
	s7 =	simm.s32 $0x0;
	s6 =	simm.s32 $0x0  }
0x169: {  	[hbm4b:s18+s21] =	stream.strided.scatter [tilespmem:s28], [sflag:$0x3], $0x2780, s22, s21, $0x38;
	[tilespmem:$0x1D980] =	vst v63  }
.LBB2_12:
0x16a: {  	s8 =	smul.u32 $0x9C40, s7;
	_ =	sdelay $0x1  }
0x16b: {  	_ =	swait.ge [sflag:s30], $0x4E20;
	s9 =	sshrl.u32 s8, $0x3  }
0x16c: {  	[sflag:s30] =	ssyncset.done $0x0;
	s9 =	sadd.s32 s3, s9  }
0x16d: {  	[sflag:s30] =	ssyncadd.s32 $0xFFFFB1E0;
	s9 =	sadd.s32 $0x9C4, s9  }
0x16e: {  	[tilespmem:s31], [sflag:$0x2] =	stream.linear.gather [hbm4b:s9+s6], $0x4E20, $0x38;
	[tilespmem:$0x1D980] =	vst v63  }
0x16f: {  	s9 =	simm.s32 $0x13C50  }
0x170: {  	v15 =	vld [tilespmem:s9+$0xFFFFFFB0]  }
0x171: {  	v21 =	vld [tilespmem:s9+$0x0]  }
0x172: {  	v16 =	vld [tilespmem:s9+$0xFFFFFFC0]  }
0x173: {  	v22 =	vld [tilespmem:s9+$0xFFFFFFF0]  }
0x174: {  	v18 =	vld [tilespmem:s9+$0xFFFFFFD0]  }
0x175: {  	v24 =	vld [tilespmem:s9+$0xFFFFFFE0];
	v4 =	vshrl.u32 v15, $0xE  }
0x176: {  	s10 =	sand.u32 $0x7FE0, s6;
	v2 =	vld [tilespmem:s9+$0x40];
	v7 =	vshrl.u32 v21, $0xE  }
0x177: {  	v3 =	vld [tilespmem:s10+$0x13C80]  }
0x178: {  	v5 =	vld [tilespmem:s9+$0x20]  }
0x179: {  	v8 =	vld [tilespmem:s9+$0x10];
	v10 =	vshrl.u32 v16, $0xE  }
0x17a: {  	v11 =	vshrl.u32 v22, $0xE;
	v25 =	vld.idx.msk [tilespmem:v4+s1+$0x0], $0xffff  }
0x17b: {  	v13 =	vshrl.u32 v2, $0xE;
	v6 =	vld.idx.msk [tilespmem:v7+s0+$0x0], $0xffff  }
0x17c: {  	v9 =	vld.idx.msk [tilespmem:v7+s1+$0x0], $0xffff  }
0x17d: {  	v26 =	vld.idx.msk [tilespmem:v4+s0+$0x0], $0xffff  }
0x17e: {  	v27 =	vld.idx.msk [tilespmem:v10+s1+$0x0], $0xffff  }
0x17f: {  	v17 =	vshrl.u32 v3, $0xE;
	v12 =	vld.idx.msk [tilespmem:v11+s0+$0x0], $0xffff  }
0x180: {  	v4 =	vld.idx.msk [tilespmem:v13+s0+$0x0], $0xffff  }
0x181: {  	v19 =	vshrl.u32 v18, $0xE;
	v28 =	vld.idx.msk [tilespmem:v10+s0+$0x0], $0xffff  }
0x182: {  	v20 =	vshrl.u32 v24, $0xE;
	v7 =	vld.idx.msk [tilespmem:v13+s1+$0x0], $0xffff  }
0x183: {  	v23 =	vshrl.u32 v5, $0xE;
	v14 =	vld.idx.msk [tilespmem:v11+s1+$0x0], $0xffff  }
0x184: {  	v10 =	vld.idx.msk [tilespmem:v17+s0+$0x0], $0xffff  }
0x185: {  	v11 =	vld.idx.msk [tilespmem:v17+s1+$0x0], $0xffff  }
0x186: {  	v29 =	vld.idx.msk [tilespmem:v19+s1+$0x0], $0xffff  }
0x187: {  	v30 =	vshrl.u32 v8, $0xE;
	v17 =	vld.idx.msk [tilespmem:v20+s0+$0x0], $0xffff  }
0x188: {  	v13 =	vld.idx.msk [tilespmem:v23+s0+$0x0], $0xffff  }
0x189: {  	v31 =	vand.u32 $0x3FFF, v15;
	v19 =	vld.idx.msk [tilespmem:v19+s0+$0x0], $0xffff  }
0x18a: {  	v15 =	vld.idx.msk [tilespmem:v23+s1+$0x0], $0xffff  }
0x18b: {  	v32 =	vand.u32 $0x3FFF, v16;
	v20 =	vld.idx.msk [tilespmem:v20+s1+$0x0], $0xffff  }
0x18c: {  	v16 =	vld.idx.msk [tilespmem:v30+s0+$0x0], $0xffff  }
0x18d: {  	v23 =	vand.u32 $0x3FFF, v18;
	v18 =	vld.idx.msk [tilespmem:v30+s1+$0x0], $0xffff  }
0x18e: {  	[tilespmem:v31+s2+$0x0] =	vst.idx.add.f32.msk $0xffff, v25  }
0x18f: {  	[tilespmem:v31+s24+$0x0] =	vst.idx.add.f32.msk $0xffff, v26  }
0x190: {  	v24 =	vand.u32 $0x3FFF, v24;
	[tilespmem:v32+s2+$0x0] =	vst.idx.add.f32.msk $0xffff, v27  }
0x191: {  	[tilespmem:v32+s24+$0x0] =	vst.idx.add.f32.msk $0xffff, v28  }
0x192: {  	s10 =	simm.s32 $0xA0;
	v22 =	vand.u32 $0x3FFF, v22;
	v21 =	vand.u32 $0x3FFF, v21;
	[tilespmem:v23+s2+$0x0] =	vst.idx.add.f32.msk $0xffff, v29  }
.LBB2_13:
0x193: {  	p0 =	sne.s32 s10, $0x4D80  }
0x194: {  	[tilespmem:v23+s24+$0x0] =	vst.idx.add.f32.msk $0xffff, v19;
	s9 =	sadd.s32 $0xA0, s9;
	s11 =	smov.u32 s10;
	s10 =	sadd.s32 $0xA0, s10  }
0x195: {  	v8 =	vand.u32 $0x3FFF, v8;
	[tilespmem:v24+s2+$0x0] =	vst.idx.add.f32.msk $0xffff, v20  }
0x196: {  	[tilespmem:v24+s24+$0x0] =	vst.idx.add.f32.msk $0xffff, v17  }
0x197: {  	v5 =	vand.u32 $0x3FFF, v5;
	[tilespmem:v22+s2+$0x0] =	vst.idx.add.f32.msk $0xffff, v14  }
0x198: {  	[tilespmem:v22+s24+$0x0] =	vst.idx.add.f32.msk $0xffff, v12  }
0x199: {  	v3 =	vand.u32 $0x3FFF, v3;
	[tilespmem:v21+s2+$0x0] =	vst.idx.add.f32.msk $0xffff, v9  }
0x19a: {  	[tilespmem:v21+s24+$0x0] =	vst.idx.add.f32.msk $0xffff, v6  }
0x19b: {  	v2 =	vand.u32 $0x3FFF, v2;
	[tilespmem:v8+s2+$0x0] =	vst.idx.add.f32.msk $0xffff, v18  }
0x19c: {  	[tilespmem:v8+s24+$0x0] =	vst.idx.add.f32.msk $0xffff, v16  }
0x19d: {  	[tilespmem:v5+s2+$0x0] =	vst.idx.add.f32.msk $0xffff, v15  }
0x19e: {  	[tilespmem:v5+s24+$0x0] =	vst.idx.add.f32.msk $0xffff, v13  }
0x19f: {  	[tilespmem:v3+s2+$0x0] =	vst.idx.add.f32.msk $0xffff, v11  }
0x1a0: {  	[tilespmem:v3+s24+$0x0] =	vst.idx.add.f32.msk $0xffff, v10  }
0x1a1: {  	[tilespmem:v2+s2+$0x0] =	vst.idx.add.f32.msk $0xffff, v7  }
0x1a2: {  	[tilespmem:v2+s24+$0x0] =	vst.idx.add.f32.msk $0xffff, v4  }
0x1a3: {  	v15 =	vld [tilespmem:s9+$0xFFFFFFB0]  }
0x1a4: {  	v21 =	vld [tilespmem:s9+$0x0]  }
0x1a5: {  	v16 =	vld [tilespmem:s9+$0xFFFFFFC0]  }
0x1a6: {  	v22 =	vld [tilespmem:s9+$0xFFFFFFF0]  }
0x1a7: {  	v18 =	vld [tilespmem:s9+$0xFFFFFFD0]  }
0x1a8: {  	v24 =	vld [tilespmem:s9+$0xFFFFFFE0];
	v4 =	vshrl.u32 v15, $0xE  }
0x1a9: {  	s11 =	sand.u32 $0x7FE0, s11;
	v2 =	vld [tilespmem:s9+$0x40];
	v7 =	vshrl.u32 v21, $0xE  }
0x1aa: {  	v3 =	vld [tilespmem:s11+$0x13C80];
	v10 =	vshrl.u32 v16, $0xE  }
0x1ab: {  	v5 =	vld [tilespmem:s9+$0x20];
	v11 =	vshrl.u32 v22, $0xE  }
0x1ac: {  	v8 =	vld [tilespmem:s9+$0x10];
	v19 =	vshrl.u32 v18, $0xE  }
0x1ad: {  	v20 =	vshrl.u32 v24, $0xE;
	v25 =	vld.idx.msk [tilespmem:v4+s1+$0x0], $0xffff  }
0x1ae: {  	v13 =	vshrl.u32 v2, $0xE;
	v6 =	vld.idx.msk [tilespmem:v7+s0+$0x0], $0xffff  }
0x1af: {  	v17 =	vshrl.u32 v3, $0xE;
	v9 =	vld.idx.msk [tilespmem:v7+s1+$0x0], $0xffff  }
0x1b0: {  	v23 =	vshrl.u32 v5, $0xE;
	v26 =	vld.idx.msk [tilespmem:v4+s0+$0x0], $0xffff  }
0x1b1: {  	v27 =	vshrl.u32 v8, $0xE;
	v28 =	vld.idx.msk [tilespmem:v10+s1+$0x0], $0xffff  }
0x1b2: {  	v12 =	vld.idx.msk [tilespmem:v11+s0+$0x0], $0xffff  }
0x1b3: {  	v4 =	vld.idx.msk [tilespmem:v13+s0+$0x0], $0xffff  }
0x1b4: {  	v29 =	vld.idx.msk [tilespmem:v10+s0+$0x0], $0xffff  }
0x1b5: {  	v7 =	vld.idx.msk [tilespmem:v13+s1+$0x0], $0xffff  }
0x1b6: {  	v14 =	vld.idx.msk [tilespmem:v11+s1+$0x0], $0xffff  }
0x1b7: {  	v10 =	vld.idx.msk [tilespmem:v17+s0+$0x0], $0xffff  }
0x1b8: {  	v11 =	vld.idx.msk [tilespmem:v17+s1+$0x0], $0xffff  }
0x1b9: {  	v30 =	vld.idx.msk [tilespmem:v19+s1+$0x0], $0xffff  }
0x1ba: {  	v17 =	vld.idx.msk [tilespmem:v20+s0+$0x0], $0xffff  }
0x1bb: {  	v31 =	vand.u32 $0x3FFF, v15;
	v13 =	vld.idx.msk [tilespmem:v23+s0+$0x0], $0xffff  }
0x1bc: {  	v19 =	vld.idx.msk [tilespmem:v19+s0+$0x0], $0xffff  }
0x1bd: {  	v32 =	vand.u32 $0x3FFF, v16;
	v15 =	vld.idx.msk [tilespmem:v23+s1+$0x0], $0xffff  }
0x1be: {  	v20 =	vld.idx.msk [tilespmem:v20+s1+$0x0], $0xffff  }
0x1bf: {  	v23 =	vand.u32 $0x3FFF, v18;
	v16 =	vld.idx.msk [tilespmem:v27+s0+$0x0], $0xffff  }
0x1c0: {  	v18 =	vld.idx.msk [tilespmem:v27+s1+$0x0], $0xffff  }
.Ltmp5:
0x1c1: {  	v24 =	vand.u32 $0x3FFF, v24;
	[tilespmem:v31+s2+$0x0] =	vst.idx.add.f32.msk $0xffff, v25;
	(pc) =	sbr.rel @p0 .LBB2_13-.Ltmp5, $4  }
0x1c2: {  	[tilespmem:v31+s24+$0x0] =	vst.idx.add.f32.msk $0xffff, v26  }
0x1c3: {  	v22 =	vand.u32 $0x3FFF, v22;
	[tilespmem:v32+s2+$0x0] =	vst.idx.add.f32.msk $0xffff, v28  }
0x1c4: {  	[tilespmem:v32+s24+$0x0] =	vst.idx.add.f32.msk $0xffff, v29  }
0x1c5: {  	v21 =	vand.u32 $0x3FFF, v21;
	[tilespmem:v23+s2+$0x0] =	vst.idx.add.f32.msk $0xffff, v30  }
0x1c6: {  	_ =	sdelay $0x3  }
0x1c7: {  	[tilespmem:v23+s24+$0x0] =	vst.idx.add.f32.msk $0xffff, v19  }
0x1c8: {  	[tilespmem:v24+s2+$0x0] =	vst.idx.add.f32.msk $0xffff, v20  }
0x1c9: {  	v8 =	vand.u32 $0x3FFF, v8;
	[tilespmem:v24+s24+$0x0] =	vst.idx.add.f32.msk $0xffff, v17  }
0x1ca: {  	[tilespmem:v22+s2+$0x0] =	vst.idx.add.f32.msk $0xffff, v14  }
0x1cb: {  	v5 =	vand.u32 $0x3FFF, v5;
	[tilespmem:v22+s24+$0x0] =	vst.idx.add.f32.msk $0xffff, v12  }
0x1cc: {  	[tilespmem:v21+s2+$0x0] =	vst.idx.add.f32.msk $0xffff, v9  }
0x1cd: {  	v3 =	vand.u32 $0x3FFF, v3;
	[tilespmem:v21+s24+$0x0] =	vst.idx.add.f32.msk $0xffff, v6  }
0x1ce: {  	[tilespmem:v8+s2+$0x0] =	vst.idx.add.f32.msk $0xffff, v18  }
0x1cf: {  	v2 =	vand.u32 $0x3FFF, v2;
	[tilespmem:v8+s24+$0x0] =	vst.idx.add.f32.msk $0xffff, v16  }
0x1d0: {  	[tilespmem:v5+s2+$0x0] =	vst.idx.add.f32.msk $0xffff, v15  }
0x1d1: {  	[tilespmem:v5+s24+$0x0] =	vst.idx.add.f32.msk $0xffff, v13  }
0x1d2: {  	[tilespmem:v3+s2+$0x0] =	vst.idx.add.f32.msk $0xffff, v11  }
0x1d3: {  	[tilespmem:v3+s24+$0x0] =	vst.idx.add.f32.msk $0xffff, v10  }
0x1d4: {  	[tilespmem:v2+s2+$0x0] =	vst.idx.add.f32.msk $0xffff, v7  }
0x1d5: {  	p0 =	seq.s32 s7, $0x7;
	[tilespmem:v2+s24+$0x0] =	vst.idx.add.f32.msk $0xffff, v4  }
0x1d6: {  	s8 =	sshrl.u32 @!p0 s8, $0x3;
	_ =	swait.ge [sflag:s25], $0x4E20  }
0x1d7: {  	s9 =	simm.s32 @!p0 $0x0;
	s8 =	sadd.s32 @!p0 s3, s8;
	[sflag:s25] =	ssyncset.done $0x0  }
0x1d8: {  	s10 =	simm.s32 @!p0 $0x13C00;
	s8 =	sadd.s32 @!p0 $0x1388, s8;
	[sflag:s25] =	ssyncadd.s32 $0xFFFFB1E0  }
0x1d9: {  	[tilespmem:s10], [sflag:$0x1] =	stream.linear.gather @!p0 [hbm4b:s8+s9], $0x4E20, $0x38;
	[tilespmem:$0x1D980] =	vst v63  }
0x1da: {  	s8 =	simm.s32 $0x18AD0  }
0x1db: {  	v15 =	vld [tilespmem:s8+$0xFFFFFFB0]  }
0x1dc: {  	v21 =	vld [tilespmem:s8+$0x0]  }
0x1dd: {  	v16 =	vld [tilespmem:s8+$0xFFFFFFC0]  }
0x1de: {  	v22 =	vld [tilespmem:s8+$0xFFFFFFF0]  }
0x1df: {  	v18 =	vld [tilespmem:s8+$0xFFFFFFD0]  }
0x1e0: {  	s18 =	simm.s32 $0x0;
	v24 =	vld [tilespmem:s8+$0xFFFFFFE0];
	v4 =	vshrl.u32 v15, $0xE  }
0x1e1: {  	s9 =	sand.u32 $0x7FE0, s18;
	v2 =	vld [tilespmem:s8+$0x40];
	v7 =	vshrl.u32 v21, $0xE  }
0x1e2: {  	v3 =	vld [tilespmem:s9+$0x18B00]  }
0x1e3: {  	v5 =	vld [tilespmem:s8+$0x20]  }
0x1e4: {  	v8 =	vld [tilespmem:s8+$0x10];
	v10 =	vshrl.u32 v16, $0xE  }
0x1e5: {  	v11 =	vshrl.u32 v22, $0xE;
	v25 =	vld.idx.msk [tilespmem:v4+s1+$0x0], $0xffff  }
0x1e6: {  	v13 =	vshrl.u32 v2, $0xE;
	v6 =	vld.idx.msk [tilespmem:v7+s0+$0x0], $0xffff  }
0x1e7: {  	v9 =	vld.idx.msk [tilespmem:v7+s1+$0x0], $0xffff  }
0x1e8: {  	v26 =	vld.idx.msk [tilespmem:v4+s0+$0x0], $0xffff  }
0x1e9: {  	v27 =	vld.idx.msk [tilespmem:v10+s1+$0x0], $0xffff  }
0x1ea: {  	v17 =	vshrl.u32 v3, $0xE;
	v12 =	vld.idx.msk [tilespmem:v11+s0+$0x0], $0xffff  }
0x1eb: {  	v4 =	vld.idx.msk [tilespmem:v13+s0+$0x0], $0xffff  }
0x1ec: {  	v19 =	vshrl.u32 v18, $0xE;
	v28 =	vld.idx.msk [tilespmem:v10+s0+$0x0], $0xffff  }
0x1ed: {  	v20 =	vshrl.u32 v24, $0xE;
	v7 =	vld.idx.msk [tilespmem:v13+s1+$0x0], $0xffff  }
0x1ee: {  	v23 =	vshrl.u32 v5, $0xE;
	v14 =	vld.idx.msk [tilespmem:v11+s1+$0x0], $0xffff  }
0x1ef: {  	v10 =	vld.idx.msk [tilespmem:v17+s0+$0x0], $0xffff  }
0x1f0: {  	v11 =	vld.idx.msk [tilespmem:v17+s1+$0x0], $0xffff  }
0x1f1: {  	v29 =	vld.idx.msk [tilespmem:v19+s1+$0x0], $0xffff  }
0x1f2: {  	v30 =	vshrl.u32 v8, $0xE;
	v17 =	vld.idx.msk [tilespmem:v20+s0+$0x0], $0xffff  }
0x1f3: {  	v13 =	vld.idx.msk [tilespmem:v23+s0+$0x0], $0xffff  }
0x1f4: {  	v31 =	vand.u32 $0x3FFF, v15;
	v19 =	vld.idx.msk [tilespmem:v19+s0+$0x0], $0xffff  }
0x1f5: {  	v15 =	vld.idx.msk [tilespmem:v23+s1+$0x0], $0xffff  }
0x1f6: {  	v32 =	vand.u32 $0x3FFF, v16;
	v20 =	vld.idx.msk [tilespmem:v20+s1+$0x0], $0xffff  }
0x1f7: {  	v16 =	vld.idx.msk [tilespmem:v30+s0+$0x0], $0xffff  }
0x1f8: {  	v23 =	vand.u32 $0x3FFF, v18;
	v18 =	vld.idx.msk [tilespmem:v30+s1+$0x0], $0xffff  }
0x1f9: {  	[tilespmem:v31+s2+$0x0] =	vst.idx.add.f32.msk $0xffff, v25  }
0x1fa: {  	[tilespmem:v31+s24+$0x0] =	vst.idx.add.f32.msk $0xffff, v26  }
0x1fb: {  	v24 =	vand.u32 $0x3FFF, v24;
	[tilespmem:v32+s2+$0x0] =	vst.idx.add.f32.msk $0xffff, v27  }
0x1fc: {  	[tilespmem:v32+s24+$0x0] =	vst.idx.add.f32.msk $0xffff, v28  }
0x1fd: {  	s9 =	simm.s32 $0xA0;
	v22 =	vand.u32 $0x3FFF, v22;
	v21 =	vand.u32 $0x3FFF, v21;
	[tilespmem:v23+s2+$0x0] =	vst.idx.add.f32.msk $0xffff, v29  }
.LBB2_15:
0x1fe: {  	p0 =	sne.s32 s9, $0x4D80  }
0x1ff: {  	[tilespmem:v23+s24+$0x0] =	vst.idx.add.f32.msk $0xffff, v19;
	s8 =	sadd.s32 $0xA0, s8;
	s10 =	smov.u32 s9;
	s9 =	sadd.s32 $0xA0, s9  }
0x200: {  	v8 =	vand.u32 $0x3FFF, v8;
	[tilespmem:v24+s2+$0x0] =	vst.idx.add.f32.msk $0xffff, v20  }
0x201: {  	[tilespmem:v24+s24+$0x0] =	vst.idx.add.f32.msk $0xffff, v17  }
0x202: {  	v5 =	vand.u32 $0x3FFF, v5;
	[tilespmem:v22+s2+$0x0] =	vst.idx.add.f32.msk $0xffff, v14  }
0x203: {  	[tilespmem:v22+s24+$0x0] =	vst.idx.add.f32.msk $0xffff, v12  }
0x204: {  	v3 =	vand.u32 $0x3FFF, v3;
	[tilespmem:v21+s2+$0x0] =	vst.idx.add.f32.msk $0xffff, v9  }
0x205: {  	[tilespmem:v21+s24+$0x0] =	vst.idx.add.f32.msk $0xffff, v6  }
0x206: {  	v2 =	vand.u32 $0x3FFF, v2;
	[tilespmem:v8+s2+$0x0] =	vst.idx.add.f32.msk $0xffff, v18  }
0x207: {  	[tilespmem:v8+s24+$0x0] =	vst.idx.add.f32.msk $0xffff, v16  }
0x208: {  	[tilespmem:v5+s2+$0x0] =	vst.idx.add.f32.msk $0xffff, v15  }
0x209: {  	[tilespmem:v5+s24+$0x0] =	vst.idx.add.f32.msk $0xffff, v13  }
0x20a: {  	[tilespmem:v3+s2+$0x0] =	vst.idx.add.f32.msk $0xffff, v11  }
0x20b: {  	[tilespmem:v3+s24+$0x0] =	vst.idx.add.f32.msk $0xffff, v10  }
0x20c: {  	[tilespmem:v2+s2+$0x0] =	vst.idx.add.f32.msk $0xffff, v7  }
0x20d: {  	[tilespmem:v2+s24+$0x0] =	vst.idx.add.f32.msk $0xffff, v4  }
0x20e: {  	v15 =	vld [tilespmem:s8+$0xFFFFFFB0]  }
0x20f: {  	v21 =	vld [tilespmem:s8+$0x0]  }
0x210: {  	v16 =	vld [tilespmem:s8+$0xFFFFFFC0]  }
0x211: {  	v22 =	vld [tilespmem:s8+$0xFFFFFFF0]  }
0x212: {  	v18 =	vld [tilespmem:s8+$0xFFFFFFD0]  }
0x213: {  	v24 =	vld [tilespmem:s8+$0xFFFFFFE0];
	v4 =	vshrl.u32 v15, $0xE  }
0x214: {  	s10 =	sand.u32 $0x7FE0, s10;
	v2 =	vld [tilespmem:s8+$0x40];
	v7 =	vshrl.u32 v21, $0xE  }
0x215: {  	v3 =	vld [tilespmem:s10+$0x18B00];
	v10 =	vshrl.u32 v16, $0xE  }
0x216: {  	v5 =	vld [tilespmem:s8+$0x20];
	v11 =	vshrl.u32 v22, $0xE  }
0x217: {  	v8 =	vld [tilespmem:s8+$0x10];
	v19 =	vshrl.u32 v18, $0xE  }
0x218: {  	v20 =	vshrl.u32 v24, $0xE;
	v25 =	vld.idx.msk [tilespmem:v4+s1+$0x0], $0xffff  }
0x219: {  	v13 =	vshrl.u32 v2, $0xE;
	v6 =	vld.idx.msk [tilespmem:v7+s0+$0x0], $0xffff  }
0x21a: {  	v17 =	vshrl.u32 v3, $0xE;
	v9 =	vld.idx.msk [tilespmem:v7+s1+$0x0], $0xffff  }
0x21b: {  	v23 =	vshrl.u32 v5, $0xE;
	v26 =	vld.idx.msk [tilespmem:v4+s0+$0x0], $0xffff  }
0x21c: {  	v27 =	vshrl.u32 v8, $0xE;
	v28 =	vld.idx.msk [tilespmem:v10+s1+$0x0], $0xffff  }
0x21d: {  	v12 =	vld.idx.msk [tilespmem:v11+s0+$0x0], $0xffff  }
0x21e: {  	v4 =	vld.idx.msk [tilespmem:v13+s0+$0x0], $0xffff  }
0x21f: {  	v29 =	vld.idx.msk [tilespmem:v10+s0+$0x0], $0xffff  }
0x220: {  	v7 =	vld.idx.msk [tilespmem:v13+s1+$0x0], $0xffff  }
0x221: {  	v14 =	vld.idx.msk [tilespmem:v11+s1+$0x0], $0xffff  }
0x222: {  	v10 =	vld.idx.msk [tilespmem:v17+s0+$0x0], $0xffff  }
0x223: {  	v11 =	vld.idx.msk [tilespmem:v17+s1+$0x0], $0xffff  }
0x224: {  	v30 =	vld.idx.msk [tilespmem:v19+s1+$0x0], $0xffff  }
0x225: {  	v17 =	vld.idx.msk [tilespmem:v20+s0+$0x0], $0xffff  }
0x226: {  	v31 =	vand.u32 $0x3FFF, v15;
	v13 =	vld.idx.msk [tilespmem:v23+s0+$0x0], $0xffff  }
0x227: {  	v19 =	vld.idx.msk [tilespmem:v19+s0+$0x0], $0xffff  }
0x228: {  	v32 =	vand.u32 $0x3FFF, v16;
	v15 =	vld.idx.msk [tilespmem:v23+s1+$0x0], $0xffff  }
0x229: {  	v20 =	vld.idx.msk [tilespmem:v20+s1+$0x0], $0xffff  }
0x22a: {  	v23 =	vand.u32 $0x3FFF, v18;
	v16 =	vld.idx.msk [tilespmem:v27+s0+$0x0], $0xffff  }
0x22b: {  	v18 =	vld.idx.msk [tilespmem:v27+s1+$0x0], $0xffff  }
.Ltmp6:
0x22c: {  	v24 =	vand.u32 $0x3FFF, v24;
	[tilespmem:v31+s2+$0x0] =	vst.idx.add.f32.msk $0xffff, v25;
	(pc) =	sbr.rel @p0 .LBB2_15-.Ltmp6, $4  }
0x22d: {  	[tilespmem:v31+s24+$0x0] =	vst.idx.add.f32.msk $0xffff, v26  }
0x22e: {  	v22 =	vand.u32 $0x3FFF, v22;
	[tilespmem:v32+s2+$0x0] =	vst.idx.add.f32.msk $0xffff, v28  }
0x22f: {  	[tilespmem:v32+s24+$0x0] =	vst.idx.add.f32.msk $0xffff, v29  }
0x230: {  	v21 =	vand.u32 $0x3FFF, v21;
	[tilespmem:v23+s2+$0x0] =	vst.idx.add.f32.msk $0xffff, v30  }
0x231: {  	_ =	sdelay $0x3  }
0x232: {  	[tilespmem:v23+s24+$0x0] =	vst.idx.add.f32.msk $0xffff, v19  }
0x233: {  	[tilespmem:v24+s2+$0x0] =	vst.idx.add.f32.msk $0xffff, v20  }
0x234: {  	v8 =	vand.u32 $0x3FFF, v8;
	[tilespmem:v24+s24+$0x0] =	vst.idx.add.f32.msk $0xffff, v17  }
0x235: {  	[tilespmem:v22+s2+$0x0] =	vst.idx.add.f32.msk $0xffff, v14  }
0x236: {  	v5 =	vand.u32 $0x3FFF, v5;
	[tilespmem:v22+s24+$0x0] =	vst.idx.add.f32.msk $0xffff, v12  }
0x237: {  	[tilespmem:v21+s2+$0x0] =	vst.idx.add.f32.msk $0xffff, v9  }
0x238: {  	v3 =	vand.u32 $0x3FFF, v3;
	[tilespmem:v21+s24+$0x0] =	vst.idx.add.f32.msk $0xffff, v6  }
0x239: {  	[tilespmem:v8+s2+$0x0] =	vst.idx.add.f32.msk $0xffff, v18  }
0x23a: {  	v2 =	vand.u32 $0x3FFF, v2;
	s7 =	sadd.s32 $0x1, s7;
	[tilespmem:v8+s24+$0x0] =	vst.idx.add.f32.msk $0xffff, v16  }
0x23b: {  	p0 =	sne.s32 s7, $0x8;
	[tilespmem:v5+s2+$0x0] =	vst.idx.add.f32.msk $0xffff, v15  }
.Ltmp7:
0x23c: {  	[tilespmem:v5+s24+$0x0] =	vst.idx.add.f32.msk $0xffff, v13;
	(pc) =	sbr.rel @p0 .LBB2_12-.Ltmp7, $4  }
0x23d: {  	[tilespmem:v3+s2+$0x0] =	vst.idx.add.f32.msk $0xffff, v11  }
0x23e: {  	[tilespmem:v3+s24+$0x0] =	vst.idx.add.f32.msk $0xffff, v10  }
0x23f: {  	[tilespmem:v2+s2+$0x0] =	vst.idx.add.f32.msk $0xffff, v7  }
0x240: {  	[tilespmem:v2+s24+$0x0] =	vst.idx.add.f32.msk $0xffff, v4  }
0x241: {  	s8 =	simm.s32 $0x0  }
0x242: {  	[tilespmem:s29], [sflag:$0x1] =	stream.linear.gather [hbm4b:s3+s8], $0x4E20, $0x38;
	[tilespmem:$0x1D980] =	vst v63  }
0x243: {  	_ =	swait.ge [sflag:s4], $0x2780  }
0x244: {  	[sflag:s4] =	ssyncset.done $0x0  }
0x245: {  	[sflag:s4] =	ssyncadd.s32 $0xFFFFD880  }
0x246: {  	_ =	swait.ge [sflag:s4], $0x2780  }
0x247: {  	s6 =	sand.u32 $0x70, s8;
	s7 =	sand.u32 $0x7F00, s8;
	[sflag:s4] =	ssyncset.done $0x0  }
0x248: {  	s7 =	sor.u32 s6, s7;
	[sflag:s4] =	ssyncadd.s32 $0xFFFFD880  }
0x249: {  	v3 =	vld [tilespmem:s7+$0xED80]  }
0x24a: {  	s6 =	simm.s32 $0x4F00  }
0x24b: {  	s9 =	simm.s32 $0x7680;
	v4 =	vld [tilespmem:s6+$0x0]  }
0x24c: {  	v2 =	vbroadcast v1, $0x2;
	v5 =	vld [tilespmem:s9+$0x0];
	_ =	sdelay $0x1  }
0x24d: {  	v3 =	vmul.f32 v3, v2;
	_ =	sdelay $0x1  }
0x24e: {  	v4 =	vmul.f32 v3, v4  }
0x24f: {  	s10 =	simm.s32 $0x9E00;
	v3 =	vmul.f32 v5, v3  }
0x250: {  	s11 =	simm.s32 $0xC580;
	[tilespmem:s10+$0x0] =	vst v4  }
0x251: {  	[tilespmem:s11+$0x0] =	vst v3  }
0x252: {  	v63 =	vld [tilespmem:s7+$0xED00];
	_ =	sdelay $0x4  }
0x253: {  	v4 =	vmul.f32 v63, v4  }
0x254: {  	s18 =	simm.s32 $0x2780;
	v3 =	vmul.f32 v63, v3  }
0x255: {  	s14 =	simm.s32 $0x20;
	s13 =	simm.s32 $0x20;
	s12 =	simm.s32 $0xC590;
	[tilespmem:s8+$0x0] =	vst v4  }
0x256: {  	s16 =	sand.u32 $0x7F00, s13;
	s10 =	simm.s32 $0x7690;
	s7 =	simm.s32 $0x10;
	[tilespmem:s18+$0x0] =	vst v3  }
0x257: {  	s11 =	simm.s32 $0x9E10;
	s15 =	sand.u32 $0x70, s7;
	s8 =	simm.s32 $0x2790;
	[tilespmem:s6+$0x0] =	vst v0  }
.LBB2_18:
0x258: {  	s15 =	sor.u32 s15, s16;
	s6 =	sadd.s32 $0x10, s6;
	s16 =	smov.u32 s14  }
0x259: {  	[tilespmem:s9+$0x0] =	vst v0;
	s17 =	sadd.s32 $0x10, s14;
	s18 =	smov.u32 s8;
	s9 =	smov.u32 s10  }
0x25a: {  	p0 =	sne.s32 s14, $0x2700;
	v3 =	vld [tilespmem:s15+$0xED80];
	_ =	sdelay $0x1  }
0x25b: {  	v4 =	vld [tilespmem:s6+$0x0]  }
0x25c: {  	v5 =	vld [tilespmem:s10+$0x0];
	_ =	sdelay $0x1  }
0x25d: {  	v3 =	vmul.f32 v3, v2;
	_ =	sdelay $0x1  }
0x25e: {  	v4 =	vmul.f32 v3, v4  }
0x25f: {  	v3 =	vmul.f32 v5, v3  }
0x260: {  	[tilespmem:s11+$0x0] =	vst v4  }
0x261: {  	[tilespmem:s12+$0x0] =	vst v3  }
0x262: {  	v5 =	vld [tilespmem:s15+$0xED00];
	_ =	sdelay $0x4  }
.Ltmp8:
0x263: {  	v4 =	vmul.f32 v5, v4;
	v3 =	vmul.f32 v5, v3;
	(pc) =	sbr.rel @p0 .LBB2_18-.Ltmp8, $4  }
0x264: {  	_ = 	snop  }
0x265: {  	s8 =	sadd.s32 $0x10, s8;
	s13 =	sadd.s32 $0x20, s13;
	[tilespmem:s7+$0x0] =	vst v4;
	s7 =	sadd.s32 $0x10, s7  }
0x266: {  	s14 =	smov.u32 s17;
	s11 =	sadd.s32 $0x10, s11;
	s12 =	sadd.s32 $0x10, s12;
	[tilespmem:s18+$0x0] =	vst v3  }
0x267: {  	s10 =	sadd.s32 $0x10, s10;
	s15 =	sand.u32 $0x70, s16;
	s16 =	sand.u32 $0x7F00, s13;
	[tilespmem:s6+$0x0] =	vst v0  }
0x268: {  	s13 =	sor.u32 s15, s16;
	[tilespmem:s9+$0x0] =	vst v0  }
0x269: {  	v3 =	vld [tilespmem:s13+$0xED80]  }
0x26a: {  	s6 =	sadd.s32 $0x10, s6  }
0x26b: {  	v4 =	vld [tilespmem:s6+$0x0]  }
0x26c: {  	v5 =	vld [tilespmem:s10+$0x0];
	_ =	sdelay $0x1  }
0x26d: {  	v2 =	vmul.f32 v3, v2;
	_ =	sdelay $0x1  }
0x26e: {  	v3 =	vmul.f32 v2, v4  }
0x26f: {  	v2 =	vmul.f32 v5, v2  }
0x270: {  	[tilespmem:s11+$0x0] =	vst v3  }
0x271: {  	[tilespmem:s12+$0x0] =	vst v2  }
0x272: {  	v63 =	vld [tilespmem:s13+$0xED00];
	_ =	sdelay $0x4  }
0x273: {  	v3 =	vmul.f32 v63, v3  }
0x274: {  	v2 =	vmul.f32 v63, v2  }
0x275: {  	[tilespmem:s7+$0x0] =	vst v3  }
0x276: {  	[tilespmem:s8+$0x0] =	vst v2  }
0x277: {  	[tilespmem:s6+$0x0] =	vst v0  }
0x278: {  	s17 =	rddreg [dreg:$0xb];
	[tilespmem:s10+$0x0] =	vst v0  }
0x279: {  	[hbm4b:s17+s21] =	stream.strided.scatter [tilespmem:s26], [sflag:$0x3], $0x2780, s22, s21, $0x38;
	[tilespmem:$0x1D980] =	vst v63  }
0x27a: {  	s18 =	rddreg [dreg:$0xc];
	s7 =	simm.s32 $0x0;
	s6 =	simm.s32 $0x0  }
0x27b: {  	[hbm4b:s18+s21] =	stream.strided.scatter [tilespmem:s28], [sflag:$0x3], $0x2780, s22, s21, $0x38;
	[tilespmem:$0x1D980] =	vst v63  }
.LBB2_20:
0x27c: {  	s8 =	smul.u32 $0x9C40, s7;
	_ =	sdelay $0x1  }
0x27d: {  	_ =	swait.ge [sflag:s30], $0x4E20;
	s9 =	sshrl.u32 s8, $0x3  }
0x27e: {  	[sflag:s30] =	ssyncset.done $0x0;
	s9 =	sadd.s32 s3, s9  }
0x27f: {  	[sflag:s30] =	ssyncadd.s32 $0xFFFFB1E0;
	s9 =	sadd.s32 $0x9C4, s9  }
0x280: {  	[tilespmem:s31], [sflag:$0x2] =	stream.linear.gather [hbm4b:s9+s6], $0x4E20, $0x38;
	[tilespmem:$0x1D980] =	vst v63  }
0x281: {  	s9 =	simm.s32 $0x13C50  }
0x282: {  	v15 =	vld [tilespmem:s9+$0xFFFFFFB0]  }
0x283: {  	v21 =	vld [tilespmem:s9+$0x0]  }
0x284: {  	v16 =	vld [tilespmem:s9+$0xFFFFFFC0]  }
0x285: {  	v22 =	vld [tilespmem:s9+$0xFFFFFFF0]  }
0x286: {  	v18 =	vld [tilespmem:s9+$0xFFFFFFD0]  }
0x287: {  	v24 =	vld [tilespmem:s9+$0xFFFFFFE0];
	v4 =	vshrl.u32 v15, $0xE  }
0x288: {  	s10 =	sand.u32 $0x7FE0, s6;
	v2 =	vld [tilespmem:s9+$0x40];
	v7 =	vshrl.u32 v21, $0xE  }
0x289: {  	v3 =	vld [tilespmem:s10+$0x13C80]  }
0x28a: {  	v5 =	vld [tilespmem:s9+$0x20]  }
0x28b: {  	v8 =	vld [tilespmem:s9+$0x10];
	v10 =	vshrl.u32 v16, $0xE  }
0x28c: {  	v11 =	vshrl.u32 v22, $0xE;
	v25 =	vld.idx.msk [tilespmem:v4+s1+$0x0], $0xffff  }
0x28d: {  	v13 =	vshrl.u32 v2, $0xE;
	v6 =	vld.idx.msk [tilespmem:v7+s0+$0x0], $0xffff  }
0x28e: {  	v9 =	vld.idx.msk [tilespmem:v7+s1+$0x0], $0xffff  }
0x28f: {  	v26 =	vld.idx.msk [tilespmem:v4+s0+$0x0], $0xffff  }
0x290: {  	v27 =	vld.idx.msk [tilespmem:v10+s1+$0x0], $0xffff  }
0x291: {  	v17 =	vshrl.u32 v3, $0xE;
	v12 =	vld.idx.msk [tilespmem:v11+s0+$0x0], $0xffff  }
0x292: {  	v4 =	vld.idx.msk [tilespmem:v13+s0+$0x0], $0xffff  }
0x293: {  	v19 =	vshrl.u32 v18, $0xE;
	v28 =	vld.idx.msk [tilespmem:v10+s0+$0x0], $0xffff  }
0x294: {  	v20 =	vshrl.u32 v24, $0xE;
	v7 =	vld.idx.msk [tilespmem:v13+s1+$0x0], $0xffff  }
0x295: {  	v23 =	vshrl.u32 v5, $0xE;
	v14 =	vld.idx.msk [tilespmem:v11+s1+$0x0], $0xffff  }
0x296: {  	v10 =	vld.idx.msk [tilespmem:v17+s0+$0x0], $0xffff  }
0x297: {  	v11 =	vld.idx.msk [tilespmem:v17+s1+$0x0], $0xffff  }
0x298: {  	v29 =	vld.idx.msk [tilespmem:v19+s1+$0x0], $0xffff  }
0x299: {  	v30 =	vshrl.u32 v8, $0xE;
	v17 =	vld.idx.msk [tilespmem:v20+s0+$0x0], $0xffff  }
0x29a: {  	v13 =	vld.idx.msk [tilespmem:v23+s0+$0x0], $0xffff  }
0x29b: {  	v31 =	vand.u32 $0x3FFF, v15;
	v19 =	vld.idx.msk [tilespmem:v19+s0+$0x0], $0xffff  }
0x29c: {  	v15 =	vld.idx.msk [tilespmem:v23+s1+$0x0], $0xffff  }
0x29d: {  	v32 =	vand.u32 $0x3FFF, v16;
	v20 =	vld.idx.msk [tilespmem:v20+s1+$0x0], $0xffff  }
0x29e: {  	v16 =	vld.idx.msk [tilespmem:v30+s0+$0x0], $0xffff  }
0x29f: {  	v23 =	vand.u32 $0x3FFF, v18;
	v18 =	vld.idx.msk [tilespmem:v30+s1+$0x0], $0xffff  }
0x2a0: {  	[tilespmem:v31+s2+$0x0] =	vst.idx.add.f32.msk $0xffff, v25  }
0x2a1: {  	[tilespmem:v31+s24+$0x0] =	vst.idx.add.f32.msk $0xffff, v26  }
0x2a2: {  	v24 =	vand.u32 $0x3FFF, v24;
	[tilespmem:v32+s2+$0x0] =	vst.idx.add.f32.msk $0xffff, v27  }
0x2a3: {  	[tilespmem:v32+s24+$0x0] =	vst.idx.add.f32.msk $0xffff, v28  }
0x2a4: {  	s10 =	simm.s32 $0xA0;
	v22 =	vand.u32 $0x3FFF, v22;
	v21 =	vand.u32 $0x3FFF, v21;
	[tilespmem:v23+s2+$0x0] =	vst.idx.add.f32.msk $0xffff, v29  }
.LBB2_21:
0x2a5: {  	p0 =	sne.s32 s10, $0x4D80  }
0x2a6: {  	[tilespmem:v23+s24+$0x0] =	vst.idx.add.f32.msk $0xffff, v19;
	s9 =	sadd.s32 $0xA0, s9;
	s11 =	smov.u32 s10;
	s10 =	sadd.s32 $0xA0, s10  }
0x2a7: {  	v8 =	vand.u32 $0x3FFF, v8;
	[tilespmem:v24+s2+$0x0] =	vst.idx.add.f32.msk $0xffff, v20  }
0x2a8: {  	[tilespmem:v24+s24+$0x0] =	vst.idx.add.f32.msk $0xffff, v17  }
0x2a9: {  	v5 =	vand.u32 $0x3FFF, v5;
	[tilespmem:v22+s2+$0x0] =	vst.idx.add.f32.msk $0xffff, v14  }
0x2aa: {  	[tilespmem:v22+s24+$0x0] =	vst.idx.add.f32.msk $0xffff, v12  }
0x2ab: {  	v3 =	vand.u32 $0x3FFF, v3;
	[tilespmem:v21+s2+$0x0] =	vst.idx.add.f32.msk $0xffff, v9  }
0x2ac: {  	[tilespmem:v21+s24+$0x0] =	vst.idx.add.f32.msk $0xffff, v6  }
0x2ad: {  	v2 =	vand.u32 $0x3FFF, v2;
	[tilespmem:v8+s2+$0x0] =	vst.idx.add.f32.msk $0xffff, v18  }
0x2ae: {  	[tilespmem:v8+s24+$0x0] =	vst.idx.add.f32.msk $0xffff, v16  }
0x2af: {  	[tilespmem:v5+s2+$0x0] =	vst.idx.add.f32.msk $0xffff, v15  }
0x2b0: {  	[tilespmem:v5+s24+$0x0] =	vst.idx.add.f32.msk $0xffff, v13  }
0x2b1: {  	[tilespmem:v3+s2+$0x0] =	vst.idx.add.f32.msk $0xffff, v11  }
0x2b2: {  	[tilespmem:v3+s24+$0x0] =	vst.idx.add.f32.msk $0xffff, v10  }
0x2b3: {  	[tilespmem:v2+s2+$0x0] =	vst.idx.add.f32.msk $0xffff, v7  }
0x2b4: {  	[tilespmem:v2+s24+$0x0] =	vst.idx.add.f32.msk $0xffff, v4  }
0x2b5: {  	v15 =	vld [tilespmem:s9+$0xFFFFFFB0]  }
0x2b6: {  	v21 =	vld [tilespmem:s9+$0x0]  }
0x2b7: {  	v16 =	vld [tilespmem:s9+$0xFFFFFFC0]  }
0x2b8: {  	v22 =	vld [tilespmem:s9+$0xFFFFFFF0]  }
0x2b9: {  	v18 =	vld [tilespmem:s9+$0xFFFFFFD0]  }
0x2ba: {  	v24 =	vld [tilespmem:s9+$0xFFFFFFE0];
	v4 =	vshrl.u32 v15, $0xE  }
0x2bb: {  	s11 =	sand.u32 $0x7FE0, s11;
	v2 =	vld [tilespmem:s9+$0x40];
	v7 =	vshrl.u32 v21, $0xE  }
0x2bc: {  	v3 =	vld [tilespmem:s11+$0x13C80];
	v10 =	vshrl.u32 v16, $0xE  }
0x2bd: {  	v5 =	vld [tilespmem:s9+$0x20];
	v11 =	vshrl.u32 v22, $0xE  }
0x2be: {  	v8 =	vld [tilespmem:s9+$0x10];
	v19 =	vshrl.u32 v18, $0xE  }
0x2bf: {  	v20 =	vshrl.u32 v24, $0xE;
	v25 =	vld.idx.msk [tilespmem:v4+s1+$0x0], $0xffff  }
0x2c0: {  	v13 =	vshrl.u32 v2, $0xE;
	v6 =	vld.idx.msk [tilespmem:v7+s0+$0x0], $0xffff  }
0x2c1: {  	v17 =	vshrl.u32 v3, $0xE;
	v9 =	vld.idx.msk [tilespmem:v7+s1+$0x0], $0xffff  }
0x2c2: {  	v23 =	vshrl.u32 v5, $0xE;
	v26 =	vld.idx.msk [tilespmem:v4+s0+$0x0], $0xffff  }
0x2c3: {  	v27 =	vshrl.u32 v8, $0xE;
	v28 =	vld.idx.msk [tilespmem:v10+s1+$0x0], $0xffff  }
0x2c4: {  	v12 =	vld.idx.msk [tilespmem:v11+s0+$0x0], $0xffff  }
0x2c5: {  	v4 =	vld.idx.msk [tilespmem:v13+s0+$0x0], $0xffff  }
0x2c6: {  	v29 =	vld.idx.msk [tilespmem:v10+s0+$0x0], $0xffff  }
0x2c7: {  	v7 =	vld.idx.msk [tilespmem:v13+s1+$0x0], $0xffff  }
0x2c8: {  	v14 =	vld.idx.msk [tilespmem:v11+s1+$0x0], $0xffff  }
0x2c9: {  	v10 =	vld.idx.msk [tilespmem:v17+s0+$0x0], $0xffff  }
0x2ca: {  	v11 =	vld.idx.msk [tilespmem:v17+s1+$0x0], $0xffff  }
0x2cb: {  	v30 =	vld.idx.msk [tilespmem:v19+s1+$0x0], $0xffff  }
0x2cc: {  	v17 =	vld.idx.msk [tilespmem:v20+s0+$0x0], $0xffff  }
0x2cd: {  	v31 =	vand.u32 $0x3FFF, v15;
	v13 =	vld.idx.msk [tilespmem:v23+s0+$0x0], $0xffff  }
0x2ce: {  	v19 =	vld.idx.msk [tilespmem:v19+s0+$0x0], $0xffff  }
0x2cf: {  	v32 =	vand.u32 $0x3FFF, v16;
	v15 =	vld.idx.msk [tilespmem:v23+s1+$0x0], $0xffff  }
0x2d0: {  	v20 =	vld.idx.msk [tilespmem:v20+s1+$0x0], $0xffff  }
0x2d1: {  	v23 =	vand.u32 $0x3FFF, v18;
	v16 =	vld.idx.msk [tilespmem:v27+s0+$0x0], $0xffff  }
0x2d2: {  	v18 =	vld.idx.msk [tilespmem:v27+s1+$0x0], $0xffff  }
.Ltmp9:
0x2d3: {  	v24 =	vand.u32 $0x3FFF, v24;
	[tilespmem:v31+s2+$0x0] =	vst.idx.add.f32.msk $0xffff, v25;
	(pc) =	sbr.rel @p0 .LBB2_21-.Ltmp9, $4  }
0x2d4: {  	[tilespmem:v31+s24+$0x0] =	vst.idx.add.f32.msk $0xffff, v26  }
0x2d5: {  	v22 =	vand.u32 $0x3FFF, v22;
	[tilespmem:v32+s2+$0x0] =	vst.idx.add.f32.msk $0xffff, v28  }
0x2d6: {  	[tilespmem:v32+s24+$0x0] =	vst.idx.add.f32.msk $0xffff, v29  }
0x2d7: {  	v21 =	vand.u32 $0x3FFF, v21;
	[tilespmem:v23+s2+$0x0] =	vst.idx.add.f32.msk $0xffff, v30  }
0x2d8: {  	_ =	sdelay $0x3  }
0x2d9: {  	[tilespmem:v23+s24+$0x0] =	vst.idx.add.f32.msk $0xffff, v19  }
0x2da: {  	[tilespmem:v24+s2+$0x0] =	vst.idx.add.f32.msk $0xffff, v20  }
0x2db: {  	v8 =	vand.u32 $0x3FFF, v8;
	[tilespmem:v24+s24+$0x0] =	vst.idx.add.f32.msk $0xffff, v17  }
0x2dc: {  	[tilespmem:v22+s2+$0x0] =	vst.idx.add.f32.msk $0xffff, v14  }
0x2dd: {  	v5 =	vand.u32 $0x3FFF, v5;
	[tilespmem:v22+s24+$0x0] =	vst.idx.add.f32.msk $0xffff, v12  }
0x2de: {  	[tilespmem:v21+s2+$0x0] =	vst.idx.add.f32.msk $0xffff, v9  }
0x2df: {  	v3 =	vand.u32 $0x3FFF, v3;
	[tilespmem:v21+s24+$0x0] =	vst.idx.add.f32.msk $0xffff, v6  }
0x2e0: {  	[tilespmem:v8+s2+$0x0] =	vst.idx.add.f32.msk $0xffff, v18  }
0x2e1: {  	v2 =	vand.u32 $0x3FFF, v2;
	[tilespmem:v8+s24+$0x0] =	vst.idx.add.f32.msk $0xffff, v16  }
0x2e2: {  	[tilespmem:v5+s2+$0x0] =	vst.idx.add.f32.msk $0xffff, v15  }
0x2e3: {  	[tilespmem:v5+s24+$0x0] =	vst.idx.add.f32.msk $0xffff, v13  }
0x2e4: {  	[tilespmem:v3+s2+$0x0] =	vst.idx.add.f32.msk $0xffff, v11  }
0x2e5: {  	[tilespmem:v3+s24+$0x0] =	vst.idx.add.f32.msk $0xffff, v10  }
0x2e6: {  	[tilespmem:v2+s2+$0x0] =	vst.idx.add.f32.msk $0xffff, v7  }
0x2e7: {  	p0 =	seq.s32 s7, $0x7;
	[tilespmem:v2+s24+$0x0] =	vst.idx.add.f32.msk $0xffff, v4  }
0x2e8: {  	s8 =	sshrl.u32 @!p0 s8, $0x3;
	_ =	swait.ge [sflag:s25], $0x4E20  }
0x2e9: {  	s9 =	simm.s32 @!p0 $0x0;
	s8 =	sadd.s32 @!p0 s3, s8;
	[sflag:s25] =	ssyncset.done $0x0  }
0x2ea: {  	s10 =	simm.s32 @!p0 $0x13C00;
	s8 =	sadd.s32 @!p0 $0x1388, s8;
	[sflag:s25] =	ssyncadd.s32 $0xFFFFB1E0  }
0x2eb: {  	[tilespmem:s10], [sflag:$0x1] =	stream.linear.gather @!p0 [hbm4b:s8+s9], $0x4E20, $0x38;
	[tilespmem:$0x1D980] =	vst v63  }
0x2ec: {  	s8 =	simm.s32 $0x18AD0  }
0x2ed: {  	v15 =	vld [tilespmem:s8+$0xFFFFFFB0]  }
0x2ee: {  	v21 =	vld [tilespmem:s8+$0x0]  }
0x2ef: {  	v16 =	vld [tilespmem:s8+$0xFFFFFFC0]  }
0x2f0: {  	v22 =	vld [tilespmem:s8+$0xFFFFFFF0]  }
0x2f1: {  	v18 =	vld [tilespmem:s8+$0xFFFFFFD0]  }
0x2f2: {  	s18 =	simm.s32 $0x0;
	v24 =	vld [tilespmem:s8+$0xFFFFFFE0];
	v4 =	vshrl.u32 v15, $0xE  }
0x2f3: {  	s9 =	sand.u32 $0x7FE0, s18;
	v2 =	vld [tilespmem:s8+$0x40];
	v7 =	vshrl.u32 v21, $0xE  }
0x2f4: {  	v3 =	vld [tilespmem:s9+$0x18B00]  }
0x2f5: {  	v5 =	vld [tilespmem:s8+$0x20]  }
0x2f6: {  	v8 =	vld [tilespmem:s8+$0x10];
	v10 =	vshrl.u32 v16, $0xE  }
0x2f7: {  	v11 =	vshrl.u32 v22, $0xE;
	v25 =	vld.idx.msk [tilespmem:v4+s1+$0x0], $0xffff  }
0x2f8: {  	v13 =	vshrl.u32 v2, $0xE;
	v6 =	vld.idx.msk [tilespmem:v7+s0+$0x0], $0xffff  }
0x2f9: {  	v9 =	vld.idx.msk [tilespmem:v7+s1+$0x0], $0xffff  }
0x2fa: {  	v26 =	vld.idx.msk [tilespmem:v4+s0+$0x0], $0xffff  }
0x2fb: {  	v27 =	vld.idx.msk [tilespmem:v10+s1+$0x0], $0xffff  }
0x2fc: {  	v17 =	vshrl.u32 v3, $0xE;
	v12 =	vld.idx.msk [tilespmem:v11+s0+$0x0], $0xffff  }
0x2fd: {  	v4 =	vld.idx.msk [tilespmem:v13+s0+$0x0], $0xffff  }
0x2fe: {  	v19 =	vshrl.u32 v18, $0xE;
	v28 =	vld.idx.msk [tilespmem:v10+s0+$0x0], $0xffff  }
0x2ff: {  	v20 =	vshrl.u32 v24, $0xE;
	v7 =	vld.idx.msk [tilespmem:v13+s1+$0x0], $0xffff  }
0x300: {  	v23 =	vshrl.u32 v5, $0xE;
	v14 =	vld.idx.msk [tilespmem:v11+s1+$0x0], $0xffff  }
0x301: {  	v10 =	vld.idx.msk [tilespmem:v17+s0+$0x0], $0xffff  }
0x302: {  	v11 =	vld.idx.msk [tilespmem:v17+s1+$0x0], $0xffff  }
0x303: {  	v29 =	vld.idx.msk [tilespmem:v19+s1+$0x0], $0xffff  }
0x304: {  	v30 =	vshrl.u32 v8, $0xE;
	v17 =	vld.idx.msk [tilespmem:v20+s0+$0x0], $0xffff  }
0x305: {  	v13 =	vld.idx.msk [tilespmem:v23+s0+$0x0], $0xffff  }
0x306: {  	v31 =	vand.u32 $0x3FFF, v15;
	v19 =	vld.idx.msk [tilespmem:v19+s0+$0x0], $0xffff  }
0x307: {  	v15 =	vld.idx.msk [tilespmem:v23+s1+$0x0], $0xffff  }
0x308: {  	v32 =	vand.u32 $0x3FFF, v16;
	v20 =	vld.idx.msk [tilespmem:v20+s1+$0x0], $0xffff  }
0x309: {  	v16 =	vld.idx.msk [tilespmem:v30+s0+$0x0], $0xffff  }
0x30a: {  	v23 =	vand.u32 $0x3FFF, v18;
	v18 =	vld.idx.msk [tilespmem:v30+s1+$0x0], $0xffff  }
0x30b: {  	[tilespmem:v31+s2+$0x0] =	vst.idx.add.f32.msk $0xffff, v25  }
0x30c: {  	[tilespmem:v31+s24+$0x0] =	vst.idx.add.f32.msk $0xffff, v26  }
0x30d: {  	v24 =	vand.u32 $0x3FFF, v24;
	[tilespmem:v32+s2+$0x0] =	vst.idx.add.f32.msk $0xffff, v27  }
0x30e: {  	[tilespmem:v32+s24+$0x0] =	vst.idx.add.f32.msk $0xffff, v28  }
0x30f: {  	s9 =	simm.s32 $0xA0;
	v22 =	vand.u32 $0x3FFF, v22;
	v21 =	vand.u32 $0x3FFF, v21;
	[tilespmem:v23+s2+$0x0] =	vst.idx.add.f32.msk $0xffff, v29  }
.LBB2_23:
0x310: {  	p0 =	sne.s32 s9, $0x4D80  }
0x311: {  	[tilespmem:v23+s24+$0x0] =	vst.idx.add.f32.msk $0xffff, v19;
	s8 =	sadd.s32 $0xA0, s8;
	s10 =	smov.u32 s9;
	s9 =	sadd.s32 $0xA0, s9  }
0x312: {  	v8 =	vand.u32 $0x3FFF, v8;
	[tilespmem:v24+s2+$0x0] =	vst.idx.add.f32.msk $0xffff, v20  }
0x313: {  	[tilespmem:v24+s24+$0x0] =	vst.idx.add.f32.msk $0xffff, v17  }
0x314: {  	v5 =	vand.u32 $0x3FFF, v5;
	[tilespmem:v22+s2+$0x0] =	vst.idx.add.f32.msk $0xffff, v14  }
0x315: {  	[tilespmem:v22+s24+$0x0] =	vst.idx.add.f32.msk $0xffff, v12  }
0x316: {  	v3 =	vand.u32 $0x3FFF, v3;
	[tilespmem:v21+s2+$0x0] =	vst.idx.add.f32.msk $0xffff, v9  }
0x317: {  	[tilespmem:v21+s24+$0x0] =	vst.idx.add.f32.msk $0xffff, v6  }
0x318: {  	v2 =	vand.u32 $0x3FFF, v2;
	[tilespmem:v8+s2+$0x0] =	vst.idx.add.f32.msk $0xffff, v18  }
0x319: {  	[tilespmem:v8+s24+$0x0] =	vst.idx.add.f32.msk $0xffff, v16  }
0x31a: {  	[tilespmem:v5+s2+$0x0] =	vst.idx.add.f32.msk $0xffff, v15  }
0x31b: {  	[tilespmem:v5+s24+$0x0] =	vst.idx.add.f32.msk $0xffff, v13  }
0x31c: {  	[tilespmem:v3+s2+$0x0] =	vst.idx.add.f32.msk $0xffff, v11  }
0x31d: {  	[tilespmem:v3+s24+$0x0] =	vst.idx.add.f32.msk $0xffff, v10  }
0x31e: {  	[tilespmem:v2+s2+$0x0] =	vst.idx.add.f32.msk $0xffff, v7  }
0x31f: {  	[tilespmem:v2+s24+$0x0] =	vst.idx.add.f32.msk $0xffff, v4  }
0x320: {  	v15 =	vld [tilespmem:s8+$0xFFFFFFB0]  }
0x321: {  	v21 =	vld [tilespmem:s8+$0x0]  }
0x322: {  	v16 =	vld [tilespmem:s8+$0xFFFFFFC0]  }
0x323: {  	v22 =	vld [tilespmem:s8+$0xFFFFFFF0]  }
0x324: {  	v18 =	vld [tilespmem:s8+$0xFFFFFFD0]  }
0x325: {  	v24 =	vld [tilespmem:s8+$0xFFFFFFE0];
	v4 =	vshrl.u32 v15, $0xE  }
0x326: {  	s10 =	sand.u32 $0x7FE0, s10;
	v2 =	vld [tilespmem:s8+$0x40];
	v7 =	vshrl.u32 v21, $0xE  }
0x327: {  	v3 =	vld [tilespmem:s10+$0x18B00];
	v10 =	vshrl.u32 v16, $0xE  }
0x328: {  	v5 =	vld [tilespmem:s8+$0x20];
	v11 =	vshrl.u32 v22, $0xE  }
0x329: {  	v8 =	vld [tilespmem:s8+$0x10];
	v19 =	vshrl.u32 v18, $0xE  }
0x32a: {  	v20 =	vshrl.u32 v24, $0xE;
	v25 =	vld.idx.msk [tilespmem:v4+s1+$0x0], $0xffff  }
0x32b: {  	v13 =	vshrl.u32 v2, $0xE;
	v6 =	vld.idx.msk [tilespmem:v7+s0+$0x0], $0xffff  }
0x32c: {  	v17 =	vshrl.u32 v3, $0xE;
	v9 =	vld.idx.msk [tilespmem:v7+s1+$0x0], $0xffff  }
0x32d: {  	v23 =	vshrl.u32 v5, $0xE;
	v26 =	vld.idx.msk [tilespmem:v4+s0+$0x0], $0xffff  }
0x32e: {  	v27 =	vshrl.u32 v8, $0xE;
	v28 =	vld.idx.msk [tilespmem:v10+s1+$0x0], $0xffff  }
0x32f: {  	v12 =	vld.idx.msk [tilespmem:v11+s0+$0x0], $0xffff  }
0x330: {  	v4 =	vld.idx.msk [tilespmem:v13+s0+$0x0], $0xffff  }
0x331: {  	v29 =	vld.idx.msk [tilespmem:v10+s0+$0x0], $0xffff  }
0x332: {  	v7 =	vld.idx.msk [tilespmem:v13+s1+$0x0], $0xffff  }
0x333: {  	v14 =	vld.idx.msk [tilespmem:v11+s1+$0x0], $0xffff  }
0x334: {  	v10 =	vld.idx.msk [tilespmem:v17+s0+$0x0], $0xffff  }
0x335: {  	v11 =	vld.idx.msk [tilespmem:v17+s1+$0x0], $0xffff  }
0x336: {  	v30 =	vld.idx.msk [tilespmem:v19+s1+$0x0], $0xffff  }
0x337: {  	v17 =	vld.idx.msk [tilespmem:v20+s0+$0x0], $0xffff  }
0x338: {  	v31 =	vand.u32 $0x3FFF, v15;
	v13 =	vld.idx.msk [tilespmem:v23+s0+$0x0], $0xffff  }
0x339: {  	v19 =	vld.idx.msk [tilespmem:v19+s0+$0x0], $0xffff  }
0x33a: {  	v32 =	vand.u32 $0x3FFF, v16;
	v15 =	vld.idx.msk [tilespmem:v23+s1+$0x0], $0xffff  }
0x33b: {  	v20 =	vld.idx.msk [tilespmem:v20+s1+$0x0], $0xffff  }
0x33c: {  	v23 =	vand.u32 $0x3FFF, v18;
	v16 =	vld.idx.msk [tilespmem:v27+s0+$0x0], $0xffff  }
0x33d: {  	v18 =	vld.idx.msk [tilespmem:v27+s1+$0x0], $0xffff  }
.Ltmp10:
0x33e: {  	v24 =	vand.u32 $0x3FFF, v24;
	[tilespmem:v31+s2+$0x0] =	vst.idx.add.f32.msk $0xffff, v25;
	(pc) =	sbr.rel @p0 .LBB2_23-.Ltmp10, $4  }
0x33f: {  	[tilespmem:v31+s24+$0x0] =	vst.idx.add.f32.msk $0xffff, v26  }
0x340: {  	v22 =	vand.u32 $0x3FFF, v22;
	[tilespmem:v32+s2+$0x0] =	vst.idx.add.f32.msk $0xffff, v28  }
0x341: {  	[tilespmem:v32+s24+$0x0] =	vst.idx.add.f32.msk $0xffff, v29  }
0x342: {  	v21 =	vand.u32 $0x3FFF, v21;
	[tilespmem:v23+s2+$0x0] =	vst.idx.add.f32.msk $0xffff, v30  }
0x343: {  	_ =	sdelay $0x3  }
0x344: {  	[tilespmem:v23+s24+$0x0] =	vst.idx.add.f32.msk $0xffff, v19  }
0x345: {  	[tilespmem:v24+s2+$0x0] =	vst.idx.add.f32.msk $0xffff, v20  }
0x346: {  	v8 =	vand.u32 $0x3FFF, v8;
	[tilespmem:v24+s24+$0x0] =	vst.idx.add.f32.msk $0xffff, v17  }
0x347: {  	[tilespmem:v22+s2+$0x0] =	vst.idx.add.f32.msk $0xffff, v14  }
0x348: {  	v5 =	vand.u32 $0x3FFF, v5;
	[tilespmem:v22+s24+$0x0] =	vst.idx.add.f32.msk $0xffff, v12  }
0x349: {  	[tilespmem:v21+s2+$0x0] =	vst.idx.add.f32.msk $0xffff, v9  }
0x34a: {  	v3 =	vand.u32 $0x3FFF, v3;
	[tilespmem:v21+s24+$0x0] =	vst.idx.add.f32.msk $0xffff, v6  }
0x34b: {  	[tilespmem:v8+s2+$0x0] =	vst.idx.add.f32.msk $0xffff, v18  }
0x34c: {  	v2 =	vand.u32 $0x3FFF, v2;
	s7 =	sadd.s32 $0x1, s7;
	[tilespmem:v8+s24+$0x0] =	vst.idx.add.f32.msk $0xffff, v16  }
0x34d: {  	p0 =	sne.s32 s7, $0x8;
	[tilespmem:v5+s2+$0x0] =	vst.idx.add.f32.msk $0xffff, v15  }
.Ltmp11:
0x34e: {  	[tilespmem:v5+s24+$0x0] =	vst.idx.add.f32.msk $0xffff, v13;
	(pc) =	sbr.rel @p0 .LBB2_20-.Ltmp11, $4  }
0x34f: {  	[tilespmem:v3+s2+$0x0] =	vst.idx.add.f32.msk $0xffff, v11  }
0x350: {  	[tilespmem:v3+s24+$0x0] =	vst.idx.add.f32.msk $0xffff, v10  }
0x351: {  	[tilespmem:v2+s2+$0x0] =	vst.idx.add.f32.msk $0xffff, v7  }
0x352: {  	[tilespmem:v2+s24+$0x0] =	vst.idx.add.f32.msk $0xffff, v4  }
0x353: {  	s8 =	simm.s32 $0x0  }
0x354: {  	[tilespmem:s29], [sflag:$0x1] =	stream.linear.gather [hbm4b:s3+s8], $0x4E20, $0x38;
	[tilespmem:$0x1D980] =	vst v63  }
0x355: {  	_ =	swait.ge [sflag:s4], $0x2780  }
0x356: {  	[sflag:s4] =	ssyncset.done $0x0  }
0x357: {  	[sflag:s4] =	ssyncadd.s32 $0xFFFFD880  }
0x358: {  	_ =	swait.ge [sflag:s4], $0x2780  }
0x359: {  	s6 =	sand.u32 $0x70, s8;
	s7 =	sand.u32 $0x7F00, s8;
	[sflag:s4] =	ssyncset.done $0x0  }
0x35a: {  	s7 =	sor.u32 s6, s7;
	[sflag:s4] =	ssyncadd.s32 $0xFFFFD880  }
0x35b: {  	v3 =	vld [tilespmem:s7+$0xED80]  }
0x35c: {  	s6 =	simm.s32 $0x4F00  }
0x35d: {  	s9 =	simm.s32 $0x7680;
	v4 =	vld [tilespmem:s6+$0x0]  }
0x35e: {  	v2 =	vbroadcast v1, $0x3;
	v5 =	vld [tilespmem:s9+$0x0];
	_ =	sdelay $0x1  }
0x35f: {  	v3 =	vmul.f32 v3, v2;
	_ =	sdelay $0x1  }
0x360: {  	v4 =	vmul.f32 v3, v4  }
0x361: {  	s10 =	simm.s32 $0x9E00;
	v3 =	vmul.f32 v5, v3  }
0x362: {  	s11 =	simm.s32 $0xC580;
	[tilespmem:s10+$0x0] =	vst v4  }
0x363: {  	[tilespmem:s11+$0x0] =	vst v3  }
0x364: {  	v63 =	vld [tilespmem:s7+$0xED00];
	_ =	sdelay $0x4  }
0x365: {  	v4 =	vmul.f32 v63, v4  }
0x366: {  	s18 =	simm.s32 $0x2780;
	v3 =	vmul.f32 v63, v3  }
0x367: {  	s14 =	simm.s32 $0x20;
	s13 =	simm.s32 $0x20;
	s12 =	simm.s32 $0xC590;
	[tilespmem:s8+$0x0] =	vst v4  }
0x368: {  	s16 =	sand.u32 $0x7F00, s13;
	s10 =	simm.s32 $0x7690;
	s7 =	simm.s32 $0x10;
	[tilespmem:s18+$0x0] =	vst v3  }
0x369: {  	s11 =	simm.s32 $0x9E10;
	s15 =	sand.u32 $0x70, s7;
	s8 =	simm.s32 $0x2790;
	[tilespmem:s6+$0x0] =	vst v0  }
.LBB2_26:
0x36a: {  	s15 =	sor.u32 s15, s16;
	s6 =	sadd.s32 $0x10, s6;
	s16 =	smov.u32 s14  }
0x36b: {  	[tilespmem:s9+$0x0] =	vst v0;
	s17 =	sadd.s32 $0x10, s14;
	s18 =	smov.u32 s8;
	s9 =	smov.u32 s10  }
0x36c: {  	p0 =	sne.s32 s14, $0x2700;
	v3 =	vld [tilespmem:s15+$0xED80];
	_ =	sdelay $0x1  }
0x36d: {  	v4 =	vld [tilespmem:s6+$0x0]  }
0x36e: {  	v5 =	vld [tilespmem:s10+$0x0];
	_ =	sdelay $0x1  }
0x36f: {  	v3 =	vmul.f32 v3, v2;
	_ =	sdelay $0x1  }
0x370: {  	v4 =	vmul.f32 v3, v4  }
0x371: {  	v3 =	vmul.f32 v5, v3  }
0x372: {  	[tilespmem:s11+$0x0] =	vst v4  }
0x373: {  	[tilespmem:s12+$0x0] =	vst v3  }
0x374: {  	v5 =	vld [tilespmem:s15+$0xED00];
	_ =	sdelay $0x4  }
.Ltmp12:
0x375: {  	v4 =	vmul.f32 v5, v4;
	v3 =	vmul.f32 v5, v3;
	(pc) =	sbr.rel @p0 .LBB2_26-.Ltmp12, $4  }
0x376: {  	_ = 	snop  }
0x377: {  	s8 =	sadd.s32 $0x10, s8;
	s13 =	sadd.s32 $0x20, s13;
	[tilespmem:s7+$0x0] =	vst v4;
	s7 =	sadd.s32 $0x10, s7  }
0x378: {  	s14 =	smov.u32 s17;
	s11 =	sadd.s32 $0x10, s11;
	s12 =	sadd.s32 $0x10, s12;
	[tilespmem:s18+$0x0] =	vst v3  }
0x379: {  	s10 =	sadd.s32 $0x10, s10;
	s15 =	sand.u32 $0x70, s16;
	s16 =	sand.u32 $0x7F00, s13;
	[tilespmem:s6+$0x0] =	vst v0  }
0x37a: {  	s13 =	sor.u32 s15, s16;
	[tilespmem:s9+$0x0] =	vst v0  }
0x37b: {  	v3 =	vld [tilespmem:s13+$0xED80]  }
0x37c: {  	s6 =	sadd.s32 $0x10, s6  }
0x37d: {  	v4 =	vld [tilespmem:s6+$0x0]  }
0x37e: {  	v5 =	vld [tilespmem:s10+$0x0];
	_ =	sdelay $0x1  }
0x37f: {  	v2 =	vmul.f32 v3, v2;
	_ =	sdelay $0x1  }
0x380: {  	v3 =	vmul.f32 v2, v4  }
0x381: {  	v2 =	vmul.f32 v5, v2  }
0x382: {  	[tilespmem:s11+$0x0] =	vst v3  }
0x383: {  	[tilespmem:s12+$0x0] =	vst v2  }
0x384: {  	v63 =	vld [tilespmem:s13+$0xED00];
	_ =	sdelay $0x4  }
0x385: {  	v3 =	vmul.f32 v63, v3  }
0x386: {  	v2 =	vmul.f32 v63, v2  }
0x387: {  	[tilespmem:s7+$0x0] =	vst v3  }
0x388: {  	[tilespmem:s8+$0x0] =	vst v2  }
0x389: {  	[tilespmem:s6+$0x0] =	vst v0  }
0x38a: {  	s17 =	rddreg [dreg:$0xd];
	[tilespmem:s10+$0x0] =	vst v0  }
0x38b: {  	[hbm4b:s17+s21] =	stream.strided.scatter [tilespmem:s26], [sflag:$0x3], $0x2780, s22, s21, $0x38;
	[tilespmem:$0x1D980] =	vst v63  }
0x38c: {  	s18 =	rddreg [dreg:$0xe];
	s7 =	simm.s32 $0x0;
	s6 =	simm.s32 $0x0  }
0x38d: {  	[hbm4b:s18+s21] =	stream.strided.scatter [tilespmem:s28], [sflag:$0x3], $0x2780, s22, s21, $0x38;
	[tilespmem:$0x1D980] =	vst v63  }
.LBB2_28:
0x38e: {  	s8 =	smul.u32 $0x9C40, s7;
	_ =	sdelay $0x1  }
0x38f: {  	_ =	swait.ge [sflag:s30], $0x4E20;
	s9 =	sshrl.u32 s8, $0x3  }
0x390: {  	[sflag:s30] =	ssyncset.done $0x0;
	s9 =	sadd.s32 s3, s9  }
0x391: {  	[sflag:s30] =	ssyncadd.s32 $0xFFFFB1E0;
	s9 =	sadd.s32 $0x9C4, s9  }
0x392: {  	[tilespmem:s31], [sflag:$0x2] =	stream.linear.gather [hbm4b:s9+s6], $0x4E20, $0x38;
	[tilespmem:$0x1D980] =	vst v63  }
0x393: {  	s9 =	simm.s32 $0x13C50  }
0x394: {  	v15 =	vld [tilespmem:s9+$0xFFFFFFB0]  }
0x395: {  	v21 =	vld [tilespmem:s9+$0x0]  }
0x396: {  	v16 =	vld [tilespmem:s9+$0xFFFFFFC0]  }
0x397: {  	v22 =	vld [tilespmem:s9+$0xFFFFFFF0]  }
0x398: {  	v18 =	vld [tilespmem:s9+$0xFFFFFFD0]  }
0x399: {  	v24 =	vld [tilespmem:s9+$0xFFFFFFE0];
	v4 =	vshrl.u32 v15, $0xE  }
0x39a: {  	s10 =	sand.u32 $0x7FE0, s6;
	v2 =	vld [tilespmem:s9+$0x40];
	v7 =	vshrl.u32 v21, $0xE  }
0x39b: {  	v3 =	vld [tilespmem:s10+$0x13C80]  }
0x39c: {  	v5 =	vld [tilespmem:s9+$0x20]  }
0x39d: {  	v8 =	vld [tilespmem:s9+$0x10];
	v10 =	vshrl.u32 v16, $0xE  }
0x39e: {  	v11 =	vshrl.u32 v22, $0xE;
	v25 =	vld.idx.msk [tilespmem:v4+s1+$0x0], $0xffff  }
0x39f: {  	v13 =	vshrl.u32 v2, $0xE;
	v6 =	vld.idx.msk [tilespmem:v7+s0+$0x0], $0xffff  }
0x3a0: {  	v9 =	vld.idx.msk [tilespmem:v7+s1+$0x0], $0xffff  }
0x3a1: {  	v26 =	vld.idx.msk [tilespmem:v4+s0+$0x0], $0xffff  }
0x3a2: {  	v27 =	vld.idx.msk [tilespmem:v10+s1+$0x0], $0xffff  }
0x3a3: {  	v17 =	vshrl.u32 v3, $0xE;
	v12 =	vld.idx.msk [tilespmem:v11+s0+$0x0], $0xffff  }
0x3a4: {  	v4 =	vld.idx.msk [tilespmem:v13+s0+$0x0], $0xffff  }
0x3a5: {  	v19 =	vshrl.u32 v18, $0xE;
	v28 =	vld.idx.msk [tilespmem:v10+s0+$0x0], $0xffff  }
0x3a6: {  	v20 =	vshrl.u32 v24, $0xE;
	v7 =	vld.idx.msk [tilespmem:v13+s1+$0x0], $0xffff  }
0x3a7: {  	v23 =	vshrl.u32 v5, $0xE;
	v14 =	vld.idx.msk [tilespmem:v11+s1+$0x0], $0xffff  }
0x3a8: {  	v10 =	vld.idx.msk [tilespmem:v17+s0+$0x0], $0xffff  }
0x3a9: {  	v11 =	vld.idx.msk [tilespmem:v17+s1+$0x0], $0xffff  }
0x3aa: {  	v29 =	vld.idx.msk [tilespmem:v19+s1+$0x0], $0xffff  }
0x3ab: {  	v30 =	vshrl.u32 v8, $0xE;
	v17 =	vld.idx.msk [tilespmem:v20+s0+$0x0], $0xffff  }
0x3ac: {  	v13 =	vld.idx.msk [tilespmem:v23+s0+$0x0], $0xffff  }
0x3ad: {  	v31 =	vand.u32 $0x3FFF, v15;
	v19 =	vld.idx.msk [tilespmem:v19+s0+$0x0], $0xffff  }
0x3ae: {  	v15 =	vld.idx.msk [tilespmem:v23+s1+$0x0], $0xffff  }
0x3af: {  	v32 =	vand.u32 $0x3FFF, v16;
	v20 =	vld.idx.msk [tilespmem:v20+s1+$0x0], $0xffff  }
0x3b0: {  	v16 =	vld.idx.msk [tilespmem:v30+s0+$0x0], $0xffff  }
0x3b1: {  	v23 =	vand.u32 $0x3FFF, v18;
	v18 =	vld.idx.msk [tilespmem:v30+s1+$0x0], $0xffff  }
0x3b2: {  	[tilespmem:v31+s2+$0x0] =	vst.idx.add.f32.msk $0xffff, v25  }
0x3b3: {  	[tilespmem:v31+s24+$0x0] =	vst.idx.add.f32.msk $0xffff, v26  }
0x3b4: {  	v24 =	vand.u32 $0x3FFF, v24;
	[tilespmem:v32+s2+$0x0] =	vst.idx.add.f32.msk $0xffff, v27  }
0x3b5: {  	[tilespmem:v32+s24+$0x0] =	vst.idx.add.f32.msk $0xffff, v28  }
0x3b6: {  	s10 =	simm.s32 $0xA0;
	v22 =	vand.u32 $0x3FFF, v22;
	v21 =	vand.u32 $0x3FFF, v21;
	[tilespmem:v23+s2+$0x0] =	vst.idx.add.f32.msk $0xffff, v29  }
.LBB2_29:
0x3b7: {  	p0 =	sne.s32 s10, $0x4D80  }
0x3b8: {  	[tilespmem:v23+s24+$0x0] =	vst.idx.add.f32.msk $0xffff, v19;
	s9 =	sadd.s32 $0xA0, s9;
	s11 =	smov.u32 s10;
	s10 =	sadd.s32 $0xA0, s10  }
0x3b9: {  	v8 =	vand.u32 $0x3FFF, v8;
	[tilespmem:v24+s2+$0x0] =	vst.idx.add.f32.msk $0xffff, v20  }
0x3ba: {  	[tilespmem:v24+s24+$0x0] =	vst.idx.add.f32.msk $0xffff, v17  }
0x3bb: {  	v5 =	vand.u32 $0x3FFF, v5;
	[tilespmem:v22+s2+$0x0] =	vst.idx.add.f32.msk $0xffff, v14  }
0x3bc: {  	[tilespmem:v22+s24+$0x0] =	vst.idx.add.f32.msk $0xffff, v12  }
0x3bd: {  	v3 =	vand.u32 $0x3FFF, v3;
	[tilespmem:v21+s2+$0x0] =	vst.idx.add.f32.msk $0xffff, v9  }
0x3be: {  	[tilespmem:v21+s24+$0x0] =	vst.idx.add.f32.msk $0xffff, v6  }
0x3bf: {  	v2 =	vand.u32 $0x3FFF, v2;
	[tilespmem:v8+s2+$0x0] =	vst.idx.add.f32.msk $0xffff, v18  }
0x3c0: {  	[tilespmem:v8+s24+$0x0] =	vst.idx.add.f32.msk $0xffff, v16  }
0x3c1: {  	[tilespmem:v5+s2+$0x0] =	vst.idx.add.f32.msk $0xffff, v15  }
0x3c2: {  	[tilespmem:v5+s24+$0x0] =	vst.idx.add.f32.msk $0xffff, v13  }
0x3c3: {  	[tilespmem:v3+s2+$0x0] =	vst.idx.add.f32.msk $0xffff, v11  }
0x3c4: {  	[tilespmem:v3+s24+$0x0] =	vst.idx.add.f32.msk $0xffff, v10  }
0x3c5: {  	[tilespmem:v2+s2+$0x0] =	vst.idx.add.f32.msk $0xffff, v7  }
0x3c6: {  	[tilespmem:v2+s24+$0x0] =	vst.idx.add.f32.msk $0xffff, v4  }
0x3c7: {  	v15 =	vld [tilespmem:s9+$0xFFFFFFB0]  }
0x3c8: {  	v21 =	vld [tilespmem:s9+$0x0]  }
0x3c9: {  	v16 =	vld [tilespmem:s9+$0xFFFFFFC0]  }
0x3ca: {  	v22 =	vld [tilespmem:s9+$0xFFFFFFF0]  }
0x3cb: {  	v18 =	vld [tilespmem:s9+$0xFFFFFFD0]  }
0x3cc: {  	v24 =	vld [tilespmem:s9+$0xFFFFFFE0];
	v4 =	vshrl.u32 v15, $0xE  }
0x3cd: {  	s11 =	sand.u32 $0x7FE0, s11;
	v2 =	vld [tilespmem:s9+$0x40];
	v7 =	vshrl.u32 v21, $0xE  }
0x3ce: {  	v3 =	vld [tilespmem:s11+$0x13C80];
	v10 =	vshrl.u32 v16, $0xE  }
0x3cf: {  	v5 =	vld [tilespmem:s9+$0x20];
	v11 =	vshrl.u32 v22, $0xE  }
0x3d0: {  	v8 =	vld [tilespmem:s9+$0x10];
	v19 =	vshrl.u32 v18, $0xE  }
0x3d1: {  	v20 =	vshrl.u32 v24, $0xE;
	v25 =	vld.idx.msk [tilespmem:v4+s1+$0x0], $0xffff  }
0x3d2: {  	v13 =	vshrl.u32 v2, $0xE;
	v6 =	vld.idx.msk [tilespmem:v7+s0+$0x0], $0xffff  }
0x3d3: {  	v17 =	vshrl.u32 v3, $0xE;
	v9 =	vld.idx.msk [tilespmem:v7+s1+$0x0], $0xffff  }
0x3d4: {  	v23 =	vshrl.u32 v5, $0xE;
	v26 =	vld.idx.msk [tilespmem:v4+s0+$0x0], $0xffff  }
0x3d5: {  	v27 =	vshrl.u32 v8, $0xE;
	v28 =	vld.idx.msk [tilespmem:v10+s1+$0x0], $0xffff  }
0x3d6: {  	v12 =	vld.idx.msk [tilespmem:v11+s0+$0x0], $0xffff  }
0x3d7: {  	v4 =	vld.idx.msk [tilespmem:v13+s0+$0x0], $0xffff  }
0x3d8: {  	v29 =	vld.idx.msk [tilespmem:v10+s0+$0x0], $0xffff  }
0x3d9: {  	v7 =	vld.idx.msk [tilespmem:v13+s1+$0x0], $0xffff  }
0x3da: {  	v14 =	vld.idx.msk [tilespmem:v11+s1+$0x0], $0xffff  }
0x3db: {  	v10 =	vld.idx.msk [tilespmem:v17+s0+$0x0], $0xffff  }
0x3dc: {  	v11 =	vld.idx.msk [tilespmem:v17+s1+$0x0], $0xffff  }
0x3dd: {  	v30 =	vld.idx.msk [tilespmem:v19+s1+$0x0], $0xffff  }
0x3de: {  	v17 =	vld.idx.msk [tilespmem:v20+s0+$0x0], $0xffff  }
0x3df: {  	v31 =	vand.u32 $0x3FFF, v15;
	v13 =	vld.idx.msk [tilespmem:v23+s0+$0x0], $0xffff  }
0x3e0: {  	v19 =	vld.idx.msk [tilespmem:v19+s0+$0x0], $0xffff  }
0x3e1: {  	v32 =	vand.u32 $0x3FFF, v16;
	v15 =	vld.idx.msk [tilespmem:v23+s1+$0x0], $0xffff  }
0x3e2: {  	v20 =	vld.idx.msk [tilespmem:v20+s1+$0x0], $0xffff  }
0x3e3: {  	v23 =	vand.u32 $0x3FFF, v18;
	v16 =	vld.idx.msk [tilespmem:v27+s0+$0x0], $0xffff  }
0x3e4: {  	v18 =	vld.idx.msk [tilespmem:v27+s1+$0x0], $0xffff  }
.Ltmp13:
0x3e5: {  	v24 =	vand.u32 $0x3FFF, v24;
	[tilespmem:v31+s2+$0x0] =	vst.idx.add.f32.msk $0xffff, v25;
	(pc) =	sbr.rel @p0 .LBB2_29-.Ltmp13, $4  }
0x3e6: {  	[tilespmem:v31+s24+$0x0] =	vst.idx.add.f32.msk $0xffff, v26  }
0x3e7: {  	v22 =	vand.u32 $0x3FFF, v22;
	[tilespmem:v32+s2+$0x0] =	vst.idx.add.f32.msk $0xffff, v28  }
0x3e8: {  	[tilespmem:v32+s24+$0x0] =	vst.idx.add.f32.msk $0xffff, v29  }
0x3e9: {  	v21 =	vand.u32 $0x3FFF, v21;
	[tilespmem:v23+s2+$0x0] =	vst.idx.add.f32.msk $0xffff, v30  }
0x3ea: {  	_ =	sdelay $0x3  }
0x3eb: {  	[tilespmem:v23+s24+$0x0] =	vst.idx.add.f32.msk $0xffff, v19  }
0x3ec: {  	[tilespmem:v24+s2+$0x0] =	vst.idx.add.f32.msk $0xffff, v20  }
0x3ed: {  	v8 =	vand.u32 $0x3FFF, v8;
	[tilespmem:v24+s24+$0x0] =	vst.idx.add.f32.msk $0xffff, v17  }
0x3ee: {  	[tilespmem:v22+s2+$0x0] =	vst.idx.add.f32.msk $0xffff, v14  }
0x3ef: {  	v5 =	vand.u32 $0x3FFF, v5;
	[tilespmem:v22+s24+$0x0] =	vst.idx.add.f32.msk $0xffff, v12  }
0x3f0: {  	[tilespmem:v21+s2+$0x0] =	vst.idx.add.f32.msk $0xffff, v9  }
0x3f1: {  	v3 =	vand.u32 $0x3FFF, v3;
	[tilespmem:v21+s24+$0x0] =	vst.idx.add.f32.msk $0xffff, v6  }
0x3f2: {  	[tilespmem:v8+s2+$0x0] =	vst.idx.add.f32.msk $0xffff, v18  }
0x3f3: {  	v2 =	vand.u32 $0x3FFF, v2;
	[tilespmem:v8+s24+$0x0] =	vst.idx.add.f32.msk $0xffff, v16  }
0x3f4: {  	[tilespmem:v5+s2+$0x0] =	vst.idx.add.f32.msk $0xffff, v15  }
0x3f5: {  	[tilespmem:v5+s24+$0x0] =	vst.idx.add.f32.msk $0xffff, v13  }
0x3f6: {  	[tilespmem:v3+s2+$0x0] =	vst.idx.add.f32.msk $0xffff, v11  }
0x3f7: {  	[tilespmem:v3+s24+$0x0] =	vst.idx.add.f32.msk $0xffff, v10  }
0x3f8: {  	[tilespmem:v2+s2+$0x0] =	vst.idx.add.f32.msk $0xffff, v7  }
0x3f9: {  	p0 =	seq.s32 s7, $0x7;
	[tilespmem:v2+s24+$0x0] =	vst.idx.add.f32.msk $0xffff, v4  }
0x3fa: {  	s8 =	sshrl.u32 @!p0 s8, $0x3;
	_ =	swait.ge [sflag:s25], $0x4E20  }
0x3fb: {  	s9 =	simm.s32 @!p0 $0x0;
	s8 =	sadd.s32 @!p0 s3, s8;
	[sflag:s25] =	ssyncset.done $0x0  }
0x3fc: {  	s10 =	simm.s32 @!p0 $0x13C00;
	s8 =	sadd.s32 @!p0 $0x1388, s8;
	[sflag:s25] =	ssyncadd.s32 $0xFFFFB1E0  }
0x3fd: {  	[tilespmem:s10], [sflag:$0x1] =	stream.linear.gather @!p0 [hbm4b:s8+s9], $0x4E20, $0x38;
	[tilespmem:$0x1D980] =	vst v63  }
0x3fe: {  	s8 =	simm.s32 $0x18AD0  }
0x3ff: {  	v15 =	vld [tilespmem:s8+$0xFFFFFFB0]  }
0x400: {  	v21 =	vld [tilespmem:s8+$0x0]  }
0x401: {  	v16 =	vld [tilespmem:s8+$0xFFFFFFC0]  }
0x402: {  	v22 =	vld [tilespmem:s8+$0xFFFFFFF0]  }
0x403: {  	v18 =	vld [tilespmem:s8+$0xFFFFFFD0]  }
0x404: {  	s18 =	simm.s32 $0x0;
	v24 =	vld [tilespmem:s8+$0xFFFFFFE0];
	v4 =	vshrl.u32 v15, $0xE  }
0x405: {  	s9 =	sand.u32 $0x7FE0, s18;
	v2 =	vld [tilespmem:s8+$0x40];
	v7 =	vshrl.u32 v21, $0xE  }
0x406: {  	v3 =	vld [tilespmem:s9+$0x18B00]  }
0x407: {  	v5 =	vld [tilespmem:s8+$0x20]  }
0x408: {  	v8 =	vld [tilespmem:s8+$0x10];
	v10 =	vshrl.u32 v16, $0xE  }
0x409: {  	v11 =	vshrl.u32 v22, $0xE;
	v25 =	vld.idx.msk [tilespmem:v4+s1+$0x0], $0xffff  }
0x40a: {  	v13 =	vshrl.u32 v2, $0xE;
	v6 =	vld.idx.msk [tilespmem:v7+s0+$0x0], $0xffff  }
0x40b: {  	v9 =	vld.idx.msk [tilespmem:v7+s1+$0x0], $0xffff  }
0x40c: {  	v26 =	vld.idx.msk [tilespmem:v4+s0+$0x0], $0xffff  }
0x40d: {  	v27 =	vld.idx.msk [tilespmem:v10+s1+$0x0], $0xffff  }
0x40e: {  	v17 =	vshrl.u32 v3, $0xE;
	v12 =	vld.idx.msk [tilespmem:v11+s0+$0x0], $0xffff  }
0x40f: {  	v4 =	vld.idx.msk [tilespmem:v13+s0+$0x0], $0xffff  }
0x410: {  	v19 =	vshrl.u32 v18, $0xE;
	v28 =	vld.idx.msk [tilespmem:v10+s0+$0x0], $0xffff  }
0x411: {  	v20 =	vshrl.u32 v24, $0xE;
	v7 =	vld.idx.msk [tilespmem:v13+s1+$0x0], $0xffff  }
0x412: {  	v23 =	vshrl.u32 v5, $0xE;
	v14 =	vld.idx.msk [tilespmem:v11+s1+$0x0], $0xffff  }
0x413: {  	v10 =	vld.idx.msk [tilespmem:v17+s0+$0x0], $0xffff  }
0x414: {  	v11 =	vld.idx.msk [tilespmem:v17+s1+$0x0], $0xffff  }
0x415: {  	v29 =	vld.idx.msk [tilespmem:v19+s1+$0x0], $0xffff  }
0x416: {  	v30 =	vshrl.u32 v8, $0xE;
	v17 =	vld.idx.msk [tilespmem:v20+s0+$0x0], $0xffff  }
0x417: {  	v13 =	vld.idx.msk [tilespmem:v23+s0+$0x0], $0xffff  }
0x418: {  	v31 =	vand.u32 $0x3FFF, v15;
	v19 =	vld.idx.msk [tilespmem:v19+s0+$0x0], $0xffff  }
0x419: {  	v15 =	vld.idx.msk [tilespmem:v23+s1+$0x0], $0xffff  }
0x41a: {  	v32 =	vand.u32 $0x3FFF, v16;
	v20 =	vld.idx.msk [tilespmem:v20+s1+$0x0], $0xffff  }
0x41b: {  	v16 =	vld.idx.msk [tilespmem:v30+s0+$0x0], $0xffff  }
0x41c: {  	v23 =	vand.u32 $0x3FFF, v18;
	v18 =	vld.idx.msk [tilespmem:v30+s1+$0x0], $0xffff  }
0x41d: {  	[tilespmem:v31+s2+$0x0] =	vst.idx.add.f32.msk $0xffff, v25  }
0x41e: {  	[tilespmem:v31+s24+$0x0] =	vst.idx.add.f32.msk $0xffff, v26  }
0x41f: {  	v24 =	vand.u32 $0x3FFF, v24;
	[tilespmem:v32+s2+$0x0] =	vst.idx.add.f32.msk $0xffff, v27  }
0x420: {  	[tilespmem:v32+s24+$0x0] =	vst.idx.add.f32.msk $0xffff, v28  }
0x421: {  	s9 =	simm.s32 $0xA0;
	v22 =	vand.u32 $0x3FFF, v22;
	v21 =	vand.u32 $0x3FFF, v21;
	[tilespmem:v23+s2+$0x0] =	vst.idx.add.f32.msk $0xffff, v29  }
.LBB2_31:
0x422: {  	p0 =	sne.s32 s9, $0x4D80  }
0x423: {  	[tilespmem:v23+s24+$0x0] =	vst.idx.add.f32.msk $0xffff, v19;
	s8 =	sadd.s32 $0xA0, s8;
	s10 =	smov.u32 s9;
	s9 =	sadd.s32 $0xA0, s9  }
0x424: {  	v8 =	vand.u32 $0x3FFF, v8;
	[tilespmem:v24+s2+$0x0] =	vst.idx.add.f32.msk $0xffff, v20  }
0x425: {  	[tilespmem:v24+s24+$0x0] =	vst.idx.add.f32.msk $0xffff, v17  }
0x426: {  	v5 =	vand.u32 $0x3FFF, v5;
	[tilespmem:v22+s2+$0x0] =	vst.idx.add.f32.msk $0xffff, v14  }
0x427: {  	[tilespmem:v22+s24+$0x0] =	vst.idx.add.f32.msk $0xffff, v12  }
0x428: {  	v3 =	vand.u32 $0x3FFF, v3;
	[tilespmem:v21+s2+$0x0] =	vst.idx.add.f32.msk $0xffff, v9  }
0x429: {  	[tilespmem:v21+s24+$0x0] =	vst.idx.add.f32.msk $0xffff, v6  }
0x42a: {  	v2 =	vand.u32 $0x3FFF, v2;
	[tilespmem:v8+s2+$0x0] =	vst.idx.add.f32.msk $0xffff, v18  }
0x42b: {  	[tilespmem:v8+s24+$0x0] =	vst.idx.add.f32.msk $0xffff, v16  }
0x42c: {  	[tilespmem:v5+s2+$0x0] =	vst.idx.add.f32.msk $0xffff, v15  }
0x42d: {  	[tilespmem:v5+s24+$0x0] =	vst.idx.add.f32.msk $0xffff, v13  }
0x42e: {  	[tilespmem:v3+s2+$0x0] =	vst.idx.add.f32.msk $0xffff, v11  }
0x42f: {  	[tilespmem:v3+s24+$0x0] =	vst.idx.add.f32.msk $0xffff, v10  }
0x430: {  	[tilespmem:v2+s2+$0x0] =	vst.idx.add.f32.msk $0xffff, v7  }
0x431: {  	[tilespmem:v2+s24+$0x0] =	vst.idx.add.f32.msk $0xffff, v4  }
0x432: {  	v15 =	vld [tilespmem:s8+$0xFFFFFFB0]  }
0x433: {  	v21 =	vld [tilespmem:s8+$0x0]  }
0x434: {  	v16 =	vld [tilespmem:s8+$0xFFFFFFC0]  }
0x435: {  	v22 =	vld [tilespmem:s8+$0xFFFFFFF0]  }
0x436: {  	v18 =	vld [tilespmem:s8+$0xFFFFFFD0]  }
0x437: {  	v24 =	vld [tilespmem:s8+$0xFFFFFFE0];
	v4 =	vshrl.u32 v15, $0xE  }
0x438: {  	s10 =	sand.u32 $0x7FE0, s10;
	v2 =	vld [tilespmem:s8+$0x40];
	v7 =	vshrl.u32 v21, $0xE  }
0x439: {  	v3 =	vld [tilespmem:s10+$0x18B00];
	v10 =	vshrl.u32 v16, $0xE  }
0x43a: {  	v5 =	vld [tilespmem:s8+$0x20];
	v11 =	vshrl.u32 v22, $0xE  }
0x43b: {  	v8 =	vld [tilespmem:s8+$0x10];
	v19 =	vshrl.u32 v18, $0xE  }
0x43c: {  	v20 =	vshrl.u32 v24, $0xE;
	v25 =	vld.idx.msk [tilespmem:v4+s1+$0x0], $0xffff  }
0x43d: {  	v13 =	vshrl.u32 v2, $0xE;
	v6 =	vld.idx.msk [tilespmem:v7+s0+$0x0], $0xffff  }
0x43e: {  	v17 =	vshrl.u32 v3, $0xE;
	v9 =	vld.idx.msk [tilespmem:v7+s1+$0x0], $0xffff  }
0x43f: {  	v23 =	vshrl.u32 v5, $0xE;
	v26 =	vld.idx.msk [tilespmem:v4+s0+$0x0], $0xffff  }
0x440: {  	v27 =	vshrl.u32 v8, $0xE;
	v28 =	vld.idx.msk [tilespmem:v10+s1+$0x0], $0xffff  }
0x441: {  	v12 =	vld.idx.msk [tilespmem:v11+s0+$0x0], $0xffff  }
0x442: {  	v4 =	vld.idx.msk [tilespmem:v13+s0+$0x0], $0xffff  }
0x443: {  	v29 =	vld.idx.msk [tilespmem:v10+s0+$0x0], $0xffff  }
0x444: {  	v7 =	vld.idx.msk [tilespmem:v13+s1+$0x0], $0xffff  }
0x445: {  	v14 =	vld.idx.msk [tilespmem:v11+s1+$0x0], $0xffff  }
0x446: {  	v10 =	vld.idx.msk [tilespmem:v17+s0+$0x0], $0xffff  }
0x447: {  	v11 =	vld.idx.msk [tilespmem:v17+s1+$0x0], $0xffff  }
0x448: {  	v30 =	vld.idx.msk [tilespmem:v19+s1+$0x0], $0xffff  }
0x449: {  	v17 =	vld.idx.msk [tilespmem:v20+s0+$0x0], $0xffff  }
0x44a: {  	v31 =	vand.u32 $0x3FFF, v15;
	v13 =	vld.idx.msk [tilespmem:v23+s0+$0x0], $0xffff  }
0x44b: {  	v19 =	vld.idx.msk [tilespmem:v19+s0+$0x0], $0xffff  }
0x44c: {  	v32 =	vand.u32 $0x3FFF, v16;
	v15 =	vld.idx.msk [tilespmem:v23+s1+$0x0], $0xffff  }
0x44d: {  	v20 =	vld.idx.msk [tilespmem:v20+s1+$0x0], $0xffff  }
0x44e: {  	v23 =	vand.u32 $0x3FFF, v18;
	v16 =	vld.idx.msk [tilespmem:v27+s0+$0x0], $0xffff  }
0x44f: {  	v18 =	vld.idx.msk [tilespmem:v27+s1+$0x0], $0xffff  }
.Ltmp14:
0x450: {  	v24 =	vand.u32 $0x3FFF, v24;
	[tilespmem:v31+s2+$0x0] =	vst.idx.add.f32.msk $0xffff, v25;
	(pc) =	sbr.rel @p0 .LBB2_31-.Ltmp14, $4  }
0x451: {  	[tilespmem:v31+s24+$0x0] =	vst.idx.add.f32.msk $0xffff, v26  }
0x452: {  	v22 =	vand.u32 $0x3FFF, v22;
	[tilespmem:v32+s2+$0x0] =	vst.idx.add.f32.msk $0xffff, v28  }
0x453: {  	[tilespmem:v32+s24+$0x0] =	vst.idx.add.f32.msk $0xffff, v29  }
0x454: {  	v21 =	vand.u32 $0x3FFF, v21;
	[tilespmem:v23+s2+$0x0] =	vst.idx.add.f32.msk $0xffff, v30  }
0x455: {  	_ =	sdelay $0x3  }
0x456: {  	[tilespmem:v23+s24+$0x0] =	vst.idx.add.f32.msk $0xffff, v19  }
0x457: {  	[tilespmem:v24+s2+$0x0] =	vst.idx.add.f32.msk $0xffff, v20  }
0x458: {  	v8 =	vand.u32 $0x3FFF, v8;
	[tilespmem:v24+s24+$0x0] =	vst.idx.add.f32.msk $0xffff, v17  }
0x459: {  	[tilespmem:v22+s2+$0x0] =	vst.idx.add.f32.msk $0xffff, v14  }
0x45a: {  	v5 =	vand.u32 $0x3FFF, v5;
	[tilespmem:v22+s24+$0x0] =	vst.idx.add.f32.msk $0xffff, v12  }
0x45b: {  	[tilespmem:v21+s2+$0x0] =	vst.idx.add.f32.msk $0xffff, v9  }
0x45c: {  	v3 =	vand.u32 $0x3FFF, v3;
	[tilespmem:v21+s24+$0x0] =	vst.idx.add.f32.msk $0xffff, v6  }
0x45d: {  	[tilespmem:v8+s2+$0x0] =	vst.idx.add.f32.msk $0xffff, v18  }
0x45e: {  	v2 =	vand.u32 $0x3FFF, v2;
	s7 =	sadd.s32 $0x1, s7;
	[tilespmem:v8+s24+$0x0] =	vst.idx.add.f32.msk $0xffff, v16  }
0x45f: {  	p0 =	sne.s32 s7, $0x8;
	[tilespmem:v5+s2+$0x0] =	vst.idx.add.f32.msk $0xffff, v15  }
.Ltmp15:
0x460: {  	[tilespmem:v5+s24+$0x0] =	vst.idx.add.f32.msk $0xffff, v13;
	(pc) =	sbr.rel @p0 .LBB2_28-.Ltmp15, $4  }
0x461: {  	[tilespmem:v3+s2+$0x0] =	vst.idx.add.f32.msk $0xffff, v11  }
0x462: {  	[tilespmem:v3+s24+$0x0] =	vst.idx.add.f32.msk $0xffff, v10  }
0x463: {  	[tilespmem:v2+s2+$0x0] =	vst.idx.add.f32.msk $0xffff, v7  }
0x464: {  	[tilespmem:v2+s24+$0x0] =	vst.idx.add.f32.msk $0xffff, v4  }
0x465: {  	s8 =	simm.s32 $0x0  }
0x466: {  	[tilespmem:s29], [sflag:$0x1] =	stream.linear.gather [hbm4b:s3+s8], $0x4E20, $0x38;
	[tilespmem:$0x1D980] =	vst v63  }
0x467: {  	_ =	swait.ge [sflag:s4], $0x2780  }
0x468: {  	[sflag:s4] =	ssyncset.done $0x0  }
0x469: {  	[sflag:s4] =	ssyncadd.s32 $0xFFFFD880  }
0x46a: {  	_ =	swait.ge [sflag:s4], $0x2780  }
0x46b: {  	s6 =	sand.u32 $0x70, s8;
	s7 =	sand.u32 $0x7F00, s8;
	[sflag:s4] =	ssyncset.done $0x0  }
0x46c: {  	s7 =	sor.u32 s6, s7;
	[sflag:s4] =	ssyncadd.s32 $0xFFFFD880  }
0x46d: {  	v3 =	vld [tilespmem:s7+$0xED80]  }
0x46e: {  	s6 =	simm.s32 $0x4F00  }
0x46f: {  	s9 =	simm.s32 $0x7680;
	v4 =	vld [tilespmem:s6+$0x0]  }
0x470: {  	v2 =	vbroadcast v1, $0x4;
	v5 =	vld [tilespmem:s9+$0x0];
	_ =	sdelay $0x1  }
0x471: {  	v3 =	vmul.f32 v3, v2;
	_ =	sdelay $0x1  }
0x472: {  	v4 =	vmul.f32 v3, v4  }
0x473: {  	s10 =	simm.s32 $0x9E00;
	v3 =	vmul.f32 v5, v3  }
0x474: {  	s11 =	simm.s32 $0xC580;
	[tilespmem:s10+$0x0] =	vst v4  }
0x475: {  	[tilespmem:s11+$0x0] =	vst v3  }
0x476: {  	v63 =	vld [tilespmem:s7+$0xED00];
	_ =	sdelay $0x4  }
0x477: {  	v4 =	vmul.f32 v63, v4  }
0x478: {  	s18 =	simm.s32 $0x2780;
	v3 =	vmul.f32 v63, v3  }
0x479: {  	s14 =	simm.s32 $0x20;
	s13 =	simm.s32 $0x20;
	s12 =	simm.s32 $0xC590;
	[tilespmem:s8+$0x0] =	vst v4  }
0x47a: {  	s16 =	sand.u32 $0x7F00, s13;
	s10 =	simm.s32 $0x7690;
	s7 =	simm.s32 $0x10;
	[tilespmem:s18+$0x0] =	vst v3  }
0x47b: {  	s11 =	simm.s32 $0x9E10;
	s15 =	sand.u32 $0x70, s7;
	s8 =	simm.s32 $0x2790;
	[tilespmem:s6+$0x0] =	vst v0  }
.LBB2_34:
0x47c: {  	s15 =	sor.u32 s15, s16;
	s6 =	sadd.s32 $0x10, s6;
	s16 =	smov.u32 s14  }
0x47d: {  	[tilespmem:s9+$0x0] =	vst v0;
	s17 =	sadd.s32 $0x10, s14;
	s18 =	smov.u32 s8;
	s9 =	smov.u32 s10  }
0x47e: {  	p0 =	sne.s32 s14, $0x2700;
	v3 =	vld [tilespmem:s15+$0xED80];
	_ =	sdelay $0x1  }
0x47f: {  	v4 =	vld [tilespmem:s6+$0x0]  }
0x480: {  	v5 =	vld [tilespmem:s10+$0x0];
	_ =	sdelay $0x1  }
0x481: {  	v3 =	vmul.f32 v3, v2;
	_ =	sdelay $0x1  }
0x482: {  	v4 =	vmul.f32 v3, v4  }
0x483: {  	v3 =	vmul.f32 v5, v3  }
0x484: {  	[tilespmem:s11+$0x0] =	vst v4  }
0x485: {  	[tilespmem:s12+$0x0] =	vst v3  }
0x486: {  	v5 =	vld [tilespmem:s15+$0xED00];
	_ =	sdelay $0x4  }
.Ltmp16:
0x487: {  	v4 =	vmul.f32 v5, v4;
	v3 =	vmul.f32 v5, v3;
	(pc) =	sbr.rel @p0 .LBB2_34-.Ltmp16, $4  }
0x488: {  	_ = 	snop  }
0x489: {  	s8 =	sadd.s32 $0x10, s8;
	s13 =	sadd.s32 $0x20, s13;
	[tilespmem:s7+$0x0] =	vst v4;
	s7 =	sadd.s32 $0x10, s7  }
0x48a: {  	s14 =	smov.u32 s17;
	s11 =	sadd.s32 $0x10, s11;
	s12 =	sadd.s32 $0x10, s12;
	[tilespmem:s18+$0x0] =	vst v3  }
0x48b: {  	s10 =	sadd.s32 $0x10, s10;
	s15 =	sand.u32 $0x70, s16;
	s16 =	sand.u32 $0x7F00, s13;
	[tilespmem:s6+$0x0] =	vst v0  }
0x48c: {  	s13 =	sor.u32 s15, s16;
	[tilespmem:s9+$0x0] =	vst v0  }
0x48d: {  	v3 =	vld [tilespmem:s13+$0xED80]  }
0x48e: {  	s6 =	sadd.s32 $0x10, s6  }
0x48f: {  	v4 =	vld [tilespmem:s6+$0x0]  }
0x490: {  	v5 =	vld [tilespmem:s10+$0x0];
	_ =	sdelay $0x1  }
0x491: {  	v2 =	vmul.f32 v3, v2;
	_ =	sdelay $0x1  }
0x492: {  	v3 =	vmul.f32 v2, v4  }
0x493: {  	v2 =	vmul.f32 v5, v2  }
0x494: {  	[tilespmem:s11+$0x0] =	vst v3  }
0x495: {  	[tilespmem:s12+$0x0] =	vst v2  }
0x496: {  	v63 =	vld [tilespmem:s13+$0xED00];
	_ =	sdelay $0x4  }
0x497: {  	v3 =	vmul.f32 v63, v3  }
0x498: {  	v2 =	vmul.f32 v63, v2  }
0x499: {  	[tilespmem:s7+$0x0] =	vst v3  }
0x49a: {  	[tilespmem:s8+$0x0] =	vst v2  }
0x49b: {  	[tilespmem:s6+$0x0] =	vst v0  }
0x49c: {  	s17 =	rddreg [dreg:$0xf];
	[tilespmem:s10+$0x0] =	vst v0  }
0x49d: {  	[hbm4b:s17+s21] =	stream.strided.scatter [tilespmem:s26], [sflag:$0x3], $0x2780, s22, s21, $0x38;
	[tilespmem:$0x1D980] =	vst v63  }
0x49e: {  	s18 =	rddreg [dreg:$0x10];
	s7 =	simm.s32 $0x0;
	s6 =	simm.s32 $0x0  }
0x49f: {  	[hbm4b:s18+s21] =	stream.strided.scatter [tilespmem:s28], [sflag:$0x3], $0x2780, s22, s21, $0x38;
	[tilespmem:$0x1D980] =	vst v63  }
.LBB2_36:
0x4a0: {  	s8 =	smul.u32 $0x9C40, s7;
	_ =	sdelay $0x1  }
0x4a1: {  	_ =	swait.ge [sflag:s30], $0x4E20;
	s9 =	sshrl.u32 s8, $0x3  }
0x4a2: {  	[sflag:s30] =	ssyncset.done $0x0;
	s9 =	sadd.s32 s3, s9  }
0x4a3: {  	[sflag:s30] =	ssyncadd.s32 $0xFFFFB1E0;
	s9 =	sadd.s32 $0x9C4, s9  }
0x4a4: {  	[tilespmem:s31], [sflag:$0x2] =	stream.linear.gather [hbm4b:s9+s6], $0x4E20, $0x38;
	[tilespmem:$0x1D980] =	vst v63  }
0x4a5: {  	s9 =	simm.s32 $0x13C50  }
0x4a6: {  	v15 =	vld [tilespmem:s9+$0xFFFFFFB0]  }
0x4a7: {  	v21 =	vld [tilespmem:s9+$0x0]  }
0x4a8: {  	v16 =	vld [tilespmem:s9+$0xFFFFFFC0]  }
0x4a9: {  	v22 =	vld [tilespmem:s9+$0xFFFFFFF0]  }
0x4aa: {  	v18 =	vld [tilespmem:s9+$0xFFFFFFD0]  }
0x4ab: {  	v24 =	vld [tilespmem:s9+$0xFFFFFFE0];
	v4 =	vshrl.u32 v15, $0xE  }
0x4ac: {  	s10 =	sand.u32 $0x7FE0, s6;
	v2 =	vld [tilespmem:s9+$0x40];
	v7 =	vshrl.u32 v21, $0xE  }
0x4ad: {  	v3 =	vld [tilespmem:s10+$0x13C80]  }
0x4ae: {  	v5 =	vld [tilespmem:s9+$0x20]  }
0x4af: {  	v8 =	vld [tilespmem:s9+$0x10];
	v10 =	vshrl.u32 v16, $0xE  }
0x4b0: {  	v11 =	vshrl.u32 v22, $0xE;
	v25 =	vld.idx.msk [tilespmem:v4+s1+$0x0], $0xffff  }
0x4b1: {  	v13 =	vshrl.u32 v2, $0xE;
	v6 =	vld.idx.msk [tilespmem:v7+s0+$0x0], $0xffff  }
0x4b2: {  	v9 =	vld.idx.msk [tilespmem:v7+s1+$0x0], $0xffff  }
0x4b3: {  	v26 =	vld.idx.msk [tilespmem:v4+s0+$0x0], $0xffff  }
0x4b4: {  	v27 =	vld.idx.msk [tilespmem:v10+s1+$0x0], $0xffff  }
0x4b5: {  	v17 =	vshrl.u32 v3, $0xE;
	v12 =	vld.idx.msk [tilespmem:v11+s0+$0x0], $0xffff  }
0x4b6: {  	v4 =	vld.idx.msk [tilespmem:v13+s0+$0x0], $0xffff  }
0x4b7: {  	v19 =	vshrl.u32 v18, $0xE;
	v28 =	vld.idx.msk [tilespmem:v10+s0+$0x0], $0xffff  }
0x4b8: {  	v20 =	vshrl.u32 v24, $0xE;
	v7 =	vld.idx.msk [tilespmem:v13+s1+$0x0], $0xffff  }
0x4b9: {  	v23 =	vshrl.u32 v5, $0xE;
	v14 =	vld.idx.msk [tilespmem:v11+s1+$0x0], $0xffff  }
0x4ba: {  	v10 =	vld.idx.msk [tilespmem:v17+s0+$0x0], $0xffff  }
0x4bb: {  	v11 =	vld.idx.msk [tilespmem:v17+s1+$0x0], $0xffff  }
0x4bc: {  	v29 =	vld.idx.msk [tilespmem:v19+s1+$0x0], $0xffff  }
0x4bd: {  	v30 =	vshrl.u32 v8, $0xE;
	v17 =	vld.idx.msk [tilespmem:v20+s0+$0x0], $0xffff  }
0x4be: {  	v13 =	vld.idx.msk [tilespmem:v23+s0+$0x0], $0xffff  }
0x4bf: {  	v31 =	vand.u32 $0x3FFF, v15;
	v19 =	vld.idx.msk [tilespmem:v19+s0+$0x0], $0xffff  }
0x4c0: {  	v15 =	vld.idx.msk [tilespmem:v23+s1+$0x0], $0xffff  }
0x4c1: {  	v32 =	vand.u32 $0x3FFF, v16;
	v20 =	vld.idx.msk [tilespmem:v20+s1+$0x0], $0xffff  }
0x4c2: {  	v16 =	vld.idx.msk [tilespmem:v30+s0+$0x0], $0xffff  }
0x4c3: {  	v23 =	vand.u32 $0x3FFF, v18;
	v18 =	vld.idx.msk [tilespmem:v30+s1+$0x0], $0xffff  }
0x4c4: {  	[tilespmem:v31+s2+$0x0] =	vst.idx.add.f32.msk $0xffff, v25  }
0x4c5: {  	[tilespmem:v31+s24+$0x0] =	vst.idx.add.f32.msk $0xffff, v26  }
0x4c6: {  	v24 =	vand.u32 $0x3FFF, v24;
	[tilespmem:v32+s2+$0x0] =	vst.idx.add.f32.msk $0xffff, v27  }
0x4c7: {  	[tilespmem:v32+s24+$0x0] =	vst.idx.add.f32.msk $0xffff, v28  }
0x4c8: {  	s10 =	simm.s32 $0xA0;
	v22 =	vand.u32 $0x3FFF, v22;
	v21 =	vand.u32 $0x3FFF, v21;
	[tilespmem:v23+s2+$0x0] =	vst.idx.add.f32.msk $0xffff, v29  }
.LBB2_37:
0x4c9: {  	p0 =	sne.s32 s10, $0x4D80  }
0x4ca: {  	[tilespmem:v23+s24+$0x0] =	vst.idx.add.f32.msk $0xffff, v19;
	s9 =	sadd.s32 $0xA0, s9;
	s11 =	smov.u32 s10;
	s10 =	sadd.s32 $0xA0, s10  }
0x4cb: {  	v8 =	vand.u32 $0x3FFF, v8;
	[tilespmem:v24+s2+$0x0] =	vst.idx.add.f32.msk $0xffff, v20  }
0x4cc: {  	[tilespmem:v24+s24+$0x0] =	vst.idx.add.f32.msk $0xffff, v17  }
0x4cd: {  	v5 =	vand.u32 $0x3FFF, v5;
	[tilespmem:v22+s2+$0x0] =	vst.idx.add.f32.msk $0xffff, v14  }
0x4ce: {  	[tilespmem:v22+s24+$0x0] =	vst.idx.add.f32.msk $0xffff, v12  }
0x4cf: {  	v3 =	vand.u32 $0x3FFF, v3;
	[tilespmem:v21+s2+$0x0] =	vst.idx.add.f32.msk $0xffff, v9  }
0x4d0: {  	[tilespmem:v21+s24+$0x0] =	vst.idx.add.f32.msk $0xffff, v6  }
0x4d1: {  	v2 =	vand.u32 $0x3FFF, v2;
	[tilespmem:v8+s2+$0x0] =	vst.idx.add.f32.msk $0xffff, v18  }
0x4d2: {  	[tilespmem:v8+s24+$0x0] =	vst.idx.add.f32.msk $0xffff, v16  }
0x4d3: {  	[tilespmem:v5+s2+$0x0] =	vst.idx.add.f32.msk $0xffff, v15  }
0x4d4: {  	[tilespmem:v5+s24+$0x0] =	vst.idx.add.f32.msk $0xffff, v13  }
0x4d5: {  	[tilespmem:v3+s2+$0x0] =	vst.idx.add.f32.msk $0xffff, v11  }
0x4d6: {  	[tilespmem:v3+s24+$0x0] =	vst.idx.add.f32.msk $0xffff, v10  }
0x4d7: {  	[tilespmem:v2+s2+$0x0] =	vst.idx.add.f32.msk $0xffff, v7  }
0x4d8: {  	[tilespmem:v2+s24+$0x0] =	vst.idx.add.f32.msk $0xffff, v4  }
0x4d9: {  	v15 =	vld [tilespmem:s9+$0xFFFFFFB0]  }
0x4da: {  	v21 =	vld [tilespmem:s9+$0x0]  }
0x4db: {  	v16 =	vld [tilespmem:s9+$0xFFFFFFC0]  }
0x4dc: {  	v22 =	vld [tilespmem:s9+$0xFFFFFFF0]  }
0x4dd: {  	v18 =	vld [tilespmem:s9+$0xFFFFFFD0]  }
0x4de: {  	v24 =	vld [tilespmem:s9+$0xFFFFFFE0];
	v4 =	vshrl.u32 v15, $0xE  }
0x4df: {  	s11 =	sand.u32 $0x7FE0, s11;
	v2 =	vld [tilespmem:s9+$0x40];
	v7 =	vshrl.u32 v21, $0xE  }
0x4e0: {  	v3 =	vld [tilespmem:s11+$0x13C80];
	v10 =	vshrl.u32 v16, $0xE  }
0x4e1: {  	v5 =	vld [tilespmem:s9+$0x20];
	v11 =	vshrl.u32 v22, $0xE  }
0x4e2: {  	v8 =	vld [tilespmem:s9+$0x10];
	v19 =	vshrl.u32 v18, $0xE  }
0x4e3: {  	v20 =	vshrl.u32 v24, $0xE;
	v25 =	vld.idx.msk [tilespmem:v4+s1+$0x0], $0xffff  }
0x4e4: {  	v13 =	vshrl.u32 v2, $0xE;
	v6 =	vld.idx.msk [tilespmem:v7+s0+$0x0], $0xffff  }
0x4e5: {  	v17 =	vshrl.u32 v3, $0xE;
	v9 =	vld.idx.msk [tilespmem:v7+s1+$0x0], $0xffff  }
0x4e6: {  	v23 =	vshrl.u32 v5, $0xE;
	v26 =	vld.idx.msk [tilespmem:v4+s0+$0x0], $0xffff  }
0x4e7: {  	v27 =	vshrl.u32 v8, $0xE;
	v28 =	vld.idx.msk [tilespmem:v10+s1+$0x0], $0xffff  }
0x4e8: {  	v12 =	vld.idx.msk [tilespmem:v11+s0+$0x0], $0xffff  }
0x4e9: {  	v4 =	vld.idx.msk [tilespmem:v13+s0+$0x0], $0xffff  }
0x4ea: {  	v29 =	vld.idx.msk [tilespmem:v10+s0+$0x0], $0xffff  }
0x4eb: {  	v7 =	vld.idx.msk [tilespmem:v13+s1+$0x0], $0xffff  }
0x4ec: {  	v14 =	vld.idx.msk [tilespmem:v11+s1+$0x0], $0xffff  }
0x4ed: {  	v10 =	vld.idx.msk [tilespmem:v17+s0+$0x0], $0xffff  }
0x4ee: {  	v11 =	vld.idx.msk [tilespmem:v17+s1+$0x0], $0xffff  }
0x4ef: {  	v30 =	vld.idx.msk [tilespmem:v19+s1+$0x0], $0xffff  }
0x4f0: {  	v17 =	vld.idx.msk [tilespmem:v20+s0+$0x0], $0xffff  }
0x4f1: {  	v31 =	vand.u32 $0x3FFF, v15;
	v13 =	vld.idx.msk [tilespmem:v23+s0+$0x0], $0xffff  }
0x4f2: {  	v19 =	vld.idx.msk [tilespmem:v19+s0+$0x0], $0xffff  }
0x4f3: {  	v32 =	vand.u32 $0x3FFF, v16;
	v15 =	vld.idx.msk [tilespmem:v23+s1+$0x0], $0xffff  }
0x4f4: {  	v20 =	vld.idx.msk [tilespmem:v20+s1+$0x0], $0xffff  }
0x4f5: {  	v23 =	vand.u32 $0x3FFF, v18;
	v16 =	vld.idx.msk [tilespmem:v27+s0+$0x0], $0xffff  }
0x4f6: {  	v18 =	vld.idx.msk [tilespmem:v27+s1+$0x0], $0xffff  }
.Ltmp17:
0x4f7: {  	v24 =	vand.u32 $0x3FFF, v24;
	[tilespmem:v31+s2+$0x0] =	vst.idx.add.f32.msk $0xffff, v25;
	(pc) =	sbr.rel @p0 .LBB2_37-.Ltmp17, $4  }
0x4f8: {  	[tilespmem:v31+s24+$0x0] =	vst.idx.add.f32.msk $0xffff, v26  }
0x4f9: {  	v22 =	vand.u32 $0x3FFF, v22;
	[tilespmem:v32+s2+$0x0] =	vst.idx.add.f32.msk $0xffff, v28  }
0x4fa: {  	[tilespmem:v32+s24+$0x0] =	vst.idx.add.f32.msk $0xffff, v29  }
0x4fb: {  	v21 =	vand.u32 $0x3FFF, v21;
	[tilespmem:v23+s2+$0x0] =	vst.idx.add.f32.msk $0xffff, v30  }
0x4fc: {  	_ =	sdelay $0x3  }
0x4fd: {  	[tilespmem:v23+s24+$0x0] =	vst.idx.add.f32.msk $0xffff, v19  }
0x4fe: {  	[tilespmem:v24+s2+$0x0] =	vst.idx.add.f32.msk $0xffff, v20  }
0x4ff: {  	v8 =	vand.u32 $0x3FFF, v8;
	[tilespmem:v24+s24+$0x0] =	vst.idx.add.f32.msk $0xffff, v17  }
0x500: {  	[tilespmem:v22+s2+$0x0] =	vst.idx.add.f32.msk $0xffff, v14  }
0x501: {  	v5 =	vand.u32 $0x3FFF, v5;
	[tilespmem:v22+s24+$0x0] =	vst.idx.add.f32.msk $0xffff, v12  }
0x502: {  	[tilespmem:v21+s2+$0x0] =	vst.idx.add.f32.msk $0xffff, v9  }
0x503: {  	v3 =	vand.u32 $0x3FFF, v3;
	[tilespmem:v21+s24+$0x0] =	vst.idx.add.f32.msk $0xffff, v6  }
0x504: {  	[tilespmem:v8+s2+$0x0] =	vst.idx.add.f32.msk $0xffff, v18  }
0x505: {  	v2 =	vand.u32 $0x3FFF, v2;
	[tilespmem:v8+s24+$0x0] =	vst.idx.add.f32.msk $0xffff, v16  }
0x506: {  	[tilespmem:v5+s2+$0x0] =	vst.idx.add.f32.msk $0xffff, v15  }
0x507: {  	[tilespmem:v5+s24+$0x0] =	vst.idx.add.f32.msk $0xffff, v13  }
0x508: {  	[tilespmem:v3+s2+$0x0] =	vst.idx.add.f32.msk $0xffff, v11  }
0x509: {  	[tilespmem:v3+s24+$0x0] =	vst.idx.add.f32.msk $0xffff, v10  }
0x50a: {  	[tilespmem:v2+s2+$0x0] =	vst.idx.add.f32.msk $0xffff, v7  }
0x50b: {  	p0 =	seq.s32 s7, $0x7;
	[tilespmem:v2+s24+$0x0] =	vst.idx.add.f32.msk $0xffff, v4  }
0x50c: {  	s8 =	sshrl.u32 @!p0 s8, $0x3;
	_ =	swait.ge [sflag:s25], $0x4E20  }
0x50d: {  	s9 =	simm.s32 @!p0 $0x0;
	s8 =	sadd.s32 @!p0 s3, s8;
	[sflag:s25] =	ssyncset.done $0x0  }
0x50e: {  	s10 =	simm.s32 @!p0 $0x13C00;
	s8 =	sadd.s32 @!p0 $0x1388, s8;
	[sflag:s25] =	ssyncadd.s32 $0xFFFFB1E0  }
0x50f: {  	[tilespmem:s10], [sflag:$0x1] =	stream.linear.gather @!p0 [hbm4b:s8+s9], $0x4E20, $0x38;
	[tilespmem:$0x1D980] =	vst v63  }
0x510: {  	s8 =	simm.s32 $0x18AD0  }
0x511: {  	v15 =	vld [tilespmem:s8+$0xFFFFFFB0]  }
0x512: {  	v21 =	vld [tilespmem:s8+$0x0]  }
0x513: {  	v16 =	vld [tilespmem:s8+$0xFFFFFFC0]  }
0x514: {  	v22 =	vld [tilespmem:s8+$0xFFFFFFF0]  }
0x515: {  	v18 =	vld [tilespmem:s8+$0xFFFFFFD0]  }
0x516: {  	s18 =	simm.s32 $0x0;
	v24 =	vld [tilespmem:s8+$0xFFFFFFE0];
	v4 =	vshrl.u32 v15, $0xE  }
0x517: {  	s9 =	sand.u32 $0x7FE0, s18;
	v2 =	vld [tilespmem:s8+$0x40];
	v7 =	vshrl.u32 v21, $0xE  }
0x518: {  	v3 =	vld [tilespmem:s9+$0x18B00]  }
0x519: {  	v5 =	vld [tilespmem:s8+$0x20]  }
0x51a: {  	v8 =	vld [tilespmem:s8+$0x10];
	v10 =	vshrl.u32 v16, $0xE  }
0x51b: {  	v11 =	vshrl.u32 v22, $0xE;
	v25 =	vld.idx.msk [tilespmem:v4+s1+$0x0], $0xffff  }
0x51c: {  	v13 =	vshrl.u32 v2, $0xE;
	v6 =	vld.idx.msk [tilespmem:v7+s0+$0x0], $0xffff  }
0x51d: {  	v9 =	vld.idx.msk [tilespmem:v7+s1+$0x0], $0xffff  }
0x51e: {  	v26 =	vld.idx.msk [tilespmem:v4+s0+$0x0], $0xffff  }
0x51f: {  	v27 =	vld.idx.msk [tilespmem:v10+s1+$0x0], $0xffff  }
0x520: {  	v17 =	vshrl.u32 v3, $0xE;
	v12 =	vld.idx.msk [tilespmem:v11+s0+$0x0], $0xffff  }
0x521: {  	v4 =	vld.idx.msk [tilespmem:v13+s0+$0x0], $0xffff  }
0x522: {  	v19 =	vshrl.u32 v18, $0xE;
	v28 =	vld.idx.msk [tilespmem:v10+s0+$0x0], $0xffff  }
0x523: {  	v20 =	vshrl.u32 v24, $0xE;
	v7 =	vld.idx.msk [tilespmem:v13+s1+$0x0], $0xffff  }
0x524: {  	v23 =	vshrl.u32 v5, $0xE;
	v14 =	vld.idx.msk [tilespmem:v11+s1+$0x0], $0xffff  }
0x525: {  	v10 =	vld.idx.msk [tilespmem:v17+s0+$0x0], $0xffff  }
0x526: {  	v11 =	vld.idx.msk [tilespmem:v17+s1+$0x0], $0xffff  }
0x527: {  	v29 =	vld.idx.msk [tilespmem:v19+s1+$0x0], $0xffff  }
0x528: {  	v30 =	vshrl.u32 v8, $0xE;
	v17 =	vld.idx.msk [tilespmem:v20+s0+$0x0], $0xffff  }
0x529: {  	v13 =	vld.idx.msk [tilespmem:v23+s0+$0x0], $0xffff  }
0x52a: {  	v31 =	vand.u32 $0x3FFF, v15;
	v19 =	vld.idx.msk [tilespmem:v19+s0+$0x0], $0xffff  }
0x52b: {  	v15 =	vld.idx.msk [tilespmem:v23+s1+$0x0], $0xffff  }
0x52c: {  	v32 =	vand.u32 $0x3FFF, v16;
	v20 =	vld.idx.msk [tilespmem:v20+s1+$0x0], $0xffff  }
0x52d: {  	v16 =	vld.idx.msk [tilespmem:v30+s0+$0x0], $0xffff  }
0x52e: {  	v23 =	vand.u32 $0x3FFF, v18;
	v18 =	vld.idx.msk [tilespmem:v30+s1+$0x0], $0xffff  }
0x52f: {  	[tilespmem:v31+s2+$0x0] =	vst.idx.add.f32.msk $0xffff, v25  }
0x530: {  	[tilespmem:v31+s24+$0x0] =	vst.idx.add.f32.msk $0xffff, v26  }
0x531: {  	v24 =	vand.u32 $0x3FFF, v24;
	[tilespmem:v32+s2+$0x0] =	vst.idx.add.f32.msk $0xffff, v27  }
0x532: {  	[tilespmem:v32+s24+$0x0] =	vst.idx.add.f32.msk $0xffff, v28  }
0x533: {  	s9 =	simm.s32 $0xA0;
	v22 =	vand.u32 $0x3FFF, v22;
	v21 =	vand.u32 $0x3FFF, v21;
	[tilespmem:v23+s2+$0x0] =	vst.idx.add.f32.msk $0xffff, v29  }
.LBB2_39:
0x534: {  	p0 =	sne.s32 s9, $0x4D80  }
0x535: {  	[tilespmem:v23+s24+$0x0] =	vst.idx.add.f32.msk $0xffff, v19;
	s8 =	sadd.s32 $0xA0, s8;
	s10 =	smov.u32 s9;
	s9 =	sadd.s32 $0xA0, s9  }
0x536: {  	v8 =	vand.u32 $0x3FFF, v8;
	[tilespmem:v24+s2+$0x0] =	vst.idx.add.f32.msk $0xffff, v20  }
0x537: {  	[tilespmem:v24+s24+$0x0] =	vst.idx.add.f32.msk $0xffff, v17  }
0x538: {  	v5 =	vand.u32 $0x3FFF, v5;
	[tilespmem:v22+s2+$0x0] =	vst.idx.add.f32.msk $0xffff, v14  }
0x539: {  	[tilespmem:v22+s24+$0x0] =	vst.idx.add.f32.msk $0xffff, v12  }
0x53a: {  	v3 =	vand.u32 $0x3FFF, v3;
	[tilespmem:v21+s2+$0x0] =	vst.idx.add.f32.msk $0xffff, v9  }
0x53b: {  	[tilespmem:v21+s24+$0x0] =	vst.idx.add.f32.msk $0xffff, v6  }
0x53c: {  	v2 =	vand.u32 $0x3FFF, v2;
	[tilespmem:v8+s2+$0x0] =	vst.idx.add.f32.msk $0xffff, v18  }
0x53d: {  	[tilespmem:v8+s24+$0x0] =	vst.idx.add.f32.msk $0xffff, v16  }
0x53e: {  	[tilespmem:v5+s2+$0x0] =	vst.idx.add.f32.msk $0xffff, v15  }
0x53f: {  	[tilespmem:v5+s24+$0x0] =	vst.idx.add.f32.msk $0xffff, v13  }
0x540: {  	[tilespmem:v3+s2+$0x0] =	vst.idx.add.f32.msk $0xffff, v11  }
0x541: {  	[tilespmem:v3+s24+$0x0] =	vst.idx.add.f32.msk $0xffff, v10  }
0x542: {  	[tilespmem:v2+s2+$0x0] =	vst.idx.add.f32.msk $0xffff, v7  }
0x543: {  	[tilespmem:v2+s24+$0x0] =	vst.idx.add.f32.msk $0xffff, v4  }
0x544: {  	v15 =	vld [tilespmem:s8+$0xFFFFFFB0]  }
0x545: {  	v21 =	vld [tilespmem:s8+$0x0]  }
0x546: {  	v16 =	vld [tilespmem:s8+$0xFFFFFFC0]  }
0x547: {  	v22 =	vld [tilespmem:s8+$0xFFFFFFF0]  }
0x548: {  	v18 =	vld [tilespmem:s8+$0xFFFFFFD0]  }
0x549: {  	v24 =	vld [tilespmem:s8+$0xFFFFFFE0];
	v4 =	vshrl.u32 v15, $0xE  }
0x54a: {  	s10 =	sand.u32 $0x7FE0, s10;
	v2 =	vld [tilespmem:s8+$0x40];
	v7 =	vshrl.u32 v21, $0xE  }
0x54b: {  	v3 =	vld [tilespmem:s10+$0x18B00];
	v10 =	vshrl.u32 v16, $0xE  }
0x54c: {  	v5 =	vld [tilespmem:s8+$0x20];
	v11 =	vshrl.u32 v22, $0xE  }
0x54d: {  	v8 =	vld [tilespmem:s8+$0x10];
	v19 =	vshrl.u32 v18, $0xE  }
0x54e: {  	v20 =	vshrl.u32 v24, $0xE;
	v25 =	vld.idx.msk [tilespmem:v4+s1+$0x0], $0xffff  }
0x54f: {  	v13 =	vshrl.u32 v2, $0xE;
	v6 =	vld.idx.msk [tilespmem:v7+s0+$0x0], $0xffff  }
0x550: {  	v17 =	vshrl.u32 v3, $0xE;
	v9 =	vld.idx.msk [tilespmem:v7+s1+$0x0], $0xffff  }
0x551: {  	v23 =	vshrl.u32 v5, $0xE;
	v26 =	vld.idx.msk [tilespmem:v4+s0+$0x0], $0xffff  }
0x552: {  	v27 =	vshrl.u32 v8, $0xE;
	v28 =	vld.idx.msk [tilespmem:v10+s1+$0x0], $0xffff  }
0x553: {  	v12 =	vld.idx.msk [tilespmem:v11+s0+$0x0], $0xffff  }
0x554: {  	v4 =	vld.idx.msk [tilespmem:v13+s0+$0x0], $0xffff  }
0x555: {  	v29 =	vld.idx.msk [tilespmem:v10+s0+$0x0], $0xffff  }
0x556: {  	v7 =	vld.idx.msk [tilespmem:v13+s1+$0x0], $0xffff  }
0x557: {  	v14 =	vld.idx.msk [tilespmem:v11+s1+$0x0], $0xffff  }
0x558: {  	v10 =	vld.idx.msk [tilespmem:v17+s0+$0x0], $0xffff  }
0x559: {  	v11 =	vld.idx.msk [tilespmem:v17+s1+$0x0], $0xffff  }
0x55a: {  	v30 =	vld.idx.msk [tilespmem:v19+s1+$0x0], $0xffff  }
0x55b: {  	v17 =	vld.idx.msk [tilespmem:v20+s0+$0x0], $0xffff  }
0x55c: {  	v31 =	vand.u32 $0x3FFF, v15;
	v13 =	vld.idx.msk [tilespmem:v23+s0+$0x0], $0xffff  }
0x55d: {  	v19 =	vld.idx.msk [tilespmem:v19+s0+$0x0], $0xffff  }
0x55e: {  	v32 =	vand.u32 $0x3FFF, v16;
	v15 =	vld.idx.msk [tilespmem:v23+s1+$0x0], $0xffff  }
0x55f: {  	v20 =	vld.idx.msk [tilespmem:v20+s1+$0x0], $0xffff  }
0x560: {  	v23 =	vand.u32 $0x3FFF, v18;
	v16 =	vld.idx.msk [tilespmem:v27+s0+$0x0], $0xffff  }
0x561: {  	v18 =	vld.idx.msk [tilespmem:v27+s1+$0x0], $0xffff  }
.Ltmp18:
0x562: {  	v24 =	vand.u32 $0x3FFF, v24;
	[tilespmem:v31+s2+$0x0] =	vst.idx.add.f32.msk $0xffff, v25;
	(pc) =	sbr.rel @p0 .LBB2_39-.Ltmp18, $4  }
0x563: {  	[tilespmem:v31+s24+$0x0] =	vst.idx.add.f32.msk $0xffff, v26  }
0x564: {  	v22 =	vand.u32 $0x3FFF, v22;
	[tilespmem:v32+s2+$0x0] =	vst.idx.add.f32.msk $0xffff, v28  }
0x565: {  	[tilespmem:v32+s24+$0x0] =	vst.idx.add.f32.msk $0xffff, v29  }
0x566: {  	v21 =	vand.u32 $0x3FFF, v21;
	[tilespmem:v23+s2+$0x0] =	vst.idx.add.f32.msk $0xffff, v30  }
0x567: {  	_ =	sdelay $0x3  }
0x568: {  	[tilespmem:v23+s24+$0x0] =	vst.idx.add.f32.msk $0xffff, v19  }
0x569: {  	[tilespmem:v24+s2+$0x0] =	vst.idx.add.f32.msk $0xffff, v20  }
0x56a: {  	v8 =	vand.u32 $0x3FFF, v8;
	[tilespmem:v24+s24+$0x0] =	vst.idx.add.f32.msk $0xffff, v17  }
0x56b: {  	[tilespmem:v22+s2+$0x0] =	vst.idx.add.f32.msk $0xffff, v14  }
0x56c: {  	v5 =	vand.u32 $0x3FFF, v5;
	[tilespmem:v22+s24+$0x0] =	vst.idx.add.f32.msk $0xffff, v12  }
0x56d: {  	[tilespmem:v21+s2+$0x0] =	vst.idx.add.f32.msk $0xffff, v9  }
0x56e: {  	v3 =	vand.u32 $0x3FFF, v3;
	[tilespmem:v21+s24+$0x0] =	vst.idx.add.f32.msk $0xffff, v6  }
0x56f: {  	[tilespmem:v8+s2+$0x0] =	vst.idx.add.f32.msk $0xffff, v18  }
0x570: {  	v2 =	vand.u32 $0x3FFF, v2;
	s7 =	sadd.s32 $0x1, s7;
	[tilespmem:v8+s24+$0x0] =	vst.idx.add.f32.msk $0xffff, v16  }
0x571: {  	p0 =	sne.s32 s7, $0x8;
	[tilespmem:v5+s2+$0x0] =	vst.idx.add.f32.msk $0xffff, v15  }
.Ltmp19:
0x572: {  	[tilespmem:v5+s24+$0x0] =	vst.idx.add.f32.msk $0xffff, v13;
	(pc) =	sbr.rel @p0 .LBB2_36-.Ltmp19, $4  }
0x573: {  	[tilespmem:v3+s2+$0x0] =	vst.idx.add.f32.msk $0xffff, v11  }
0x574: {  	[tilespmem:v3+s24+$0x0] =	vst.idx.add.f32.msk $0xffff, v10  }
0x575: {  	[tilespmem:v2+s2+$0x0] =	vst.idx.add.f32.msk $0xffff, v7  }
0x576: {  	[tilespmem:v2+s24+$0x0] =	vst.idx.add.f32.msk $0xffff, v4  }
0x577: {  	_ =	swait.ge [sflag:s4], $0x2780  }
0x578: {  	[sflag:s4] =	ssyncset.done $0x0  }
0x579: {  	[sflag:s4] =	ssyncadd.s32 $0xFFFFD880  }
0x57a: {  	s8 =	simm.s32 $0x0;
	_ =	swait.ge [sflag:s4], $0x2780  }
0x57b: {  	s6 =	sand.u32 $0x70, s8;
	s7 =	sand.u32 $0x7F00, s8;
	[sflag:s4] =	ssyncset.done $0x0  }
0x57c: {  	s7 =	sor.u32 s6, s7;
	[sflag:s4] =	ssyncadd.s32 $0xFFFFD880  }
0x57d: {  	v2 =	vld [tilespmem:s7+$0xED80]  }
0x57e: {  	s6 =	simm.s32 $0x4F00  }
0x57f: {  	s9 =	simm.s32 $0x7680;
	v3 =	vld [tilespmem:s6+$0x0]  }
0x580: {  	v1 =	vbroadcast v1, $0x5;
	v4 =	vld [tilespmem:s9+$0x0];
	_ =	sdelay $0x1  }
0x581: {  	v2 =	vmul.f32 v2, v1;
	_ =	sdelay $0x1  }
0x582: {  	v3 =	vmul.f32 v2, v3  }
0x583: {  	s10 =	simm.s32 $0x9E00;
	v2 =	vmul.f32 v4, v2  }
0x584: {  	s11 =	simm.s32 $0xC580;
	[tilespmem:s10+$0x0] =	vst v3  }
0x585: {  	[tilespmem:s11+$0x0] =	vst v2  }
0x586: {  	v63 =	vld [tilespmem:s7+$0xED00];
	_ =	sdelay $0x4  }
0x587: {  	v3 =	vmul.f32 v63, v3  }
0x588: {  	s18 =	simm.s32 $0x2780;
	v2 =	vmul.f32 v63, v2  }
0x589: {  	s14 =	simm.s32 $0x20;
	s13 =	simm.s32 $0x20;
	s12 =	simm.s32 $0xC590;
	[tilespmem:s8+$0x0] =	vst v3  }
0x58a: {  	s16 =	sand.u32 $0x7F00, s13;
	s10 =	simm.s32 $0x7690;
	s7 =	simm.s32 $0x10;
	[tilespmem:s18+$0x0] =	vst v2  }
0x58b: {  	s11 =	simm.s32 $0x9E10;
	s15 =	sand.u32 $0x70, s7;
	s8 =	simm.s32 $0x2790;
	[tilespmem:s6+$0x0] =	vst v0  }
.LBB2_42:
0x58c: {  	s15 =	sor.u32 s15, s16;
	s6 =	sadd.s32 $0x10, s6;
	s16 =	smov.u32 s14  }
0x58d: {  	[tilespmem:s9+$0x0] =	vst v0;
	s17 =	sadd.s32 $0x10, s14;
	s18 =	smov.u32 s8;
	s9 =	smov.u32 s10  }
0x58e: {  	p0 =	sne.s32 s14, $0x2700;
	v2 =	vld [tilespmem:s15+$0xED80];
	_ =	sdelay $0x1  }
0x58f: {  	v3 =	vld [tilespmem:s6+$0x0]  }
0x590: {  	v4 =	vld [tilespmem:s10+$0x0];
	_ =	sdelay $0x1  }
0x591: {  	v2 =	vmul.f32 v2, v1;
	_ =	sdelay $0x1  }
0x592: {  	v3 =	vmul.f32 v2, v3  }
0x593: {  	v2 =	vmul.f32 v4, v2  }
0x594: {  	[tilespmem:s11+$0x0] =	vst v3  }
0x595: {  	[tilespmem:s12+$0x0] =	vst v2  }
0x596: {  	v4 =	vld [tilespmem:s15+$0xED00];
	_ =	sdelay $0x4  }
.Ltmp20:
0x597: {  	v3 =	vmul.f32 v4, v3;
	v2 =	vmul.f32 v4, v2;
	(pc) =	sbr.rel @p0 .LBB2_42-.Ltmp20, $4  }
0x598: {  	_ = 	snop  }
0x599: {  	s8 =	sadd.s32 $0x10, s8;
	s13 =	sadd.s32 $0x20, s13;
	[tilespmem:s7+$0x0] =	vst v3;
	s7 =	sadd.s32 $0x10, s7  }
0x59a: {  	s14 =	smov.u32 s17;
	s11 =	sadd.s32 $0x10, s11;
	s12 =	sadd.s32 $0x10, s12;
	[tilespmem:s18+$0x0] =	vst v2  }
0x59b: {  	s10 =	sadd.s32 $0x10, s10;
	s15 =	sand.u32 $0x70, s16;
	s16 =	sand.u32 $0x7F00, s13;
	[tilespmem:s6+$0x0] =	vst v0  }
0x59c: {  	s13 =	sor.u32 s15, s16;
	[tilespmem:s9+$0x0] =	vst v0  }
0x59d: {  	v2 =	vld [tilespmem:s13+$0xED80]  }
0x59e: {  	s6 =	sadd.s32 $0x10, s6  }
0x59f: {  	v3 =	vld [tilespmem:s6+$0x0]  }
0x5a0: {  	v4 =	vld [tilespmem:s10+$0x0];
	_ =	sdelay $0x1  }
0x5a1: {  	v1 =	vmul.f32 v2, v1;
	_ =	sdelay $0x1  }
0x5a2: {  	v2 =	vmul.f32 v1, v3  }
0x5a3: {  	v1 =	vmul.f32 v4, v1  }
0x5a4: {  	[tilespmem:s11+$0x0] =	vst v2  }
0x5a5: {  	[tilespmem:s12+$0x0] =	vst v1  }
0x5a6: {  	v3 =	vld [tilespmem:s13+$0xED00];
	_ =	sdelay $0x4  }
0x5a7: {  	v2 =	vmul.f32 v3, v2  }
0x5a8: {  	v1 =	vmul.f32 v3, v1  }
0x5a9: {  	[tilespmem:s7+$0x0] =	vst v2  }
0x5aa: {  	[tilespmem:s8+$0x0] =	vst v1  }
0x5ab: {  	[tilespmem:s6+$0x0] =	vst v0  }
0x5ac: {  	s18 =	rddreg [dreg:$0x11];
	[tilespmem:s10+$0x0] =	vst v0  }
0x5ad: {  	[hbm4b:s18+s21] =	stream.strided.scatter [tilespmem:s26], [sflag:$0x3], $0x2780, s22, s21, $0x38;
	[tilespmem:$0x1D980] =	vst v63  }
0x5ae: {  	s5 =	sadd.s32 $0x1, s5  }
0x5af: {  	[hbm4b:s19+s21] =	stream.strided.scatter [tilespmem:s28], [sflag:$0x3], $0x2780, s22, s21, $0x38;
	[tilespmem:$0x1D980] =	vst v63  }
0x5b0: {  	p0 =	sne.s32 s5, s20;
	_ =	swait.ge [sflag:s4], $0x2780  }
.Ltmp21:
0x5b1: {  	[sflag:s4] =	ssyncset.done $0x0;
	(pc) =	sbr.rel @p0 .LBB2_1-.Ltmp21, $4  }
0x5b2: {  	[sflag:s4] =	ssyncadd.s32 $0xFFFFD880  }
0x5b3: {  	_ =	swait.ge [sflag:s4], $0x2780  }
0x5b4: {  	[sflag:s4] =	ssyncset.done $0x0  }
0x5b5: {  	[sflag:s4] =	ssyncadd.s32 $0xFFFFD880  }
0x5b6: {  	_ =	sfence.sel $0x180000  }
0x5b7: {  	[bflag:$0x0] =	sbarrier.arrive $0xFFFF  }
0x5b8: {  	_ =	strace $0x9000004A  }
0x5b9: {  	s0 =	stileid.u32;
	[bflag:$0x2] =	sbarrier.arrive $0xFFFF  }
0x5ba: {  	p0 =	sne.s32 s0, $0x0;
	s0 =	rddreg [dreg:$0x2]  }
0x5bb: {  	s0 =	sadd.s32 @!p0 $0x100000, s0  }
0x5bc: {  	[sflag:s0] =	ssyncadd.tile.s32 @!p0 $0x1;
	_ =	shalt  }
.Lfunc_end2:
_tile_overlayer_lowered:
.L_overlay_start_2:
0x5bd: {  	(tag) =	ssettag $0x2  }
0x5be: {  	s0 =	rddreg [dreg:$0x0];
	s2 =	stileid.u32  }
0x5bf: {  	s1 =	rddreg [dreg:$0x1];
	p0 =	sne.s32 s2, $0x0  }
0x5c0: {  	s3 =	rddreg [dreg:$0x2];
	[bflag:$0x3] =	sbarrier.arrive $0xFFFF;
	s2 =	simm.s32 @!p0 $0x1C04  }
0x5c1: {  	[timem:s3], [sflag:s2] =	dma.local @!p0 [hbm:s0], s1  }
0x5c2: {  	s0 =	simm.s32 @!p0 $0x4  }
0x5c3: {  	_ =	swait.ge @!p0 [sflag:s0], s1  }
0x5c4: {  	s1 =	ssub.s32 @!p0 $0x0, s1;
	[sflag:s0] =	ssyncset.done @!p0 $0x0  }
0x5c5: {  	[sflag:s0] =	ssyncadd.s32 @!p0 s1  }
0x5c6: {  	[bflag:$0x3] =	sbarrier.arrive $0xFFFF  }
0x5c7: {  	_ =	shalt  }

// kernel: kernel.7.cloned.1.call-start
scs
__scs_entry_jumppad:
0x0: {  	(pc) =	sbr.rel $0x88, $3  }
0x1: {  	(tag) =	ssettag $0x0;
	lr =	simm.s32 $0x1  }
0x2: {  	[smem:$0x3F98] =	sst lr;
	_ =	strace $0xD0000000  }
0x3: {  	_ = 	snop  }
0x4: {  	_ = 	snop  }
0x5: {  	_ = 	snop  }
0x6: {  	_ = 	snop  }
0x7: {  	_ = 	snop  }
__scs_overlays_trampoline_lowered:
0x8: {  	[smem:$0x3FA7] =	sst s0  }
0x9: {  	[smem:$0x3FA8] =	sst s1  }
0xa: {  	[smem:$0x3FA9] =	sst s2  }
0xb: {  	[smem:$0x3FAA] =	sst s3  }
0xc: {  	[smem:$0x3FAB] =	sst s4  }
0xd: {  	[smem:$0x3FAC] =	sst s5  }
0xe: {  	[smem:$0x3FAD] =	sst s6  }
0xf: {  	[smem:$0x3FAE] =	sst s7  }
0x10: {  	[smem:$0x3FAF] =	sst s8  }
0x11: {  	[smem:$0x3FB0] =	sst s9;
	s0 =	simm.s32 @!p0 $0x0  }
0x12: {  	s1 =	sld [smem:$0x3F96];
	s0 =	simm.s32 @p0 $0x1  }
0x13: {  	[smem:$0x3FB1] =	sst s0;
	s0 =	simm.s32 @!p1 $0x0  }
0x14: {  	s2 =	sld [smem:$0x3F95];
	s0 =	simm.s32 @p1 $0x1  }
0x15: {  	[smem:$0x3FB2] =	sst s0;
	s0 =	simm.s32 @!p2 $0x0  }
0x16: {  	s3 =	sld [smem:$0x3FDB];
	s0 =	simm.s32 @p2 $0x1  }
0x17: {  	s4 =	simm.s32 $0x1BF5;
	[smem:$0x3FB4] =	sst s0  }
0x18: {  	s0 =	sld [smem:$0x3F97];
	_ =	swait.ge [sflag:s4], $0x0  }
0x19: {  	s7 =	sld [smem:$0x3F98]  }
0x1a: {  	s8 =	sadd.s32 $0xFFFFE003, lr  }
0x1b: {  	s9 =	sadd.s32 $0xFFFFFEF7, lr;
	s5 =	simm.s32 $0xFFFFFFFF;
	p2 =	slt.u32 s8, $0xFFFFF086  }
0x1c: {  	p1 =	slt.u32 s9, $0xF7A;
	s5 =	simm.s32 @!p2 $0x0  }
0x1d: {  	s5 =	simm.s32 @p1 $0x1;
	p0 =	seq.s32 s7, s2  }
0x1e: {  	s7 =	smul.u32 @!p0 $0xF7A, s2;
	p2 =	seq.s32 @!p0 s5, $0x0  }
0x1f: {  	s9 =	smul.u32 $0xF7A, s1;
	s8 =	simm.s32 @!p0 $0x1BF5;
	p2 =	por !p2, p0  }
0x20: {  	[sflag:s8] =	ssyncset.s32 @!p0 $0xFFFFF086;
	s6 =	sadd.s32 @!p0 s3, s7;
	s7 =	simm.s32 @!p0 $0x108  }
0x21: {  	s3 =	sadd.s32 s3, s9;
	s6 =	sadd.s32 @!p0 $0x88, s6;
	s7 =	simm.s32 @p2 $0x1082  }
0x22: {  	[simem:s7], [sflag:s8] =	dma.local @!p0 [hbm:s6], $0xF7A  }
0x23: {  	s9 =	sor.u32 $0xD0000000, s2;
	s6 =	simm.s32 $0x108;
	_ =	swait.ge @!p0 [sflag:s8], $0x0  }
0x24: {  	s3 =	sadd.s32 $0x88, s3;
	s6 =	simm.s32 @!p1 $0x1082;
	[sflag:s4] =	ssyncset.s32 $0xFFFFF086  }
0x25: {  	[simem:s6], [sflag:s4] =	dma.local [hbm:s3], $0xF7A  }
0x26: {  	[smem:$0x3F98] =	sst s1;
	(tag) =	ssettag s2;
	_ =	strace s9  }
0x27: {  	s1 =	sld [smem:$0x3FA8]  }
0x28: {  	s2 =	sld [smem:$0x3FA9]  }
0x29: {  	s4 =	sld [smem:$0x3FAB]  }
0x2a: {  	p0 =	seq.s32 s5, $0x0;
	s5 =	sld [smem:$0x3FAC]  }
0x2b: {  	s6 =	sld [smem:$0x3FAD]  }
0x2c: {  	s7 =	sld [smem:$0x3FAE]  }
0x2d: {  	s3 =	simm.s32 $0x108;
	s8 =	sld [smem:$0x3FAF]  }
0x2e: {  	s3 =	simm.s32 @!p0 $0x1082;
	s9 =	sld [smem:$0x3FB0]  }
0x2f: {  	lr =	sadd.s32 s0, s3;
	s0 =	sld [smem:$0x3FA7]  }
0x30: {  	s3 =	sld [smem:$0x3FAA]  }
0x31: {  	[smem:$0x3FB3] =	sst s10  }
0x32: {  	s10 =	sld [smem:$0x3FB1];
	_ =	sdelay $0x3  }
0x33: {  	p0 =	seq.s32 s10, $0x1;
	s10 =	sld [smem:$0x3FB3];
	_ =	sdelay $0x3  }
0x34: {  	[smem:$0x3FB3] =	sst s10  }
0x35: {  	s10 =	sld [smem:$0x3FB2];
	_ =	sdelay $0x3  }
0x36: {  	p1 =	seq.s32 s10, $0x1;
	s10 =	sld [smem:$0x3FB3];
	_ =	sdelay $0x3  }
0x37: {  	[smem:$0x3FB3] =	sst s10  }
0x38: {  	s10 =	sld [smem:$0x3FB4]  }
0x39: {  	_ = 	snop;
	(pc) =	sbr.ind lr, $3  }
0x3a: {  	_ = 	snop  }
0x3b: {  	_ = 	snop  }
0x3c: {  	p2 =	seq.s32 s10, $0x1;
	s10 =	sld [smem:$0x3FB3]  }
0x3d: {  	_ =	shalt  }
0x3e: {  	_ =	shalt  }
0x3f: {  	_ =	shalt  }
0x40: {  	_ =	shalt  }
0x41: {  	_ =	shalt  }
0x42: {  	_ =	shalt  }
0x43: {  	_ =	shalt  }
0x44: {  	_ =	shalt  }
0x45: {  	_ =	shalt  }
0x46: {  	_ =	shalt  }
0x47: {  	_ =	shalt  }
0x48: {  	_ =	shalt  }
0x49: {  	_ =	shalt  }
0x4a: {  	_ =	shalt  }
0x4b: {  	_ =	shalt  }
0x4c: {  	_ =	shalt  }
0x4d: {  	_ =	shalt  }
0x4e: {  	_ =	shalt  }
0x4f: {  	_ =	shalt  }
0x50: {  	_ =	shalt  }
0x51: {  	_ =	shalt  }
0x52: {  	_ =	shalt  }
0x53: {  	_ =	shalt  }
0x54: {  	_ =	shalt  }
0x55: {  	_ =	shalt  }
0x56: {  	_ =	shalt  }
0x57: {  	_ =	shalt  }
0x58: {  	_ =	shalt  }
0x59: {  	_ =	shalt  }
0x5a: {  	_ =	shalt  }
0x5b: {  	_ =	shalt  }
0x5c: {  	_ =	shalt  }
0x5d: {  	_ =	shalt  }
0x5e: {  	_ =	shalt  }
0x5f: {  	_ =	shalt  }
0x60: {  	_ =	shalt  }
0x61: {  	_ =	shalt  }
0x62: {  	_ =	shalt  }
0x63: {  	_ =	shalt  }
0x64: {  	_ =	shalt  }
0x65: {  	_ =	shalt  }
0x66: {  	_ =	shalt  }
0x67: {  	_ =	shalt  }
0x68: {  	_ =	shalt  }
0x69: {  	_ =	shalt  }
0x6a: {  	_ =	shalt  }
0x6b: {  	_ =	shalt  }
0x6c: {  	_ =	shalt  }
0x6d: {  	_ =	shalt  }
0x6e: {  	_ =	shalt  }
0x6f: {  	_ =	shalt  }
0x70: {  	_ =	shalt  }
0x71: {  	_ =	shalt  }
0x72: {  	_ =	shalt  }
0x73: {  	_ =	shalt  }
0x74: {  	_ =	shalt  }
0x75: {  	_ =	shalt  }
0x76: {  	_ =	shalt  }
0x77: {  	_ =	shalt  }
0x78: {  	_ =	shalt  }
0x79: {  	_ =	shalt  }
0x7a: {  	_ =	shalt  }
0x7b: {  	_ =	shalt  }
0x7c: {  	_ =	shalt  }
0x7d: {  	_ =	shalt  }
0x7e: {  	_ =	shalt  }
0x7f: {  	_ =	shalt  }
0x80: {  	_ =	shalt  }
0x81: {  	_ =	shalt  }
0x82: {  	_ =	shalt  }
0x83: {  	_ =	shalt  }
0x84: {  	_ =	shalt  }
0x85: {  	_ =	shalt  }
0x86: {  	_ =	shalt  }
0x87: {  	_ =	shalt  }
.Lfunc_end0:
.L_simem_size_0:
called_computation_lowered:
.L_overlay_start_0:
0x88: {  	s2 =	sld [smem:$0x3FD9]  }
0x89: {  	s3 =	sld [smem:$0x3FFE];
	_ =	sdelay $0x1  }
0x8a: {  	s1 =	srdreg.scid  }
0x8b: {  	s0 =	sand.u32 $0x1, s1  }
0x8c: {  	s17 =	sshll.u32 s0, $0xA;
	s2 =	sadd.s32 s3, s2  }
0x8d: {  	s2 =	sadd.s32 s2, s17  }
0x8e: {  	[smem:$0x3FBF] =	sst s2  }
0x8f: {  	_ = 	snop  }
0x90: {  	s2 =	sld [smem:$0x3FD0];
	(tm) =	ssettm $0x1  }
0x91: {  	s18 =	sld [smem:$0x3FFB];
	_ =	sdelay $0x3  }
0x92: {  	_ =	strace s18  }
0x93: {  	s3 =	sld [smem:$0x3FFC];
	_ =	sdelay $0x3  }
0x94: {  	_ =	strace s3  }
0x95: {  	s3 =	sld [smem:$0x3FFD];
	_ =	sdelay $0x3  }
0x96: {  	_ =	strace s3  }
0x97: {  	_ =	strace $0x8FFFFFFF  }
0x98: {  	s19 =	sld [smem:$0x3FDB];
	_ =	sdelay $0x1  }
0x99: {  	s4 =	simm.s32 $_scs_section_size  }
0x9a: {  	s5 =	simm.s32 $_size__tile_overlayer_lowered;
	s6 =	simm.s32 $_tile_overlayer_lowered  }
0x9b: {  	s22 =	simm.s32 $0x1BFF;
	s21 =	sshll.u32 s6, $0x1;
	s3 =	sadd.s32 s4, s19  }
0x9c: {  	s7 =	simm.s32 $0x0;
	s20 =	sshll.u32 s5, $0x1;
	s5 =	sadd.s32 s21, s3  }
0x9d: {  	[timem:s7], [sflag:s22] =	dma.local [hbm:s5], s20  }
0x9e: {  	_ =	swait.ge [sflag:s22], s20  }
0x9f: {  	s4 =	ssub.s32 $0x0, s20;
	[sflag:s22] =	ssyncset.done $0x0  }
0xa0: {  	[sflag:s22] =	ssyncadd.s32 s4;
	_ =	sdelay $0x1  }
0xa1: {  	s23 =	simm.s32 $0x1B8B  }
0xa2: {  	_ =	swait.ge [sflag:s23], $0x1  }
0xa3: {  	[sflag:s23] =	ssyncset.done $0x0  }
0xa4: {  	s25 =	simm.s32 $0x1B8E;
	s24 =	sld [smem:$0x3FFE];
	[sflag:s23] =	ssyncadd.s32 $0xFFFFFFFF  }
0xa5: {  	s26 =	simm.s32 $execute0_lowered;
	[smem:$0x3FD2] =	sst s25  }
0xa6: {  	s5 =	sshll.u32 s26, $0x1;
	_ =	strace $0x80000046;
	[dreg:$0x1] =	wrdreg $0xFFFFFFFF  }
0xa7: {  	s28 =	simm.s32 $_size_execute0_lowered;
	s3 =	sadd.s32 s3, s5;
	[dreg:$0x0] =	wrdreg $0x0  }
0xa8: {  	s5 =	sshll.u32 s28, $0x1;
	[dreg:$0x2] =	wrdreg s3  }
0xa9: {  	[dreg:$0x3] =	wrdreg s5  }
0xaa: {  	[dreg:$0x4] =	wrdreg $0xC0  }
0xab: {  	_ =	task [dreg:s7], $0x5FFFF  }
0xac: {  	[dreg:$0x1] =	wrdreg $0xFFFFFFFF  }
0xad: {  	[dreg:$0x0] =	wrdreg $0x60  }
0xae: {  	[dreg:$0x2] =	wrdreg s2  }
0xaf: {  	[dreg:$0x3] =	wrdreg s24  }
0xb0: {  	[dreg:$0x4] =	wrdreg $0x9  }
0xb1: {  	_ =	task.clear_ibuf [dreg:s7], $0x5FFFF;
	_ =	strace $0x90000046  }
0xb2: {  	s29 =	simm.s32 $0x9;
	_ =	strace $0x80000048  }
0xb3: {  	_ =	swait.ge [sflag:s29], $0x1  }
0xb4: {  	[sflag:s29] =	ssyncadd.s32 $0xFFFFFFFF  }
0xb5: {  	_ =	strace $0x90000048  }
0xb6: {  	_ =	sfence  }
0xb7: {  	s30 =	sld [smem:$0x0];
	_ =	sdelay $0x2  }
0xb8: {  	s31 =	sshll.u32 s1, $0xD;
	s1 =	sshrl.u32 s1, $0x2  }
0xb9: {  	s3 =	sand.u32 $0x4000, s31;
	s1 =	sadd.s32 s1, s30  }
0xba: {  	s0 =	sor.u32 s3, s0;
	s1 =	sshll.u32 s1, $0x11  }
0xbb: {  	s0 =	sor.u32 s1, s0  }
0xbc: {  	s0 =	sadd.s32 $0x8F2B, s0  }
0xbd: {  	[sflag:s0] =	ssyncadd.remote.s32 $0x1  }
0xbe: {  	_ =	sfence.sel $0xFFFF  }
0xbf: {  	[dreg:$0x0] =	wrdreg $0xFFFFFFFF;
	(pc) =	sbr.abs _section_cstart, $3  }
0xc0: {  	[dreg:$0x1] =	wrdreg $0xFFFFFFFF  }
0xc1: {  	_ =	task.clear_ibuf [dreg:s7], $0x2FFFF;
	_ =	strace $0x9FFFFFFF  }
0xc2: {  	(tm) =	ssettm $0x7FFFFFFF  }
0xc3: {  	_ =	shalt  }
tec
execute0_lowered:
.L_overlay_start_1:
0x0: {  	(tag) =	ssettag $0x1  }
0x1: {  	s3 =	rddreg [dreg:$0x0];
	s1 =	srdreg.scid  }
0x2: {  	s0 =	stileid.u32;
	s4 =	rddreg [dreg:$0x1]  }
0x3: {  	s11 =	simm.s32 $0x9E80;
	s12 =	simm.s32 $0xC600;
	s13 =	simm.s32 $0x9E00  }
0x4: {  	s14 =	simm.s32 $0x7680;
	s15 =	simm.s32 $0x4F00;
	s16 =	simm.s32 $0x80  }
0x5: {  	s17 =	simm.s32 $0x400;
	s18 =	simm.s32 $0x0;
	s5 =	sand.u32 $0x1, s1  }
0x6: {  	s2 =	sshll.u32 s0, $0x1;
	s1 =	rddreg [dreg:$0x2];
	s8 =	sshrl.u32 s0, $0x2  }
0x7: {  	s6 =	sor.u32 s5, s2;
	s2 =	simm.s32 $0x0;
	s8 =	smul.u32 $0x13C00, s8  }
0x8: {  	s5 =	ssub.s32 $0x2, s5;
	s7 =	smul.u32 $0x2710, s6;
	[smem:$0x7FF] =	sst s2  }
0x9: {  	s6 =	sshll.u32 s6, $0x7;
	s9 =	sshrl.u32 s5, $0x1;
	_ =	strace $0x80000047  }
0xa: {  	s6 =	sand.u32 $0x380, s6;
	s9 =	ssub.s32 s5, s9;
	s7 =	sshrl.u32 s7, $0x3  }
0xb: {  	s6 =	sor.u32 s8, s6;
	s8 =	smax.u32 s9, $0x1;
	s9 =	simm.s32 $0x1  }
0xc: {  	s31 =	sadd.s32 s7, s4;
	s6 =	sshrl.u32 s6, $0x3;
	s3 =	sadd.s32 s3, s7  }
0xd: {  	v0 =	vimm.s32 $0x0;
	s10 =	sadd.s32 s6, s4;
	s4 =	sadd.s32 $0x9C40, s3;
	s5 =	sadd.s32 $0x16600, s31  }
0xe: {  	v1 =	vimm.f32 $0.0e+00;
	v2 =	vimm.f32 $1.000000000e+00;
	v3 =	vimm.s32 $0x1;
	s6 =	sadd.s32 $0x2A00, s10;
	s7 =	sadd.s32 $0xC800, s10;
	s10 =	simm.s32 $0x2780  }
.LBB2_1:
0xf: {  	[tilespmem:s2], [sflag:$0x1] =	stream.linear.gather [hbm4b:s3+s2], $0x2710, $0x38;
	[tilespmem:$0xED80] =	vst v63  }
0x10: {  	_ =	swait.ge [sflag:s9], $0x2710  }
0x11: {  	[sflag:s9] =	ssyncset.done $0x0  }
0x12: {  	[sflag:s9] =	ssyncadd.s32 $0xFFFFD8F0  }
0x13: {  	[tilespmem:s10], [sflag:$0x1] =	stream.linear.gather [hbm4b:s4+s2], $0x2710, $0x38;
	[tilespmem:$0xED80] =	vst v63  }
0x14: {  	_ =	swait.ge [sflag:s9], $0x2710  }
0x15: {  	[sflag:s9] =	ssyncset.done $0x0  }
0x16: {  	[sflag:s9] =	ssyncadd.s32 $0xFFFFD8F0  }
0x17: {  	s19 =	simm.s32 $0x0;
	[tilespmem:$0x9E00] =	vst v0  }
.LBB2_2:
0x18: {  	p0 =	sne.s32 s19, $0x9C00  }
.Ltmp0:
0x19: {  	_ = 	snop;
	(pc) =	sbr.rel @p0 .LBB2_2-.Ltmp0, $4  }
0x1a: {  	_ = 	snop  }
0x1b: {  	s20 =	sshra.s32 s19, $0x2  }
0x1c: {  	[tilespmem:s20+$0x9E80] =	vst v1  }
0x1d: {  	s19 =	sadd.s32 $0x40, s19;
	[tilespmem:s20+$0xC600] =	vst v1  }
0x1e: {  	s19 =	simm.s32 $0x0  }
0x1f: {  	v4 =	vld [tilespmem:s19+$0x0]  }
0x20: {  	v5 =	vld [tilespmem:s19+$0x2780];
	_ =	sdelay $0x3  }
0x21: {  	v6 =	vshll.u32 v4, $0xE  }
0x22: {  	v6 =	vor.u32 v5, v6  }
0x23: {  	[tilespmem:s19+$0x4F00] =	vst v6;
	v6 =	vshrl.u32 v5, $0x1  }
0x24: {  	[tilespmem:v4+s11+$0x0] =	vst.idx.add.f32.msk $0xffff, v2;
	v4 =	vand.u32 $0xF, v6;
	_ =	sdelay $0x2  }
0x25: {  	s20 =	simm.s32 $0x80;
	s19 =	simm.s32 $0x40;
	[tilespmem:v5+s12+$0x0] =	vst.idx.add.f32.msk $0xffff, v2  }
.LBB2_4:
0x26: {  	p0 =	sne.s32 s20, $0x9C00  }
0x27: {  	s21 =	sshra.s32 s19, $0x2;
	[tilespmem:v4+s13+$0x0] =	vst.idx.add.s32.msk $0xffff, v3;
	s19 =	smov.u32 s20;
	s20 =	sadd.s32 $0x40, s20  }
0x28: {  	v5 =	vld [tilespmem:s21+$0x2780]  }
0x29: {  	v6 =	vld [tilespmem:s21+$0x0];
	_ =	sdelay $0x3  }
0x2a: {  	v4 =	vshrl.u32 v5, $0x1  }
.Ltmp1:
0x2b: {  	v7 =	vshll.u32 v6, $0xE;
	v4 =	vand.u32 $0xF, v4;
	(pc) =	sbr.rel @p0 .LBB2_4-.Ltmp1, $4  }
0x2c: {  	v7 =	vor.u32 v5, v7  }
0x2d: {  	[tilespmem:s21+$0x4F00] =	vst v7  }
0x2e: {  	[tilespmem:v6+s11+$0x0] =	vst.idx.add.f32.msk $0xffff, v2  }
0x2f: {  	[tilespmem:v5+s12+$0x0] =	vst.idx.add.f32.msk $0xffff, v2  }
0x30: {  	_ =	sdelay $0x3  }
0x31: {  	s19 =	sshra.s32 s19, $0x2;
	[tilespmem:v4+s13+$0x0] =	vst.idx.add.s32.msk $0xffff, v3  }
0x32: {  	v4 =	vld [tilespmem:s19+$0x2780]  }
0x33: {  	v5 =	vld [tilespmem:s19+$0x0];
	_ =	sdelay $0x3  }
0x34: {  	v6 =	vshrl.u32 v4, $0x1  }
0x35: {  	v7 =	vshll.u32 v5, $0xE;
	v6 =	vand.u32 $0xF, v6  }
0x36: {  	v7 =	vor.u32 v4, v7  }
0x37: {  	[tilespmem:s19+$0x4F00] =	vst v7  }
0x38: {  	[tilespmem:v5+s11+$0x0] =	vst.idx.add.f32.msk $0xffff, v2  }
0x39: {  	[tilespmem:v4+s12+$0x0] =	vst.idx.add.f32.msk $0xffff, v2  }
0x3a: {  	[tilespmem:v6+s13+$0x0] =	vst.idx.add.s32.msk $0xffff, v3  }
0x3b: {  	v5 =	vld [tilespmem:$0x9E00];
	_ =	sdelay $0x4  }
0x3c: {  	(xrf0) =	vadd.scan.msk.s32 $0xffff, v5;
	_ =	sdelay $0x5  }
0x3d: {  	v4, _, _ =	vpop (xrf0)  }
0x3e: {  	v5 =	vsub.s32 v4, v5  }
0x3f: {  	(v2sf) =	vpush v5, $0x0;
	_ =	sdelay $0x4  }
0x40: {  	s31 =	simm.s32 $0x0  }
0x41: {  	v6 =	vld [tilespmem:s31+$0x4F00];
	_ =	sdelay $0x4  }
0x42: {  	v7 =	vand.u32 $0x1E, v6  }
0x43: {  	vm0 =	veq.s32 v7, $0x0  }
0x44: {  	v7 =	vmpcnt.ones.xlane vm0;
	_ =	sdelay $0x1  }
0x45: {  	s19 =	spop (v2sf);
	(v2sf) =	vpush v7, $0x0;
	_ =	sdelay $0x5  }
0x46: {  	s21 =	simm.s32 $0x10;
	s20 =	simm.s32 $0x80;
	[tilespmem:s19+$0x7680] =	vst.msk vm0, v6  }
.LBB2_6:
0x47: {  	p0 =	sne.s32 s20, $0x9C00;
	v6 =	vld [tilespmem:s21+$0x4F00];
	_ =	sdelay $0x4  }
0x48: {  	v7 =	vand.u32 $0x1E, v6  }
0x49: {  	vm0 =	veq.s32 v7, $0x0  }
0x4a: {  	v7 =	vmpcnt.ones.xlane vm0  }
0x4b: {  	s21 =	spop (v2sf)  }
0x4c: {  	(v2sf) =	vpush v7, $0x0;
	s19 =	sadd.s32 s19, s21  }
0x4d: {  	[tilespmem:s19+$0x7680] =	vst.msk vm0, v6  }
.Ltmp2:
0x4e: {  	(pc) =	sbr.rel @p0 .LBB2_6-.Ltmp2, $2  }
0x4f: {  	_ =	sdelay $0x2  }
0x50: {  	s21 =	sshra.s32 s20, $0x2;
	s20 =	sadd.s32 $0x40, s20  }
0x51: {  	v6 =	vld [tilespmem:s21+$0x4F00];
	_ =	sdelay $0x4  }
0x52: {  	v7 =	vand.u32 $0x1E, v6  }
0x53: {  	vm0 =	veq.s32 v7, $0x0  }
0x54: {  	v7 =	vmpcnt.ones.xlane vm0  }
0x55: {  	s20 =	spop (v2sf)  }
0x56: {  	(v2sf) =	vpush v7, $0x0;
	s19 =	sadd.s32 s19, s20  }
0x57: {  	s30 =	simm.s32 $0x0;
	(v2sf) =	vpush v5, $0x1;
	[tilespmem:s19+$0x7680] =	vst.msk vm0, v6  }
0x58: {  	v6 =	vld [tilespmem:s30+$0x4F00];
	_ =	sdelay $0x4  }
0x59: {  	v7 =	vand.u32 $0x1E, v6  }
0x5a: {  	vm15 =	veq.s32 v7, $0x2  }
0x5b: {  	v7 =	vmpcnt.ones.xlane vm15;
	_ =	sdelay $0x1  }
0x5c: {  	(v2sf) =	vpush v7, $0x0;
	_ =	sdelay $0x3  }
0x5d: {  	s31 =	spop (v2sf)  }
0x5e: {  	s19 =	spop (v2sf)  }
0x5f: {  	s21 =	simm.s32 $0x10;
	s20 =	simm.s32 $0x80;
	[tilespmem:s19+$0x7680] =	vst.msk vm15, v6  }
.LBB2_8:
0x60: {  	p0 =	sne.s32 s20, $0x9C00;
	v6 =	vld [tilespmem:s21+$0x4F00];
	_ =	sdelay $0x4  }
0x61: {  	v7 =	vand.u32 $0x1E, v6  }
0x62: {  	vm0 =	veq.s32 v7, $0x2  }
0x63: {  	v7 =	vmpcnt.ones.xlane vm0  }
0x64: {  	s21 =	spop (v2sf)  }
0x65: {  	(v2sf) =	vpush v7, $0x0;
	s19 =	sadd.s32 s19, s21  }
0x66: {  	[tilespmem:s19+$0x7680] =	vst.msk vm0, v6  }
.Ltmp3:
0x67: {  	(pc) =	sbr.rel @p0 .LBB2_8-.Ltmp3, $2  }
0x68: {  	_ =	sdelay $0x2  }
0x69: {  	s21 =	sshra.s32 s20, $0x2;
	s20 =	sadd.s32 $0x40, s20  }
0x6a: {  	v6 =	vld [tilespmem:s21+$0x4F00];
	_ =	sdelay $0x4  }
0x6b: {  	v7 =	vand.u32 $0x1E, v6  }
0x6c: {  	vm0 =	veq.s32 v7, $0x2  }
0x6d: {  	v7 =	vmpcnt.ones.xlane vm0  }
0x6e: {  	s20 =	spop (v2sf)  }
0x6f: {  	(v2sf) =	vpush v7, $0x0;
	s19 =	sadd.s32 s19, s20  }
0x70: {  	s30 =	simm.s32 $0x0;
	(v2sf) =	vpush v5, $0x2;
	[tilespmem:s19+$0x7680] =	vst.msk vm0, v6  }
0x71: {  	v6 =	vld [tilespmem:s30+$0x4F00];
	_ =	sdelay $0x4  }
0x72: {  	v7 =	vand.u32 $0x1E, v6  }
0x73: {  	vm15 =	veq.s32 v7, $0x4  }
0x74: {  	v7 =	vmpcnt.ones.xlane vm15;
	_ =	sdelay $0x1  }
0x75: {  	(v2sf) =	vpush v7, $0x0;
	_ =	sdelay $0x3  }
0x76: {  	s31 =	spop (v2sf)  }
0x77: {  	s19 =	spop (v2sf)  }
0x78: {  	s21 =	simm.s32 $0x10;
	s20 =	simm.s32 $0x80;
	[tilespmem:s19+$0x7680] =	vst.msk vm15, v6  }
.LBB2_10:
0x79: {  	p0 =	sne.s32 s20, $0x9C00;
	v6 =	vld [tilespmem:s21+$0x4F00];
	_ =	sdelay $0x4  }
0x7a: {  	v7 =	vand.u32 $0x1E, v6  }
0x7b: {  	vm0 =	veq.s32 v7, $0x4  }
0x7c: {  	v7 =	vmpcnt.ones.xlane vm0  }
0x7d: {  	s21 =	spop (v2sf)  }
0x7e: {  	(v2sf) =	vpush v7, $0x0;
	s19 =	sadd.s32 s19, s21  }
0x7f: {  	[tilespmem:s19+$0x7680] =	vst.msk vm0, v6  }
.Ltmp4:
0x80: {  	(pc) =	sbr.rel @p0 .LBB2_10-.Ltmp4, $2  }
0x81: {  	_ =	sdelay $0x2  }
0x82: {  	s21 =	sshra.s32 s20, $0x2;
	s20 =	sadd.s32 $0x40, s20  }
0x83: {  	v6 =	vld [tilespmem:s21+$0x4F00];
	_ =	sdelay $0x4  }
0x84: {  	v7 =	vand.u32 $0x1E, v6  }
0x85: {  	vm0 =	veq.s32 v7, $0x4  }
0x86: {  	v7 =	vmpcnt.ones.xlane vm0  }
0x87: {  	s20 =	spop (v2sf)  }
0x88: {  	(v2sf) =	vpush v7, $0x0;
	s19 =	sadd.s32 s19, s20  }
0x89: {  	s30 =	simm.s32 $0x0;
	(v2sf) =	vpush v5, $0x3;
	[tilespmem:s19+$0x7680] =	vst.msk vm0, v6  }
0x8a: {  	v6 =	vld [tilespmem:s30+$0x4F00];
	_ =	sdelay $0x4  }
0x8b: {  	v7 =	vand.u32 $0x1E, v6  }
0x8c: {  	vm15 =	veq.s32 v7, $0x6  }
0x8d: {  	v7 =	vmpcnt.ones.xlane vm15;
	_ =	sdelay $0x1  }
0x8e: {  	(v2sf) =	vpush v7, $0x0;
	_ =	sdelay $0x3  }
0x8f: {  	s31 =	spop (v2sf)  }
0x90: {  	s19 =	spop (v2sf)  }
0x91: {  	s21 =	simm.s32 $0x10;
	s20 =	simm.s32 $0x80;
	[tilespmem:s19+$0x7680] =	vst.msk vm15, v6  }
.LBB2_12:
0x92: {  	p0 =	sne.s32 s20, $0x9C00;
	v6 =	vld [tilespmem:s21+$0x4F00];
	_ =	sdelay $0x4  }
0x93: {  	v7 =	vand.u32 $0x1E, v6  }
0x94: {  	vm0 =	veq.s32 v7, $0x6  }
0x95: {  	v7 =	vmpcnt.ones.xlane vm0  }
0x96: {  	s21 =	spop (v2sf)  }
0x97: {  	(v2sf) =	vpush v7, $0x0;
	s19 =	sadd.s32 s19, s21  }
0x98: {  	[tilespmem:s19+$0x7680] =	vst.msk vm0, v6  }
.Ltmp5:
0x99: {  	(pc) =	sbr.rel @p0 .LBB2_12-.Ltmp5, $2  }
0x9a: {  	_ =	sdelay $0x2  }
0x9b: {  	s21 =	sshra.s32 s20, $0x2;
	s20 =	sadd.s32 $0x40, s20  }
0x9c: {  	v6 =	vld [tilespmem:s21+$0x4F00];
	_ =	sdelay $0x4  }
0x9d: {  	v7 =	vand.u32 $0x1E, v6  }
0x9e: {  	vm0 =	veq.s32 v7, $0x6  }
0x9f: {  	v7 =	vmpcnt.ones.xlane vm0  }
0xa0: {  	s20 =	spop (v2sf)  }
0xa1: {  	(v2sf) =	vpush v7, $0x0;
	s19 =	sadd.s32 s19, s20  }
0xa2: {  	s30 =	simm.s32 $0x0;
	(v2sf) =	vpush v5, $0x4;
	[tilespmem:s19+$0x7680] =	vst.msk vm0, v6  }
0xa3: {  	v6 =	vld [tilespmem:s30+$0x4F00];
	_ =	sdelay $0x4  }
0xa4: {  	v7 =	vand.u32 $0x1E, v6  }
0xa5: {  	vm15 =	veq.s32 v7, $0x8  }
0xa6: {  	v7 =	vmpcnt.ones.xlane vm15;
	_ =	sdelay $0x1  }
0xa7: {  	(v2sf) =	vpush v7, $0x0;
	_ =	sdelay $0x3  }
0xa8: {  	s31 =	spop (v2sf)  }
0xa9: {  	s19 =	spop (v2sf)  }
0xaa: {  	s21 =	simm.s32 $0x10;
	s20 =	simm.s32 $0x80;
	[tilespmem:s19+$0x7680] =	vst.msk vm15, v6  }
.LBB2_14:
0xab: {  	p0 =	sne.s32 s20, $0x9C00;
	v6 =	vld [tilespmem:s21+$0x4F00];
	_ =	sdelay $0x4  }
0xac: {  	v7 =	vand.u32 $0x1E, v6  }
0xad: {  	vm0 =	veq.s32 v7, $0x8  }
0xae: {  	v7 =	vmpcnt.ones.xlane vm0  }
0xaf: {  	s21 =	spop (v2sf)  }
0xb0: {  	(v2sf) =	vpush v7, $0x0;
	s19 =	sadd.s32 s19, s21  }
0xb1: {  	[tilespmem:s19+$0x7680] =	vst.msk vm0, v6  }
.Ltmp6:
0xb2: {  	(pc) =	sbr.rel @p0 .LBB2_14-.Ltmp6, $2  }
0xb3: {  	_ =	sdelay $0x2  }
0xb4: {  	s21 =	sshra.s32 s20, $0x2;
	s20 =	sadd.s32 $0x40, s20  }
0xb5: {  	v6 =	vld [tilespmem:s21+$0x4F00];
	_ =	sdelay $0x4  }
0xb6: {  	v7 =	vand.u32 $0x1E, v6  }
0xb7: {  	vm0 =	veq.s32 v7, $0x8  }
0xb8: {  	v7 =	vmpcnt.ones.xlane vm0  }
0xb9: {  	s20 =	spop (v2sf)  }
0xba: {  	(v2sf) =	vpush v7, $0x0;
	s19 =	sadd.s32 s19, s20  }
0xbb: {  	s30 =	simm.s32 $0x0;
	(v2sf) =	vpush v5, $0x5;
	[tilespmem:s19+$0x7680] =	vst.msk vm0, v6  }
0xbc: {  	v6 =	vld [tilespmem:s30+$0x4F00];
	_ =	sdelay $0x4  }
0xbd: {  	v7 =	vand.u32 $0x1E, v6  }
0xbe: {  	vm15 =	veq.s32 v7, $0xA  }
0xbf: {  	v7 =	vmpcnt.ones.xlane vm15;
	_ =	sdelay $0x1  }
0xc0: {  	(v2sf) =	vpush v7, $0x0;
	_ =	sdelay $0x3  }
0xc1: {  	s31 =	spop (v2sf)  }
0xc2: {  	s19 =	spop (v2sf)  }
0xc3: {  	s21 =	simm.s32 $0x10;
	s20 =	simm.s32 $0x80;
	[tilespmem:s19+$0x7680] =	vst.msk vm15, v6  }
.LBB2_16:
0xc4: {  	p0 =	sne.s32 s20, $0x9C00;
	v6 =	vld [tilespmem:s21+$0x4F00];
	_ =	sdelay $0x4  }
0xc5: {  	v7 =	vand.u32 $0x1E, v6  }
0xc6: {  	vm0 =	veq.s32 v7, $0xA  }
0xc7: {  	v7 =	vmpcnt.ones.xlane vm0  }
0xc8: {  	s21 =	spop (v2sf)  }
0xc9: {  	(v2sf) =	vpush v7, $0x0;
	s19 =	sadd.s32 s19, s21  }
0xca: {  	[tilespmem:s19+$0x7680] =	vst.msk vm0, v6  }
.Ltmp7:
0xcb: {  	(pc) =	sbr.rel @p0 .LBB2_16-.Ltmp7, $2  }
0xcc: {  	_ =	sdelay $0x2  }
0xcd: {  	s21 =	sshra.s32 s20, $0x2;
	s20 =	sadd.s32 $0x40, s20  }
0xce: {  	v6 =	vld [tilespmem:s21+$0x4F00];
	_ =	sdelay $0x4  }
0xcf: {  	v7 =	vand.u32 $0x1E, v6  }
0xd0: {  	vm0 =	veq.s32 v7, $0xA  }
0xd1: {  	v7 =	vmpcnt.ones.xlane vm0  }
0xd2: {  	s20 =	spop (v2sf)  }
0xd3: {  	(v2sf) =	vpush v7, $0x0;
	s19 =	sadd.s32 s19, s20  }
0xd4: {  	s30 =	simm.s32 $0x0;
	(v2sf) =	vpush v5, $0x6;
	[tilespmem:s19+$0x7680] =	vst.msk vm0, v6  }
0xd5: {  	v6 =	vld [tilespmem:s30+$0x4F00];
	_ =	sdelay $0x4  }
0xd6: {  	v7 =	vand.u32 $0x1E, v6  }
0xd7: {  	vm15 =	veq.s32 v7, $0xC  }
0xd8: {  	v7 =	vmpcnt.ones.xlane vm15;
	_ =	sdelay $0x1  }
0xd9: {  	(v2sf) =	vpush v7, $0x0;
	_ =	sdelay $0x3  }
0xda: {  	s31 =	spop (v2sf)  }
0xdb: {  	s19 =	spop (v2sf)  }
0xdc: {  	s21 =	simm.s32 $0x10;
	s20 =	simm.s32 $0x80;
	[tilespmem:s19+$0x7680] =	vst.msk vm15, v6  }
.LBB2_18:
0xdd: {  	p0 =	sne.s32 s20, $0x9C00;
	v6 =	vld [tilespmem:s21+$0x4F00];
	_ =	sdelay $0x4  }
0xde: {  	v7 =	vand.u32 $0x1E, v6  }
0xdf: {  	vm0 =	veq.s32 v7, $0xC  }
0xe0: {  	v7 =	vmpcnt.ones.xlane vm0  }
0xe1: {  	s21 =	spop (v2sf)  }
0xe2: {  	(v2sf) =	vpush v7, $0x0;
	s19 =	sadd.s32 s19, s21  }
0xe3: {  	[tilespmem:s19+$0x7680] =	vst.msk vm0, v6  }
.Ltmp8:
0xe4: {  	(pc) =	sbr.rel @p0 .LBB2_18-.Ltmp8, $2  }
0xe5: {  	_ =	sdelay $0x2  }
0xe6: {  	s21 =	sshra.s32 s20, $0x2;
	s20 =	sadd.s32 $0x40, s20  }
0xe7: {  	v6 =	vld [tilespmem:s21+$0x4F00];
	_ =	sdelay $0x4  }
0xe8: {  	v7 =	vand.u32 $0x1E, v6  }
0xe9: {  	vm0 =	veq.s32 v7, $0xC  }
0xea: {  	v7 =	vmpcnt.ones.xlane vm0  }
0xeb: {  	s20 =	spop (v2sf)  }
0xec: {  	(v2sf) =	vpush v7, $0x0;
	s19 =	sadd.s32 s19, s20  }
0xed: {  	s30 =	simm.s32 $0x0;
	(v2sf) =	vpush v5, $0x7;
	[tilespmem:s19+$0x7680] =	vst.msk vm0, v6  }
0xee: {  	v6 =	vld [tilespmem:s30+$0x4F00];
	_ =	sdelay $0x4  }
0xef: {  	v7 =	vand.u32 $0x1E, v6  }
0xf0: {  	vm15 =	veq.s32 v7, $0xE  }
0xf1: {  	v7 =	vmpcnt.ones.xlane vm15;
	_ =	sdelay $0x1  }
0xf2: {  	(v2sf) =	vpush v7, $0x0;
	_ =	sdelay $0x3  }
0xf3: {  	s31 =	spop (v2sf)  }
0xf4: {  	s19 =	spop (v2sf)  }
0xf5: {  	s21 =	simm.s32 $0x10;
	s20 =	simm.s32 $0x80;
	[tilespmem:s19+$0x7680] =	vst.msk vm15, v6  }
.LBB2_20:
0xf6: {  	p0 =	sne.s32 s20, $0x9C00;
	v6 =	vld [tilespmem:s21+$0x4F00];
	_ =	sdelay $0x4  }
0xf7: {  	v7 =	vand.u32 $0x1E, v6  }
0xf8: {  	vm0 =	veq.s32 v7, $0xE  }
0xf9: {  	v7 =	vmpcnt.ones.xlane vm0  }
0xfa: {  	s21 =	spop (v2sf)  }
0xfb: {  	(v2sf) =	vpush v7, $0x0;
	s19 =	sadd.s32 s19, s21  }
0xfc: {  	[tilespmem:s19+$0x7680] =	vst.msk vm0, v6  }
.Ltmp9:
0xfd: {  	(pc) =	sbr.rel @p0 .LBB2_20-.Ltmp9, $2  }
0xfe: {  	_ =	sdelay $0x2  }
0xff: {  	s21 =	sshra.s32 s20, $0x2;
	s20 =	sadd.s32 $0x40, s20  }
0x100: {  	v6 =	vld [tilespmem:s21+$0x4F00];
	_ =	sdelay $0x4  }
0x101: {  	v7 =	vand.u32 $0x1E, v6  }
0x102: {  	vm0 =	veq.s32 v7, $0xE  }
0x103: {  	v7 =	vmpcnt.ones.xlane vm0  }
0x104: {  	s20 =	spop (v2sf)  }
0x105: {  	(v2sf) =	vpush v7, $0x0;
	s19 =	sadd.s32 s19, s20  }
0x106: {  	s30 =	simm.s32 $0x0;
	(v2sf) =	vpush v5, $0x8;
	[tilespmem:s19+$0x7680] =	vst.msk vm0, v6  }
0x107: {  	v6 =	vld [tilespmem:s30+$0x4F00];
	_ =	sdelay $0x4  }
0x108: {  	v7 =	vand.u32 $0x1E, v6  }
0x109: {  	vm15 =	veq.s32 v7, $0x10  }
0x10a: {  	v7 =	vmpcnt.ones.xlane vm15;
	_ =	sdelay $0x1  }
0x10b: {  	(v2sf) =	vpush v7, $0x0;
	_ =	sdelay $0x3  }
0x10c: {  	s31 =	spop (v2sf)  }
0x10d: {  	s19 =	spop (v2sf)  }
0x10e: {  	s21 =	simm.s32 $0x10;
	s20 =	simm.s32 $0x80;
	[tilespmem:s19+$0x7680] =	vst.msk vm15, v6  }
.LBB2_22:
0x10f: {  	p0 =	sne.s32 s20, $0x9C00;
	v6 =	vld [tilespmem:s21+$0x4F00];
	_ =	sdelay $0x4  }
0x110: {  	v7 =	vand.u32 $0x1E, v6  }
0x111: {  	vm0 =	veq.s32 v7, $0x10  }
0x112: {  	v7 =	vmpcnt.ones.xlane vm0  }
0x113: {  	s21 =	spop (v2sf)  }
0x114: {  	(v2sf) =	vpush v7, $0x0;
	s19 =	sadd.s32 s19, s21  }
0x115: {  	[tilespmem:s19+$0x7680] =	vst.msk vm0, v6  }
.Ltmp10:
0x116: {  	(pc) =	sbr.rel @p0 .LBB2_22-.Ltmp10, $2  }
0x117: {  	_ =	sdelay $0x2  }
0x118: {  	s21 =	sshra.s32 s20, $0x2;
	s20 =	sadd.s32 $0x40, s20  }
0x119: {  	v6 =	vld [tilespmem:s21+$0x4F00];
	_ =	sdelay $0x4  }
0x11a: {  	v7 =	vand.u32 $0x1E, v6  }
0x11b: {  	vm0 =	veq.s32 v7, $0x10  }
0x11c: {  	v7 =	vmpcnt.ones.xlane vm0  }
0x11d: {  	s20 =	spop (v2sf)  }
0x11e: {  	(v2sf) =	vpush v7, $0x0;
	s19 =	sadd.s32 s19, s20  }
0x11f: {  	s30 =	simm.s32 $0x0;
	(v2sf) =	vpush v5, $0x9;
	[tilespmem:s19+$0x7680] =	vst.msk vm0, v6  }
0x120: {  	v6 =	vld [tilespmem:s30+$0x4F00];
	_ =	sdelay $0x4  }
0x121: {  	v7 =	vand.u32 $0x1E, v6  }
0x122: {  	vm15 =	veq.s32 v7, $0x12  }
0x123: {  	v7 =	vmpcnt.ones.xlane vm15;
	_ =	sdelay $0x1  }
0x124: {  	(v2sf) =	vpush v7, $0x0;
	_ =	sdelay $0x3  }
0x125: {  	s31 =	spop (v2sf)  }
0x126: {  	s19 =	spop (v2sf)  }
0x127: {  	s21 =	simm.s32 $0x10;
	s20 =	simm.s32 $0x80;
	[tilespmem:s19+$0x7680] =	vst.msk vm15, v6  }
.LBB2_24:
0x128: {  	p0 =	sne.s32 s20, $0x9C00;
	v6 =	vld [tilespmem:s21+$0x4F00];
	_ =	sdelay $0x4  }
0x129: {  	v7 =	vand.u32 $0x1E, v6  }
0x12a: {  	vm0 =	veq.s32 v7, $0x12  }
0x12b: {  	v7 =	vmpcnt.ones.xlane vm0  }
0x12c: {  	s21 =	spop (v2sf)  }
0x12d: {  	(v2sf) =	vpush v7, $0x0;
	s19 =	sadd.s32 s19, s21  }
0x12e: {  	[tilespmem:s19+$0x7680] =	vst.msk vm0, v6  }
.Ltmp11:
0x12f: {  	(pc) =	sbr.rel @p0 .LBB2_24-.Ltmp11, $2  }
0x130: {  	_ =	sdelay $0x2  }
0x131: {  	s21 =	sshra.s32 s20, $0x2;
	s20 =	sadd.s32 $0x40, s20  }
0x132: {  	v6 =	vld [tilespmem:s21+$0x4F00];
	_ =	sdelay $0x4  }
0x133: {  	v7 =	vand.u32 $0x1E, v6  }
0x134: {  	vm0 =	veq.s32 v7, $0x12  }
0x135: {  	v7 =	vmpcnt.ones.xlane vm0  }
0x136: {  	s20 =	spop (v2sf)  }
0x137: {  	(v2sf) =	vpush v7, $0x0;
	s19 =	sadd.s32 s19, s20  }
0x138: {  	s30 =	simm.s32 $0x0;
	(v2sf) =	vpush v5, $0xA;
	[tilespmem:s19+$0x7680] =	vst.msk vm0, v6  }
0x139: {  	v6 =	vld [tilespmem:s30+$0x4F00];
	_ =	sdelay $0x4  }
0x13a: {  	v7 =	vand.u32 $0x1E, v6  }
0x13b: {  	vm15 =	veq.s32 v7, $0x14  }
0x13c: {  	v7 =	vmpcnt.ones.xlane vm15;
	_ =	sdelay $0x1  }
0x13d: {  	(v2sf) =	vpush v7, $0x0;
	_ =	sdelay $0x3  }
0x13e: {  	s31 =	spop (v2sf)  }
0x13f: {  	s19 =	spop (v2sf)  }
0x140: {  	s21 =	simm.s32 $0x10;
	s20 =	simm.s32 $0x80;
	[tilespmem:s19+$0x7680] =	vst.msk vm15, v6  }
.LBB2_26:
0x141: {  	p0 =	sne.s32 s20, $0x9C00;
	v6 =	vld [tilespmem:s21+$0x4F00];
	_ =	sdelay $0x4  }
0x142: {  	v7 =	vand.u32 $0x1E, v6  }
0x143: {  	vm0 =	veq.s32 v7, $0x14  }
0x144: {  	v7 =	vmpcnt.ones.xlane vm0  }
0x145: {  	s21 =	spop (v2sf)  }
0x146: {  	(v2sf) =	vpush v7, $0x0;
	s19 =	sadd.s32 s19, s21  }
0x147: {  	[tilespmem:s19+$0x7680] =	vst.msk vm0, v6  }
.Ltmp12:
0x148: {  	(pc) =	sbr.rel @p0 .LBB2_26-.Ltmp12, $2  }
0x149: {  	_ =	sdelay $0x2  }
0x14a: {  	s21 =	sshra.s32 s20, $0x2;
	s20 =	sadd.s32 $0x40, s20  }
0x14b: {  	v6 =	vld [tilespmem:s21+$0x4F00];
	_ =	sdelay $0x4  }
0x14c: {  	v7 =	vand.u32 $0x1E, v6  }
0x14d: {  	vm0 =	veq.s32 v7, $0x14  }
0x14e: {  	v7 =	vmpcnt.ones.xlane vm0  }
0x14f: {  	s20 =	spop (v2sf)  }
0x150: {  	(v2sf) =	vpush v7, $0x0;
	s19 =	sadd.s32 s19, s20  }
0x151: {  	s30 =	simm.s32 $0x0;
	(v2sf) =	vpush v5, $0xB;
	[tilespmem:s19+$0x7680] =	vst.msk vm0, v6  }
0x152: {  	v6 =	vld [tilespmem:s30+$0x4F00];
	_ =	sdelay $0x4  }
0x153: {  	v7 =	vand.u32 $0x1E, v6  }
0x154: {  	vm15 =	veq.s32 v7, $0x16  }
0x155: {  	v7 =	vmpcnt.ones.xlane vm15;
	_ =	sdelay $0x1  }
0x156: {  	(v2sf) =	vpush v7, $0x0;
	_ =	sdelay $0x3  }
0x157: {  	s31 =	spop (v2sf)  }
0x158: {  	s19 =	spop (v2sf)  }
0x159: {  	s21 =	simm.s32 $0x10;
	s20 =	simm.s32 $0x80;
	[tilespmem:s19+$0x7680] =	vst.msk vm15, v6  }
.LBB2_28:
0x15a: {  	p0 =	sne.s32 s20, $0x9C00;
	v6 =	vld [tilespmem:s21+$0x4F00];
	_ =	sdelay $0x4  }
0x15b: {  	v7 =	vand.u32 $0x1E, v6  }
0x15c: {  	vm0 =	veq.s32 v7, $0x16  }
0x15d: {  	v7 =	vmpcnt.ones.xlane vm0  }
0x15e: {  	s21 =	spop (v2sf)  }
0x15f: {  	(v2sf) =	vpush v7, $0x0;
	s19 =	sadd.s32 s19, s21  }
0x160: {  	[tilespmem:s19+$0x7680] =	vst.msk vm0, v6  }
.Ltmp13:
0x161: {  	(pc) =	sbr.rel @p0 .LBB2_28-.Ltmp13, $2  }
0x162: {  	_ =	sdelay $0x2  }
0x163: {  	s21 =	sshra.s32 s20, $0x2;
	s20 =	sadd.s32 $0x40, s20  }
0x164: {  	v6 =	vld [tilespmem:s21+$0x4F00];
	_ =	sdelay $0x4  }
0x165: {  	v7 =	vand.u32 $0x1E, v6  }
0x166: {  	vm0 =	veq.s32 v7, $0x16  }
0x167: {  	v7 =	vmpcnt.ones.xlane vm0  }
0x168: {  	s20 =	spop (v2sf)  }
0x169: {  	(v2sf) =	vpush v7, $0x0;
	s19 =	sadd.s32 s19, s20  }
0x16a: {  	s30 =	simm.s32 $0x0;
	(v2sf) =	vpush v5, $0xC;
	[tilespmem:s19+$0x7680] =	vst.msk vm0, v6  }
0x16b: {  	v6 =	vld [tilespmem:s30+$0x4F00];
	_ =	sdelay $0x4  }
0x16c: {  	v7 =	vand.u32 $0x1E, v6  }
0x16d: {  	vm15 =	veq.s32 v7, $0x18  }
0x16e: {  	v7 =	vmpcnt.ones.xlane vm15;
	_ =	sdelay $0x1  }
0x16f: {  	(v2sf) =	vpush v7, $0x0;
	_ =	sdelay $0x3  }
0x170: {  	s31 =	spop (v2sf)  }
0x171: {  	s19 =	spop (v2sf)  }
0x172: {  	s21 =	simm.s32 $0x10;
	s20 =	simm.s32 $0x80;
	[tilespmem:s19+$0x7680] =	vst.msk vm15, v6  }
.LBB2_30:
0x173: {  	p0 =	sne.s32 s20, $0x9C00;
	v6 =	vld [tilespmem:s21+$0x4F00];
	_ =	sdelay $0x4  }
0x174: {  	v7 =	vand.u32 $0x1E, v6  }
0x175: {  	vm0 =	veq.s32 v7, $0x18  }
0x176: {  	v7 =	vmpcnt.ones.xlane vm0  }
0x177: {  	s21 =	spop (v2sf)  }
0x178: {  	(v2sf) =	vpush v7, $0x0;
	s19 =	sadd.s32 s19, s21  }
0x179: {  	[tilespmem:s19+$0x7680] =	vst.msk vm0, v6  }
.Ltmp14:
0x17a: {  	(pc) =	sbr.rel @p0 .LBB2_30-.Ltmp14, $2  }
0x17b: {  	_ =	sdelay $0x2  }
0x17c: {  	s21 =	sshra.s32 s20, $0x2;
	s20 =	sadd.s32 $0x40, s20  }
0x17d: {  	v6 =	vld [tilespmem:s21+$0x4F00];
	_ =	sdelay $0x4  }
0x17e: {  	v7 =	vand.u32 $0x1E, v6  }
0x17f: {  	vm0 =	veq.s32 v7, $0x18  }
0x180: {  	v7 =	vmpcnt.ones.xlane vm0  }
0x181: {  	s20 =	spop (v2sf)  }
0x182: {  	(v2sf) =	vpush v7, $0x0;
	s19 =	sadd.s32 s19, s20  }
0x183: {  	s30 =	simm.s32 $0x0;
	(v2sf) =	vpush v5, $0xD;
	[tilespmem:s19+$0x7680] =	vst.msk vm0, v6  }
0x184: {  	v6 =	vld [tilespmem:s30+$0x4F00];
	_ =	sdelay $0x4  }
0x185: {  	v7 =	vand.u32 $0x1E, v6  }
0x186: {  	vm15 =	veq.s32 v7, $0x1A  }
0x187: {  	v7 =	vmpcnt.ones.xlane vm15;
	_ =	sdelay $0x1  }
0x188: {  	(v2sf) =	vpush v7, $0x0;
	_ =	sdelay $0x3  }
0x189: {  	s31 =	spop (v2sf)  }
0x18a: {  	s19 =	spop (v2sf)  }
0x18b: {  	s21 =	simm.s32 $0x10;
	s20 =	simm.s32 $0x80;
	[tilespmem:s19+$0x7680] =	vst.msk vm15, v6  }
.LBB2_32:
0x18c: {  	p0 =	sne.s32 s20, $0x9C00;
	v6 =	vld [tilespmem:s21+$0x4F00];
	_ =	sdelay $0x4  }
0x18d: {  	v7 =	vand.u32 $0x1E, v6  }
0x18e: {  	vm0 =	veq.s32 v7, $0x1A  }
0x18f: {  	v7 =	vmpcnt.ones.xlane vm0  }
0x190: {  	s21 =	spop (v2sf)  }
0x191: {  	(v2sf) =	vpush v7, $0x0;
	s19 =	sadd.s32 s19, s21  }
0x192: {  	[tilespmem:s19+$0x7680] =	vst.msk vm0, v6  }
.Ltmp15:
0x193: {  	(pc) =	sbr.rel @p0 .LBB2_32-.Ltmp15, $2  }
0x194: {  	_ =	sdelay $0x2  }
0x195: {  	s21 =	sshra.s32 s20, $0x2;
	s20 =	sadd.s32 $0x40, s20  }
0x196: {  	v6 =	vld [tilespmem:s21+$0x4F00];
	_ =	sdelay $0x4  }
0x197: {  	v7 =	vand.u32 $0x1E, v6  }
0x198: {  	vm0 =	veq.s32 v7, $0x1A  }
0x199: {  	v7 =	vmpcnt.ones.xlane vm0  }
0x19a: {  	s20 =	spop (v2sf)  }
0x19b: {  	(v2sf) =	vpush v7, $0x0;
	s19 =	sadd.s32 s19, s20  }
0x19c: {  	s30 =	simm.s32 $0x0;
	(v2sf) =	vpush v5, $0xE;
	[tilespmem:s19+$0x7680] =	vst.msk vm0, v6  }
0x19d: {  	v6 =	vld [tilespmem:s30+$0x4F00];
	_ =	sdelay $0x4  }
0x19e: {  	v7 =	vand.u32 $0x1E, v6  }
0x19f: {  	vm15 =	veq.s32 v7, $0x1C  }
0x1a0: {  	v7 =	vmpcnt.ones.xlane vm15;
	_ =	sdelay $0x1  }
0x1a1: {  	(v2sf) =	vpush v7, $0x0;
	_ =	sdelay $0x3  }
0x1a2: {  	s31 =	spop (v2sf)  }
0x1a3: {  	s19 =	spop (v2sf)  }
0x1a4: {  	s21 =	simm.s32 $0x10;
	s20 =	simm.s32 $0x80;
	[tilespmem:s19+$0x7680] =	vst.msk vm15, v6  }
.LBB2_34:
0x1a5: {  	p0 =	sne.s32 s20, $0x9C00;
	v6 =	vld [tilespmem:s21+$0x4F00];
	_ =	sdelay $0x4  }
0x1a6: {  	v7 =	vand.u32 $0x1E, v6  }
0x1a7: {  	vm0 =	veq.s32 v7, $0x1C  }
0x1a8: {  	v7 =	vmpcnt.ones.xlane vm0  }
0x1a9: {  	s21 =	spop (v2sf)  }
0x1aa: {  	(v2sf) =	vpush v7, $0x0;
	s19 =	sadd.s32 s19, s21  }
0x1ab: {  	[tilespmem:s19+$0x7680] =	vst.msk vm0, v6  }
.Ltmp16:
0x1ac: {  	(pc) =	sbr.rel @p0 .LBB2_34-.Ltmp16, $2  }
0x1ad: {  	_ =	sdelay $0x2  }
0x1ae: {  	s21 =	sshra.s32 s20, $0x2;
	s20 =	sadd.s32 $0x40, s20  }
0x1af: {  	v6 =	vld [tilespmem:s21+$0x4F00];
	_ =	sdelay $0x4  }
0x1b0: {  	v7 =	vand.u32 $0x1E, v6  }
0x1b1: {  	vm0 =	veq.s32 v7, $0x1C  }
0x1b2: {  	v7 =	vmpcnt.ones.xlane vm0  }
0x1b3: {  	s20 =	spop (v2sf)  }
0x1b4: {  	(v2sf) =	vpush v7, $0x0;
	s19 =	sadd.s32 s19, s20  }
0x1b5: {  	s30 =	simm.s32 $0x0;
	(v2sf) =	vpush v5, $0xF;
	[tilespmem:s19+$0x7680] =	vst.msk vm0, v6  }
0x1b6: {  	v6 =	vld [tilespmem:s30+$0x4F00];
	_ =	sdelay $0x4  }
0x1b7: {  	v7 =	vand.u32 $0x1E, v6  }
0x1b8: {  	vm15 =	veq.s32 v7, $0x1E  }
0x1b9: {  	v7 =	vmpcnt.ones.xlane vm15;
	_ =	sdelay $0x1  }
0x1ba: {  	(v2sf) =	vpush v7, $0x0;
	_ =	sdelay $0x3  }
0x1bb: {  	s31 =	spop (v2sf)  }
0x1bc: {  	s20 =	spop (v2sf)  }
0x1bd: {  	s22 =	simm.s32 $0x10;
	s21 =	simm.s32 $0x80;
	s19 =	simm.s32 $0x0;
	[tilespmem:s20+$0x7680] =	vst.msk vm15, v6  }
.LBB2_36:
0x1be: {  	p0 =	sne.s32 s21, $0x9C00;
	v6 =	vld [tilespmem:s22+$0x4F00];
	_ =	sdelay $0x4  }
0x1bf: {  	v7 =	vand.u32 $0x1E, v6  }
0x1c0: {  	vm0 =	veq.s32 v7, $0x1E  }
0x1c1: {  	v7 =	vmpcnt.ones.xlane vm0  }
0x1c2: {  	s22 =	spop (v2sf)  }
0x1c3: {  	(v2sf) =	vpush v7, $0x0;
	s20 =	sadd.s32 s20, s22  }
0x1c4: {  	[tilespmem:s20+$0x7680] =	vst.msk vm0, v6  }
.Ltmp17:
0x1c5: {  	(pc) =	sbr.rel @p0 .LBB2_36-.Ltmp17, $2  }
0x1c6: {  	_ =	sdelay $0x2  }
0x1c7: {  	s22 =	sshra.s32 s21, $0x2;
	s21 =	sadd.s32 $0x40, s21  }
0x1c8: {  	v6 =	vld [tilespmem:s22+$0x4F00];
	_ =	sdelay $0x4  }
0x1c9: {  	v7 =	vand.u32 $0x1E, v6  }
0x1ca: {  	vm0 =	veq.s32 v7, $0x1E  }
0x1cb: {  	v7 =	vmpcnt.ones.xlane vm0;
	_ =	sdelay $0x1  }
0x1cc: {  	(v2sf) =	vpush v7, $0x0;
	_ =	sdelay $0xc  }
0x1cd: {  	s21 =	spop (v2sf)  }
0x1ce: {  	s20 =	sadd.s32 s20, s21  }
0x1cf: {  	[tilespmem:s20+$0x7680] =	vst.msk vm0, v6;
	s31 =	spop (v2sf)  }
.LBB2_38:
0x1d0: {  	vm0 =	vlt.s32 v5, v4  }
0x1d1: {  	v6 =	vmpcnt.ones.xlane vm0;
	_ =	sdelay $0x1  }
0x1d2: {  	(v2sf) =	vpush v6, $0x0;
	_ =	sdelay $0x5  }
0x1d3: {  	v6 =	vnsel vm0, $0x0, v5;
	_ =	sdelay $0x4  }
0x1d4: {  	v6 =	vld.idx.msk [tilespmem:v6+s14+$0x0], $0xffff;
	_ =	sdelay $0x3  }
0x1d5: {  	s20 =	spop (v2sf)  }
0x1d6: {  	[tilespmem:s19+$0x4F00] =	vst.msk vm0, v6;
	s19 =	sadd.s32 s19, s20  }
0x1d7: {  	p0 =	slt.s32 s19, $0x2710  }
.Ltmp18:
0x1d8: {  	_ = 	snop;
	(pc) =	sbr.rel @p0 .LBB2_38-.Ltmp18, $3  }
0x1d9: {  	_ =	sdelay $0x1  }
0x1da: {  	v6 =	vsel vm0, $0x1, v0  }
0x1db: {  	v5 =	vadd.s32 v6, v5  }
0x1dc: {  	[hbm4b:s5+s2] =	stream.linear.scatter [tilespmem:s15], [sflag:$0x1], $0x2710, $0x38;
	[tilespmem:$0xED80] =	vst v63  }
0x1dd: {  	_ =	swait.ge [sflag:s9], $0x2710  }
0x1de: {  	[sflag:s9] =	ssyncset.done $0x0  }
0x1df: {  	[sflag:s9] =	ssyncadd.s32 $0xFFFFD8F0  }
0x1e0: {  	[hbm4b:s6+s16] =	stream.strided.scatter [tilespmem:s11], [sflag:$0x1], $0x2780, s17, s16, $0x38;
	[tilespmem:$0xED80] =	vst v63  }
0x1e1: {  	s18 =	sadd.s32 $0x1, s18;
	_ =	swait.ge [sflag:s9], $0x2780  }
0x1e2: {  	p0 =	sne.s32 s18, s8;
	[sflag:s9] =	ssyncset.done $0x0  }
.Ltmp19:
0x1e3: {  	[sflag:s9] =	ssyncadd.s32 $0xFFFFD880;
	(pc) =	sbr.rel @p0 .LBB2_1-.Ltmp19, $4  }
0x1e4: {  	[hbm4b:s7+s16] =	stream.strided.scatter [tilespmem:s12], [sflag:$0x1], $0x2780, s17, s16, $0x38;
	[tilespmem:$0xED80] =	vst v63  }
0x1e5: {  	_ =	swait.ge [sflag:s9], $0x2780  }
0x1e6: {  	[sflag:s9] =	ssyncset.done $0x0  }
0x1e7: {  	[sflag:s9] =	ssyncadd.s32 $0xFFFFD880  }
0x1e8: {  	_ =	sfence.sel $0x180000  }
0x1e9: {  	[bflag:$0x0] =	sbarrier.arrive $0xFFFF  }
0x1ea: {  	p0 =	sne.s32 s0, $0x0;
	_ =	strace $0x90000047  }
0x1eb: {  	s0 =	sadd.s32 @!p0 $0x100000, s1;
	[bflag:$0x2] =	sbarrier.arrive $0xFFFF  }
0x1ec: {  	[sflag:s0] =	ssyncadd.tile.s32 @!p0 $0x1;
	_ =	shalt  }
.Lfunc_end2:
_tile_overlayer_lowered:
.L_overlay_start_2:
0x1ed: {  	(tag) =	ssettag $0x2  }
0x1ee: {  	s0 =	rddreg [dreg:$0x0];
	s2 =	stileid.u32  }
0x1ef: {  	s1 =	rddreg [dreg:$0x1];
	p0 =	sne.s32 s2, $0x0  }
0x1f0: {  	s3 =	rddreg [dreg:$0x2];
	[bflag:$0x3] =	sbarrier.arrive $0xFFFF;
	s2 =	simm.s32 @!p0 $0x1C01  }
0x1f1: {  	[timem:s3], [sflag:s2] =	dma.local @!p0 [hbm:s0], s1  }
0x1f2: {  	s0 =	simm.s32 @!p0 $0x1  }
0x1f3: {  	_ =	swait.ge @!p0 [sflag:s0], s1  }
0x1f4: {  	s1 =	ssub.s32 @!p0 $0x0, s1;
	[sflag:s0] =	ssyncset.done @!p0 $0x0  }
0x1f5: {  	[sflag:s0] =	ssyncadd.s32 @!p0 s1  }
0x1f6: {  	[bflag:$0x3] =	sbarrier.arrive $0xFFFF  }
0x1f7: {  	_ =	shalt  }

</sc_bundles>
